<compile_context>
chip_gen: v7x
topology: tpu7x:2x2x1
jax: 0.10.2.dev20260603
libtpu: 0.0.44.dev20260713+nightly
codegen_flags: <defaults>
</compile_context>

<pallas_src>
import functools

import jax
import jax.numpy as jnp
from jax import lax
from jax.experimental import pallas as pl
from jax.experimental.pallas import tpu as pltpu
from jax.experimental.pallas import tpu_sc as plsc

N = 10000
E = 320000
K = 4
CH = 128
HID = 16
PHI_OUT = 4
PE_DIMS = 8
VOCAB = 200000
OUT = 64
SEED = 1024

NC = 2
NS = 16
NW = NC * NS
EPW = E // NW
BLK = 100
NBLK = EPW // BLK
NPA = N
RPS = NPA // NS

NP_EMB = 10240
EB_BLK = 80
EB_NBLK = NP_EMB // NW // EB_BLK

_mesh = plsc.VectorSubcoreMesh(core_axis_name="c", subcore_axis_name="s")


def _segsum_body(C, with_emb, *refs):
    if with_emb:
        (src_hbm, dst_hbm, h_hbm, ids_hbm, emb_hbm, out_hbm, embout_hbm,
         src_v, dst_v, rows0_v, rows1_v, rows2_v, rows3_v, eid_v, erow_v, acc,
         sem0, sem1, sem2, sem3, ss0, ss1, ss2, ss3) = refs
        bufs = (rows0_v, rows1_v, rows2_v, rows3_v)
        gsems = (sem0, sem1, sem2, sem3)
        ssems = (ss0, ss1, ss2, ss3)
    else:
        (src_hbm, dst_hbm, h_hbm, out_hbm,
         src_v, dst_v, rows0_v, rows1_v, acc, sem0, sem1) = refs

    c = lax.axis_index("c")
    s = lax.axis_index("s")
    w = c * NS + s

    pltpu.sync_copy(src_hbm.at[w], src_v)
    pltpu.sync_copy(dst_hbm.at[w], dst_v)

    cq = C // 16

    def zrow(i, carry):
        rows0_v[i // cq, pl.ds((i % cq) * 16, 16)] = jnp.zeros((16,), jnp.float32)
        return carry

    lax.fori_loop(0, BLK * cq, zrow, 0)

    def zacc(i, carry):
        pltpu.sync_copy(rows0_v, acc.at[pl.ds(s * RPS + i * BLK, BLK)])
        return carry

    lax.fori_loop(0, RPS // BLK, zacc, 0)
    pltpu.sync_copy(rows0_v.at[pl.ds(0, RPS % BLK)],
                    acc.at[pl.ds(s * RPS + (RPS // BLK) * BLK, RPS % BLK)])
    plsc.subcore_barrier()

    def gather(j, buf, sem):
        pltpu.async_copy(h_hbm.at[src_v.at[j]], buf, sem)

    def gwait(buf, sem):
        pltpu.make_async_copy(h_hbm.at[src_v.at[0]], buf, sem).wait()

    def scat(j, buf):
        pltpu.sync_copy(buf, acc.at[dst_v.at[j]], add=True)

    if with_emb:
        def ascat(j, buf, sem):
            pltpu.async_copy(buf, acc.at[dst_v.at[j]], sem, add=True)

        def sdrain(buf, sem):
            pltpu.make_async_copy(buf, acc.at[dst_v.at[0]], sem).wait()

        gather(0, bufs[0], gsems[0])
        gather(1, bufs[1], gsems[1])

        def edge4(o, carry):
            for b in range(4):
                j = o * 4 + b
                bb = (b + 2) % 4
                gwait(bufs[b], gsems[b])
                ascat(j, bufs[b], ssems[b])

                @pl.when(j + 2 < NBLK)
                def _():
                    @pl.when(j >= 2)
                    def _():
                        sdrain(bufs[bb], ssems[bb])
                    gather(j + 2, bufs[bb], gsems[bb])
            return carry

        lax.fori_loop(0, NBLK // 4, edge4, 0)
        for b in range(4):
            sdrain(bufs[b], ssems[b])
    else:
        gather(0, rows0_v, sem0)
        gather(1, rows1_v, sem1)

        def edge(i, carry):
            j = i * 2
            gwait(rows0_v, sem0)
            scat(j, rows0_v)
            gather(j + 2, rows0_v, sem0)
            gwait(rows1_v, sem1)
            scat(j + 1, rows1_v)
            gather(j + 3, rows1_v, sem1)
            return carry

        lax.fori_loop(0, NBLK // 2 - 1, edge, 0)
        gwait(rows0_v, sem0)
        scat(NBLK - 2, rows0_v)
        gwait(rows1_v, sem1)
        scat(NBLK - 1, rows1_v)

    if with_emb:
        pltpu.sync_copy(ids_hbm.at[w], eid_v)

        def eblk(t, carry):
            pltpu.async_copy(emb_hbm.at[eid_v.at[t]], erow_v, sem0).wait()
            pltpu.sync_copy(
                erow_v, embout_hbm.at[pl.ds(w * (EB_NBLK * EB_BLK) + t * EB_BLK,
                                            EB_BLK)])
            return carry

        lax.fori_loop(0, EB_NBLK, eblk, 0)

    plsc.subcore_barrier()
    pltpu.sync_copy(acc.at[pl.ds(s * RPS, RPS)],
                    out_hbm.at[pl.ds(c * NPA + s * RPS, RPS)])



NP3 = 1040
RP3 = NP3 // NS
SB = 128
SNB = 79


def _seed_body(src_hbm, dst_hbm, h_hbm, out_hbm,
               srcf_v, dstf_v, csrc_v, cdst_v, rows0_v, rows1_v, acc,
               sem0, sem1):
    c = lax.axis_index("c")
    s = lax.axis_index("s")
    w = c * NS + s

    pltpu.sync_copy(src_hbm.at[w], srcf_v)
    pltpu.sync_copy(dst_hbm.at[w], dstf_v)

    zero16 = jnp.zeros((16,), jnp.int32)
    dummy16 = jnp.full((16,), SEED, jnp.int32)

    @plsc.parallel_loop(0, SNB * 8, unroll=4)
    def _(i):
        csrc_v[i // 8, pl.ds((i % 8) * 16, 16)] = zero16
        cdst_v[i // 8, pl.ds((i % 8) * 16, 16)] = dummy16

    @plsc.parallel_loop(0, EPW // 16, unroll=4,
                        carry=jnp.zeros((16,), jnp.int32))
    def base(i, b):
        d16 = dstf_v[pl.ds(i * 16, 16)]
        s16 = srcf_v[pl.ds(i * 16, 16)]
        m = d16 < SEED
        mi = jnp.where(m, 1, 0).astype(jnp.int32)
        pos = b + plsc.cumsum(mi) - mi
        pdiv = lax.shift_right_logical(pos, 7)
        pmod = lax.bitwise_and(pos, 127)
        plsc.store_scatter(csrc_v, [pdiv, pmod], s16, mask=m)
        plsc.store_scatter(cdst_v, [pdiv, pmod], d16, mask=m)
        return b + plsc.all_reduce_population_count(m)
    cnt = lax.reduce_max(base, axes=(0,))
    nb = (cnt + (SB - 1)) // SB

    def zrow(i, carry):
        rows0_v[i // 8, pl.ds((i % 8) * 16, 16)] = jnp.zeros((16,), jnp.float32)
        return carry

    lax.fori_loop(0, RP3 * 8, zrow, 0)
    pltpu.sync_copy(rows0_v.at[pl.ds(0, RP3)], acc.at[pl.ds(s * RP3, RP3)])
    plsc.subcore_barrier()

    def gwait(buf, sem):
        pltpu.make_async_copy(h_hbm.at[csrc_v.at[0]], buf, sem).wait()

    @pl.when(nb > 0)
    def _():
        pltpu.async_copy(h_hbm.at[csrc_v.at[0]], rows0_v, sem0)

    def blk(j, carry):
        even = lax.rem(j, 2) == 0

        @pl.when(even)
        def _():
            gwait(rows0_v, sem0)

            @pl.when(j + 1 < nb)
            def _():
                pltpu.async_copy(h_hbm.at[csrc_v.at[j + 1]], rows1_v, sem1)

            pltpu.sync_copy(rows0_v, acc.at[cdst_v.at[j]], add=True)

        @pl.when(jnp.logical_not(even))
        def _():
            gwait(rows1_v, sem1)

            @pl.when(j + 1 < nb)
            def _():
                pltpu.async_copy(h_hbm.at[csrc_v.at[j + 1]], rows0_v, sem0)

            pltpu.sync_copy(rows1_v, acc.at[cdst_v.at[j]], add=True)

        return carry

    lax.fori_loop(0, nb, blk, 0)

    plsc.subcore_barrier()
    pltpu.sync_copy(acc.at[pl.ds(s * RP3, RP3)],
                    out_hbm.at[pl.ds(c * NP3 + s * RP3, RP3)])


_segsum_seed = pl.kernel(
    _seed_body,
    out_type=jax.ShapeDtypeStruct((NC * NP3, CH), jnp.float32),
    mesh=_mesh,
    scratch_types=[
        pltpu.VMEM((EPW,), jnp.int32),
        pltpu.VMEM((EPW,), jnp.int32),
        pltpu.VMEM((SNB, SB), jnp.int32),
        pltpu.VMEM((SNB, SB), jnp.int32),
        pltpu.VMEM((SB, CH), jnp.float32),
        pltpu.VMEM((SB, CH), jnp.float32),
        pltpu.VMEM_SHARED((NP3, CH), jnp.float32),
        pltpu.SemaphoreType.DMA,
        pltpu.SemaphoreType.DMA,
    ],
    compiler_params=pltpu.CompilerParams(use_tc_tiling_on_sc=False,
                                         needs_layout_passes=False),
)


def _make_segsum(C, with_emb=False):
    out_type = jax.ShapeDtypeStruct((NC * NPA, C), jnp.float32)
    scratch = [
        pltpu.VMEM((NBLK, BLK), jnp.int32),
        pltpu.VMEM((NBLK, BLK), jnp.int32),
    ]
    nbuf = 4 if with_emb else 2
    scratch += [pltpu.VMEM((BLK, C), jnp.float32)] * nbuf
    if with_emb:
        out_type = (out_type, jax.ShapeDtypeStruct((NP_EMB, CH), jnp.float32))
        scratch += [
            pltpu.VMEM((EB_NBLK, EB_BLK), jnp.int32),
            pltpu.VMEM((EB_BLK, CH), jnp.float32),
        ]
    scratch += [pltpu.VMEM_SHARED((NPA, C), jnp.float32)]
    scratch += [pltpu.SemaphoreType.DMA] * (2 * nbuf if with_emb else 2)
    return pl.kernel(
        functools.partial(_segsum_body, C, with_emb),
        out_type=out_type,
        mesh=_mesh,
        scratch_types=scratch,
        compiler_params=pltpu.CompilerParams(use_tc_tiling_on_sc=False),
    )


_segsum16_emb = _make_segsum(16, with_emb=True)
_segsum128 = _make_segsum(128)



def _mm(a, b):
    return lax.dot(a, b, precision=lax.Precision.HIGHEST)


def _gin0_body(V_ref, P0a_ref, P0b_ref, W1_ref, b1_ref, W2_ref, b2_ref,
               H1_ref):
    A0 = P0a_ref[...] + P0b_ref[...]
    m = V_ref[...] + A0[:, :K]
    for sgn, col in ((1.0, 0), (-1.0, K * HID)):
        t = jax.nn.relu(_mm(sgn * m, W1_ref[...]) + b1_ref[...])
        t = _mm(t, W2_ref[...]) + b2_ref[...]
        H1_ref[:, col:col + K * HID] = jax.nn.relu(t)


NB = 2000
_grid = (N // NB,)
_rows = lambda c: pl.BlockSpec((NB, c), lambda i: (i, 0))
_full = lambda a, b: pl.BlockSpec((a, b), lambda i: (0, 0))

_tc_gin0 = pl.pallas_call(
    _gin0_body,
    grid=_grid,
    in_specs=[_rows(K), _rows(16), _rows(16),
              _full(K, K * HID), _full(1, K * HID),
              _full(K * HID, K * HID), _full(1, K * HID)],
    out_specs=_rows(CH),
    out_shape=jax.ShapeDtypeStruct((N, CH), jnp.float32),
)


def _pe_body(H1_ref, P1a_ref, P1b_ref, x_ref, emb_ref,
             W1_ref, b1_ref, W2_ref, b2_ref,
             rW1_ref, rb1_ref, rW2_ref, rb2_ref,
             peW_ref, peb_ref, h_ref):
    Mf = H1_ref[...] + P1a_ref[...] + P1b_ref[...]
    phi2 = jax.nn.relu(
        _mm(jax.nn.relu(_mm(Mf, W1_ref[...]) + b1_ref[...]), W2_ref[...]) + b2_ref[...])
    phi = phi2[:, :K * PHI_OUT] + phi2[:, K * PHI_OUT:]
    t = jax.nn.relu(_mm(phi, rW1_ref[...]) + rb1_ref[...])
    PE = _mm(t, rW2_ref[...]) + rb2_ref[...]
    h_ref[...] = x_ref[...] + _mm(PE, peW_ref[...]) + peb_ref[...] + emb_ref[...]


_tc_pe = pl.pallas_call(
    _pe_body,
    grid=_grid,
    in_specs=[_rows(CH), _rows(CH), _rows(CH), _rows(CH), _rows(CH),
              _full(CH, CH), _full(1, CH),
              _full(CH, 2 * K * PHI_OUT), _full(1, 2 * K * PHI_OUT),
              _full(K * PHI_OUT, CH), _full(1, CH),
              _full(CH, PE_DIMS), _full(1, PE_DIMS),
              _full(PE_DIMS, CH), _full(1, CH)],
    out_specs=_rows(CH),
    out_shape=jax.ShapeDtypeStruct((N, CH), jnp.float32),
)


def _sage_body(h_ref, Pa_ref, Pb_ref, P0a_ref, P0b_ref,
               Ws_ref, Wn_ref, b_ref, out_ref):
    dinv = 1.0 / jnp.maximum(P0a_ref[:, K:K + 1] + P0b_ref[:, K:K + 1], 1.0)
    neigh = (Pa_ref[...] + Pb_ref[...]) * dinv
    out_ref[...] = jax.nn.relu(
        _mm(h_ref[...], Ws_ref[...]) + _mm(neigh, Wn_ref[...]) + b_ref[...])


_tc_sage = pl.pallas_call(
    _sage_body,
    grid=_grid,
    in_specs=[_rows(CH), _rows(CH), _rows(CH), _rows(16), _rows(16),
              _full(CH, CH), _full(CH, CH), _full(1, CH)],
    out_specs=_rows(CH),
    out_shape=jax.ShapeDtypeStruct((N, CH), jnp.float32),
)


def _head_body(h_ref, P3a_ref, P3b_ref, P0a_ref, P0b_ref,
               Ws_ref, Wn_ref, b_ref, g_ref, beta_ref, hW_ref, hb_ref,
               out_ref):
    dinv = 1.0 / jnp.maximum(P0a_ref[:, K:K + 1] + P0b_ref[:, K:K + 1], 1.0)
    neigh = (P3a_ref[...] + P3b_ref[...]) * dinv
    h2 = jax.nn.relu(
        _mm(h_ref[...], Ws_ref[...]) + _mm(neigh, Wn_ref[...]) + b_ref[...])
    mu = jnp.mean(h2, axis=-1, keepdims=True)
    var = jnp.mean((h2 - mu) * (h2 - mu), axis=-1, keepdims=True)
    hn = (h2 - mu) * lax.rsqrt(var + 1e-5) * g_ref[...] + beta_ref[...]
    out_ref[...] = _mm(hn, hW_ref[...]) + hb_ref[...]


_tc_head = pl.pallas_call(
    _head_body,
    out_shape=jax.ShapeDtypeStruct((SEED, OUT), jnp.float32),
)


def kernel(x, V, edge_index, n_id, emb_table,
           gin0_W1, gin0_b1, gin0_W2, gin0_b2,
           gin1_W1, gin1_b1, gin1_W2, gin1_b2,
           rho_W1, rho_b1, rho_W2, rho_b2,
           pe_W, pe_b,
           sage0_Wself, sage0_Wneigh, sage0_b,
           sage1_Wself, sage1_Wneigh, sage1_b,
           ln_gamma, ln_beta, head_W, head_b):
    f32 = jnp.float32
    src = edge_index[0].reshape(NW, NBLK, BLK)
    dst = edge_index[1].reshape(NW, NBLK, BLK)

    H0 = jnp.concatenate(
        [V, jnp.ones((N, 1), f32), jnp.zeros((N, 16 - K - 1), f32)], axis=1)
    ids = jnp.concatenate(
        [n_id, jnp.zeros((NP_EMB - N,), jnp.int32)]).reshape(NW, EB_NBLK, EB_BLK)

    eyeK = jnp.eye(K, dtype=f32)
    eye2K = jnp.eye(2 * K, dtype=f32)
    row = lambda v: v.reshape(1, -1)
    g0W1, g0b1 = jnp.kron(eyeK, gin0_W1), row(jnp.tile(gin0_b1, K))
    g0W2, g0b2 = jnp.kron(eyeK, gin0_W2), row(jnp.tile(gin0_b2, K))
    g1W1, g1b1 = jnp.kron(eye2K, gin1_W1), row(jnp.tile(gin1_b1, 2 * K))
    g1W2, g1b2 = jnp.kron(eye2K, gin1_W2), row(jnp.tile(gin1_b2, 2 * K))
    rW1, rb1 = jnp.kron(eyeK, rho_W1), row(jnp.tile(rho_b1, K))
    rW2, rb2 = jnp.concatenate([rho_W2] * K, axis=0), row(K * rho_b2)

    P0, EMB = _segsum16_emb(src, dst, H0, ids, emb_table)
    P0a, P0b = P0[:N], P0[NPA:NPA + N]

    H1 = _tc_gin0(V, P0a, P0b, g0W1, g0b1, g0W2, g0b2)

    P1 = _segsum128(src, dst, H1)

    h = _tc_pe(H1, P1[:N], P1[NPA:NPA + N], x, EMB[:N],
               g1W1, g1b1, g1W2, g1b2, rW1, rb1, rW2, rb2,
               pe_W, row(pe_b))

    P2 = _segsum128(src, dst, h)
    h = _tc_sage(h, P2[:N], P2[NPA:NPA + N], P0a, P0b,
                 sage0_Wself, sage0_Wneigh, row(sage0_b))

    P3 = _segsum_seed(edge_index[0].reshape(NW, EPW),
                      edge_index[1].reshape(NW, EPW), h)
    out = _tc_head(h[:SEED], P3[:SEED], P3[NP3:NP3 + SEED],
                   P0a[:SEED], P0b[:SEED],
                   sage1_Wself, sage1_Wneigh, row(sage1_b),
                   row(ln_gamma), row(ln_beta), head_W, row(head_b))
    return out

# --- scband reference (transcript-rebuilt; emitter-appended) ---
"""Pipeline reference for scband-model-signnet-57148834840918 (READ-ONLY COPY).

The authoritative reference and input builder live on the scoring server;
editing this copy changes nothing except your own understanding.
"""

import jax, jax.numpy as jnp
import numpy as np

N = 10000
E = 320000
K = 4
CH = 128
PE_DIMS = 8
HID = 16
PHI_OUT = 4
VOCAB = 200000
OUT = 64
SEED_COUNT = 1024


def setup_inputs(seed: int = 0):
    key = jax.random.key(seed)
    ks = jax.random.split(key, 32)

    def nrm(i, shape, scale):
        return jax.random.normal(ks[i], shape, dtype=jnp.float32) * scale

    inp = {}
    inp["x"] = nrm(0, (N, CH), 1.0)
    inp["V"] = nrm(1, (N, K), 0.2)
    inp["edge_index"] = jax.random.randint(ks[2], (2, E), 0, N, dtype=jnp.int32)
    inp["n_id"] = jax.random.randint(ks[3], (N,), 0, VOCAB, dtype=jnp.int32)
    inp["emb_table"] = nrm(4, (VOCAB, CH), 0.1)
    inp["gin0_W1"] = nrm(5, (1, HID), 1.0)
    inp["gin0_b1"] = jnp.zeros((HID,), jnp.float32)
    inp["gin0_W2"] = nrm(6, (HID, HID), 0.25)
    inp["gin0_b2"] = jnp.zeros((HID,), jnp.float32)
    inp["gin1_W1"] = nrm(7, (HID, HID), 0.25)
    inp["gin1_b1"] = jnp.zeros((HID,), jnp.float32)
    inp["gin1_W2"] = nrm(8, (HID, PHI_OUT), 0.25)
    inp["gin1_b2"] = jnp.zeros((PHI_OUT,), jnp.float32)
    inp["rho_W1"] = nrm(9, (PHI_OUT, 4 * PE_DIMS), 0.5)
    inp["rho_b1"] = jnp.zeros((4 * PE_DIMS,), jnp.float32)
    inp["rho_W2"] = nrm(10, (4 * PE_DIMS, PE_DIMS), 0.2)
    inp["rho_b2"] = jnp.zeros((PE_DIMS,), jnp.float32)
    inp["pe_W"] = nrm(11, (PE_DIMS, CH), 0.35)
    inp["pe_b"] = jnp.zeros((CH,), jnp.float32)
    inp["sage0_Wself"] = nrm(12, (CH, CH), 0.09)
    inp["sage0_Wneigh"] = nrm(13, (CH, CH), 0.09)
    inp["sage0_b"] = jnp.zeros((CH,), jnp.float32)
    inp["sage1_Wself"] = nrm(14, (CH, CH), 0.09)
    inp["sage1_Wneigh"] = nrm(15, (CH, CH), 0.09)
    inp["sage1_b"] = jnp.zeros((CH,), jnp.float32)
    inp["ln_gamma"] = jnp.ones((CH,), jnp.float32)
    inp["ln_beta"] = jnp.zeros((CH,), jnp.float32)
    inp["head_W"] = nrm(16, (CH, OUT), 0.09)
    inp["head_b"] = jnp.zeros((OUT,), jnp.float32)
    return inp


def reference(x, V, edge_index, n_id, emb_table,
              gin0_W1, gin0_b1, gin0_W2, gin0_b2,
              gin1_W1, gin1_b1, gin1_W2, gin1_b2,
              rho_W1, rho_b1, rho_W2, rho_b2,
              pe_W, pe_b,
              sage0_Wself, sage0_Wneigh, sage0_b,
              sage1_Wself, sage1_Wneigh, sage1_b,
              ln_gamma, ln_beta, head_W, head_b):
    src = edge_index[0]
    dst = edge_index[1]
    gin_layers = [(gin0_W1, gin0_b1, gin0_W2, gin0_b2),
                  (gin1_W1, gin1_b1, gin1_W2, gin1_b2)]

    def gin(h):
        # h: [N, K, c] -- GIN applied per eigenvector channel
        for (W1, b1, W2, b2) in gin_layers:
            agg = jax.ops.segment_sum(h[src], dst, num_segments=N)
            m = h + agg  # (1 + eps) * h + sum_neighbors, eps = 0
            m = jax.nn.relu(m @ W1 + b1)
            m = m @ W2 + b2
            h = jax.nn.relu(m)
        return h

    # SignInvPe: rho(phi(V) + phi(-V)), sign-invariant positional encoding
    Vp = V[:, :, None]  # [N, K, 1]
    phi = gin(Vp) + gin(-Vp)  # [N, K, PHI_OUT]
    r = jax.nn.relu(phi @ rho_W1 + rho_b1) @ rho_W2 + rho_b2  # [N, K, PE_DIMS]
    PE = r.sum(axis=1)  # [N, PE_DIMS]

    # encoder output + projected PE + shallow embedding lookup
    h = x + (PE @ pe_W + pe_b) + jnp.take(emb_table, n_id, axis=0)

    # HeteroGraphSAGE (homogeneous approximation), mean aggregation
    deg = jax.ops.segment_sum(jnp.ones((E,), jnp.float32), dst, num_segments=N)
    deg = jnp.maximum(deg, 1.0)[:, None]
    for (Ws, Wn, b) in [(sage0_Wself, sage0_Wneigh, sage0_b),
                        (sage1_Wself, sage1_Wneigh, sage1_b)]:
        neigh = jax.ops.segment_sum(h[src], dst, num_segments=N) / deg
        h = jax.nn.relu(h @ Ws + neigh @ Wn + b)

    # head: layer-norm + single linear, read out seed nodes
    mu = h.mean(axis=-1, keepdims=True)
    var = h.var(axis=-1, keepdims=True)
    hn = (h - mu) / jnp.sqrt(var + 1e-5) * ln_gamma + ln_beta
    out = hn[:SEED_COUNT] @ head_W + head_b
    return out

if __name__ == "__main__":
    import jax
    _d = setup_inputs()
    print(jax.jit(kernel)(*tuple(_d.values())))

</pallas_src>

<mosaic_0001>
#map = affine_map<(d0, d1) -> (0, 0)>
module attributes {stable_mosaic.version = 14 : i64} {
  func.func @_seed_body(%arg0: i32, %arg1: i32, %arg2: memref<32x10000xi32, #tpu.memory_space<hbm>>, %arg3: memref<32x10000xi32, #tpu.memory_space<hbm>>, %arg4: memref<10000x128xf32, #tpu.memory_space<hbm>>, %arg5: memref<2080x128xf32, #tpu.memory_space<hbm>>, %arg6: memref<10000xi32, #tpu.memory_space<vmem>>, %arg7: memref<10000xi32, #tpu.memory_space<vmem>>, %arg8: memref<79x128xi32, #tpu.memory_space<vmem>>, %arg9: memref<79x128xi32, #tpu.memory_space<vmem>>, %arg10: memref<128x128xf32, #tpu.memory_space<vmem>>, %arg11: memref<128x128xf32, #tpu.memory_space<vmem>>, %arg12: memref<1040x128xf32, #tpu.memory_space<vmem_shared>>, %arg13: memref<!tpu.dma_semaphore, #tpu.memory_space<semaphore_mem>>, %arg14: memref<!tpu.dma_semaphore, #tpu.memory_space<semaphore_mem>>) attributes {dimension_semantics = [#tpu.dimension_semantics<core_parallel>, #tpu.dimension_semantics<subcore_parallel>], iteration_bounds = array<i64: 2, 16>, scalar_prefetch = 0 : i64, scratch_operands = 9 : i64, tpu.core_type = #tpu.core_type<sc_vector_subcore>, window_params = [{transform_indices = #map}, {transform_indices = #map}, {transform_indices = #map}, {transform_indices = #map}]} {
    %mul3A = arith.constant 16 : i32
    %mul3A_0 = arith.muli %arg0, %mul3A : i32
    %add3A = arith.addi %mul3A_0, %arg1 : i32
    "tpu.region"() ({
      %run_scoped3A = tpu.sem_alloc : memref<!tpu.dma_semaphore, #tpu.memory_space<semaphore_mem>>
      %dma_start3A = arith.constant 0 : i32
      %dma_start3A_63 = tpu.memref_slice %arg2[%add3A, %dma_start3A] : memref<32x10000xi32, #tpu.memory_space<hbm>> -> memref<1x10000xi32, #tpu.memory_space<hbm>>
      %dma_start3A_64 = tpu.memref_squeeze %dma_start3A_63 : memref<1x10000xi32, #tpu.memory_space<hbm>> -> memref<10000xi32, #tpu.memory_space<hbm>>
      %dma_start3A_65 = arith.constant 0 : i32
      %dma_start3A_66 = tpu.memref_slice %arg2[%add3A, %dma_start3A_65] : memref<32x10000xi32, #tpu.memory_space<hbm>> -> memref<1x10000xi32, #tpu.memory_space<hbm>>
      %dma_start3A_67 = tpu.memref_squeeze %dma_start3A_66 : memref<1x10000xi32, #tpu.memory_space<hbm>> -> memref<10000xi32, #tpu.memory_space<hbm>>
      tpu.enqueue_dma source(%dma_start3A_67 : memref<10000xi32, #tpu.memory_space<hbm>>) target(%arg6 : memref<10000xi32, #tpu.memory_space<vmem>>) target_semaphore(%run_scoped3A : memref<!tpu.dma_semaphore, #tpu.memory_space<semaphore_mem>>)
      %dma_wait3A = arith.constant 0 : i32
      %dma_wait3A_68 = tpu.memref_slice %arg2[%add3A, %dma_wait3A] : memref<32x10000xi32, #tpu.memory_space<hbm>> -> memref<1x10000xi32, #tpu.memory_space<hbm>>
      %dma_wait3A_69 = tpu.memref_squeeze %dma_wait3A_68 : memref<1x10000xi32, #tpu.memory_space<hbm>> -> memref<10000xi32, #tpu.memory_space<hbm>>
      %dma_wait3A_70 = arith.constant 0 : i32
      %dma_wait3A_71 = tpu.memref_slice %arg2[%add3A, %dma_wait3A_70] : memref<32x10000xi32, #tpu.memory_space<hbm>> -> memref<1x10000xi32, #tpu.memory_space<hbm>>
      %dma_wait3A_72 = tpu.memref_squeeze %dma_wait3A_71 : memref<1x10000xi32, #tpu.memory_space<hbm>> -> memref<10000xi32, #tpu.memory_space<hbm>>
      tpu.wait_dma2 semaphore(%run_scoped3A : memref<!tpu.dma_semaphore, #tpu.memory_space<semaphore_mem>>) src(%dma_wait3A_72 : memref<10000xi32, #tpu.memory_space<hbm>>) dst(%arg6 : memref<10000xi32, #tpu.memory_space<vmem>>)
      tpu.yield
    }) : () -> ()
    "tpu.region"() ({
      %run_scoped3A = tpu.sem_alloc : memref<!tpu.dma_semaphore, #tpu.memory_space<semaphore_mem>>
      %dma_start3A = arith.constant 0 : i32
      %dma_start3A_63 = tpu.memref_slice %arg3[%add3A, %dma_start3A] : memref<32x10000xi32, #tpu.memory_space<hbm>> -> memref<1x10000xi32, #tpu.memory_space<hbm>>
      %dma_start3A_64 = tpu.memref_squeeze %dma_start3A_63 : memref<1x10000xi32, #tpu.memory_space<hbm>> -> memref<10000xi32, #tpu.memory_space<hbm>>
      %dma_start3A_65 = arith.constant 0 : i32
      %dma_start3A_66 = tpu.memref_slice %arg3[%add3A, %dma_start3A_65] : memref<32x10000xi32, #tpu.memory_space<hbm>> -> memref<1x10000xi32, #tpu.memory_space<hbm>>
      %dma_start3A_67 = tpu.memref_squeeze %dma_start3A_66 : memref<1x10000xi32, #tpu.memory_space<hbm>> -> memref<10000xi32, #tpu.memory_space<hbm>>
      tpu.enqueue_dma source(%dma_start3A_67 : memref<10000xi32, #tpu.memory_space<hbm>>) target(%arg7 : memref<10000xi32, #tpu.memory_space<vmem>>) target_semaphore(%run_scoped3A : memref<!tpu.dma_semaphore, #tpu.memory_space<semaphore_mem>>)
      %dma_wait3A = arith.constant 0 : i32
      %dma_wait3A_68 = tpu.memref_slice %arg3[%add3A, %dma_wait3A] : memref<32x10000xi32, #tpu.memory_space<hbm>> -> memref<1x10000xi32, #tpu.memory_space<hbm>>
      %dma_wait3A_69 = tpu.memref_squeeze %dma_wait3A_68 : memref<1x10000xi32, #tpu.memory_space<hbm>> -> memref<10000xi32, #tpu.memory_space<hbm>>
      %dma_wait3A_70 = arith.constant 0 : i32
      %dma_wait3A_71 = tpu.memref_slice %arg3[%add3A, %dma_wait3A_70] : memref<32x10000xi32, #tpu.memory_space<hbm>> -> memref<1x10000xi32, #tpu.memory_space<hbm>>
      %dma_wait3A_72 = tpu.memref_squeeze %dma_wait3A_71 : memref<1x10000xi32, #tpu.memory_space<hbm>> -> memref<10000xi32, #tpu.memory_space<hbm>>
      tpu.wait_dma2 semaphore(%run_scoped3A : memref<!tpu.dma_semaphore, #tpu.memory_space<semaphore_mem>>) src(%dma_wait3A_72 : memref<10000xi32, #tpu.memory_space<hbm>>) dst(%arg7 : memref<10000xi32, #tpu.memory_space<vmem>>)
      tpu.yield
    }) : () -> ()
    %broadcast_in_dim3A = arith.constant 0 : i32
    %broadcast_in_dim3A_1 = vector.broadcast %broadcast_in_dim3A : i32 to vector<16xi32>
    %broadcast_in_dim3A_2 = arith.constant 1024 : i32
    %broadcast_in_dim3A_3 = vector.broadcast %broadcast_in_dim3A_2 : i32 to vector<16xi32>
    %parallel_loop3A = arith.constant 0 : i32
    %parallel_loop3A_4 = arith.constant 632 : i32
    %parallel_loop3A_5 = arith.constant 1 : i32
    scf.for %parallel_loop3A_63 = %parallel_loop3A to %parallel_loop3A_4 step %parallel_loop3A_5  : i32 {
      %parallel_loop3A_64 = arith.constant 8 : i32
      %parallel_loop3A_65 = arith.divsi %parallel_loop3A_63, %parallel_loop3A_64 : i32
      %parallel_loop3A_66 = arith.constant 0 : i32
      %parallel_loop3A_67 = arith.cmpi sgt, %parallel_loop3A_63, %parallel_loop3A_66 : i32
      %parallel_loop3A_68 = arith.extui %parallel_loop3A_67 : i1 to i32
      %parallel_loop3A_69 = arith.constant 0 : i32
      %parallel_loop3A_70 = arith.cmpi slt, %parallel_loop3A_63, %parallel_loop3A_69 : i32
      %parallel_loop3A_71 = arith.extui %parallel_loop3A_70 : i1 to i32
      %parallel_loop3A_72 = arith.subi %parallel_loop3A_68, %parallel_loop3A_71 : i32
      %parallel_loop3A_73 = arith.constant 0 : i32
      %parallel_loop3A_74 = arith.cmpi sgt, %parallel_loop3A_64, %parallel_loop3A_73 : i32
      %parallel_loop3A_75 = arith.extui %parallel_loop3A_74 : i1 to i32
      %parallel_loop3A_76 = arith.constant 0 : i32
      %parallel_loop3A_77 = arith.cmpi slt, %parallel_loop3A_64, %parallel_loop3A_76 : i32
      %parallel_loop3A_78 = arith.extui %parallel_loop3A_77 : i1 to i32
      %parallel_loop3A_79 = arith.subi %parallel_loop3A_75, %parallel_loop3A_78 : i32
      %parallel_loop3A_80 = arith.cmpi ne, %parallel_loop3A_72, %parallel_loop3A_79 : i32
      %parallel_loop3A_81 = arith.remsi %parallel_loop3A_63, %parallel_loop3A_64 : i32
      %parallel_loop3A_82 = arith.constant 0 : i32
      %parallel_loop3A_83 = arith.cmpi ne, %parallel_loop3A_81, %parallel_loop3A_82 : i32
      %parallel_loop3A_84 = arith.andi %parallel_loop3A_80, %parallel_loop3A_83 : i1
      %parallel_loop3A_85 = arith.constant 1 : i32
      %parallel_loop3A_86 = arith.subi %parallel_loop3A_65, %parallel_loop3A_85 : i32
      %parallel_loop3A_87 = arith.select %parallel_loop3A_84, %parallel_loop3A_86, %parallel_loop3A_65 : i32
      %parallel_loop3A_88 = arith.constant 8 : i32
      %parallel_loop3A_89 = arith.constant 0 : i32
      %parallel_loop3A_90 = arith.cmpi eq, %parallel_loop3A_88, %parallel_loop3A_89 : i32
      %parallel_loop3A_91 = arith.constant 1 : i32
      %parallel_loop3A_92 = arith.select %parallel_loop3A_90, %parallel_loop3A_91, %parallel_loop3A_88 : i32
      %parallel_loop3A_93 = arith.remsi %parallel_loop3A_63, %parallel_loop3A_92 : i32
      %parallel_loop3A_94 = arith.constant 0 : i32
      %parallel_loop3A_95 = arith.cmpi ne, %parallel_loop3A_93, %parallel_loop3A_94 : i32
      %parallel_loop3A_96 = arith.constant 0 : i32
      %parallel_loop3A_97 = arith.cmpi slt, %parallel_loop3A_93, %parallel_loop3A_96 : i32
      %parallel_loop3A_98 = arith.constant 0 : i32
      %parallel_loop3A_99 = arith.cmpi slt, %parallel_loop3A_92, %parallel_loop3A_98 : i32
      %parallel_loop3A_100 = arith.xori %parallel_loop3A_97, %parallel_loop3A_99 : i1
      %parallel_loop3A_101 = arith.andi %parallel_loop3A_100, %parallel_loop3A_95 : i1
      %parallel_loop3A_102 = arith.addi %parallel_loop3A_93, %parallel_loop3A_92 : i32
      %parallel_loop3A_103 = arith.select %parallel_loop3A_101, %parallel_loop3A_102, %parallel_loop3A_93 : i32
      %parallel_loop3A_104 = arith.constant 16 : i32
      %parallel_loop3A_105 = arith.muli %parallel_loop3A_103, %parallel_loop3A_104 : i32
      %parallel_loop3A_106 = arith.index_cast %parallel_loop3A_87 : i32 to index
      %parallel_loop3A_107 = arith.index_cast %parallel_loop3A_105 : i32 to index
      %parallel_loop3A_108 = tpu.vector_load %arg8[%parallel_loop3A_106, %parallel_loop3A_107] {strides = array<i32>} : memref<79x128xi32, #tpu.memory_space<vmem>>, vector<16xi32>,
      tpu.vector_store %arg8[%parallel_loop3A_106, %parallel_loop3A_107], %broadcast_in_dim3A_1 {strides = array<i32>} : memref<79x128xi32, #tpu.memory_space<vmem>>, vector<16xi32>,
      %parallel_loop3A_109 = arith.constant 8 : i32
      %parallel_loop3A_110 = arith.divsi %parallel_loop3A_63, %parallel_loop3A_109 : i32
      %parallel_loop3A_111 = arith.constant 0 : i32
      %parallel_loop3A_112 = arith.cmpi sgt, %parallel_loop3A_63, %parallel_loop3A_111 : i32
      %parallel_loop3A_113 = arith.extui %parallel_loop3A_112 : i1 to i32
      %parallel_loop3A_114 = arith.constant 0 : i32
      %parallel_loop3A_115 = arith.cmpi slt, %parallel_loop3A_63, %parallel_loop3A_114 : i32
      %parallel_loop3A_116 = arith.extui %parallel_loop3A_115 : i1 to i32
      %parallel_loop3A_117 = arith.subi %parallel_loop3A_113, %parallel_loop3A_116 : i32
      %parallel_loop3A_118 = arith.constant 0 : i32
      %parallel_loop3A_119 = arith.cmpi sgt, %parallel_loop3A_109, %parallel_loop3A_118 : i32
      %parallel_loop3A_120 = arith.extui %parallel_loop3A_119 : i1 to i32
      %parallel_loop3A_121 = arith.constant 0 : i32
      %parallel_loop3A_122 = arith.cmpi slt, %parallel_loop3A_109, %parallel_loop3A_121 : i32
      %parallel_loop3A_123 = arith.extui %parallel_loop3A_122 : i1 to i32
      %parallel_loop3A_124 = arith.subi %parallel_loop3A_120, %parallel_loop3A_123 : i32
      %parallel_loop3A_125 = arith.cmpi ne, %parallel_loop3A_117, %parallel_loop3A_124 : i32
      %parallel_loop3A_126 = arith.remsi %parallel_loop3A_63, %parallel_loop3A_109 : i32
      %parallel_loop3A_127 = arith.constant 0 : i32
      %parallel_loop3A_128 = arith.cmpi ne, %parallel_loop3A_126, %parallel_loop3A_127 : i32
      %parallel_loop3A_129 = arith.andi %parallel_loop3A_125, %parallel_loop3A_128 : i1
      %parallel_loop3A_130 = arith.constant 1 : i32
      %parallel_loop3A_131 = arith.subi %parallel_loop3A_110, %parallel_loop3A_130 : i32
      %parallel_loop3A_132 = arith.select %parallel_loop3A_129, %parallel_loop3A_131, %parallel_loop3A_110 : i32
      %parallel_loop3A_133 = arith.constant 8 : i32
      %parallel_loop3A_134 = arith.constant 0 : i32
      %parallel_loop3A_135 = arith.cmpi eq, %parallel_loop3A_133, %parallel_loop3A_134 : i32
      %parallel_loop3A_136 = arith.constant 1 : i32
      %parallel_loop3A_137 = arith.select %parallel_loop3A_135, %parallel_loop3A_136, %parallel_loop3A_133 : i32
      %parallel_loop3A_138 = arith.remsi %parallel_loop3A_63, %parallel_loop3A_137 : i32
      %parallel_loop3A_139 = arith.constant 0 : i32
      %parallel_loop3A_140 = arith.cmpi ne, %parallel_loop3A_138, %parallel_loop3A_139 : i32
      %parallel_loop3A_141 = arith.constant 0 : i32
      %parallel_loop3A_142 = arith.cmpi slt, %parallel_loop3A_138, %parallel_loop3A_141 : i32
      %parallel_loop3A_143 = arith.constant 0 : i32
      %parallel_loop3A_144 = arith.cmpi slt, %parallel_loop3A_137, %parallel_loop3A_143 : i32
      %parallel_loop3A_145 = arith.xori %parallel_loop3A_142, %parallel_loop3A_144 : i1
      %parallel_loop3A_146 = arith.andi %parallel_loop3A_145, %parallel_loop3A_140 : i1
      %parallel_loop3A_147 = arith.addi %parallel_loop3A_138, %parallel_loop3A_137 : i32
      %parallel_loop3A_148 = arith.select %parallel_loop3A_146, %parallel_loop3A_147, %parallel_loop3A_138 : i32
      %parallel_loop3A_149 = arith.constant 16 : i32
      %parallel_loop3A_150 = arith.muli %parallel_loop3A_148, %parallel_loop3A_149 : i32
      %parallel_loop3A_151 = arith.index_cast %parallel_loop3A_132 : i32 to index
      %parallel_loop3A_152 = arith.index_cast %parallel_loop3A_150 : i32 to index
      %parallel_loop3A_153 = tpu.vector_load %arg9[%parallel_loop3A_151, %parallel_loop3A_152] {strides = array<i32>} : memref<79x128xi32, #tpu.memory_space<vmem>>, vector<16xi32>,
      tpu.vector_store %arg9[%parallel_loop3A_151, %parallel_loop3A_152], %broadcast_in_dim3A_3 {strides = array<i32>} : memref<79x128xi32, #tpu.memory_space<vmem>>, vector<16xi32>,
    } {sc.loop_unroll_factor = 4 : i64, sc.parallel_access}
    %broadcast_in_dim3A_6 = arith.constant 0 : i32
    %broadcast_in_dim3A_7 = vector.broadcast %broadcast_in_dim3A_6 : i32 to vector<16xi32>
    %parallel_loop3A_8 = arith.constant 0 : i32
    %parallel_loop3A_9 = arith.constant 625 : i32
    %parallel_loop3A_10 = arith.constant 1 : i32
    %parallel_loop3A_11 = scf.for %parallel_loop3A_63 = %parallel_loop3A_8 to %parallel_loop3A_9 step %parallel_loop3A_10 iter_args(%parallel_loop3A_64 = %broadcast_in_dim3A_7) -> (vector<16xi32>)  : i32 {
      %parallel_loop3A_65 = arith.constant 16 : i32
      %parallel_loop3A_66 = arith.muli %parallel_loop3A_63, %parallel_loop3A_65 : i32
      %parallel_loop3A_67 = arith.index_cast %parallel_loop3A_66 : i32 to index
      %parallel_loop3A_68 = tpu.vector_load %arg7[%parallel_loop3A_67] {strides = array<i32>} : memref<10000xi32, #tpu.memory_space<vmem>>, vector<16xi32>,
      %parallel_loop3A_69 = arith.constant 16 : i32
      %parallel_loop3A_70 = arith.muli %parallel_loop3A_63, %parallel_loop3A_69 : i32
      %parallel_loop3A_71 = arith.index_cast %parallel_loop3A_70 : i32 to index
      %parallel_loop3A_72 = tpu.vector_load %arg6[%parallel_loop3A_71] {strides = array<i32>} : memref<10000xi32, #tpu.memory_space<vmem>>, vector<16xi32>,
      %parallel_loop3A_73 = arith.constant 1024 : i32
      %parallel_loop3A_74 = vector.broadcast %parallel_loop3A_73 : i32 to vector<16xi32>
      %parallel_loop3A_75 = arith.cmpi slt, %parallel_loop3A_68, %parallel_loop3A_74 : vector<16xi32>
      %parallel_loop3A_76 = arith.constant 1 : i32
      %parallel_loop3A_77 = arith.constant 0 : i32
      %parallel_loop3A_78 = vector.broadcast %parallel_loop3A_76 : i32 to vector<16xi32>
      %parallel_loop3A_79 = vector.broadcast %parallel_loop3A_77 : i32 to vector<16xi32>
      %parallel_loop3A_80 = arith.select %parallel_loop3A_75, %parallel_loop3A_78, %parallel_loop3A_79 : vector<16xi1>, vector<16xi32>
      %parallel_loop3A_81 = arith.constant true
      %parallel_loop3A_82 = vector.broadcast %parallel_loop3A_81 : i1 to vector<16xi1>
      %parallel_loop3A_83 = tpu.scan <sum>, %parallel_loop3A_80 masked %parallel_loop3A_82 : vector<16xi32>, vector<16xi1> -> vector<16xi32>
      %parallel_loop3A_84 = arith.addi %parallel_loop3A_64, %parallel_loop3A_83 : vector<16xi32>
      %parallel_loop3A_85 = arith.subi %parallel_loop3A_84, %parallel_loop3A_80 : vector<16xi32>
      %parallel_loop3A_86 = arith.constant 7 : i32
      %parallel_loop3A_87 = vector.broadcast %parallel_loop3A_86 : i32 to vector<16xi32>
      %parallel_loop3A_88 = arith.shrui %parallel_loop3A_85, %parallel_loop3A_87 : vector<16xi32>
      %parallel_loop3A_89 = arith.constant 127 : i32
      %parallel_loop3A_90 = vector.broadcast %parallel_loop3A_89 : i32 to vector<16xi32>
      %parallel_loop3A_91 = arith.andi %parallel_loop3A_85, %parallel_loop3A_90 : vector<16xi32>
      tpu.vector_store_idx %arg8[%parallel_loop3A_88, %parallel_loop3A_91], %parallel_loop3A_72 masked %parallel_loop3A_75 : memref<79x128xi32, #tpu.memory_space<vmem>>[vector<16xi32>, vector<16xi32>], vector<16xi32>, vector<16xi1>
      tpu.vector_store_idx %arg9[%parallel_loop3A_88, %parallel_loop3A_91], %parallel_loop3A_68 masked %parallel_loop3A_75 : memref<79x128xi32, #tpu.memory_space<vmem>>[vector<16xi32>, vector<16xi32>], vector<16xi32>, vector<16xi1>
      %parallel_loop3A_92 = tpu.all_reduce %parallel_loop3A_75 {dim = 0 : i64, kind = #tpu.reduction_kind<sum>} : vector<16xi1> -> vector<16xi32>
      %parallel_loop3A_93 = arith.addi %parallel_loop3A_64, %parallel_loop3A_92 : vector<16xi32>
      scf.yield %parallel_loop3A_93 : vector<16xi32>
    } {sc.loop_unroll_factor = 4 : i64, sc.parallel_access}
    %reduce_max3A = arith.constant true
    %reduce_max3A_12 = vector.broadcast %reduce_max3A : i1 to vector<16xi1>
    %reduce_max3A_13 = arith.constant -2147483648 : i32
    %reduce_max3A_14 = vector.broadcast %reduce_max3A_13 : i32 to vector<16xi32>
    %reduce_max3A_15 = arith.xori %parallel_loop3A_11, %reduce_max3A_14 : vector<16xi32>
    %reduce_max3A_16 = tpu.scan <max>, %reduce_max3A_15 masked %reduce_max3A_12 : vector<16xi32>, vector<16xi1> -> vector<16xi32>
    %reduce_max3A_17 = arith.xori %reduce_max3A_16, %reduce_max3A_14 : vector<16xi32>
    %reduce_max3A_18 = vector.extract %reduce_max3A_17[15] : i32 from vector<16xi32>
    %add3A_19 = arith.constant 127 : i32
    %add3A_20 = arith.addi %reduce_max3A_18, %add3A_19 : i32
    %jit3A = arith.constant 128 : i32
    %div3A = arith.divsi %add3A_20, %jit3A : i32
    %sign3A = arith.constant 0 : i32
    %sign3A_21 = arith.cmpi sgt, %add3A_20, %sign3A : i32
    %sign3A_22 = arith.extui %sign3A_21 : i1 to i32
    %sign3A_23 = arith.constant 0 : i32
    %sign3A_24 = arith.cmpi slt, %add3A_20, %sign3A_23 : i32
    %sign3A_25 = arith.extui %sign3A_24 : i1 to i32
    %sign3A_26 = arith.subi %sign3A_22, %sign3A_25 : i32
    %sign3A_27 = arith.constant 0 : i32
    %sign3A_28 = arith.cmpi sgt, %jit3A, %sign3A_27 : i32
    %sign3A_29 = arith.extui %sign3A_28 : i1 to i32
    %sign3A_30 = arith.constant 0 : i32
    %sign3A_31 = arith.cmpi slt, %jit3A, %sign3A_30 : i32
    %sign3A_32 = arith.extui %sign3A_31 : i1 to i32
    %sign3A_33 = arith.subi %sign3A_29, %sign3A_32 : i32
    %ne3A = arith.cmpi ne, %sign3A_26, %sign3A_33 : i32
    %rem3A = arith.remsi %add3A_20, %jit3A : i32
    %ne3A_34 = arith.constant 0 : i32
    %ne3A_35 = arith.cmpi ne, %rem3A, %ne3A_34 : i32
    %and3A = arith.andi %ne3A, %ne3A_35 : i1
    %sub3A = arith.constant 1 : i32
    %sub3A_36 = arith.subi %div3A, %sub3A : i32
    %select_n3A = arith.select %and3A, %sub3A_36, %div3A : i32
    %scan3A = arith.constant 0 : i32
    %scan3A_37 = arith.constant 0 : i32
    %scan3A_38 = arith.constant 520 : i32
    %scan3A_39 = arith.addi %scan3A_37, %scan3A_38 : i32
    %scan3A_40 = arith.constant 1 : i32
    scf.for %scan3A_63 = %scan3A_37 to %scan3A_39 step %scan3A_40  : i32 {
      %broadcast_in_dim3A_64 = arith.constant 0.000000e+00 : f32
      %broadcast_in_dim3A_65 = vector.broadcast %broadcast_in_dim3A_64 : f32 to vector<16xf32>
      %jit3A_66 = arith.constant 8 : i32
      %div3A_67 = arith.divsi %scan3A_63, %jit3A_66 : i32
      %sign3A_68 = arith.constant 0 : i32
      %sign3A_69 = arith.cmpi sgt, %scan3A_63, %sign3A_68 : i32
      %sign3A_70 = arith.extui %sign3A_69 : i1 to i32
      %sign3A_71 = arith.constant 0 : i32
      %sign3A_72 = arith.cmpi slt, %scan3A_63, %sign3A_71 : i32
      %sign3A_73 = arith.extui %sign3A_72 : i1 to i32
      %sign3A_74 = arith.subi %sign3A_70, %sign3A_73 : i32
      %sign3A_75 = arith.constant 0 : i32
      %sign3A_76 = arith.cmpi sgt, %jit3A_66, %sign3A_75 : i32
      %sign3A_77 = arith.extui %sign3A_76 : i1 to i32
      %sign3A_78 = arith.constant 0 : i32
      %sign3A_79 = arith.cmpi slt, %jit3A_66, %sign3A_78 : i32
      %sign3A_80 = arith.extui %sign3A_79 : i1 to i32
      %sign3A_81 = arith.subi %sign3A_77, %sign3A_80 : i32
      %ne3A_82 = arith.cmpi ne, %sign3A_74, %sign3A_81 : i32
      %rem3A_83 = arith.remsi %scan3A_63, %jit3A_66 : i32
      %ne3A_84 = arith.constant 0 : i32
      %ne3A_85 = arith.cmpi ne, %rem3A_83, %ne3A_84 : i32
      %and3A_86 = arith.andi %ne3A_82, %ne3A_85 : i1
      %sub3A_87 = arith.constant 1 : i32
      %sub3A_88 = arith.subi %div3A_67, %sub3A_87 : i32
      %select_n3A_89 = arith.select %and3A_86, %sub3A_88, %div3A_67 : i32
      %jit3A_90 = arith.constant 8 : i32
      %eq3A = arith.constant 0 : i32
      %eq3A_91 = arith.cmpi eq, %jit3A_90, %eq3A : i32
      %jit3A_92 = arith.constant 1 : i32
      %select_n3A_93 = arith.select %eq3A_91, %jit3A_92, %jit3A_90 : i32
      %rem3A_94 = arith.remsi %scan3A_63, %select_n3A_93 : i32
      %ne3A_95 = arith.constant 0 : i32
      %ne3A_96 = arith.cmpi ne, %rem3A_94, %ne3A_95 : i32
      %lt3A = arith.constant 0 : i32
      %lt3A_97 = arith.cmpi slt, %rem3A_94, %lt3A : i32
      %lt3A_98 = arith.constant 0 : i32
      %lt3A_99 = arith.cmpi slt, %select_n3A_93, %lt3A_98 : i32
      %ne3A_100 = arith.xori %lt3A_97, %lt3A_99 : i1
      %and3A_101 = arith.andi %ne3A_100, %ne3A_96 : i1
      %add3A_102 = arith.addi %rem3A_94, %select_n3A_93 : i32
      %select_n3A_103 = arith.select %and3A_101, %add3A_102, %rem3A_94 : i32
      %mul3A_104 = arith.constant 16 : i32
      %mul3A_105 = arith.muli %select_n3A_103, %mul3A_104 : i32
      %swap3A = arith.index_cast %select_n3A_89 : i32 to index
      %swap3A_106 = arith.index_cast %mul3A_105 : i32 to index
      %swap3A_107 = tpu.vector_load %arg10[%swap3A, %swap3A_106] {strides = array<i32>} : memref<128x128xf32, #tpu.memory_space<vmem>>, vector<16xf32>,
      tpu.vector_store %arg10[%swap3A, %swap3A_106], %broadcast_in_dim3A_65 {strides = array<i32>} : memref<128x128xf32, #tpu.memory_space<vmem>>, vector<16xf32>,
    }
    %scan3A_41 = arith.constant 520 : i32
    %mul3A_42 = arith.constant 65 : i32
    %mul3A_43 = arith.muli %arg1, %mul3A_42 : i32
    "tpu.region"() ({
      %run_scoped3A = tpu.sem_alloc : memref<!tpu.dma_semaphore, #tpu.memory_space<semaphore_mem>>
      %dma_start3A = arith.constant 0 : i32
      %dma_start3A_63 = arith.constant 0 : i32
      %dma_start3A_64 = tpu.memref_slice %arg10[%dma_start3A, %dma_start3A_63] : memref<128x128xf32, #tpu.memory_space<vmem>> -> memref<65x128xf32, #tpu.memory_space<vmem>>
      %dma_start3A_65 = arith.constant 0 : i32
      %dma_start3A_66 = tpu.memref_slice %arg12[%mul3A_43, %dma_start3A_65] : memref<1040x128xf32, #tpu.memory_space<vmem_shared>> -> memref<65x128xf32, #tpu.memory_space<vmem_shared>>
      %dma_start3A_67 = arith.constant 0 : i32
      %dma_start3A_68 = tpu.memref_slice %arg12[%mul3A_43, %dma_start3A_67] : memref<1040x128xf32, #tpu.memory_space<vmem_shared>> -> memref<65x128xf32, #tpu.memory_space<vmem_shared>>
      %dma_start3A_69 = arith.constant 0 : i32
      %dma_start3A_70 = arith.constant 0 : i32
      %dma_start3A_71 = tpu.memref_slice %arg10[%dma_start3A_69, %dma_start3A_70] : memref<128x128xf32, #tpu.memory_space<vmem>> -> memref<65x128xf32, #tpu.memory_space<vmem>>
      tpu.enqueue_dma source(%dma_start3A_71 : memref<65x128xf32, #tpu.memory_space<vmem>>) target(%dma_start3A_68 : memref<65x128xf32, #tpu.memory_space<vmem_shared>>) target_semaphore(%run_scoped3A : memref<!tpu.dma_semaphore, #tpu.memory_space<semaphore_mem>>)
      %dma_wait3A = arith.constant 0 : i32
      %dma_wait3A_72 = arith.constant 0 : i32
      %dma_wait3A_73 = tpu.memref_slice %arg10[%dma_wait3A, %dma_wait3A_72] : memref<128x128xf32, #tpu.memory_space<vmem>> -> memref<65x128xf32, #tpu.memory_space<vmem>>
      %dma_wait3A_74 = arith.constant 0 : i32
      %dma_wait3A_75 = tpu.memref_slice %arg12[%mul3A_43, %dma_wait3A_74] : memref<1040x128xf32, #tpu.memory_space<vmem_shared>> -> memref<65x128xf32, #tpu.memory_space<vmem_shared>>
      %dma_wait3A_76 = arith.constant 0 : i32
      %dma_wait3A_77 = tpu.memref_slice %arg12[%mul3A_43, %dma_wait3A_76] : memref<1040x128xf32, #tpu.memory_space<vmem_shared>> -> memref<65x128xf32, #tpu.memory_space<vmem_shared>>
      %dma_wait3A_78 = arith.constant 0 : i32
      %dma_wait3A_79 = arith.constant 0 : i32
      %dma_wait3A_80 = tpu.memref_slice %arg10[%dma_wait3A_78, %dma_wait3A_79] : memref<128x128xf32, #tpu.memory_space<vmem>> -> memref<65x128xf32, #tpu.memory_space<vmem>>
      tpu.wait_dma2 semaphore(%run_scoped3A : memref<!tpu.dma_semaphore, #tpu.memory_space<semaphore_mem>>) src(%dma_wait3A_80 : memref<65x128xf32, #tpu.memory_space<vmem>>) dst(%dma_wait3A_77 : memref<65x128xf32, #tpu.memory_space<vmem_shared>>)
      tpu.yield
    }) : () -> ()
    %barrier3A = arith.constant 0 : index
    tpu.barrier barrier_id(%barrier3A)
    %gt3A = arith.constant 0 : i32
    %gt3A_44 = arith.cmpi sgt, %select_n3A, %gt3A : i32
    %convert_element_type3A = arith.extui %gt3A_44 : i1 to i32
    %cond3A = arith.constant 0 : i32
    %cond3A_45 = arith.cmpi ne, %convert_element_type3A, %cond3A : i32
    scf.if %cond3A_45 {
      %dma_start3A = arith.constant 0 : i32
      %dma_start3A_63 = arith.constant 0 : i32
      %dma_start3A_64 = tpu.memref_slice %arg8[%dma_start3A, %dma_start3A_63] : memref<79x128xi32, #tpu.memory_space<vmem>> -> memref<1x128xi32, #tpu.memory_space<vmem>>
      %dma_start3A_65 = tpu.memref_squeeze %dma_start3A_64 : memref<1x128xi32, #tpu.memory_space<vmem>> -> memref<128xi32, #tpu.memory_space<vmem>>
      %dma_start3A_66 = arith.constant 0 : i32
      %dma_start3A_67 = arith.constant 0 : i32
      %dma_start3A_68 = tpu.memref_slice %arg4[%dma_start3A_66, %dma_start3A_67] : memref<10000x128xf32, #tpu.memory_space<hbm>> -> memref<10000x128xf32, #tpu.memory_space<hbm>>
      tpu.enqueue_indirect_dma source(%dma_start3A_68 : memref<10000x128xf32, #tpu.memory_space<hbm>>) target(%arg10 : memref<128x128xf32, #tpu.memory_space<vmem>>) offsets(%dma_start3A_65 : memref<128xi32, #tpu.memory_space<vmem>>) semaphore(%arg13 : memref<!tpu.dma_semaphore, #tpu.memory_space<semaphore_mem>>)
    } else {
    }
    %while3A = arith.constant 0 : i32
    %while3A_46 = arith.constant 0 : i32
    %while3A_47 = arith.subi %select_n3A, %while3A_46 : i32
    %while3A_48 = arith.addi %while3A_46, %while3A_47 : i32
    %while3A_49 = arith.constant 1 : i32
    %while3A_50 = arith.divsi %while3A_47, %while3A_49 : i32
    %while3A_51 = arith.muli %while3A_50, %while3A_49 : i32
    %while3A_52 = arith.addi %while3A_46, %while3A_51 : i32
    %while3A_53 = arith.constant 1 : i32
    scf.for %while3A_63 = %while3A_46 to %while3A_52 step %while3A_53  : i32 {
      %rem3A_64 = arith.constant 2 : i32
      %rem3A_65 = arith.remsi %while3A_63, %rem3A_64 : i32
      %eq3A = arith.constant 0 : i32
      %eq3A_66 = arith.cmpi eq, %rem3A_65, %eq3A : i32
      %convert_element_type3A_67 = arith.extui %eq3A_66 : i1 to i32
      %cond3A_68 = arith.constant 0 : i32
      %cond3A_69 = arith.cmpi ne, %convert_element_type3A_67, %cond3A_68 : i32
      scf.if %cond3A_69 {
        %dma_wait3A = arith.constant 0 : i32
        %dma_wait3A_74 = arith.constant 0 : i32
        %dma_wait3A_75 = tpu.memref_slice %arg8[%dma_wait3A, %dma_wait3A_74] : memref<79x128xi32, #tpu.memory_space<vmem>> -> memref<1x128xi32, #tpu.memory_space<vmem>>
        %dma_wait3A_76 = tpu.memref_squeeze %dma_wait3A_75 : memref<1x128xi32, #tpu.memory_space<vmem>> -> memref<128xi32, #tpu.memory_space<vmem>>
        %dma_wait3A_77 = arith.constant 0 : i32
        %dma_wait3A_78 = arith.constant 0 : i32
        %dma_wait3A_79 = tpu.memref_slice %arg4[%dma_wait3A_77, %dma_wait3A_78] : memref<10000x128xf32, #tpu.memory_space<hbm>> -> memref<10000x128xf32, #tpu.memory_space<hbm>>
        tpu.wait_indirect_dma semaphore(%arg13 : memref<!tpu.dma_semaphore, #tpu.memory_space<semaphore_mem>>) src(%dma_wait3A_79 : memref<10000x128xf32, #tpu.memory_space<hbm>>) dst(%arg10 : memref<128x128xf32, #tpu.memory_space<vmem>>)
        %add3A_80 = arith.constant 1 : i32
        %add3A_81 = arith.addi %while3A_63, %add3A_80 : i32
        %lt3A = arith.cmpi slt, %add3A_81, %select_n3A : i32
        %convert_element_type3A_82 = arith.extui %lt3A : i1 to i32
        %cond3A_83 = arith.constant 0 : i32
        %cond3A_84 = arith.cmpi ne, %convert_element_type3A_82, %cond3A_83 : i32
        scf.if %cond3A_84 {
          %add3A_85 = arith.constant 1 : i32
          %add3A_86 = arith.addi %while3A_63, %add3A_85 : i32
          %dma_start3A = arith.constant 0 : i32
          %dma_start3A_87 = tpu.memref_slice %arg8[%add3A_86, %dma_start3A] : memref<79x128xi32, #tpu.memory_space<vmem>> -> memref<1x128xi32, #tpu.memory_space<vmem>>
          %dma_start3A_88 = tpu.memref_squeeze %dma_start3A_87 : memref<1x128xi32, #tpu.memory_space<vmem>> -> memref<128xi32, #tpu.memory_space<vmem>>
          %dma_start3A_89 = arith.constant 0 : i32
          %dma_start3A_90 = arith.constant 0 : i32
          %dma_start3A_91 = tpu.memref_slice %arg4[%dma_start3A_89, %dma_start3A_90] : memref<10000x128xf32, #tpu.memory_space<hbm>> -> memref<10000x128xf32, #tpu.memory_space<hbm>>
          tpu.enqueue_indirect_dma source(%dma_start3A_91 : memref<10000x128xf32, #tpu.memory_space<hbm>>) target(%arg11 : memref<128x128xf32, #tpu.memory_space<vmem>>) offsets(%dma_start3A_88 : memref<128xi32, #tpu.memory_space<vmem>>) semaphore(%arg14 : memref<!tpu.dma_semaphore, #tpu.memory_space<semaphore_mem>>)
        } else {
        }
        "tpu.region"() ({
          %run_scoped3A = tpu.sem_alloc : memref<!tpu.dma_semaphore, #tpu.memory_space<semaphore_mem>>
          %dma_start3A = arith.constant 0 : i32
          %dma_start3A_85 = tpu.memref_slice %arg9[%while3A_63, %dma_start3A] : memref<79x128xi32, #tpu.memory_space<vmem>> -> memref<1x128xi32, #tpu.memory_space<vmem>>
          %dma_start3A_86 = tpu.memref_squeeze %dma_start3A_85 : memref<1x128xi32, #tpu.memory_space<vmem>> -> memref<128xi32, #tpu.memory_space<vmem>>
          %dma_start3A_87 = arith.constant 0 : i32
          %dma_start3A_88 = arith.constant 0 : i32
          %dma_start3A_89 = tpu.memref_slice %arg12[%dma_start3A_87, %dma_start3A_88] : memref<1040x128xf32, #tpu.memory_space<vmem_shared>> -> memref<1040x128xf32, #tpu.memory_space<vmem_shared>>
          tpu.enqueue_indirect_dma source(%arg10 : memref<128x128xf32, #tpu.memory_space<vmem>>) target(%dma_start3A_89 : memref<1040x128xf32, #tpu.memory_space<vmem_shared>>) offsets(%dma_start3A_86 : memref<128xi32, #tpu.memory_space<vmem>>) semaphore(%run_scoped3A : memref<!tpu.dma_semaphore, #tpu.memory_space<semaphore_mem>>) {add = true}
          %dma_wait3A_90 = arith.constant 0 : i32
          %dma_wait3A_91 = tpu.memref_slice %arg9[%while3A_63, %dma_wait3A_90] : memref<79x128xi32, #tpu.memory_space<vmem>> -> memref<1x128xi32, #tpu.memory_space<vmem>>
          %dma_wait3A_92 = tpu.memref_squeeze %dma_wait3A_91 : memref<1x128xi32, #tpu.memory_space<vmem>> -> memref<128xi32, #tpu.memory_space<vmem>>
          %dma_wait3A_93 = arith.constant 0 : i32
          %dma_wait3A_94 = arith.constant 0 : i32
          %dma_wait3A_95 = tpu.memref_slice %arg12[%dma_wait3A_93, %dma_wait3A_94] : memref<1040x128xf32, #tpu.memory_space<vmem_shared>> -> memref<1040x128xf32, #tpu.memory_space<vmem_shared>>
          tpu.wait_indirect_dma semaphore(%run_scoped3A : memref<!tpu.dma_semaphore, #tpu.memory_space<semaphore_mem>>) src(%arg10 : memref<128x128xf32, #tpu.memory_space<vmem>>) dst(%dma_wait3A_95 : memref<1040x128xf32, #tpu.memory_space<vmem_shared>>)
          tpu.yield
        }) : () -> ()
      } else {
      }
      %not3A = arith.constant true
      %not3A_70 = arith.xori %eq3A_66, %not3A : i1
      %convert_element_type3A_71 = arith.extui %not3A_70 : i1 to i32
      %cond3A_72 = arith.constant 0 : i32
      %cond3A_73 = arith.cmpi ne, %convert_element_type3A_71, %cond3A_72 : i32
      scf.if %cond3A_73 {
        %dma_wait3A = arith.constant 0 : i32
        %dma_wait3A_74 = arith.constant 0 : i32
        %dma_wait3A_75 = tpu.memref_slice %arg8[%dma_wait3A, %dma_wait3A_74] : memref<79x128xi32, #tpu.memory_space<vmem>> -> memref<1x128xi32, #tpu.memory_space<vmem>>
        %dma_wait3A_76 = tpu.memref_squeeze %dma_wait3A_75 : memref<1x128xi32, #tpu.memory_space<vmem>> -> memref<128xi32, #tpu.memory_space<vmem>>
        %dma_wait3A_77 = arith.constant 0 : i32
        %dma_wait3A_78 = arith.constant 0 : i32
        %dma_wait3A_79 = tpu.memref_slice %arg4[%dma_wait3A_77, %dma_wait3A_78] : memref<10000x128xf32, #tpu.memory_space<hbm>> -> memref<10000x128xf32, #tpu.memory_space<hbm>>
        tpu.wait_indirect_dma semaphore(%arg14 : memref<!tpu.dma_semaphore, #tpu.memory_space<semaphore_mem>>) src(%dma_wait3A_79 : memref<10000x128xf32, #tpu.memory_space<hbm>>) dst(%arg11 : memref<128x128xf32, #tpu.memory_space<vmem>>)
        %add3A_80 = arith.constant 1 : i32
        %add3A_81 = arith.addi %while3A_63, %add3A_80 : i32
        %lt3A = arith.cmpi slt, %add3A_81, %select_n3A : i32
        %convert_element_type3A_82 = arith.extui %lt3A : i1 to i32
        %cond3A_83 = arith.constant 0 : i32
        %cond3A_84 = arith.cmpi ne, %convert_element_type3A_82, %cond3A_83 : i32
        scf.if %cond3A_84 {
          %add3A_85 = arith.constant 1 : i32
          %add3A_86 = arith.addi %while3A_63, %add3A_85 : i32
          %dma_start3A = arith.constant 0 : i32
          %dma_start3A_87 = tpu.memref_slice %arg8[%add3A_86, %dma_start3A] : memref<79x128xi32, #tpu.memory_space<vmem>> -> memref<1x128xi32, #tpu.memory_space<vmem>>
          %dma_start3A_88 = tpu.memref_squeeze %dma_start3A_87 : memref<1x128xi32, #tpu.memory_space<vmem>> -> memref<128xi32, #tpu.memory_space<vmem>>
          %dma_start3A_89 = arith.constant 0 : i32
          %dma_start3A_90 = arith.constant 0 : i32
          %dma_start3A_91 = tpu.memref_slice %arg4[%dma_start3A_89, %dma_start3A_90] : memref<10000x128xf32, #tpu.memory_space<hbm>> -> memref<10000x128xf32, #tpu.memory_space<hbm>>
          tpu.enqueue_indirect_dma source(%dma_start3A_91 : memref<10000x128xf32, #tpu.memory_space<hbm>>) target(%arg10 : memref<128x128xf32, #tpu.memory_space<vmem>>) offsets(%dma_start3A_88 : memref<128xi32, #tpu.memory_space<vmem>>) semaphore(%arg13 : memref<!tpu.dma_semaphore, #tpu.memory_space<semaphore_mem>>)
        } else {
        }
        "tpu.region"() ({
          %run_scoped3A = tpu.sem_alloc : memref<!tpu.dma_semaphore, #tpu.memory_space<semaphore_mem>>
          %dma_start3A = arith.constant 0 : i32
          %dma_start3A_85 = tpu.memref_slice %arg9[%while3A_63, %dma_start3A] : memref<79x128xi32, #tpu.memory_space<vmem>> -> memref<1x128xi32, #tpu.memory_space<vmem>>
          %dma_start3A_86 = tpu.memref_squeeze %dma_start3A_85 : memref<1x128xi32, #tpu.memory_space<vmem>> -> memref<128xi32, #tpu.memory_space<vmem>>
          %dma_start3A_87 = arith.constant 0 : i32
          %dma_start3A_88 = arith.constant 0 : i32
          %dma_start3A_89 = tpu.memref_slice %arg12[%dma_start3A_87, %dma_start3A_88] : memref<1040x128xf32, #tpu.memory_space<vmem_shared>> -> memref<1040x128xf32, #tpu.memory_space<vmem_shared>>
          tpu.enqueue_indirect_dma source(%arg11 : memref<128x128xf32, #tpu.memory_space<vmem>>) target(%dma_start3A_89 : memref<1040x128xf32, #tpu.memory_space<vmem_shared>>) offsets(%dma_start3A_86 : memref<128xi32, #tpu.memory_space<vmem>>) semaphore(%run_scoped3A : memref<!tpu.dma_semaphore, #tpu.memory_space<semaphore_mem>>) {add = true}
          %dma_wait3A_90 = arith.constant 0 : i32
          %dma_wait3A_91 = tpu.memref_slice %arg9[%while3A_63, %dma_wait3A_90] : memref<79x128xi32, #tpu.memory_space<vmem>> -> memref<1x128xi32, #tpu.memory_space<vmem>>
          %dma_wait3A_92 = tpu.memref_squeeze %dma_wait3A_91 : memref<1x128xi32, #tpu.memory_space<vmem>> -> memref<128xi32, #tpu.memory_space<vmem>>
          %dma_wait3A_93 = arith.constant 0 : i32
          %dma_wait3A_94 = arith.constant 0 : i32
          %dma_wait3A_95 = tpu.memref_slice %arg12[%dma_wait3A_93, %dma_wait3A_94] : memref<1040x128xf32, #tpu.memory_space<vmem_shared>> -> memref<1040x128xf32, #tpu.memory_space<vmem_shared>>
          tpu.wait_indirect_dma semaphore(%run_scoped3A : memref<!tpu.dma_semaphore, #tpu.memory_space<semaphore_mem>>) src(%arg11 : memref<128x128xf32, #tpu.memory_space<vmem>>) dst(%dma_wait3A_95 : memref<1040x128xf32, #tpu.memory_space<vmem_shared>>)
          tpu.yield
        }) : () -> ()
      } else {
      }
    }
    %while3A_54 = arith.constant 1 : i32
    scf.for %while3A_63 = %while3A_52 to %while3A_48 step %while3A_54  : i32 {
      %rem3A_64 = arith.constant 2 : i32
      %rem3A_65 = arith.remsi %while3A_63, %rem3A_64 : i32
      %eq3A = arith.constant 0 : i32
      %eq3A_66 = arith.cmpi eq, %rem3A_65, %eq3A : i32
      %convert_element_type3A_67 = arith.extui %eq3A_66 : i1 to i32
      %cond3A_68 = arith.constant 0 : i32
      %cond3A_69 = arith.cmpi ne, %convert_element_type3A_67, %cond3A_68 : i32
      scf.if %cond3A_69 {
        %dma_wait3A = arith.constant 0 : i32
        %dma_wait3A_74 = arith.constant 0 : i32
        %dma_wait3A_75 = tpu.memref_slice %arg8[%dma_wait3A, %dma_wait3A_74] : memref<79x128xi32, #tpu.memory_space<vmem>> -> memref<1x128xi32, #tpu.memory_space<vmem>>
        %dma_wait3A_76 = tpu.memref_squeeze %dma_wait3A_75 : memref<1x128xi32, #tpu.memory_space<vmem>> -> memref<128xi32, #tpu.memory_space<vmem>>
        %dma_wait3A_77 = arith.constant 0 : i32
        %dma_wait3A_78 = arith.constant 0 : i32
        %dma_wait3A_79 = tpu.memref_slice %arg4[%dma_wait3A_77, %dma_wait3A_78] : memref<10000x128xf32, #tpu.memory_space<hbm>> -> memref<10000x128xf32, #tpu.memory_space<hbm>>
        tpu.wait_indirect_dma semaphore(%arg13 : memref<!tpu.dma_semaphore, #tpu.memory_space<semaphore_mem>>) src(%dma_wait3A_79 : memref<10000x128xf32, #tpu.memory_space<hbm>>) dst(%arg10 : memref<128x128xf32, #tpu.memory_space<vmem>>)
        %add3A_80 = arith.constant 1 : i32
        %add3A_81 = arith.addi %while3A_63, %add3A_80 : i32
        %lt3A = arith.cmpi slt, %add3A_81, %select_n3A : i32
        %convert_element_type3A_82 = arith.extui %lt3A : i1 to i32
        %cond3A_83 = arith.constant 0 : i32
        %cond3A_84 = arith.cmpi ne, %convert_element_type3A_82, %cond3A_83 : i32
        scf.if %cond3A_84 {
          %add3A_85 = arith.constant 1 : i32
          %add3A_86 = arith.addi %while3A_63, %add3A_85 : i32
          %dma_start3A = arith.constant 0 : i32
          %dma_start3A_87 = tpu.memref_slice %arg8[%add3A_86, %dma_start3A] : memref<79x128xi32, #tpu.memory_space<vmem>> -> memref<1x128xi32, #tpu.memory_space<vmem>>
          %dma_start3A_88 = tpu.memref_squeeze %dma_start3A_87 : memref<1x128xi32, #tpu.memory_space<vmem>> -> memref<128xi32, #tpu.memory_space<vmem>>
          %dma_start3A_89 = arith.constant 0 : i32
          %dma_start3A_90 = arith.constant 0 : i32
          %dma_start3A_91 = tpu.memref_slice %arg4[%dma_start3A_89, %dma_start3A_90] : memref<10000x128xf32, #tpu.memory_space<hbm>> -> memref<10000x128xf32, #tpu.memory_space<hbm>>
          tpu.enqueue_indirect_dma source(%dma_start3A_91 : memref<10000x128xf32, #tpu.memory_space<hbm>>) target(%arg11 : memref<128x128xf32, #tpu.memory_space<vmem>>) offsets(%dma_start3A_88 : memref<128xi32, #tpu.memory_space<vmem>>) semaphore(%arg14 : memref<!tpu.dma_semaphore, #tpu.memory_space<semaphore_mem>>)
        } else {
        }
        "tpu.region"() ({
          %run_scoped3A = tpu.sem_alloc : memref<!tpu.dma_semaphore, #tpu.memory_space<semaphore_mem>>
          %dma_start3A = arith.constant 0 : i32
          %dma_start3A_85 = tpu.memref_slice %arg9[%while3A_63, %dma_start3A] : memref<79x128xi32, #tpu.memory_space<vmem>> -> memref<1x128xi32, #tpu.memory_space<vmem>>
          %dma_start3A_86 = tpu.memref_squeeze %dma_start3A_85 : memref<1x128xi32, #tpu.memory_space<vmem>> -> memref<128xi32, #tpu.memory_space<vmem>>
          %dma_start3A_87 = arith.constant 0 : i32
          %dma_start3A_88 = arith.constant 0 : i32
          %dma_start3A_89 = tpu.memref_slice %arg12[%dma_start3A_87, %dma_start3A_88] : memref<1040x128xf32, #tpu.memory_space<vmem_shared>> -> memref<1040x128xf32, #tpu.memory_space<vmem_shared>>
          tpu.enqueue_indirect_dma source(%arg10 : memref<128x128xf32, #tpu.memory_space<vmem>>) target(%dma_start3A_89 : memref<1040x128xf32, #tpu.memory_space<vmem_shared>>) offsets(%dma_start3A_86 : memref<128xi32, #tpu.memory_space<vmem>>) semaphore(%run_scoped3A : memref<!tpu.dma_semaphore, #tpu.memory_space<semaphore_mem>>) {add = true}
          %dma_wait3A_90 = arith.constant 0 : i32
          %dma_wait3A_91 = tpu.memref_slice %arg9[%while3A_63, %dma_wait3A_90] : memref<79x128xi32, #tpu.memory_space<vmem>> -> memref<1x128xi32, #tpu.memory_space<vmem>>
          %dma_wait3A_92 = tpu.memref_squeeze %dma_wait3A_91 : memref<1x128xi32, #tpu.memory_space<vmem>> -> memref<128xi32, #tpu.memory_space<vmem>>
          %dma_wait3A_93 = arith.constant 0 : i32
          %dma_wait3A_94 = arith.constant 0 : i32
          %dma_wait3A_95 = tpu.memref_slice %arg12[%dma_wait3A_93, %dma_wait3A_94] : memref<1040x128xf32, #tpu.memory_space<vmem_shared>> -> memref<1040x128xf32, #tpu.memory_space<vmem_shared>>
          tpu.wait_indirect_dma semaphore(%run_scoped3A : memref<!tpu.dma_semaphore, #tpu.memory_space<semaphore_mem>>) src(%arg10 : memref<128x128xf32, #tpu.memory_space<vmem>>) dst(%dma_wait3A_95 : memref<1040x128xf32, #tpu.memory_space<vmem_shared>>)
          tpu.yield
        }) : () -> ()
      } else {
      }
      %not3A = arith.constant true
      %not3A_70 = arith.xori %eq3A_66, %not3A : i1
      %convert_element_type3A_71 = arith.extui %not3A_70 : i1 to i32
      %cond3A_72 = arith.constant 0 : i32
      %cond3A_73 = arith.cmpi ne, %convert_element_type3A_71, %cond3A_72 : i32
      scf.if %cond3A_73 {
        %dma_wait3A = arith.constant 0 : i32
        %dma_wait3A_74 = arith.constant 0 : i32
        %dma_wait3A_75 = tpu.memref_slice %arg8[%dma_wait3A, %dma_wait3A_74] : memref<79x128xi32, #tpu.memory_space<vmem>> -> memref<1x128xi32, #tpu.memory_space<vmem>>
        %dma_wait3A_76 = tpu.memref_squeeze %dma_wait3A_75 : memref<1x128xi32, #tpu.memory_space<vmem>> -> memref<128xi32, #tpu.memory_space<vmem>>
        %dma_wait3A_77 = arith.constant 0 : i32
        %dma_wait3A_78 = arith.constant 0 : i32
        %dma_wait3A_79 = tpu.memref_slice %arg4[%dma_wait3A_77, %dma_wait3A_78] : memref<10000x128xf32, #tpu.memory_space<hbm>> -> memref<10000x128xf32, #tpu.memory_space<hbm>>
        tpu.wait_indirect_dma semaphore(%arg14 : memref<!tpu.dma_semaphore, #tpu.memory_space<semaphore_mem>>) src(%dma_wait3A_79 : memref<10000x128xf32, #tpu.memory_space<hbm>>) dst(%arg11 : memref<128x128xf32, #tpu.memory_space<vmem>>)
        %add3A_80 = arith.constant 1 : i32
        %add3A_81 = arith.addi %while3A_63, %add3A_80 : i32
        %lt3A = arith.cmpi slt, %add3A_81, %select_n3A : i32
        %convert_element_type3A_82 = arith.extui %lt3A : i1 to i32
        %cond3A_83 = arith.constant 0 : i32
        %cond3A_84 = arith.cmpi ne, %convert_element_type3A_82, %cond3A_83 : i32
        scf.if %cond3A_84 {
          %add3A_85 = arith.constant 1 : i32
          %add3A_86 = arith.addi %while3A_63, %add3A_85 : i32
          %dma_start3A = arith.constant 0 : i32
          %dma_start3A_87 = tpu.memref_slice %arg8[%add3A_86, %dma_start3A] : memref<79x128xi32, #tpu.memory_space<vmem>> -> memref<1x128xi32, #tpu.memory_space<vmem>>
          %dma_start3A_88 = tpu.memref_squeeze %dma_start3A_87 : memref<1x128xi32, #tpu.memory_space<vmem>> -> memref<128xi32, #tpu.memory_space<vmem>>
          %dma_start3A_89 = arith.constant 0 : i32
          %dma_start3A_90 = arith.constant 0 : i32
          %dma_start3A_91 = tpu.memref_slice %arg4[%dma_start3A_89, %dma_start3A_90] : memref<10000x128xf32, #tpu.memory_space<hbm>> -> memref<10000x128xf32, #tpu.memory_space<hbm>>
          tpu.enqueue_indirect_dma source(%dma_start3A_91 : memref<10000x128xf32, #tpu.memory_space<hbm>>) target(%arg10 : memref<128x128xf32, #tpu.memory_space<vmem>>) offsets(%dma_start3A_88 : memref<128xi32, #tpu.memory_space<vmem>>) semaphore(%arg13 : memref<!tpu.dma_semaphore, #tpu.memory_space<semaphore_mem>>)
        } else {
        }
        "tpu.region"() ({
          %run_scoped3A = tpu.sem_alloc : memref<!tpu.dma_semaphore, #tpu.memory_space<semaphore_mem>>
          %dma_start3A = arith.constant 0 : i32
          %dma_start3A_85 = tpu.memref_slice %arg9[%while3A_63, %dma_start3A] : memref<79x128xi32, #tpu.memory_space<vmem>> -> memref<1x128xi32, #tpu.memory_space<vmem>>
          %dma_start3A_86 = tpu.memref_squeeze %dma_start3A_85 : memref<1x128xi32, #tpu.memory_space<vmem>> -> memref<128xi32, #tpu.memory_space<vmem>>
          %dma_start3A_87 = arith.constant 0 : i32
          %dma_start3A_88 = arith.constant 0 : i32
          %dma_start3A_89 = tpu.memref_slice %arg12[%dma_start3A_87, %dma_start3A_88] : memref<1040x128xf32, #tpu.memory_space<vmem_shared>> -> memref<1040x128xf32, #tpu.memory_space<vmem_shared>>
          tpu.enqueue_indirect_dma source(%arg11 : memref<128x128xf32, #tpu.memory_space<vmem>>) target(%dma_start3A_89 : memref<1040x128xf32, #tpu.memory_space<vmem_shared>>) offsets(%dma_start3A_86 : memref<128xi32, #tpu.memory_space<vmem>>) semaphore(%run_scoped3A : memref<!tpu.dma_semaphore, #tpu.memory_space<semaphore_mem>>) {add = true}
          %dma_wait3A_90 = arith.constant 0 : i32
          %dma_wait3A_91 = tpu.memref_slice %arg9[%while3A_63, %dma_wait3A_90] : memref<79x128xi32, #tpu.memory_space<vmem>> -> memref<1x128xi32, #tpu.memory_space<vmem>>
          %dma_wait3A_92 = tpu.memref_squeeze %dma_wait3A_91 : memref<1x128xi32, #tpu.memory_space<vmem>> -> memref<128xi32, #tpu.memory_space<vmem>>
          %dma_wait3A_93 = arith.constant 0 : i32
          %dma_wait3A_94 = arith.constant 0 : i32
          %dma_wait3A_95 = tpu.memref_slice %arg12[%dma_wait3A_93, %dma_wait3A_94] : memref<1040x128xf32, #tpu.memory_space<vmem_shared>> -> memref<1040x128xf32, #tpu.memory_space<vmem_shared>>
          tpu.wait_indirect_dma semaphore(%run_scoped3A : memref<!tpu.dma_semaphore, #tpu.memory_space<semaphore_mem>>) src(%arg11 : memref<128x128xf32, #tpu.memory_space<vmem>>) dst(%dma_wait3A_95 : memref<1040x128xf32, #tpu.memory_space<vmem_shared>>)
          tpu.yield
        }) : () -> ()
      } else {
      }
    }
    %barrier3A_55 = arith.constant 0 : index
    tpu.barrier barrier_id(%barrier3A_55)
    %mul3A_56 = arith.constant 65 : i32
    %mul3A_57 = arith.muli %arg1, %mul3A_56 : i32
    %mul3A_58 = arith.constant 1040 : i32
    %mul3A_59 = arith.muli %arg0, %mul3A_58 : i32
    %mul3A_60 = arith.constant 65 : i32
    %mul3A_61 = arith.muli %arg1, %mul3A_60 : i32
    %add3A_62 = arith.addi %mul3A_59, %mul3A_61 : i32
    "tpu.region"() ({
      %run_scoped3A = tpu.sem_alloc : memref<!tpu.dma_semaphore, #tpu.memory_space<semaphore_mem>>
      %dma_start3A = arith.constant 0 : i32
      %dma_start3A_63 = tpu.memref_slice %arg5[%add3A_62, %dma_start3A] : memref<2080x128xf32, #tpu.memory_space<hbm>> -> memref<65x128xf32, #tpu.memory_space<hbm>>
      %dma_start3A_64 = arith.constant 0 : i32
      %dma_start3A_65 = tpu.memref_slice %arg12[%mul3A_57, %dma_start3A_64] : memref<1040x128xf32, #tpu.memory_space<vmem_shared>> -> memref<65x128xf32, #tpu.memory_space<vmem_shared>>
      tpu.enqueue_dma source(%dma_start3A_65 : memref<65x128xf32, #tpu.memory_space<vmem_shared>>) target(%dma_start3A_63 : memref<65x128xf32, #tpu.memory_space<hbm>>) target_semaphore(%run_scoped3A : memref<!tpu.dma_semaphore, #tpu.memory_space<semaphore_mem>>)
      %dma_wait3A = arith.constant 0 : i32
      %dma_wait3A_66 = tpu.memref_slice %arg5[%add3A_62, %dma_wait3A] : memref<2080x128xf32, #tpu.memory_space<hbm>> -> memref<65x128xf32, #tpu.memory_space<hbm>>
      %dma_wait3A_67 = arith.constant 0 : i32
      %dma_wait3A_68 = tpu.memref_slice %arg12[%mul3A_57, %dma_wait3A_67] : memref<1040x128xf32, #tpu.memory_space<vmem_shared>> -> memref<65x128xf32, #tpu.memory_space<vmem_shared>>
      tpu.wait_dma2 semaphore(%run_scoped3A : memref<!tpu.dma_semaphore, #tpu.memory_space<semaphore_mem>>) src(%dma_wait3A_68 : memref<65x128xf32, #tpu.memory_space<vmem_shared>>) dst(%dma_wait3A_66 : memref<65x128xf32, #tpu.memory_space<hbm>>)
      tpu.yield
    }) : () -> ()
    return
  }
}

#map = affine_map<(d0, d1) -> (0, 0, 0)>
#map1 = affine_map<(d0, d1) -> (0, 0)>
module attributes {stable_mosaic.version = 14 : i64} {
  func.func @_segsum_body(%arg0: i32, %arg1: i32, %arg2: memref<32x100x100xi32, #tpu.memory_space<hbm>>, %arg3: memref<32x100x100xi32, #tpu.memory_space<hbm>>, %arg4: memref<10000x128xf32, #tpu.memory_space<hbm>>, %arg5: memref<20000x128xf32, #tpu.memory_space<hbm>>, %arg6: memref<100x100xi32, #tpu.memory_space<vmem>>, %arg7: memref<100x100xi32, #tpu.memory_space<vmem>>, %arg8: memref<100x128xf32, #tpu.memory_space<vmem>>, %arg9: memref<100x128xf32, #tpu.memory_space<vmem>>, %arg10: memref<10000x128xf32, #tpu.memory_space<vmem_shared>>, %arg11: memref<!tpu.dma_semaphore, #tpu.memory_space<semaphore_mem>>, %arg12: memref<!tpu.dma_semaphore, #tpu.memory_space<semaphore_mem>>) attributes {dimension_semantics = [#tpu.dimension_semantics<core_parallel>, #tpu.dimension_semantics<subcore_parallel>], iteration_bounds = array<i64: 2, 16>, scalar_prefetch = 0 : i64, scratch_operands = 7 : i64, tpu.core_type = #tpu.core_type<sc_vector_subcore>, window_params = [{transform_indices = #map}, {transform_indices = #map}, {transform_indices = #map1}, {transform_indices = #map1}]} {
    %mul3A = arith.constant 16 : i32
    %mul3A_0 = arith.muli %arg0, %mul3A : i32
    %add3A = arith.addi %mul3A_0, %arg1 : i32
    "tpu.region"() ({
      %run_scoped3A_57 = tpu.sem_alloc : memref<!tpu.dma_semaphore, #tpu.memory_space<semaphore_mem>>
      %dma_start3A_58 = arith.constant 0 : i32
      %dma_start3A_59 = arith.constant 0 : i32
      %dma_start3A_60 = tpu.memref_slice %arg2[%add3A, %dma_start3A_58, %dma_start3A_59] : memref<32x100x100xi32, #tpu.memory_space<hbm>> -> memref<1x100x100xi32, #tpu.memory_space<hbm>>
      %dma_start3A_61 = tpu.memref_squeeze %dma_start3A_60 : memref<1x100x100xi32, #tpu.memory_space<hbm>> -> memref<100x100xi32, #tpu.memory_space<hbm>>
      %dma_start3A_62 = arith.constant 0 : i32
      %dma_start3A_63 = arith.constant 0 : i32
      %dma_start3A_64 = tpu.memref_slice %arg2[%add3A, %dma_start3A_62, %dma_start3A_63] : memref<32x100x100xi32, #tpu.memory_space<hbm>> -> memref<1x100x100xi32, #tpu.memory_space<hbm>>
      %dma_start3A_65 = tpu.memref_squeeze %dma_start3A_64 : memref<1x100x100xi32, #tpu.memory_space<hbm>> -> memref<100x100xi32, #tpu.memory_space<hbm>>
      tpu.enqueue_dma source(%dma_start3A_65 : memref<100x100xi32, #tpu.memory_space<hbm>>) target(%arg6 : memref<100x100xi32, #tpu.memory_space<vmem>>) target_semaphore(%run_scoped3A_57 : memref<!tpu.dma_semaphore, #tpu.memory_space<semaphore_mem>>)
      %dma_wait3A_66 = arith.constant 0 : i32
      %dma_wait3A_67 = arith.constant 0 : i32
      %dma_wait3A_68 = tpu.memref_slice %arg2[%add3A, %dma_wait3A_66, %dma_wait3A_67] : memref<32x100x100xi32, #tpu.memory_space<hbm>> -> memref<1x100x100xi32, #tpu.memory_space<hbm>>
      %dma_wait3A_69 = tpu.memref_squeeze %dma_wait3A_68 : memref<1x100x100xi32, #tpu.memory_space<hbm>> -> memref<100x100xi32, #tpu.memory_space<hbm>>
      %dma_wait3A_70 = arith.constant 0 : i32
      %dma_wait3A_71 = arith.constant 0 : i32
      %dma_wait3A_72 = tpu.memref_slice %arg2[%add3A, %dma_wait3A_70, %dma_wait3A_71] : memref<32x100x100xi32, #tpu.memory_space<hbm>> -> memref<1x100x100xi32, #tpu.memory_space<hbm>>
      %dma_wait3A_73 = tpu.memref_squeeze %dma_wait3A_72 : memref<1x100x100xi32, #tpu.memory_space<hbm>> -> memref<100x100xi32, #tpu.memory_space<hbm>>
      tpu.wait_dma2 semaphore(%run_scoped3A_57 : memref<!tpu.dma_semaphore, #tpu.memory_space<semaphore_mem>>) src(%dma_wait3A_73 : memref<100x100xi32, #tpu.memory_space<hbm>>) dst(%arg6 : memref<100x100xi32, #tpu.memory_space<vmem>>)
      tpu.yield
    }) : () -> ()
    "tpu.region"() ({
      %run_scoped3A_57 = tpu.sem_alloc : memref<!tpu.dma_semaphore, #tpu.memory_space<semaphore_mem>>
      %dma_start3A_58 = arith.constant 0 : i32
      %dma_start3A_59 = arith.constant 0 : i32
      %dma_start3A_60 = tpu.memref_slice %arg3[%add3A, %dma_start3A_58, %dma_start3A_59] : memref<32x100x100xi32, #tpu.memory_space<hbm>> -> memref<1x100x100xi32, #tpu.memory_space<hbm>>
      %dma_start3A_61 = tpu.memref_squeeze %dma_start3A_60 : memref<1x100x100xi32, #tpu.memory_space<hbm>> -> memref<100x100xi32, #tpu.memory_space<hbm>>
      %dma_start3A_62 = arith.constant 0 : i32
      %dma_start3A_63 = arith.constant 0 : i32
      %dma_start3A_64 = tpu.memref_slice %arg3[%add3A, %dma_start3A_62, %dma_start3A_63] : memref<32x100x100xi32, #tpu.memory_space<hbm>> -> memref<1x100x100xi32, #tpu.memory_space<hbm>>
      %dma_start3A_65 = tpu.memref_squeeze %dma_start3A_64 : memref<1x100x100xi32, #tpu.memory_space<hbm>> -> memref<100x100xi32, #tpu.memory_space<hbm>>
      tpu.enqueue_dma source(%dma_start3A_65 : memref<100x100xi32, #tpu.memory_space<hbm>>) target(%arg7 : memref<100x100xi32, #tpu.memory_space<vmem>>) target_semaphore(%run_scoped3A_57 : memref<!tpu.dma_semaphore, #tpu.memory_space<semaphore_mem>>)
      %dma_wait3A_66 = arith.constant 0 : i32
      %dma_wait3A_67 = arith.constant 0 : i32
      %dma_wait3A_68 = tpu.memref_slice %arg3[%add3A, %dma_wait3A_66, %dma_wait3A_67] : memref<32x100x100xi32, #tpu.memory_space<hbm>> -> memref<1x100x100xi32, #tpu.memory_space<hbm>>
      %dma_wait3A_69 = tpu.memref_squeeze %dma_wait3A_68 : memref<1x100x100xi32, #tpu.memory_space<hbm>> -> memref<100x100xi32, #tpu.memory_space<hbm>>
      %dma_wait3A_70 = arith.constant 0 : i32
      %dma_wait3A_71 = arith.constant 0 : i32
      %dma_wait3A_72 = tpu.memref_slice %arg3[%add3A, %dma_wait3A_70, %dma_wait3A_71] : memref<32x100x100xi32, #tpu.memory_space<hbm>> -> memref<1x100x100xi32, #tpu.memory_space<hbm>>
      %dma_wait3A_73 = tpu.memref_squeeze %dma_wait3A_72 : memref<1x100x100xi32, #tpu.memory_space<hbm>> -> memref<100x100xi32, #tpu.memory_space<hbm>>
      tpu.wait_dma2 semaphore(%run_scoped3A_57 : memref<!tpu.dma_semaphore, #tpu.memory_space<semaphore_mem>>) src(%dma_wait3A_73 : memref<100x100xi32, #tpu.memory_space<hbm>>) dst(%arg7 : memref<100x100xi32, #tpu.memory_space<vmem>>)
      tpu.yield
    }) : () -> ()
    %scan3A = arith.constant 0 : i32
    %scan3A_1 = arith.constant 0 : i32
    %scan3A_2 = arith.constant 800 : i32
    %scan3A_3 = arith.addi %scan3A_1, %scan3A_2 : i32
    %scan3A_4 = arith.constant 1 : i32
    scf.for %scan3A_57 = %scan3A_1 to %scan3A_3 step %scan3A_4  : i32 {
      %broadcast_in_dim3A = arith.constant 0.000000e+00 : f32
      %broadcast_in_dim3A_58 = vector.broadcast %broadcast_in_dim3A : f32 to vector<16xf32>
      %jit3A = arith.constant 8 : i32
      %div3A = arith.divsi %scan3A_57, %jit3A : i32
      %sign3A = arith.constant 0 : i32
      %sign3A_59 = arith.cmpi sgt, %scan3A_57, %sign3A : i32
      %sign3A_60 = arith.extui %sign3A_59 : i1 to i32
      %sign3A_61 = arith.constant 0 : i32
      %sign3A_62 = arith.cmpi slt, %scan3A_57, %sign3A_61 : i32
      %sign3A_63 = arith.extui %sign3A_62 : i1 to i32
      %sign3A_64 = arith.subi %sign3A_60, %sign3A_63 : i32
      %sign3A_65 = arith.constant 0 : i32
      %sign3A_66 = arith.cmpi sgt, %jit3A, %sign3A_65 : i32
      %sign3A_67 = arith.extui %sign3A_66 : i1 to i32
      %sign3A_68 = arith.constant 0 : i32
      %sign3A_69 = arith.cmpi slt, %jit3A, %sign3A_68 : i32
      %sign3A_70 = arith.extui %sign3A_69 : i1 to i32
      %sign3A_71 = arith.subi %sign3A_67, %sign3A_70 : i32
      %ne3A = arith.cmpi ne, %sign3A_64, %sign3A_71 : i32
      %rem3A = arith.remsi %scan3A_57, %jit3A : i32
      %ne3A_72 = arith.constant 0 : i32
      %ne3A_73 = arith.cmpi ne, %rem3A, %ne3A_72 : i32
      %and3A = arith.andi %ne3A, %ne3A_73 : i1
      %sub3A = arith.constant 1 : i32
      %sub3A_74 = arith.subi %div3A, %sub3A : i32
      %select_n3A = arith.select %and3A, %sub3A_74, %div3A : i32
      %jit3A_75 = arith.constant 8 : i32
      %eq3A = arith.constant 0 : i32
      %eq3A_76 = arith.cmpi eq, %jit3A_75, %eq3A : i32
      %jit3A_77 = arith.constant 1 : i32
      %select_n3A_78 = arith.select %eq3A_76, %jit3A_77, %jit3A_75 : i32
      %rem3A_79 = arith.remsi %scan3A_57, %select_n3A_78 : i32
      %ne3A_80 = arith.constant 0 : i32
      %ne3A_81 = arith.cmpi ne, %rem3A_79, %ne3A_80 : i32
      %lt3A = arith.constant 0 : i32
      %lt3A_82 = arith.cmpi slt, %rem3A_79, %lt3A : i32
      %lt3A_83 = arith.constant 0 : i32
      %lt3A_84 = arith.cmpi slt, %select_n3A_78, %lt3A_83 : i32
      %ne3A_85 = arith.xori %lt3A_82, %lt3A_84 : i1
      %and3A_86 = arith.andi %ne3A_85, %ne3A_81 : i1
      %add3A_87 = arith.addi %rem3A_79, %select_n3A_78 : i32
      %select_n3A_88 = arith.select %and3A_86, %add3A_87, %rem3A_79 : i32
      %mul3A_89 = arith.constant 16 : i32
      %mul3A_90 = arith.muli %select_n3A_88, %mul3A_89 : i32
      %swap3A = arith.index_cast %select_n3A : i32 to index
      %swap3A_91 = arith.index_cast %mul3A_90 : i32 to index
      %swap3A_92 = tpu.vector_load %arg8[%swap3A, %swap3A_91] {strides = array<i32>} : memref<100x128xf32, #tpu.memory_space<vmem>>, vector<1x16xf32>,
      %swap3A_93 = vector.shape_cast %swap3A_92 : vector<1x16xf32> to vector<16xf32>
      %swap3A_94 = vector.shape_cast %broadcast_in_dim3A_58 : vector<16xf32> to vector<1x16xf32>
      tpu.vector_store %arg8[%swap3A, %swap3A_91], %swap3A_94 {strides = array<i32>} : memref<100x128xf32, #tpu.memory_space<vmem>>, vector<1x16xf32>,
    }
    %scan3A_5 = arith.constant 800 : i32
    %scan3A_6 = arith.constant 0 : i32
    %scan3A_7 = arith.constant 0 : i32
    %scan3A_8 = arith.constant 6 : i32
    %scan3A_9 = arith.addi %scan3A_7, %scan3A_8 : i32
    %scan3A_10 = arith.constant 1 : i32
    scf.for %scan3A_57 = %scan3A_7 to %scan3A_9 step %scan3A_10  : i32 {
      %mul3A_58 = arith.constant 625 : i32
      %mul3A_59 = arith.muli %arg1, %mul3A_58 : i32
      %mul3A_60 = arith.constant 100 : i32
      %mul3A_61 = arith.muli %scan3A_57, %mul3A_60 : i32
      %add3A_62 = arith.addi %mul3A_59, %mul3A_61 : i32
      "tpu.region"() ({
        %run_scoped3A_63 = tpu.sem_alloc : memref<!tpu.dma_semaphore, #tpu.memory_space<semaphore_mem>>
        %dma_start3A_64 = arith.constant 0 : i32
        %dma_start3A_65 = tpu.memref_slice %arg10[%add3A_62, %dma_start3A_64] : memref<10000x128xf32, #tpu.memory_space<vmem_shared>> -> memref<100x128xf32, #tpu.memory_space<vmem_shared>>
        %dma_start3A_66 = arith.constant 0 : i32
        %dma_start3A_67 = tpu.memref_slice %arg10[%add3A_62, %dma_start3A_66] : memref<10000x128xf32, #tpu.memory_space<vmem_shared>> -> memref<100x128xf32, #tpu.memory_space<vmem_shared>>
        tpu.enqueue_dma source(%arg8 : memref<100x128xf32, #tpu.memory_space<vmem>>) target(%dma_start3A_67 : memref<100x128xf32, #tpu.memory_space<vmem_shared>>) target_semaphore(%run_scoped3A_63 : memref<!tpu.dma_semaphore, #tpu.memory_space<semaphore_mem>>)
        %dma_wait3A_68 = arith.constant 0 : i32
        %dma_wait3A_69 = tpu.memref_slice %arg10[%add3A_62, %dma_wait3A_68] : memref<10000x128xf32, #tpu.memory_space<vmem_shared>> -> memref<100x128xf32, #tpu.memory_space<vmem_shared>>
        %dma_wait3A_70 = arith.constant 0 : i32
        %dma_wait3A_71 = tpu.memref_slice %arg10[%add3A_62, %dma_wait3A_70] : memref<10000x128xf32, #tpu.memory_space<vmem_shared>> -> memref<100x128xf32, #tpu.memory_space<vmem_shared>>
        tpu.wait_dma2 semaphore(%run_scoped3A_63 : memref<!tpu.dma_semaphore, #tpu.memory_space<semaphore_mem>>) src(%arg8 : memref<100x128xf32, #tpu.memory_space<vmem>>) dst(%dma_wait3A_71 : memref<100x128xf32, #tpu.memory_space<vmem_shared>>)
        tpu.yield
      }) : () -> ()
    }
    %scan3A_11 = arith.constant 6 : i32
    %mul3A_12 = arith.constant 625 : i32
    %mul3A_13 = arith.muli %arg1, %mul3A_12 : i32
    %add3A_14 = arith.constant 600 : i32
    %add3A_15 = arith.addi %mul3A_13, %add3A_14 : i32
    "tpu.region"() ({
      %run_scoped3A_57 = tpu.sem_alloc : memref<!tpu.dma_semaphore, #tpu.memory_space<semaphore_mem>>
      %dma_start3A_58 = arith.constant 0 : i32
      %dma_start3A_59 = arith.constant 0 : i32
      %dma_start3A_60 = tpu.memref_slice %arg8[%dma_start3A_58, %dma_start3A_59] : memref<100x128xf32, #tpu.memory_space<vmem>> -> memref<25x128xf32, #tpu.memory_space<vmem>>
      %dma_start3A_61 = arith.constant 0 : i32
      %dma_start3A_62 = tpu.memref_slice %arg10[%add3A_15, %dma_start3A_61] : memref<10000x128xf32, #tpu.memory_space<vmem_shared>> -> memref<25x128xf32, #tpu.memory_space<vmem_shared>>
      %dma_start3A_63 = arith.constant 0 : i32
      %dma_start3A_64 = tpu.memref_slice %arg10[%add3A_15, %dma_start3A_63] : memref<10000x128xf32, #tpu.memory_space<vmem_shared>> -> memref<25x128xf32, #tpu.memory_space<vmem_shared>>
      %dma_start3A_65 = arith.constant 0 : i32
      %dma_start3A_66 = arith.constant 0 : i32
      %dma_start3A_67 = tpu.memref_slice %arg8[%dma_start3A_65, %dma_start3A_66] : memref<100x128xf32, #tpu.memory_space<vmem>> -> memref<25x128xf32, #tpu.memory_space<vmem>>
      tpu.enqueue_dma source(%dma_start3A_67 : memref<25x128xf32, #tpu.memory_space<vmem>>) target(%dma_start3A_64 : memref<25x128xf32, #tpu.memory_space<vmem_shared>>) target_semaphore(%run_scoped3A_57 : memref<!tpu.dma_semaphore, #tpu.memory_space<semaphore_mem>>)
      %dma_wait3A_68 = arith.constant 0 : i32
      %dma_wait3A_69 = arith.constant 0 : i32
      %dma_wait3A_70 = tpu.memref_slice %arg8[%dma_wait3A_68, %dma_wait3A_69] : memref<100x128xf32, #tpu.memory_space<vmem>> -> memref<25x128xf32, #tpu.memory_space<vmem>>
      %dma_wait3A_71 = arith.constant 0 : i32
      %dma_wait3A_72 = tpu.memref_slice %arg10[%add3A_15, %dma_wait3A_71] : memref<10000x128xf32, #tpu.memory_space<vmem_shared>> -> memref<25x128xf32, #tpu.memory_space<vmem_shared>>
      %dma_wait3A_73 = arith.constant 0 : i32
      %dma_wait3A_74 = tpu.memref_slice %arg10[%add3A_15, %dma_wait3A_73] : memref<10000x128xf32, #tpu.memory_space<vmem_shared>> -> memref<25x128xf32, #tpu.memory_space<vmem_shared>>
      %dma_wait3A_75 = arith.constant 0 : i32
      %dma_wait3A_76 = arith.constant 0 : i32
      %dma_wait3A_77 = tpu.memref_slice %arg8[%dma_wait3A_75, %dma_wait3A_76] : memref<100x128xf32, #tpu.memory_space<vmem>> -> memref<25x128xf32, #tpu.memory_space<vmem>>
      tpu.wait_dma2 semaphore(%run_scoped3A_57 : memref<!tpu.dma_semaphore, #tpu.memory_space<semaphore_mem>>) src(%dma_wait3A_77 : memref<25x128xf32, #tpu.memory_space<vmem>>) dst(%dma_wait3A_74 : memref<25x128xf32, #tpu.memory_space<vmem_shared>>)
      tpu.yield
    }) : () -> ()
    %barrier3A = arith.constant 0 : index
    tpu.barrier barrier_id(%barrier3A)
    %dma_start3A = arith.constant 0 : i32
    %dma_start3A_16 = arith.constant 0 : i32
    %dma_start3A_17 = tpu.memref_slice %arg6[%dma_start3A, %dma_start3A_16] : memref<100x100xi32, #tpu.memory_space<vmem>> -> memref<1x100xi32, #tpu.memory_space<vmem>>
    %dma_start3A_18 = tpu.memref_squeeze %dma_start3A_17 : memref<1x100xi32, #tpu.memory_space<vmem>> -> memref<100xi32, #tpu.memory_space<vmem>>
    %dma_start3A_19 = arith.constant 0 : i32
    %dma_start3A_20 = arith.constant 0 : i32
    %dma_start3A_21 = tpu.memref_slice %arg4[%dma_start3A_19, %dma_start3A_20] : memref<10000x128xf32, #tpu.memory_space<hbm>> -> memref<10000x128xf32, #tpu.memory_space<hbm>>
    tpu.enqueue_indirect_dma source(%dma_start3A_21 : memref<10000x128xf32, #tpu.memory_space<hbm>>) target(%arg8 : memref<100x128xf32, #tpu.memory_space<vmem>>) offsets(%dma_start3A_18 : memref<100xi32, #tpu.memory_space<vmem>>) semaphore(%arg11 : memref<!tpu.dma_semaphore, #tpu.memory_space<semaphore_mem>>)
    %dma_start3A_22 = arith.constant 1 : i32
    %dma_start3A_23 = arith.constant 0 : i32
    %dma_start3A_24 = tpu.memref_slice %arg6[%dma_start3A_22, %dma_start3A_23] : memref<100x100xi32, #tpu.memory_space<vmem>> -> memref<1x100xi32, #tpu.memory_space<vmem>>
    %dma_start3A_25 = tpu.memref_squeeze %dma_start3A_24 : memref<1x100xi32, #tpu.memory_space<vmem>> -> memref<100xi32, #tpu.memory_space<vmem>>
    %dma_start3A_26 = arith.constant 0 : i32
    %dma_start3A_27 = arith.constant 0 : i32
    %dma_start3A_28 = tpu.memref_slice %arg4[%dma_start3A_26, %dma_start3A_27] : memref<10000x128xf32, #tpu.memory_space<hbm>> -> memref<10000x128xf32, #tpu.memory_space<hbm>>
    tpu.enqueue_indirect_dma source(%dma_start3A_28 : memref<10000x128xf32, #tpu.memory_space<hbm>>) target(%arg9 : memref<100x128xf32, #tpu.memory_space<vmem>>) offsets(%dma_start3A_25 : memref<100xi32, #tpu.memory_space<vmem>>) semaphore(%arg12 : memref<!tpu.dma_semaphore, #tpu.memory_space<semaphore_mem>>)
    %scan3A_29 = arith.constant 0 : i32
    %scan3A_30 = arith.constant 0 : i32
    %scan3A_31 = arith.constant 49 : i32
    %scan3A_32 = arith.addi %scan3A_30, %scan3A_31 : i32
    %scan3A_33 = arith.constant 1 : i32
    scf.for %scan3A_57 = %scan3A_30 to %scan3A_32 step %scan3A_33  : i32 {
      %mul3A_58 = arith.constant 2 : i32
      %mul3A_59 = arith.muli %scan3A_57, %mul3A_58 : i32
      %dma_wait3A_60 = arith.constant 0 : i32
      %dma_wait3A_61 = arith.constant 0 : i32
      %dma_wait3A_62 = tpu.memref_slice %arg6[%dma_wait3A_60, %dma_wait3A_61] : memref<100x100xi32, #tpu.memory_space<vmem>> -> memref<1x100xi32, #tpu.memory_space<vmem>>
      %dma_wait3A_63 = tpu.memref_squeeze %dma_wait3A_62 : memref<1x100xi32, #tpu.memory_space<vmem>> -> memref<100xi32, #tpu.memory_space<vmem>>
      %dma_wait3A_64 = arith.constant 0 : i32
      %dma_wait3A_65 = arith.constant 0 : i32
      %dma_wait3A_66 = tpu.memref_slice %arg4[%dma_wait3A_64, %dma_wait3A_65] : memref<10000x128xf32, #tpu.memory_space<hbm>> -> memref<10000x128xf32, #tpu.memory_space<hbm>>
      tpu.wait_indirect_dma semaphore(%arg11 : memref<!tpu.dma_semaphore, #tpu.memory_space<semaphore_mem>>) src(%dma_wait3A_66 : memref<10000x128xf32, #tpu.memory_space<hbm>>) dst(%arg8 : memref<100x128xf32, #tpu.memory_space<vmem>>)
      "tpu.region"() ({
        %run_scoped3A_92 = tpu.sem_alloc : memref<!tpu.dma_semaphore, #tpu.memory_space<semaphore_mem>>
        %dma_start3A_93 = arith.constant 0 : i32
        %dma_start3A_94 = tpu.memref_slice %arg7[%mul3A_59, %dma_start3A_93] : memref<100x100xi32, #tpu.memory_space<vmem>> -> memref<1x100xi32, #tpu.memory_space<vmem>>
        %dma_start3A_95 = tpu.memref_squeeze %dma_start3A_94 : memref<1x100xi32, #tpu.memory_space<vmem>> -> memref<100xi32, #tpu.memory_space<vmem>>
        %dma_start3A_96 = arith.constant 0 : i32
        %dma_start3A_97 = arith.constant 0 : i32
        %dma_start3A_98 = tpu.memref_slice %arg10[%dma_start3A_96, %dma_start3A_97] : memref<10000x128xf32, #tpu.memory_space<vmem_shared>> -> memref<10000x128xf32, #tpu.memory_space<vmem_shared>>
        tpu.enqueue_indirect_dma source(%arg8 : memref<100x128xf32, #tpu.memory_space<vmem>>) target(%dma_start3A_98 : memref<10000x128xf32, #tpu.memory_space<vmem_shared>>) offsets(%dma_start3A_95 : memref<100xi32, #tpu.memory_space<vmem>>) semaphore(%run_scoped3A_92 : memref<!tpu.dma_semaphore, #tpu.memory_space<semaphore_mem>>) {add = true}
        %dma_wait3A_99 = arith.constant 0 : i32
        %dma_wait3A_100 = tpu.memref_slice %arg7[%mul3A_59, %dma_wait3A_99] : memref<100x100xi32, #tpu.memory_space<vmem>> -> memref<1x100xi32, #tpu.memory_space<vmem>>
        %dma_wait3A_101 = tpu.memref_squeeze %dma_wait3A_100 : memref<1x100xi32, #tpu.memory_space<vmem>> -> memref<100xi32, #tpu.memory_space<vmem>>
        %dma_wait3A_102 = arith.constant 0 : i32
        %dma_wait3A_103 = arith.constant 0 : i32
        %dma_wait3A_104 = tpu.memref_slice %arg10[%dma_wait3A_102, %dma_wait3A_103] : memref<10000x128xf32, #tpu.memory_space<vmem_shared>> -> memref<10000x128xf32, #tpu.memory_space<vmem_shared>>
        tpu.wait_indirect_dma semaphore(%run_scoped3A_92 : memref<!tpu.dma_semaphore, #tpu.memory_space<semaphore_mem>>) src(%arg8 : memref<100x128xf32, #tpu.memory_space<vmem>>) dst(%dma_wait3A_104 : memref<10000x128xf32, #tpu.memory_space<vmem_shared>>)
        tpu.yield
      }) : () -> ()
      %add3A_67 = arith.constant 2 : i32
      %add3A_68 = arith.addi %mul3A_59, %add3A_67 : i32
      %dma_start3A_69 = arith.constant 0 : i32
      %dma_start3A_70 = tpu.memref_slice %arg6[%add3A_68, %dma_start3A_69] : memref<100x100xi32, #tpu.memory_space<vmem>> -> memref<1x100xi32, #tpu.memory_space<vmem>>
      %dma_start3A_71 = tpu.memref_squeeze %dma_start3A_70 : memref<1x100xi32, #tpu.memory_space<vmem>> -> memref<100xi32, #tpu.memory_space<vmem>>
      %dma_start3A_72 = arith.constant 0 : i32
      %dma_start3A_73 = arith.constant 0 : i32
      %dma_start3A_74 = tpu.memref_slice %arg4[%dma_start3A_72, %dma_start3A_73] : memref<10000x128xf32, #tpu.memory_space<hbm>> -> memref<10000x128xf32, #tpu.memory_space<hbm>>
      tpu.enqueue_indirect_dma source(%dma_start3A_74 : memref<10000x128xf32, #tpu.memory_space<hbm>>) target(%arg8 : memref<100x128xf32, #tpu.memory_space<vmem>>) offsets(%dma_start3A_71 : memref<100xi32, #tpu.memory_space<vmem>>) semaphore(%arg11 : memref<!tpu.dma_semaphore, #tpu.memory_space<semaphore_mem>>)
      %dma_wait3A_75 = arith.constant 0 : i32
      %dma_wait3A_76 = arith.constant 0 : i32
      %dma_wait3A_77 = tpu.memref_slice %arg6[%dma_wait3A_75, %dma_wait3A_76] : memref<100x100xi32, #tpu.memory_space<vmem>> -> memref<1x100xi32, #tpu.memory_space<vmem>>
      %dma_wait3A_78 = tpu.memref_squeeze %dma_wait3A_77 : memref<1x100xi32, #tpu.memory_space<vmem>> -> memref<100xi32, #tpu.memory_space<vmem>>
      %dma_wait3A_79 = arith.constant 0 : i32
      %dma_wait3A_80 = arith.constant 0 : i32
      %dma_wait3A_81 = tpu.memref_slice %arg4[%dma_wait3A_79, %dma_wait3A_80] : memref<10000x128xf32, #tpu.memory_space<hbm>> -> memref<10000x128xf32, #tpu.memory_space<hbm>>
      tpu.wait_indirect_dma semaphore(%arg12 : memref<!tpu.dma_semaphore, #tpu.memory_space<semaphore_mem>>) src(%dma_wait3A_81 : memref<10000x128xf32, #tpu.memory_space<hbm>>) dst(%arg9 : memref<100x128xf32, #tpu.memory_space<vmem>>)
      %add3A_82 = arith.constant 1 : i32
      %add3A_83 = arith.addi %mul3A_59, %add3A_82 : i32
      "tpu.region"() ({
        %run_scoped3A_92 = tpu.sem_alloc : memref<!tpu.dma_semaphore, #tpu.memory_space<semaphore_mem>>
        %dma_start3A_93 = arith.constant 0 : i32
        %dma_start3A_94 = tpu.memref_slice %arg7[%add3A_83, %dma_start3A_93] : memref<100x100xi32, #tpu.memory_space<vmem>> -> memref<1x100xi32, #tpu.memory_space<vmem>>
        %dma_start3A_95 = tpu.memref_squeeze %dma_start3A_94 : memref<1x100xi32, #tpu.memory_space<vmem>> -> memref<100xi32, #tpu.memory_space<vmem>>
        %dma_start3A_96 = arith.constant 0 : i32
        %dma_start3A_97 = arith.constant 0 : i32
        %dma_start3A_98 = tpu.memref_slice %arg10[%dma_start3A_96, %dma_start3A_97] : memref<10000x128xf32, #tpu.memory_space<vmem_shared>> -> memref<10000x128xf32, #tpu.memory_space<vmem_shared>>
        tpu.enqueue_indirect_dma source(%arg9 : memref<100x128xf32, #tpu.memory_space<vmem>>) target(%dma_start3A_98 : memref<10000x128xf32, #tpu.memory_space<vmem_shared>>) offsets(%dma_start3A_95 : memref<100xi32, #tpu.memory_space<vmem>>) semaphore(%run_scoped3A_92 : memref<!tpu.dma_semaphore, #tpu.memory_space<semaphore_mem>>) {add = true}
        %dma_wait3A_99 = arith.constant 0 : i32
        %dma_wait3A_100 = tpu.memref_slice %arg7[%add3A_83, %dma_wait3A_99] : memref<100x100xi32, #tpu.memory_space<vmem>> -> memref<1x100xi32, #tpu.memory_space<vmem>>
        %dma_wait3A_101 = tpu.memref_squeeze %dma_wait3A_100 : memref<1x100xi32, #tpu.memory_space<vmem>> -> memref<100xi32, #tpu.memory_space<vmem>>
        %dma_wait3A_102 = arith.constant 0 : i32
        %dma_wait3A_103 = arith.constant 0 : i32
        %dma_wait3A_104 = tpu.memref_slice %arg10[%dma_wait3A_102, %dma_wait3A_103] : memref<10000x128xf32, #tpu.memory_space<vmem_shared>> -> memref<10000x128xf32, #tpu.memory_space<vmem_shared>>
        tpu.wait_indirect_dma semaphore(%run_scoped3A_92 : memref<!tpu.dma_semaphore, #tpu.memory_space<semaphore_mem>>) src(%arg9 : memref<100x128xf32, #tpu.memory_space<vmem>>) dst(%dma_wait3A_104 : memref<10000x128xf32, #tpu.memory_space<vmem_shared>>)
        tpu.yield
      }) : () -> ()
      %add3A_84 = arith.constant 3 : i32
      %add3A_85 = arith.addi %mul3A_59, %add3A_84 : i32
      %dma_start3A_86 = arith.constant 0 : i32
      %dma_start3A_87 = tpu.memref_slice %arg6[%add3A_85, %dma_start3A_86] : memref<100x100xi32, #tpu.memory_space<vmem>> -> memref<1x100xi32, #tpu.memory_space<vmem>>
      %dma_start3A_88 = tpu.memref_squeeze %dma_start3A_87 : memref<1x100xi32, #tpu.memory_space<vmem>> -> memref<100xi32, #tpu.memory_space<vmem>>
      %dma_start3A_89 = arith.constant 0 : i32
      %dma_start3A_90 = arith.constant 0 : i32
      %dma_start3A_91 = tpu.memref_slice %arg4[%dma_start3A_89, %dma_start3A_90] : memref<10000x128xf32, #tpu.memory_space<hbm>> -> memref<10000x128xf32, #tpu.memory_space<hbm>>
      tpu.enqueue_indirect_dma source(%dma_start3A_91 : memref<10000x128xf32, #tpu.memory_space<hbm>>) target(%arg9 : memref<100x128xf32, #tpu.memory_space<vmem>>) offsets(%dma_start3A_88 : memref<100xi32, #tpu.memory_space<vmem>>) semaphore(%arg12 : memref<!tpu.dma_semaphore, #tpu.memory_space<semaphore_mem>>)
    }
    %scan3A_34 = arith.constant 49 : i32
    %dma_wait3A = arith.constant 0 : i32
    %dma_wait3A_35 = arith.constant 0 : i32
    %dma_wait3A_36 = tpu.memref_slice %arg6[%dma_wait3A, %dma_wait3A_35] : memref<100x100xi32, #tpu.memory_space<vmem>> -> memref<1x100xi32, #tpu.memory_space<vmem>>
    %dma_wait3A_37 = tpu.memref_squeeze %dma_wait3A_36 : memref<1x100xi32, #tpu.memory_space<vmem>> -> memref<100xi32, #tpu.memory_space<vmem>>
    %dma_wait3A_38 = arith.constant 0 : i32
    %dma_wait3A_39 = arith.constant 0 : i32
    %dma_wait3A_40 = tpu.memref_slice %arg4[%dma_wait3A_38, %dma_wait3A_39] : memref<10000x128xf32, #tpu.memory_space<hbm>> -> memref<10000x128xf32, #tpu.memory_space<hbm>>
    tpu.wait_indirect_dma semaphore(%arg11 : memref<!tpu.dma_semaphore, #tpu.memory_space<semaphore_mem>>) src(%dma_wait3A_40 : memref<10000x128xf32, #tpu.memory_space<hbm>>) dst(%arg8 : memref<100x128xf32, #tpu.memory_space<vmem>>)
    %run_scoped3A = arith.constant 98 : i32
    "tpu.region"() ({
      %run_scoped3A_57 = tpu.sem_alloc : memref<!tpu.dma_semaphore, #tpu.memory_space<semaphore_mem>>
      %dma_start3A_58 = arith.constant 0 : i32
      %dma_start3A_59 = tpu.memref_slice %arg7[%run_scoped3A, %dma_start3A_58] : memref<100x100xi32, #tpu.memory_space<vmem>> -> memref<1x100xi32, #tpu.memory_space<vmem>>
      %dma_start3A_60 = tpu.memref_squeeze %dma_start3A_59 : memref<1x100xi32, #tpu.memory_space<vmem>> -> memref<100xi32, #tpu.memory_space<vmem>>
      %dma_start3A_61 = arith.constant 0 : i32
      %dma_start3A_62 = arith.constant 0 : i32
      %dma_start3A_63 = tpu.memref_slice %arg10[%dma_start3A_61, %dma_start3A_62] : memref<10000x128xf32, #tpu.memory_space<vmem_shared>> -> memref<10000x128xf32, #tpu.memory_space<vmem_shared>>
      tpu.enqueue_indirect_dma source(%arg8 : memref<100x128xf32, #tpu.memory_space<vmem>>) target(%dma_start3A_63 : memref<10000x128xf32, #tpu.memory_space<vmem_shared>>) offsets(%dma_start3A_60 : memref<100xi32, #tpu.memory_space<vmem>>) semaphore(%run_scoped3A_57 : memref<!tpu.dma_semaphore, #tpu.memory_space<semaphore_mem>>) {add = true}
      %dma_wait3A_64 = arith.constant 0 : i32
      %dma_wait3A_65 = tpu.memref_slice %arg7[%run_scoped3A, %dma_wait3A_64] : memref<100x100xi32, #tpu.memory_space<vmem>> -> memref<1x100xi32, #tpu.memory_space<vmem>>
      %dma_wait3A_66 = tpu.memref_squeeze %dma_wait3A_65 : memref<1x100xi32, #tpu.memory_space<vmem>> -> memref<100xi32, #tpu.memory_space<vmem>>
      %dma_wait3A_67 = arith.constant 0 : i32
      %dma_wait3A_68 = arith.constant 0 : i32
      %dma_wait3A_69 = tpu.memref_slice %arg10[%dma_wait3A_67, %dma_wait3A_68] : memref<10000x128xf32, #tpu.memory_space<vmem_shared>> -> memref<10000x128xf32, #tpu.memory_space<vmem_shared>>
      tpu.wait_indirect_dma semaphore(%run_scoped3A_57 : memref<!tpu.dma_semaphore, #tpu.memory_space<semaphore_mem>>) src(%arg8 : memref<100x128xf32, #tpu.memory_space<vmem>>) dst(%dma_wait3A_69 : memref<10000x128xf32, #tpu.memory_space<vmem_shared>>)
      tpu.yield
    }) : () -> ()
    %dma_wait3A_41 = arith.constant 0 : i32
    %dma_wait3A_42 = arith.constant 0 : i32
    %dma_wait3A_43 = tpu.memref_slice %arg6[%dma_wait3A_41, %dma_wait3A_42] : memref<100x100xi32, #tpu.memory_space<vmem>> -> memref<1x100xi32, #tpu.memory_space<vmem>>
    %dma_wait3A_44 = tpu.memref_squeeze %dma_wait3A_43 : memref<1x100xi32, #tpu.memory_space<vmem>> -> memref<100xi32, #tpu.memory_space<vmem>>
    %dma_wait3A_45 = arith.constant 0 : i32
    %dma_wait3A_46 = arith.constant 0 : i32
    %dma_wait3A_47 = tpu.memref_slice %arg4[%dma_wait3A_45, %dma_wait3A_46] : memref<10000x128xf32, #tpu.memory_space<hbm>> -> memref<10000x128xf32, #tpu.memory_space<hbm>>
    tpu.wait_indirect_dma semaphore(%arg12 : memref<!tpu.dma_semaphore, #tpu.memory_space<semaphore_mem>>) src(%dma_wait3A_47 : memref<10000x128xf32, #tpu.memory_space<hbm>>) dst(%arg9 : memref<100x128xf32, #tpu.memory_space<vmem>>)
    %run_scoped3A_48 = arith.constant 99 : i32
    "tpu.region"() ({
      %run_scoped3A_57 = tpu.sem_alloc : memref<!tpu.dma_semaphore, #tpu.memory_space<semaphore_mem>>
      %dma_start3A_58 = arith.constant 0 : i32
      %dma_start3A_59 = tpu.memref_slice %arg7[%run_scoped3A_48, %dma_start3A_58] : memref<100x100xi32, #tpu.memory_space<vmem>> -> memref<1x100xi32, #tpu.memory_space<vmem>>
      %dma_start3A_60 = tpu.memref_squeeze %dma_start3A_59 : memref<1x100xi32, #tpu.memory_space<vmem>> -> memref<100xi32, #tpu.memory_space<vmem>>
      %dma_start3A_61 = arith.constant 0 : i32
      %dma_start3A_62 = arith.constant 0 : i32
      %dma_start3A_63 = tpu.memref_slice %arg10[%dma_start3A_61, %dma_start3A_62] : memref<10000x128xf32, #tpu.memory_space<vmem_shared>> -> memref<10000x128xf32, #tpu.memory_space<vmem_shared>>
      tpu.enqueue_indirect_dma source(%arg9 : memref<100x128xf32, #tpu.memory_space<vmem>>) target(%dma_start3A_63 : memref<10000x128xf32, #tpu.memory_space<vmem_shared>>) offsets(%dma_start3A_60 : memref<100xi32, #tpu.memory_space<vmem>>) semaphore(%run_scoped3A_57 : memref<!tpu.dma_semaphore, #tpu.memory_space<semaphore_mem>>) {add = true}
      %dma_wait3A_64 = arith.constant 0 : i32
      %dma_wait3A_65 = tpu.memref_slice %arg7[%run_scoped3A_48, %dma_wait3A_64] : memref<100x100xi32, #tpu.memory_space<vmem>> -> memref<1x100xi32, #tpu.memory_space<vmem>>
      %dma_wait3A_66 = tpu.memref_squeeze %dma_wait3A_65 : memref<1x100xi32, #tpu.memory_space<vmem>> -> memref<100xi32, #tpu.memory_space<vmem>>
      %dma_wait3A_67 = arith.constant 0 : i32
      %dma_wait3A_68 = arith.constant 0 : i32
      %dma_wait3A_69 = tpu.memref_slice %arg10[%dma_wait3A_67, %dma_wait3A_68] : memref<10000x128xf32, #tpu.memory_space<vmem_shared>> -> memref<10000x128xf32, #tpu.memory_space<vmem_shared>>
      tpu.wait_indirect_dma semaphore(%run_scoped3A_57 : memref<!tpu.dma_semaphore, #tpu.memory_space<semaphore_mem>>) src(%arg9 : memref<100x128xf32, #tpu.memory_space<vmem>>) dst(%dma_wait3A_69 : memref<10000x128xf32, #tpu.memory_space<vmem_shared>>)
      tpu.yield
    }) : () -> ()
    %barrier3A_49 = arith.constant 0 : index
    tpu.barrier barrier_id(%barrier3A_49)
    %mul3A_50 = arith.constant 625 : i32
    %mul3A_51 = arith.muli %arg1, %mul3A_50 : i32
    %mul3A_52 = arith.constant 10000 : i32
    %mul3A_53 = arith.muli %arg0, %mul3A_52 : i32
    %mul3A_54 = arith.constant 625 : i32
    %mul3A_55 = arith.muli %arg1, %mul3A_54 : i32
    %add3A_56 = arith.addi %mul3A_53, %mul3A_55 : i32
    "tpu.region"() ({
      %run_scoped3A_57 = tpu.sem_alloc : memref<!tpu.dma_semaphore, #tpu.memory_space<semaphore_mem>>
      %dma_start3A_58 = arith.constant 0 : i32
      %dma_start3A_59 = tpu.memref_slice %arg5[%add3A_56, %dma_start3A_58] : memref<20000x128xf32, #tpu.memory_space<hbm>> -> memref<625x128xf32, #tpu.memory_space<hbm>>
      %dma_start3A_60 = arith.constant 0 : i32
      %dma_start3A_61 = tpu.memref_slice %arg10[%mul3A_51, %dma_start3A_60] : memref<10000x128xf32, #tpu.memory_space<vmem_shared>> -> memref<625x128xf32, #tpu.memory_space<vmem_shared>>
      tpu.enqueue_dma source(%dma_start3A_61 : memref<625x128xf32, #tpu.memory_space<vmem_shared>>) target(%dma_start3A_59 : memref<625x128xf32, #tpu.memory_space<hbm>>) target_semaphore(%run_scoped3A_57 : memref<!tpu.dma_semaphore, #tpu.memory_space<semaphore_mem>>)
      %dma_wait3A_62 = arith.constant 0 : i32
      %dma_wait3A_63 = tpu.memref_slice %arg5[%add3A_56, %dma_wait3A_62] : memref<20000x128xf32, #tpu.memory_space<hbm>> -> memref<625x128xf32, #tpu.memory_space<hbm>>
      %dma_wait3A_64 = arith.constant 0 : i32
      %dma_wait3A_65 = tpu.memref_slice %arg10[%mul3A_51, %dma_wait3A_64] : memref<10000x128xf32, #tpu.memory_space<vmem_shared>> -> memref<625x128xf32, #tpu.memory_space<vmem_shared>>
      tpu.wait_dma2 semaphore(%run_scoped3A_57 : memref<!tpu.dma_semaphore, #tpu.memory_space<semaphore_mem>>) src(%dma_wait3A_65 : memref<625x128xf32, #tpu.memory_space<vmem_shared>>) dst(%dma_wait3A_63 : memref<625x128xf32, #tpu.memory_space<hbm>>)
      tpu.yield
    }) : () -> ()
    return
  }
}

#map = affine_map<(d0, d1) -> (0, 0, 0)>
#map1 = affine_map<(d0, d1) -> (0, 0)>
module attributes {stable_mosaic.version = 14 : i64} {
  func.func @_segsum_body(%arg0: i32, %arg1: i32, %arg2: memref<32x100x100xi32, #tpu.memory_space<hbm>>, %arg3: memref<32x100x100xi32, #tpu.memory_space<hbm>>, %arg4: memref<10000x128xf32, #tpu.memory_space<hbm>>, %arg5: memref<20000x128xf32, #tpu.memory_space<hbm>>, %arg6: memref<100x100xi32, #tpu.memory_space<vmem>>, %arg7: memref<100x100xi32, #tpu.memory_space<vmem>>, %arg8: memref<100x128xf32, #tpu.memory_space<vmem>>, %arg9: memref<100x128xf32, #tpu.memory_space<vmem>>, %arg10: memref<10000x128xf32, #tpu.memory_space<vmem_shared>>, %arg11: memref<!tpu.dma_semaphore, #tpu.memory_space<semaphore_mem>>, %arg12: memref<!tpu.dma_semaphore, #tpu.memory_space<semaphore_mem>>) attributes {dimension_semantics = [#tpu.dimension_semantics<core_parallel>, #tpu.dimension_semantics<subcore_parallel>], iteration_bounds = array<i64: 2, 16>, scalar_prefetch = 0 : i64, scratch_operands = 7 : i64, tpu.core_type = #tpu.core_type<sc_vector_subcore>, window_params = [{transform_indices = #map}, {transform_indices = #map}, {transform_indices = #map1}, {transform_indices = #map1}]} {
    %mul3A = arith.constant 16 : i32
    %mul3A_0 = arith.muli %arg0, %mul3A : i32
    %add3A = arith.addi %mul3A_0, %arg1 : i32
    "tpu.region"() ({
      %run_scoped3A_57 = tpu.sem_alloc : memref<!tpu.dma_semaphore, #tpu.memory_space<semaphore_mem>>
      %dma_start3A_58 = arith.constant 0 : i32
      %dma_start3A_59 = arith.constant 0 : i32
      %dma_start3A_60 = tpu.memref_slice %arg2[%add3A, %dma_start3A_58, %dma_start3A_59] : memref<32x100x100xi32, #tpu.memory_space<hbm>> -> memref<1x100x100xi32, #tpu.memory_space<hbm>>
      %dma_start3A_61 = tpu.memref_squeeze %dma_start3A_60 : memref<1x100x100xi32, #tpu.memory_space<hbm>> -> memref<100x100xi32, #tpu.memory_space<hbm>>
      %dma_start3A_62 = arith.constant 0 : i32
      %dma_start3A_63 = arith.constant 0 : i32
      %dma_start3A_64 = tpu.memref_slice %arg2[%add3A, %dma_start3A_62, %dma_start3A_63] : memref<32x100x100xi32, #tpu.memory_space<hbm>> -> memref<1x100x100xi32, #tpu.memory_space<hbm>>
      %dma_start3A_65 = tpu.memref_squeeze %dma_start3A_64 : memref<1x100x100xi32, #tpu.memory_space<hbm>> -> memref<100x100xi32, #tpu.memory_space<hbm>>
      tpu.enqueue_dma source(%dma_start3A_65 : memref<100x100xi32, #tpu.memory_space<hbm>>) target(%arg6 : memref<100x100xi32, #tpu.memory_space<vmem>>) target_semaphore(%run_scoped3A_57 : memref<!tpu.dma_semaphore, #tpu.memory_space<semaphore_mem>>)
      %dma_wait3A_66 = arith.constant 0 : i32
      %dma_wait3A_67 = arith.constant 0 : i32
      %dma_wait3A_68 = tpu.memref_slice %arg2[%add3A, %dma_wait3A_66, %dma_wait3A_67] : memref<32x100x100xi32, #tpu.memory_space<hbm>> -> memref<1x100x100xi32, #tpu.memory_space<hbm>>
      %dma_wait3A_69 = tpu.memref_squeeze %dma_wait3A_68 : memref<1x100x100xi32, #tpu.memory_space<hbm>> -> memref<100x100xi32, #tpu.memory_space<hbm>>
      %dma_wait3A_70 = arith.constant 0 : i32
      %dma_wait3A_71 = arith.constant 0 : i32
      %dma_wait3A_72 = tpu.memref_slice %arg2[%add3A, %dma_wait3A_70, %dma_wait3A_71] : memref<32x100x100xi32, #tpu.memory_space<hbm>> -> memref<1x100x100xi32, #tpu.memory_space<hbm>>
      %dma_wait3A_73 = tpu.memref_squeeze %dma_wait3A_72 : memref<1x100x100xi32, #tpu.memory_space<hbm>> -> memref<100x100xi32, #tpu.memory_space<hbm>>
      tpu.wait_dma2 semaphore(%run_scoped3A_57 : memref<!tpu.dma_semaphore, #tpu.memory_space<semaphore_mem>>) src(%dma_wait3A_73 : memref<100x100xi32, #tpu.memory_space<hbm>>) dst(%arg6 : memref<100x100xi32, #tpu.memory_space<vmem>>)
      tpu.yield
    }) : () -> ()
    "tpu.region"() ({
      %run_scoped3A_57 = tpu.sem_alloc : memref<!tpu.dma_semaphore, #tpu.memory_space<semaphore_mem>>
      %dma_start3A_58 = arith.constant 0 : i32
      %dma_start3A_59 = arith.constant 0 : i32
      %dma_start3A_60 = tpu.memref_slice %arg3[%add3A, %dma_start3A_58, %dma_start3A_59] : memref<32x100x100xi32, #tpu.memory_space<hbm>> -> memref<1x100x100xi32, #tpu.memory_space<hbm>>
      %dma_start3A_61 = tpu.memref_squeeze %dma_start3A_60 : memref<1x100x100xi32, #tpu.memory_space<hbm>> -> memref<100x100xi32, #tpu.memory_space<hbm>>
      %dma_start3A_62 = arith.constant 0 : i32
      %dma_start3A_63 = arith.constant 0 : i32
      %dma_start3A_64 = tpu.memref_slice %arg3[%add3A, %dma_start3A_62, %dma_start3A_63] : memref<32x100x100xi32, #tpu.memory_space<hbm>> -> memref<1x100x100xi32, #tpu.memory_space<hbm>>
      %dma_start3A_65 = tpu.memref_squeeze %dma_start3A_64 : memref<1x100x100xi32, #tpu.memory_space<hbm>> -> memref<100x100xi32, #tpu.memory_space<hbm>>
      tpu.enqueue_dma source(%dma_start3A_65 : memref<100x100xi32, #tpu.memory_space<hbm>>) target(%arg7 : memref<100x100xi32, #tpu.memory_space<vmem>>) target_semaphore(%run_scoped3A_57 : memref<!tpu.dma_semaphore, #tpu.memory_space<semaphore_mem>>)
      %dma_wait3A_66 = arith.constant 0 : i32
      %dma_wait3A_67 = arith.constant 0 : i32
      %dma_wait3A_68 = tpu.memref_slice %arg3[%add3A, %dma_wait3A_66, %dma_wait3A_67] : memref<32x100x100xi32, #tpu.memory_space<hbm>> -> memref<1x100x100xi32, #tpu.memory_space<hbm>>
      %dma_wait3A_69 = tpu.memref_squeeze %dma_wait3A_68 : memref<1x100x100xi32, #tpu.memory_space<hbm>> -> memref<100x100xi32, #tpu.memory_space<hbm>>
      %dma_wait3A_70 = arith.constant 0 : i32
      %dma_wait3A_71 = arith.constant 0 : i32
      %dma_wait3A_72 = tpu.memref_slice %arg3[%add3A, %dma_wait3A_70, %dma_wait3A_71] : memref<32x100x100xi32, #tpu.memory_space<hbm>> -> memref<1x100x100xi32, #tpu.memory_space<hbm>>
      %dma_wait3A_73 = tpu.memref_squeeze %dma_wait3A_72 : memref<1x100x100xi32, #tpu.memory_space<hbm>> -> memref<100x100xi32, #tpu.memory_space<hbm>>
      tpu.wait_dma2 semaphore(%run_scoped3A_57 : memref<!tpu.dma_semaphore, #tpu.memory_space<semaphore_mem>>) src(%dma_wait3A_73 : memref<100x100xi32, #tpu.memory_space<hbm>>) dst(%arg7 : memref<100x100xi32, #tpu.memory_space<vmem>>)
      tpu.yield
    }) : () -> ()
    %scan3A = arith.constant 0 : i32
    %scan3A_1 = arith.constant 0 : i32
    %scan3A_2 = arith.constant 800 : i32
    %scan3A_3 = arith.addi %scan3A_1, %scan3A_2 : i32
    %scan3A_4 = arith.constant 1 : i32
    scf.for %scan3A_57 = %scan3A_1 to %scan3A_3 step %scan3A_4  : i32 {
      %broadcast_in_dim3A = arith.constant 0.000000e+00 : f32
      %broadcast_in_dim3A_58 = vector.broadcast %broadcast_in_dim3A : f32 to vector<16xf32>
      %jit3A = arith.constant 8 : i32
      %div3A = arith.divsi %scan3A_57, %jit3A : i32
      %sign3A = arith.constant 0 : i32
      %sign3A_59 = arith.cmpi sgt, %scan3A_57, %sign3A : i32
      %sign3A_60 = arith.extui %sign3A_59 : i1 to i32
      %sign3A_61 = arith.constant 0 : i32
      %sign3A_62 = arith.cmpi slt, %scan3A_57, %sign3A_61 : i32
      %sign3A_63 = arith.extui %sign3A_62 : i1 to i32
      %sign3A_64 = arith.subi %sign3A_60, %sign3A_63 : i32
      %sign3A_65 = arith.constant 0 : i32
      %sign3A_66 = arith.cmpi sgt, %jit3A, %sign3A_65 : i32
      %sign3A_67 = arith.extui %sign3A_66 : i1 to i32
      %sign3A_68 = arith.constant 0 : i32
      %sign3A_69 = arith.cmpi slt, %jit3A, %sign3A_68 : i32
      %sign3A_70 = arith.extui %sign3A_69 : i1 to i32
      %sign3A_71 = arith.subi %sign3A_67, %sign3A_70 : i32
      %ne3A = arith.cmpi ne, %sign3A_64, %sign3A_71 : i32
      %rem3A = arith.remsi %scan3A_57, %jit3A : i32
      %ne3A_72 = arith.constant 0 : i32
      %ne3A_73 = arith.cmpi ne, %rem3A, %ne3A_72 : i32
      %and3A = arith.andi %ne3A, %ne3A_73 : i1
      %sub3A = arith.constant 1 : i32
      %sub3A_74 = arith.subi %div3A, %sub3A : i32
      %select_n3A = arith.select %and3A, %sub3A_74, %div3A : i32
      %jit3A_75 = arith.constant 8 : i32
      %eq3A = arith.constant 0 : i32
      %eq3A_76 = arith.cmpi eq, %jit3A_75, %eq3A : i32
      %jit3A_77 = arith.constant 1 : i32
      %select_n3A_78 = arith.select %eq3A_76, %jit3A_77, %jit3A_75 : i32
      %rem3A_79 = arith.remsi %scan3A_57, %select_n3A_78 : i32
      %ne3A_80 = arith.constant 0 : i32
      %ne3A_81 = arith.cmpi ne, %rem3A_79, %ne3A_80 : i32
      %lt3A = arith.constant 0 : i32
      %lt3A_82 = arith.cmpi slt, %rem3A_79, %lt3A : i32
      %lt3A_83 = arith.constant 0 : i32
      %lt3A_84 = arith.cmpi slt, %select_n3A_78, %lt3A_83 : i32
      %ne3A_85 = arith.xori %lt3A_82, %lt3A_84 : i1
      %and3A_86 = arith.andi %ne3A_85, %ne3A_81 : i1
      %add3A_87 = arith.addi %rem3A_79, %select_n3A_78 : i32
      %select_n3A_88 = arith.select %and3A_86, %add3A_87, %rem3A_79 : i32
      %mul3A_89 = arith.constant 16 : i32
      %mul3A_90 = arith.muli %select_n3A_88, %mul3A_89 : i32
      %swap3A = arith.index_cast %select_n3A : i32 to index
      %swap3A_91 = arith.index_cast %mul3A_90 : i32 to index
      %swap3A_92 = tpu.vector_load %arg8[%swap3A, %swap3A_91] {strides = array<i32>} : memref<100x128xf32, #tpu.memory_space<vmem>>, vector<1x16xf32>,
      %swap3A_93 = vector.shape_cast %swap3A_92 : vector<1x16xf32> to vector<16xf32>
      %swap3A_94 = vector.shape_cast %broadcast_in_dim3A_58 : vector<16xf32> to vector<1x16xf32>
      tpu.vector_store %arg8[%swap3A, %swap3A_91], %swap3A_94 {strides = array<i32>} : memref<100x128xf32, #tpu.memory_space<vmem>>, vector<1x16xf32>,
    }
    %scan3A_5 = arith.constant 800 : i32
    %scan3A_6 = arith.constant 0 : i32
    %scan3A_7 = arith.constant 0 : i32
    %scan3A_8 = arith.constant 6 : i32
    %scan3A_9 = arith.addi %scan3A_7, %scan3A_8 : i32
    %scan3A_10 = arith.constant 1 : i32
    scf.for %scan3A_57 = %scan3A_7 to %scan3A_9 step %scan3A_10  : i32 {
      %mul3A_58 = arith.constant 625 : i32
      %mul3A_59 = arith.muli %arg1, %mul3A_58 : i32
      %mul3A_60 = arith.constant 100 : i32
      %mul3A_61 = arith.muli %scan3A_57, %mul3A_60 : i32
      %add3A_62 = arith.addi %mul3A_59, %mul3A_61 : i32
      "tpu.region"() ({
        %run_scoped3A_63 = tpu.sem_alloc : memref<!tpu.dma_semaphore, #tpu.memory_space<semaphore_mem>>
        %dma_start3A_64 = arith.constant 0 : i32
        %dma_start3A_65 = tpu.memref_slice %arg10[%add3A_62, %dma_start3A_64] : memref<10000x128xf32, #tpu.memory_space<vmem_shared>> -> memref<100x128xf32, #tpu.memory_space<vmem_shared>>
        %dma_start3A_66 = arith.constant 0 : i32
        %dma_start3A_67 = tpu.memref_slice %arg10[%add3A_62, %dma_start3A_66] : memref<10000x128xf32, #tpu.memory_space<vmem_shared>> -> memref<100x128xf32, #tpu.memory_space<vmem_shared>>
        tpu.enqueue_dma source(%arg8 : memref<100x128xf32, #tpu.memory_space<vmem>>) target(%dma_start3A_67 : memref<100x128xf32, #tpu.memory_space<vmem_shared>>) target_semaphore(%run_scoped3A_63 : memref<!tpu.dma_semaphore, #tpu.memory_space<semaphore_mem>>)
        %dma_wait3A_68 = arith.constant 0 : i32
        %dma_wait3A_69 = tpu.memref_slice %arg10[%add3A_62, %dma_wait3A_68] : memref<10000x128xf32, #tpu.memory_space<vmem_shared>> -> memref<100x128xf32, #tpu.memory_space<vmem_shared>>
        %dma_wait3A_70 = arith.constant 0 : i32
        %dma_wait3A_71 = tpu.memref_slice %arg10[%add3A_62, %dma_wait3A_70] : memref<10000x128xf32, #tpu.memory_space<vmem_shared>> -> memref<100x128xf32, #tpu.memory_space<vmem_shared>>
        tpu.wait_dma2 semaphore(%run_scoped3A_63 : memref<!tpu.dma_semaphore, #tpu.memory_space<semaphore_mem>>) src(%arg8 : memref<100x128xf32, #tpu.memory_space<vmem>>) dst(%dma_wait3A_71 : memref<100x128xf32, #tpu.memory_space<vmem_shared>>)
        tpu.yield
      }) : () -> ()
    }
    %scan3A_11 = arith.constant 6 : i32
    %mul3A_12 = arith.constant 625 : i32
    %mul3A_13 = arith.muli %arg1, %mul3A_12 : i32
    %add3A_14 = arith.constant 600 : i32
    %add3A_15 = arith.addi %mul3A_13, %add3A_14 : i32
    "tpu.region"() ({
      %run_scoped3A_57 = tpu.sem_alloc : memref<!tpu.dma_semaphore, #tpu.memory_space<semaphore_mem>>
      %dma_start3A_58 = arith.constant 0 : i32
      %dma_start3A_59 = arith.constant 0 : i32
      %dma_start3A_60 = tpu.memref_slice %arg8[%dma_start3A_58, %dma_start3A_59] : memref<100x128xf32, #tpu.memory_space<vmem>> -> memref<25x128xf32, #tpu.memory_space<vmem>>
      %dma_start3A_61 = arith.constant 0 : i32
      %dma_start3A_62 = tpu.memref_slice %arg10[%add3A_15, %dma_start3A_61] : memref<10000x128xf32, #tpu.memory_space<vmem_shared>> -> memref<25x128xf32, #tpu.memory_space<vmem_shared>>
      %dma_start3A_63 = arith.constant 0 : i32
      %dma_start3A_64 = tpu.memref_slice %arg10[%add3A_15, %dma_start3A_63] : memref<10000x128xf32, #tpu.memory_space<vmem_shared>> -> memref<25x128xf32, #tpu.memory_space<vmem_shared>>
      %dma_start3A_65 = arith.constant 0 : i32
      %dma_start3A_66 = arith.constant 0 : i32
      %dma_start3A_67 = tpu.memref_slice %arg8[%dma_start3A_65, %dma_start3A_66] : memref<100x128xf32, #tpu.memory_space<vmem>> -> memref<25x128xf32, #tpu.memory_space<vmem>>
      tpu.enqueue_dma source(%dma_start3A_67 : memref<25x128xf32, #tpu.memory_space<vmem>>) target(%dma_start3A_64 : memref<25x128xf32, #tpu.memory_space<vmem_shared>>) target_semaphore(%run_scoped3A_57 : memref<!tpu.dma_semaphore, #tpu.memory_space<semaphore_mem>>)
      %dma_wait3A_68 = arith.constant 0 : i32
      %dma_wait3A_69 = arith.constant 0 : i32
      %dma_wait3A_70 = tpu.memref_slice %arg8[%dma_wait3A_68, %dma_wait3A_69] : memref<100x128xf32, #tpu.memory_space<vmem>> -> memref<25x128xf32, #tpu.memory_space<vmem>>
      %dma_wait3A_71 = arith.constant 0 : i32
      %dma_wait3A_72 = tpu.memref_slice %arg10[%add3A_15, %dma_wait3A_71] : memref<10000x128xf32, #tpu.memory_space<vmem_shared>> -> memref<25x128xf32, #tpu.memory_space<vmem_shared>>
      %dma_wait3A_73 = arith.constant 0 : i32
      %dma_wait3A_74 = tpu.memref_slice %arg10[%add3A_15, %dma_wait3A_73] : memref<10000x128xf32, #tpu.memory_space<vmem_shared>> -> memref<25x128xf32, #tpu.memory_space<vmem_shared>>
      %dma_wait3A_75 = arith.constant 0 : i32
      %dma_wait3A_76 = arith.constant 0 : i32
      %dma_wait3A_77 = tpu.memref_slice %arg8[%dma_wait3A_75, %dma_wait3A_76] : memref<100x128xf32, #tpu.memory_space<vmem>> -> memref<25x128xf32, #tpu.memory_space<vmem>>
      tpu.wait_dma2 semaphore(%run_scoped3A_57 : memref<!tpu.dma_semaphore, #tpu.memory_space<semaphore_mem>>) src(%dma_wait3A_77 : memref<25x128xf32, #tpu.memory_space<vmem>>) dst(%dma_wait3A_74 : memref<25x128xf32, #tpu.memory_space<vmem_shared>>)
      tpu.yield
    }) : () -> ()
    %barrier3A = arith.constant 0 : index
    tpu.barrier barrier_id(%barrier3A)
    %dma_start3A = arith.constant 0 : i32
    %dma_start3A_16 = arith.constant 0 : i32
    %dma_start3A_17 = tpu.memref_slice %arg6[%dma_start3A, %dma_start3A_16] : memref<100x100xi32, #tpu.memory_space<vmem>> -> memref<1x100xi32, #tpu.memory_space<vmem>>
    %dma_start3A_18 = tpu.memref_squeeze %dma_start3A_17 : memref<1x100xi32, #tpu.memory_space<vmem>> -> memref<100xi32, #tpu.memory_space<vmem>>
    %dma_start3A_19 = arith.constant 0 : i32
    %dma_start3A_20 = arith.constant 0 : i32
    %dma_start3A_21 = tpu.memref_slice %arg4[%dma_start3A_19, %dma_start3A_20] : memref<10000x128xf32, #tpu.memory_space<hbm>> -> memref<10000x128xf32, #tpu.memory_space<hbm>>
    tpu.enqueue_indirect_dma source(%dma_start3A_21 : memref<10000x128xf32, #tpu.memory_space<hbm>>) target(%arg8 : memref<100x128xf32, #tpu.memory_space<vmem>>) offsets(%dma_start3A_18 : memref<100xi32, #tpu.memory_space<vmem>>) semaphore(%arg11 : memref<!tpu.dma_semaphore, #tpu.memory_space<semaphore_mem>>)
    %dma_start3A_22 = arith.constant 1 : i32
    %dma_start3A_23 = arith.constant 0 : i32
    %dma_start3A_24 = tpu.memref_slice %arg6[%dma_start3A_22, %dma_start3A_23] : memref<100x100xi32, #tpu.memory_space<vmem>> -> memref<1x100xi32, #tpu.memory_space<vmem>>
    %dma_start3A_25 = tpu.memref_squeeze %dma_start3A_24 : memref<1x100xi32, #tpu.memory_space<vmem>> -> memref<100xi32, #tpu.memory_space<vmem>>
    %dma_start3A_26 = arith.constant 0 : i32
    %dma_start3A_27 = arith.constant 0 : i32
    %dma_start3A_28 = tpu.memref_slice %arg4[%dma_start3A_26, %dma_start3A_27] : memref<10000x128xf32, #tpu.memory_space<hbm>> -> memref<10000x128xf32, #tpu.memory_space<hbm>>
    tpu.enqueue_indirect_dma source(%dma_start3A_28 : memref<10000x128xf32, #tpu.memory_space<hbm>>) target(%arg9 : memref<100x128xf32, #tpu.memory_space<vmem>>) offsets(%dma_start3A_25 : memref<100xi32, #tpu.memory_space<vmem>>) semaphore(%arg12 : memref<!tpu.dma_semaphore, #tpu.memory_space<semaphore_mem>>)
    %scan3A_29 = arith.constant 0 : i32
    %scan3A_30 = arith.constant 0 : i32
    %scan3A_31 = arith.constant 49 : i32
    %scan3A_32 = arith.addi %scan3A_30, %scan3A_31 : i32
    %scan3A_33 = arith.constant 1 : i32
    scf.for %scan3A_57 = %scan3A_30 to %scan3A_32 step %scan3A_33  : i32 {
      %mul3A_58 = arith.constant 2 : i32
      %mul3A_59 = arith.muli %scan3A_57, %mul3A_58 : i32
      %dma_wait3A_60 = arith.constant 0 : i32
      %dma_wait3A_61 = arith.constant 0 : i32
      %dma_wait3A_62 = tpu.memref_slice %arg6[%dma_wait3A_60, %dma_wait3A_61] : memref<100x100xi32, #tpu.memory_space<vmem>> -> memref<1x100xi32, #tpu.memory_space<vmem>>
      %dma_wait3A_63 = tpu.memref_squeeze %dma_wait3A_62 : memref<1x100xi32, #tpu.memory_space<vmem>> -> memref<100xi32, #tpu.memory_space<vmem>>
      %dma_wait3A_64 = arith.constant 0 : i32
      %dma_wait3A_65 = arith.constant 0 : i32
      %dma_wait3A_66 = tpu.memref_slice %arg4[%dma_wait3A_64, %dma_wait3A_65] : memref<10000x128xf32, #tpu.memory_space<hbm>> -> memref<10000x128xf32, #tpu.memory_space<hbm>>
      tpu.wait_indirect_dma semaphore(%arg11 : memref<!tpu.dma_semaphore, #tpu.memory_space<semaphore_mem>>) src(%dma_wait3A_66 : memref<10000x128xf32, #tpu.memory_space<hbm>>) dst(%arg8 : memref<100x128xf32, #tpu.memory_space<vmem>>)
      "tpu.region"() ({
        %run_scoped3A_92 = tpu.sem_alloc : memref<!tpu.dma_semaphore, #tpu.memory_space<semaphore_mem>>
        %dma_start3A_93 = arith.constant 0 : i32
        %dma_start3A_94 = tpu.memref_slice %arg7[%mul3A_59, %dma_start3A_93] : memref<100x100xi32, #tpu.memory_space<vmem>> -> memref<1x100xi32, #tpu.memory_space<vmem>>
        %dma_start3A_95 = tpu.memref_squeeze %dma_start3A_94 : memref<1x100xi32, #tpu.memory_space<vmem>> -> memref<100xi32, #tpu.memory_space<vmem>>
        %dma_start3A_96 = arith.constant 0 : i32
        %dma_start3A_97 = arith.constant 0 : i32
        %dma_start3A_98 = tpu.memref_slice %arg10[%dma_start3A_96, %dma_start3A_97] : memref<10000x128xf32, #tpu.memory_space<vmem_shared>> -> memref<10000x128xf32, #tpu.memory_space<vmem_shared>>
        tpu.enqueue_indirect_dma source(%arg8 : memref<100x128xf32, #tpu.memory_space<vmem>>) target(%dma_start3A_98 : memref<10000x128xf32, #tpu.memory_space<vmem_shared>>) offsets(%dma_start3A_95 : memref<100xi32, #tpu.memory_space<vmem>>) semaphore(%run_scoped3A_92 : memref<!tpu.dma_semaphore, #tpu.memory_space<semaphore_mem>>) {add = true}
        %dma_wait3A_99 = arith.constant 0 : i32
        %dma_wait3A_100 = tpu.memref_slice %arg7[%mul3A_59, %dma_wait3A_99] : memref<100x100xi32, #tpu.memory_space<vmem>> -> memref<1x100xi32, #tpu.memory_space<vmem>>
        %dma_wait3A_101 = tpu.memref_squeeze %dma_wait3A_100 : memref<1x100xi32, #tpu.memory_space<vmem>> -> memref<100xi32, #tpu.memory_space<vmem>>
        %dma_wait3A_102 = arith.constant 0 : i32
        %dma_wait3A_103 = arith.constant 0 : i32
        %dma_wait3A_104 = tpu.memref_slice %arg10[%dma_wait3A_102, %dma_wait3A_103] : memref<10000x128xf32, #tpu.memory_space<vmem_shared>> -> memref<10000x128xf32, #tpu.memory_space<vmem_shared>>
        tpu.wait_indirect_dma semaphore(%run_scoped3A_92 : memref<!tpu.dma_semaphore, #tpu.memory_space<semaphore_mem>>) src(%arg8 : memref<100x128xf32, #tpu.memory_space<vmem>>) dst(%dma_wait3A_104 : memref<10000x128xf32, #tpu.memory_space<vmem_shared>>)
        tpu.yield
      }) : () -> ()
      %add3A_67 = arith.constant 2 : i32
      %add3A_68 = arith.addi %mul3A_59, %add3A_67 : i32
      %dma_start3A_69 = arith.constant 0 : i32
      %dma_start3A_70 = tpu.memref_slice %arg6[%add3A_68, %dma_start3A_69] : memref<100x100xi32, #tpu.memory_space<vmem>> -> memref<1x100xi32, #tpu.memory_space<vmem>>
      %dma_start3A_71 = tpu.memref_squeeze %dma_start3A_70 : memref<1x100xi32, #tpu.memory_space<vmem>> -> memref<100xi32, #tpu.memory_space<vmem>>
      %dma_start3A_72 = arith.constant 0 : i32
      %dma_start3A_73 = arith.constant 0 : i32
      %dma_start3A_74 = tpu.memref_slice %arg4[%dma_start3A_72, %dma_start3A_73] : memref<10000x128xf32, #tpu.memory_space<hbm>> -> memref<10000x128xf32, #tpu.memory_space<hbm>>
      tpu.enqueue_indirect_dma source(%dma_start3A_74 : memref<10000x128xf32, #tpu.memory_space<hbm>>) target(%arg8 : memref<100x128xf32, #tpu.memory_space<vmem>>) offsets(%dma_start3A_71 : memref<100xi32, #tpu.memory_space<vmem>>) semaphore(%arg11 : memref<!tpu.dma_semaphore, #tpu.memory_space<semaphore_mem>>)
      %dma_wait3A_75 = arith.constant 0 : i32
      %dma_wait3A_76 = arith.constant 0 : i32
      %dma_wait3A_77 = tpu.memref_slice %arg6[%dma_wait3A_75, %dma_wait3A_76] : memref<100x100xi32, #tpu.memory_space<vmem>> -> memref<1x100xi32, #tpu.memory_space<vmem>>
      %dma_wait3A_78 = tpu.memref_squeeze %dma_wait3A_77 : memref<1x100xi32, #tpu.memory_space<vmem>> -> memref<100xi32, #tpu.memory_space<vmem>>
      %dma_wait3A_79 = arith.constant 0 : i32
      %dma_wait3A_80 = arith.constant 0 : i32
      %dma_wait3A_81 = tpu.memref_slice %arg4[%dma_wait3A_79, %dma_wait3A_80] : memref<10000x128xf32, #tpu.memory_space<hbm>> -> memref<10000x128xf32, #tpu.memory_space<hbm>>
      tpu.wait_indirect_dma semaphore(%arg12 : memref<!tpu.dma_semaphore, #tpu.memory_space<semaphore_mem>>) src(%dma_wait3A_81 : memref<10000x128xf32, #tpu.memory_space<hbm>>) dst(%arg9 : memref<100x128xf32, #tpu.memory_space<vmem>>)
      %add3A_82 = arith.constant 1 : i32
      %add3A_83 = arith.addi %mul3A_59, %add3A_82 : i32
      "tpu.region"() ({
        %run_scoped3A_92 = tpu.sem_alloc : memref<!tpu.dma_semaphore, #tpu.memory_space<semaphore_mem>>
        %dma_start3A_93 = arith.constant 0 : i32
        %dma_start3A_94 = tpu.memref_slice %arg7[%add3A_83, %dma_start3A_93] : memref<100x100xi32, #tpu.memory_space<vmem>> -> memref<1x100xi32, #tpu.memory_space<vmem>>
        %dma_start3A_95 = tpu.memref_squeeze %dma_start3A_94 : memref<1x100xi32, #tpu.memory_space<vmem>> -> memref<100xi32, #tpu.memory_space<vmem>>
        %dma_start3A_96 = arith.constant 0 : i32
        %dma_start3A_97 = arith.constant 0 : i32
        %dma_start3A_98 = tpu.memref_slice %arg10[%dma_start3A_96, %dma_start3A_97] : memref<10000x128xf32, #tpu.memory_space<vmem_shared>> -> memref<10000x128xf32, #tpu.memory_space<vmem_shared>>
        tpu.enqueue_indirect_dma source(%arg9 : memref<100x128xf32, #tpu.memory_space<vmem>>) target(%dma_start3A_98 : memref<10000x128xf32, #tpu.memory_space<vmem_shared>>) offsets(%dma_start3A_95 : memref<100xi32, #tpu.memory_space<vmem>>) semaphore(%run_scoped3A_92 : memref<!tpu.dma_semaphore, #tpu.memory_space<semaphore_mem>>) {add = true}
        %dma_wait3A_99 = arith.constant 0 : i32
        %dma_wait3A_100 = tpu.memref_slice %arg7[%add3A_83, %dma_wait3A_99] : memref<100x100xi32, #tpu.memory_space<vmem>> -> memref<1x100xi32, #tpu.memory_space<vmem>>
        %dma_wait3A_101 = tpu.memref_squeeze %dma_wait3A_100 : memref<1x100xi32, #tpu.memory_space<vmem>> -> memref<100xi32, #tpu.memory_space<vmem>>
        %dma_wait3A_102 = arith.constant 0 : i32
        %dma_wait3A_103 = arith.constant 0 : i32
        %dma_wait3A_104 = tpu.memref_slice %arg10[%dma_wait3A_102, %dma_wait3A_103] : memref<10000x128xf32, #tpu.memory_space<vmem_shared>> -> memref<10000x128xf32, #tpu.memory_space<vmem_shared>>
        tpu.wait_indirect_dma semaphore(%run_scoped3A_92 : memref<!tpu.dma_semaphore, #tpu.memory_space<semaphore_mem>>) src(%arg9 : memref<100x128xf32, #tpu.memory_space<vmem>>) dst(%dma_wait3A_104 : memref<10000x128xf32, #tpu.memory_space<vmem_shared>>)
        tpu.yield
      }) : () -> ()
      %add3A_84 = arith.constant 3 : i32
      %add3A_85 = arith.addi %mul3A_59, %add3A_84 : i32
      %dma_start3A_86 = arith.constant 0 : i32
      %dma_start3A_87 = tpu.memref_slice %arg6[%add3A_85, %dma_start3A_86] : memref<100x100xi32, #tpu.memory_space<vmem>> -> memref<1x100xi32, #tpu.memory_space<vmem>>
      %dma_start3A_88 = tpu.memref_squeeze %dma_start3A_87 : memref<1x100xi32, #tpu.memory_space<vmem>> -> memref<100xi32, #tpu.memory_space<vmem>>
      %dma_start3A_89 = arith.constant 0 : i32
      %dma_start3A_90 = arith.constant 0 : i32
      %dma_start3A_91 = tpu.memref_slice %arg4[%dma_start3A_89, %dma_start3A_90] : memref<10000x128xf32, #tpu.memory_space<hbm>> -> memref<10000x128xf32, #tpu.memory_space<hbm>>
      tpu.enqueue_indirect_dma source(%dma_start3A_91 : memref<10000x128xf32, #tpu.memory_space<hbm>>) target(%arg9 : memref<100x128xf32, #tpu.memory_space<vmem>>) offsets(%dma_start3A_88 : memref<100xi32, #tpu.memory_space<vmem>>) semaphore(%arg12 : memref<!tpu.dma_semaphore, #tpu.memory_space<semaphore_mem>>)
    }
    %scan3A_34 = arith.constant 49 : i32
    %dma_wait3A = arith.constant 0 : i32
    %dma_wait3A_35 = arith.constant 0 : i32
    %dma_wait3A_36 = tpu.memref_slice %arg6[%dma_wait3A, %dma_wait3A_35] : memref<100x100xi32, #tpu.memory_space<vmem>> -> memref<1x100xi32, #tpu.memory_space<vmem>>
    %dma_wait3A_37 = tpu.memref_squeeze %dma_wait3A_36 : memref<1x100xi32, #tpu.memory_space<vmem>> -> memref<100xi32, #tpu.memory_space<vmem>>
    %dma_wait3A_38 = arith.constant 0 : i32
    %dma_wait3A_39 = arith.constant 0 : i32
    %dma_wait3A_40 = tpu.memref_slice %arg4[%dma_wait3A_38, %dma_wait3A_39] : memref<10000x128xf32, #tpu.memory_space<hbm>> -> memref<10000x128xf32, #tpu.memory_space<hbm>>
    tpu.wait_indirect_dma semaphore(%arg11 : memref<!tpu.dma_semaphore, #tpu.memory_space<semaphore_mem>>) src(%dma_wait3A_40 : memref<10000x128xf32, #tpu.memory_space<hbm>>) dst(%arg8 : memref<100x128xf32, #tpu.memory_space<vmem>>)
    %run_scoped3A = arith.constant 98 : i32
    "tpu.region"() ({
      %run_scoped3A_57 = tpu.sem_alloc : memref<!tpu.dma_semaphore, #tpu.memory_space<semaphore_mem>>
      %dma_start3A_58 = arith.constant 0 : i32
      %dma_start3A_59 = tpu.memref_slice %arg7[%run_scoped3A, %dma_start3A_58] : memref<100x100xi32, #tpu.memory_space<vmem>> -> memref<1x100xi32, #tpu.memory_space<vmem>>
      %dma_start3A_60 = tpu.memref_squeeze %dma_start3A_59 : memref<1x100xi32, #tpu.memory_space<vmem>> -> memref<100xi32, #tpu.memory_space<vmem>>
      %dma_start3A_61 = arith.constant 0 : i32
      %dma_start3A_62 = arith.constant 0 : i32
      %dma_start3A_63 = tpu.memref_slice %arg10[%dma_start3A_61, %dma_start3A_62] : memref<10000x128xf32, #tpu.memory_space<vmem_shared>> -> memref<10000x128xf32, #tpu.memory_space<vmem_shared>>
      tpu.enqueue_indirect_dma source(%arg8 : memref<100x128xf32, #tpu.memory_space<vmem>>) target(%dma_start3A_63 : memref<10000x128xf32, #tpu.memory_space<vmem_shared>>) offsets(%dma_start3A_60 : memref<100xi32, #tpu.memory_space<vmem>>) semaphore(%run_scoped3A_57 : memref<!tpu.dma_semaphore, #tpu.memory_space<semaphore_mem>>) {add = true}
      %dma_wait3A_64 = arith.constant 0 : i32
      %dma_wait3A_65 = tpu.memref_slice %arg7[%run_scoped3A, %dma_wait3A_64] : memref<100x100xi32, #tpu.memory_space<vmem>> -> memref<1x100xi32, #tpu.memory_space<vmem>>
      %dma_wait3A_66 = tpu.memref_squeeze %dma_wait3A_65 : memref<1x100xi32, #tpu.memory_space<vmem>> -> memref<100xi32, #tpu.memory_space<vmem>>
      %dma_wait3A_67 = arith.constant 0 : i32
      %dma_wait3A_68 = arith.constant 0 : i32
      %dma_wait3A_69 = tpu.memref_slice %arg10[%dma_wait3A_67, %dma_wait3A_68] : memref<10000x128xf32, #tpu.memory_space<vmem_shared>> -> memref<10000x128xf32, #tpu.memory_space<vmem_shared>>
      tpu.wait_indirect_dma semaphore(%run_scoped3A_57 : memref<!tpu.dma_semaphore, #tpu.memory_space<semaphore_mem>>) src(%arg8 : memref<100x128xf32, #tpu.memory_space<vmem>>) dst(%dma_wait3A_69 : memref<10000x128xf32, #tpu.memory_space<vmem_shared>>)
      tpu.yield
    }) : () -> ()
    %dma_wait3A_41 = arith.constant 0 : i32
    %dma_wait3A_42 = arith.constant 0 : i32
    %dma_wait3A_43 = tpu.memref_slice %arg6[%dma_wait3A_41, %dma_wait3A_42] : memref<100x100xi32, #tpu.memory_space<vmem>> -> memref<1x100xi32, #tpu.memory_space<vmem>>
    %dma_wait3A_44 = tpu.memref_squeeze %dma_wait3A_43 : memref<1x100xi32, #tpu.memory_space<vmem>> -> memref<100xi32, #tpu.memory_space<vmem>>
    %dma_wait3A_45 = arith.constant 0 : i32
    %dma_wait3A_46 = arith.constant 0 : i32
    %dma_wait3A_47 = tpu.memref_slice %arg4[%dma_wait3A_45, %dma_wait3A_46] : memref<10000x128xf32, #tpu.memory_space<hbm>> -> memref<10000x128xf32, #tpu.memory_space<hbm>>
    tpu.wait_indirect_dma semaphore(%arg12 : memref<!tpu.dma_semaphore, #tpu.memory_space<semaphore_mem>>) src(%dma_wait3A_47 : memref<10000x128xf32, #tpu.memory_space<hbm>>) dst(%arg9 : memref<100x128xf32, #tpu.memory_space<vmem>>)
    %run_scoped3A_48 = arith.constant 99 : i32
    "tpu.region"() ({
      %run_scoped3A_57 = tpu.sem_alloc : memref<!tpu.dma_semaphore, #tpu.memory_space<semaphore_mem>>
      %dma_start3A_58 = arith.constant 0 : i32
      %dma_start3A_59 = tpu.memref_slice %arg7[%run_scoped3A_48, %dma_start3A_58] : memref<100x100xi32, #tpu.memory_space<vmem>> -> memref<1x100xi32, #tpu.memory_space<vmem>>
      %dma_start3A_60 = tpu.memref_squeeze %dma_start3A_59 : memref<1x100xi32, #tpu.memory_space<vmem>> -> memref<100xi32, #tpu.memory_space<vmem>>
      %dma_start3A_61 = arith.constant 0 : i32
      %dma_start3A_62 = arith.constant 0 : i32
      %dma_start3A_63 = tpu.memref_slice %arg10[%dma_start3A_61, %dma_start3A_62] : memref<10000x128xf32, #tpu.memory_space<vmem_shared>> -> memref<10000x128xf32, #tpu.memory_space<vmem_shared>>
      tpu.enqueue_indirect_dma source(%arg9 : memref<100x128xf32, #tpu.memory_space<vmem>>) target(%dma_start3A_63 : memref<10000x128xf32, #tpu.memory_space<vmem_shared>>) offsets(%dma_start3A_60 : memref<100xi32, #tpu.memory_space<vmem>>) semaphore(%run_scoped3A_57 : memref<!tpu.dma_semaphore, #tpu.memory_space<semaphore_mem>>) {add = true}
      %dma_wait3A_64 = arith.constant 0 : i32
      %dma_wait3A_65 = tpu.memref_slice %arg7[%run_scoped3A_48, %dma_wait3A_64] : memref<100x100xi32, #tpu.memory_space<vmem>> -> memref<1x100xi32, #tpu.memory_space<vmem>>
      %dma_wait3A_66 = tpu.memref_squeeze %dma_wait3A_65 : memref<1x100xi32, #tpu.memory_space<vmem>> -> memref<100xi32, #tpu.memory_space<vmem>>
      %dma_wait3A_67 = arith.constant 0 : i32
      %dma_wait3A_68 = arith.constant 0 : i32
      %dma_wait3A_69 = tpu.memref_slice %arg10[%dma_wait3A_67, %dma_wait3A_68] : memref<10000x128xf32, #tpu.memory_space<vmem_shared>> -> memref<10000x128xf32, #tpu.memory_space<vmem_shared>>
      tpu.wait_indirect_dma semaphore(%run_scoped3A_57 : memref<!tpu.dma_semaphore, #tpu.memory_space<semaphore_mem>>) src(%arg9 : memref<100x128xf32, #tpu.memory_space<vmem>>) dst(%dma_wait3A_69 : memref<10000x128xf32, #tpu.memory_space<vmem_shared>>)
      tpu.yield
    }) : () -> ()
    %barrier3A_49 = arith.constant 0 : index
    tpu.barrier barrier_id(%barrier3A_49)
    %mul3A_50 = arith.constant 625 : i32
    %mul3A_51 = arith.muli %arg1, %mul3A_50 : i32
    %mul3A_52 = arith.constant 10000 : i32
    %mul3A_53 = arith.muli %arg0, %mul3A_52 : i32
    %mul3A_54 = arith.constant 625 : i32
    %mul3A_55 = arith.muli %arg1, %mul3A_54 : i32
    %add3A_56 = arith.addi %mul3A_53, %mul3A_55 : i32
    "tpu.region"() ({
      %run_scoped3A_57 = tpu.sem_alloc : memref<!tpu.dma_semaphore, #tpu.memory_space<semaphore_mem>>
      %dma_start3A_58 = arith.constant 0 : i32
      %dma_start3A_59 = tpu.memref_slice %arg5[%add3A_56, %dma_start3A_58] : memref<20000x128xf32, #tpu.memory_space<hbm>> -> memref<625x128xf32, #tpu.memory_space<hbm>>
      %dma_start3A_60 = arith.constant 0 : i32
      %dma_start3A_61 = tpu.memref_slice %arg10[%mul3A_51, %dma_start3A_60] : memref<10000x128xf32, #tpu.memory_space<vmem_shared>> -> memref<625x128xf32, #tpu.memory_space<vmem_shared>>
      tpu.enqueue_dma source(%dma_start3A_61 : memref<625x128xf32, #tpu.memory_space<vmem_shared>>) target(%dma_start3A_59 : memref<625x128xf32, #tpu.memory_space<hbm>>) target_semaphore(%run_scoped3A_57 : memref<!tpu.dma_semaphore, #tpu.memory_space<semaphore_mem>>)
      %dma_wait3A_62 = arith.constant 0 : i32
      %dma_wait3A_63 = tpu.memref_slice %arg5[%add3A_56, %dma_wait3A_62] : memref<20000x128xf32, #tpu.memory_space<hbm>> -> memref<625x128xf32, #tpu.memory_space<hbm>>
      %dma_wait3A_64 = arith.constant 0 : i32
      %dma_wait3A_65 = tpu.memref_slice %arg10[%mul3A_51, %dma_wait3A_64] : memref<10000x128xf32, #tpu.memory_space<vmem_shared>> -> memref<625x128xf32, #tpu.memory_space<vmem_shared>>
      tpu.wait_dma2 semaphore(%run_scoped3A_57 : memref<!tpu.dma_semaphore, #tpu.memory_space<semaphore_mem>>) src(%dma_wait3A_65 : memref<625x128xf32, #tpu.memory_space<vmem_shared>>) dst(%dma_wait3A_63 : memref<625x128xf32, #tpu.memory_space<hbm>>)
      tpu.yield
    }) : () -> ()
    return
  }
}

#map = affine_map<(d0, d1) -> (0, 0, 0)>
#map1 = affine_map<(d0, d1) -> (0, 0)>
module attributes {stable_mosaic.version = 14 : i64} {
  func.func @_segsum_body(%arg0: i32, %arg1: i32, %arg2: memref<32x100x100xi32, #tpu.memory_space<hbm>>, %arg3: memref<32x100x100xi32, #tpu.memory_space<hbm>>, %arg4: memref<10000x16xf32, #tpu.memory_space<hbm>>, %arg5: memref<32x4x80xi32, #tpu.memory_space<hbm>>, %arg6: memref<200000x128xf32, #tpu.memory_space<hbm>>, %arg7: memref<20000x16xf32, #tpu.memory_space<hbm>>, %arg8: memref<10240x128xf32, #tpu.memory_space<hbm>>, %arg9: memref<100x100xi32, #tpu.memory_space<vmem>>, %arg10: memref<100x100xi32, #tpu.memory_space<vmem>>, %arg11: memref<100x16xf32, #tpu.memory_space<vmem>>, %arg12: memref<100x16xf32, #tpu.memory_space<vmem>>, %arg13: memref<100x16xf32, #tpu.memory_space<vmem>>, %arg14: memref<100x16xf32, #tpu.memory_space<vmem>>, %arg15: memref<4x80xi32, #tpu.memory_space<vmem>>, %arg16: memref<80x128xf32, #tpu.memory_space<vmem>>, %arg17: memref<10000x16xf32, #tpu.memory_space<vmem_shared>>, %arg18: memref<!tpu.dma_semaphore, #tpu.memory_space<semaphore_mem>>, %arg19: memref<!tpu.dma_semaphore, #tpu.memory_space<semaphore_mem>>, %arg20: memref<!tpu.dma_semaphore, #tpu.memory_space<semaphore_mem>>, %arg21: memref<!tpu.dma_semaphore, #tpu.memory_space<semaphore_mem>>, %arg22: memref<!tpu.dma_semaphore, #tpu.memory_space<semaphore_mem>>, %arg23: memref<!tpu.dma_semaphore, #tpu.memory_space<semaphore_mem>>, %arg24: memref<!tpu.dma_semaphore, #tpu.memory_space<semaphore_mem>>, %arg25: memref<!tpu.dma_semaphore, #tpu.memory_space<semaphore_mem>>) attributes {dimension_semantics = [#tpu.dimension_semantics<core_parallel>, #tpu.dimension_semantics<subcore_parallel>], iteration_bounds = array<i64: 2, 16>, scalar_prefetch = 0 : i64, scratch_operands = 17 : i64, tpu.core_type = #tpu.core_type<sc_vector_subcore>, window_params = [{transform_indices = #map}, {transform_indices = #map}, {transform_indices = #map1}, {transform_indices = #map}, {transform_indices = #map1}, {transform_indices = #map1}, {transform_indices = #map1}]} {
    %mul3A = arith.constant 16 : i32
    %mul3A_0 = arith.muli %arg0, %mul3A : i32
    %add3A = arith.addi %mul3A_0, %arg1 : i32
    "tpu.region"() ({
      %run_scoped3A = tpu.sem_alloc : memref<!tpu.dma_semaphore, #tpu.memory_space<semaphore_mem>>
      %dma_start3A_76 = arith.constant 0 : i32
      %dma_start3A_77 = arith.constant 0 : i32
      %dma_start3A_78 = tpu.memref_slice %arg2[%add3A, %dma_start3A_76, %dma_start3A_77] : memref<32x100x100xi32, #tpu.memory_space<hbm>> -> memref<1x100x100xi32, #tpu.memory_space<hbm>>
      %dma_start3A_79 = tpu.memref_squeeze %dma_start3A_78 : memref<1x100x100xi32, #tpu.memory_space<hbm>> -> memref<100x100xi32, #tpu.memory_space<hbm>>
      %dma_start3A_80 = arith.constant 0 : i32
      %dma_start3A_81 = arith.constant 0 : i32
      %dma_start3A_82 = tpu.memref_slice %arg2[%add3A, %dma_start3A_80, %dma_start3A_81] : memref<32x100x100xi32, #tpu.memory_space<hbm>> -> memref<1x100x100xi32, #tpu.memory_space<hbm>>
      %dma_start3A_83 = tpu.memref_squeeze %dma_start3A_82 : memref<1x100x100xi32, #tpu.memory_space<hbm>> -> memref<100x100xi32, #tpu.memory_space<hbm>>
      tpu.enqueue_dma source(%dma_start3A_83 : memref<100x100xi32, #tpu.memory_space<hbm>>) target(%arg9 : memref<100x100xi32, #tpu.memory_space<vmem>>) target_semaphore(%run_scoped3A : memref<!tpu.dma_semaphore, #tpu.memory_space<semaphore_mem>>)
      %dma_wait3A_84 = arith.constant 0 : i32
      %dma_wait3A_85 = arith.constant 0 : i32
      %dma_wait3A_86 = tpu.memref_slice %arg2[%add3A, %dma_wait3A_84, %dma_wait3A_85] : memref<32x100x100xi32, #tpu.memory_space<hbm>> -> memref<1x100x100xi32, #tpu.memory_space<hbm>>
      %dma_wait3A_87 = tpu.memref_squeeze %dma_wait3A_86 : memref<1x100x100xi32, #tpu.memory_space<hbm>> -> memref<100x100xi32, #tpu.memory_space<hbm>>
      %dma_wait3A_88 = arith.constant 0 : i32
      %dma_wait3A_89 = arith.constant 0 : i32
      %dma_wait3A_90 = tpu.memref_slice %arg2[%add3A, %dma_wait3A_88, %dma_wait3A_89] : memref<32x100x100xi32, #tpu.memory_space<hbm>> -> memref<1x100x100xi32, #tpu.memory_space<hbm>>
      %dma_wait3A_91 = tpu.memref_squeeze %dma_wait3A_90 : memref<1x100x100xi32, #tpu.memory_space<hbm>> -> memref<100x100xi32, #tpu.memory_space<hbm>>
      tpu.wait_dma2 semaphore(%run_scoped3A : memref<!tpu.dma_semaphore, #tpu.memory_space<semaphore_mem>>) src(%dma_wait3A_91 : memref<100x100xi32, #tpu.memory_space<hbm>>) dst(%arg9 : memref<100x100xi32, #tpu.memory_space<vmem>>)
      tpu.yield
    }) : () -> ()
    "tpu.region"() ({
      %run_scoped3A = tpu.sem_alloc : memref<!tpu.dma_semaphore, #tpu.memory_space<semaphore_mem>>
      %dma_start3A_76 = arith.constant 0 : i32
      %dma_start3A_77 = arith.constant 0 : i32
      %dma_start3A_78 = tpu.memref_slice %arg3[%add3A, %dma_start3A_76, %dma_start3A_77] : memref<32x100x100xi32, #tpu.memory_space<hbm>> -> memref<1x100x100xi32, #tpu.memory_space<hbm>>
      %dma_start3A_79 = tpu.memref_squeeze %dma_start3A_78 : memref<1x100x100xi32, #tpu.memory_space<hbm>> -> memref<100x100xi32, #tpu.memory_space<hbm>>
      %dma_start3A_80 = arith.constant 0 : i32
      %dma_start3A_81 = arith.constant 0 : i32
      %dma_start3A_82 = tpu.memref_slice %arg3[%add3A, %dma_start3A_80, %dma_start3A_81] : memref<32x100x100xi32, #tpu.memory_space<hbm>> -> memref<1x100x100xi32, #tpu.memory_space<hbm>>
      %dma_start3A_83 = tpu.memref_squeeze %dma_start3A_82 : memref<1x100x100xi32, #tpu.memory_space<hbm>> -> memref<100x100xi32, #tpu.memory_space<hbm>>
      tpu.enqueue_dma source(%dma_start3A_83 : memref<100x100xi32, #tpu.memory_space<hbm>>) target(%arg10 : memref<100x100xi32, #tpu.memory_space<vmem>>) target_semaphore(%run_scoped3A : memref<!tpu.dma_semaphore, #tpu.memory_space<semaphore_mem>>)
      %dma_wait3A_84 = arith.constant 0 : i32
      %dma_wait3A_85 = arith.constant 0 : i32
      %dma_wait3A_86 = tpu.memref_slice %arg3[%add3A, %dma_wait3A_84, %dma_wait3A_85] : memref<32x100x100xi32, #tpu.memory_space<hbm>> -> memref<1x100x100xi32, #tpu.memory_space<hbm>>
      %dma_wait3A_87 = tpu.memref_squeeze %dma_wait3A_86 : memref<1x100x100xi32, #tpu.memory_space<hbm>> -> memref<100x100xi32, #tpu.memory_space<hbm>>
      %dma_wait3A_88 = arith.constant 0 : i32
      %dma_wait3A_89 = arith.constant 0 : i32
      %dma_wait3A_90 = tpu.memref_slice %arg3[%add3A, %dma_wait3A_88, %dma_wait3A_89] : memref<32x100x100xi32, #tpu.memory_space<hbm>> -> memref<1x100x100xi32, #tpu.memory_space<hbm>>
      %dma_wait3A_91 = tpu.memref_squeeze %dma_wait3A_90 : memref<1x100x100xi32, #tpu.memory_space<hbm>> -> memref<100x100xi32, #tpu.memory_space<hbm>>
      tpu.wait_dma2 semaphore(%run_scoped3A : memref<!tpu.dma_semaphore, #tpu.memory_space<semaphore_mem>>) src(%dma_wait3A_91 : memref<100x100xi32, #tpu.memory_space<hbm>>) dst(%arg10 : memref<100x100xi32, #tpu.memory_space<vmem>>)
      tpu.yield
    }) : () -> ()
    %scan3A = arith.constant 0 : i32
    %scan3A_1 = arith.constant 0 : i32
    %scan3A_2 = arith.constant 100 : i32
    %scan3A_3 = arith.addi %scan3A_1, %scan3A_2 : i32
    %scan3A_4 = arith.constant 1 : i32
    scf.for %scan3A_76 = %scan3A_1 to %scan3A_3 step %scan3A_4  : i32 {
      %broadcast_in_dim3A = arith.constant 0.000000e+00 : f32
      %broadcast_in_dim3A_77 = vector.broadcast %broadcast_in_dim3A : f32 to vector<16xf32>
      %jit3A = arith.constant 1 : i32
      %div3A = arith.divsi %scan3A_76, %jit3A : i32
      %sign3A = arith.constant 0 : i32
      %sign3A_78 = arith.cmpi sgt, %scan3A_76, %sign3A : i32
      %sign3A_79 = arith.extui %sign3A_78 : i1 to i32
      %sign3A_80 = arith.constant 0 : i32
      %sign3A_81 = arith.cmpi slt, %scan3A_76, %sign3A_80 : i32
      %sign3A_82 = arith.extui %sign3A_81 : i1 to i32
      %sign3A_83 = arith.subi %sign3A_79, %sign3A_82 : i32
      %sign3A_84 = arith.constant 0 : i32
      %sign3A_85 = arith.cmpi sgt, %jit3A, %sign3A_84 : i32
      %sign3A_86 = arith.extui %sign3A_85 : i1 to i32
      %sign3A_87 = arith.constant 0 : i32
      %sign3A_88 = arith.cmpi slt, %jit3A, %sign3A_87 : i32
      %sign3A_89 = arith.extui %sign3A_88 : i1 to i32
      %sign3A_90 = arith.subi %sign3A_86, %sign3A_89 : i32
      %ne3A = arith.cmpi ne, %sign3A_83, %sign3A_90 : i32
      %rem3A = arith.remsi %scan3A_76, %jit3A : i32
      %ne3A_91 = arith.constant 0 : i32
      %ne3A_92 = arith.cmpi ne, %rem3A, %ne3A_91 : i32
      %and3A = arith.andi %ne3A, %ne3A_92 : i1
      %sub3A = arith.constant 1 : i32
      %sub3A_93 = arith.subi %div3A, %sub3A : i32
      %select_n3A = arith.select %and3A, %sub3A_93, %div3A : i32
      %jit3A_94 = arith.constant 1 : i32
      %eq3A = arith.constant 0 : i32
      %eq3A_95 = arith.cmpi eq, %jit3A_94, %eq3A : i32
      %jit3A_96 = arith.constant 1 : i32
      %select_n3A_97 = arith.select %eq3A_95, %jit3A_96, %jit3A_94 : i32
      %rem3A_98 = arith.remsi %scan3A_76, %select_n3A_97 : i32
      %ne3A_99 = arith.constant 0 : i32
      %ne3A_100 = arith.cmpi ne, %rem3A_98, %ne3A_99 : i32
      %lt3A = arith.constant 0 : i32
      %lt3A_101 = arith.cmpi slt, %rem3A_98, %lt3A : i32
      %lt3A_102 = arith.constant 0 : i32
      %lt3A_103 = arith.cmpi slt, %select_n3A_97, %lt3A_102 : i32
      %ne3A_104 = arith.xori %lt3A_101, %lt3A_103 : i1
      %and3A_105 = arith.andi %ne3A_104, %ne3A_100 : i1
      %add3A_106 = arith.addi %rem3A_98, %select_n3A_97 : i32
      %select_n3A_107 = arith.select %and3A_105, %add3A_106, %rem3A_98 : i32
      %mul3A_108 = arith.constant 16 : i32
      %mul3A_109 = arith.muli %select_n3A_107, %mul3A_108 : i32
      %swap3A = arith.index_cast %select_n3A : i32 to index
      %swap3A_110 = arith.index_cast %mul3A_109 : i32 to index
      %swap3A_111 = tpu.vector_load %arg11[%swap3A, %swap3A_110] {strides = array<i32>} : memref<100x16xf32, #tpu.memory_space<vmem>>, vector<1x16xf32>,
      %swap3A_112 = vector.shape_cast %swap3A_111 : vector<1x16xf32> to vector<16xf32>
      %swap3A_113 = vector.shape_cast %broadcast_in_dim3A_77 : vector<16xf32> to vector<1x16xf32>
      tpu.vector_store %arg11[%swap3A, %swap3A_110], %swap3A_113 {strides = array<i32>} : memref<100x16xf32, #tpu.memory_space<vmem>>, vector<1x16xf32>,
    }
    %scan3A_5 = arith.constant 100 : i32
    %scan3A_6 = arith.constant 0 : i32
    %scan3A_7 = arith.constant 0 : i32
    %scan3A_8 = arith.constant 6 : i32
    %scan3A_9 = arith.addi %scan3A_7, %scan3A_8 : i32
    %scan3A_10 = arith.constant 1 : i32
    scf.for %scan3A_76 = %scan3A_7 to %scan3A_9 step %scan3A_10  : i32 {
      %mul3A_77 = arith.constant 625 : i32
      %mul3A_78 = arith.muli %arg1, %mul3A_77 : i32
      %mul3A_79 = arith.constant 100 : i32
      %mul3A_80 = arith.muli %scan3A_76, %mul3A_79 : i32
      %add3A_81 = arith.addi %mul3A_78, %mul3A_80 : i32
      "tpu.region"() ({
        %run_scoped3A = tpu.sem_alloc : memref<!tpu.dma_semaphore, #tpu.memory_space<semaphore_mem>>
        %dma_start3A_82 = arith.constant 0 : i32
        %dma_start3A_83 = tpu.memref_slice %arg17[%add3A_81, %dma_start3A_82] : memref<10000x16xf32, #tpu.memory_space<vmem_shared>> -> memref<100x16xf32, #tpu.memory_space<vmem_shared>>
        %dma_start3A_84 = arith.constant 0 : i32
        %dma_start3A_85 = tpu.memref_slice %arg17[%add3A_81, %dma_start3A_84] : memref<10000x16xf32, #tpu.memory_space<vmem_shared>> -> memref<100x16xf32, #tpu.memory_space<vmem_shared>>
        tpu.enqueue_dma source(%arg11 : memref<100x16xf32, #tpu.memory_space<vmem>>) target(%dma_start3A_85 : memref<100x16xf32, #tpu.memory_space<vmem_shared>>) target_semaphore(%run_scoped3A : memref<!tpu.dma_semaphore, #tpu.memory_space<semaphore_mem>>)
        %dma_wait3A_86 = arith.constant 0 : i32
        %dma_wait3A_87 = tpu.memref_slice %arg17[%add3A_81, %dma_wait3A_86] : memref<10000x16xf32, #tpu.memory_space<vmem_shared>> -> memref<100x16xf32, #tpu.memory_space<vmem_shared>>
        %dma_wait3A_88 = arith.constant 0 : i32
        %dma_wait3A_89 = tpu.memref_slice %arg17[%add3A_81, %dma_wait3A_88] : memref<10000x16xf32, #tpu.memory_space<vmem_shared>> -> memref<100x16xf32, #tpu.memory_space<vmem_shared>>
        tpu.wait_dma2 semaphore(%run_scoped3A : memref<!tpu.dma_semaphore, #tpu.memory_space<semaphore_mem>>) src(%arg11 : memref<100x16xf32, #tpu.memory_space<vmem>>) dst(%dma_wait3A_89 : memref<100x16xf32, #tpu.memory_space<vmem_shared>>)
        tpu.yield
      }) : () -> ()
    }
    %scan3A_11 = arith.constant 6 : i32
    %mul3A_12 = arith.constant 625 : i32
    %mul3A_13 = arith.muli %arg1, %mul3A_12 : i32
    %add3A_14 = arith.constant 600 : i32
    %add3A_15 = arith.addi %mul3A_13, %add3A_14 : i32
    "tpu.region"() ({
      %run_scoped3A = tpu.sem_alloc : memref<!tpu.dma_semaphore, #tpu.memory_space<semaphore_mem>>
      %dma_start3A_76 = arith.constant 0 : i32
      %dma_start3A_77 = arith.constant 0 : i32
      %dma_start3A_78 = tpu.memref_slice %arg11[%dma_start3A_76, %dma_start3A_77] : memref<100x16xf32, #tpu.memory_space<vmem>> -> memref<25x16xf32, #tpu.memory_space<vmem>>
      %dma_start3A_79 = arith.constant 0 : i32
      %dma_start3A_80 = tpu.memref_slice %arg17[%add3A_15, %dma_start3A_79] : memref<10000x16xf32, #tpu.memory_space<vmem_shared>> -> memref<25x16xf32, #tpu.memory_space<vmem_shared>>
      %dma_start3A_81 = arith.constant 0 : i32
      %dma_start3A_82 = tpu.memref_slice %arg17[%add3A_15, %dma_start3A_81] : memref<10000x16xf32, #tpu.memory_space<vmem_shared>> -> memref<25x16xf32, #tpu.memory_space<vmem_shared>>
      %dma_start3A_83 = arith.constant 0 : i32
      %dma_start3A_84 = arith.constant 0 : i32
      %dma_start3A_85 = tpu.memref_slice %arg11[%dma_start3A_83, %dma_start3A_84] : memref<100x16xf32, #tpu.memory_space<vmem>> -> memref<25x16xf32, #tpu.memory_space<vmem>>
      tpu.enqueue_dma source(%dma_start3A_85 : memref<25x16xf32, #tpu.memory_space<vmem>>) target(%dma_start3A_82 : memref<25x16xf32, #tpu.memory_space<vmem_shared>>) target_semaphore(%run_scoped3A : memref<!tpu.dma_semaphore, #tpu.memory_space<semaphore_mem>>)
      %dma_wait3A_86 = arith.constant 0 : i32
      %dma_wait3A_87 = arith.constant 0 : i32
      %dma_wait3A_88 = tpu.memref_slice %arg11[%dma_wait3A_86, %dma_wait3A_87] : memref<100x16xf32, #tpu.memory_space<vmem>> -> memref<25x16xf32, #tpu.memory_space<vmem>>
      %dma_wait3A_89 = arith.constant 0 : i32
      %dma_wait3A_90 = tpu.memref_slice %arg17[%add3A_15, %dma_wait3A_89] : memref<10000x16xf32, #tpu.memory_space<vmem_shared>> -> memref<25x16xf32, #tpu.memory_space<vmem_shared>>
      %dma_wait3A_91 = arith.constant 0 : i32
      %dma_wait3A_92 = tpu.memref_slice %arg17[%add3A_15, %dma_wait3A_91] : memref<10000x16xf32, #tpu.memory_space<vmem_shared>> -> memref<25x16xf32, #tpu.memory_space<vmem_shared>>
      %dma_wait3A_93 = arith.constant 0 : i32
      %dma_wait3A_94 = arith.constant 0 : i32
      %dma_wait3A_95 = tpu.memref_slice %arg11[%dma_wait3A_93, %dma_wait3A_94] : memref<100x16xf32, #tpu.memory_space<vmem>> -> memref<25x16xf32, #tpu.memory_space<vmem>>
      tpu.wait_dma2 semaphore(%run_scoped3A : memref<!tpu.dma_semaphore, #tpu.memory_space<semaphore_mem>>) src(%dma_wait3A_95 : memref<25x16xf32, #tpu.memory_space<vmem>>) dst(%dma_wait3A_92 : memref<25x16xf32, #tpu.memory_space<vmem_shared>>)
      tpu.yield
    }) : () -> ()
    %barrier3A = arith.constant 0 : index
    tpu.barrier barrier_id(%barrier3A)
    %dma_start3A = arith.constant 0 : i32
    %dma_start3A_16 = arith.constant 0 : i32
    %dma_start3A_17 = tpu.memref_slice %arg9[%dma_start3A, %dma_start3A_16] : memref<100x100xi32, #tpu.memory_space<vmem>> -> memref<1x100xi32, #tpu.memory_space<vmem>>
    %dma_start3A_18 = tpu.memref_squeeze %dma_start3A_17 : memref<1x100xi32, #tpu.memory_space<vmem>> -> memref<100xi32, #tpu.memory_space<vmem>>
    %dma_start3A_19 = arith.constant 0 : i32
    %dma_start3A_20 = arith.constant 0 : i32
    %dma_start3A_21 = tpu.memref_slice %arg4[%dma_start3A_19, %dma_start3A_20] : memref<10000x16xf32, #tpu.memory_space<hbm>> -> memref<10000x16xf32, #tpu.memory_space<hbm>>
    tpu.enqueue_indirect_dma source(%dma_start3A_21 : memref<10000x16xf32, #tpu.memory_space<hbm>>) target(%arg11 : memref<100x16xf32, #tpu.memory_space<vmem>>) offsets(%dma_start3A_18 : memref<100xi32, #tpu.memory_space<vmem>>) semaphore(%arg18 : memref<!tpu.dma_semaphore, #tpu.memory_space<semaphore_mem>>)
    %dma_start3A_22 = arith.constant 1 : i32
    %dma_start3A_23 = arith.constant 0 : i32
    %dma_start3A_24 = tpu.memref_slice %arg9[%dma_start3A_22, %dma_start3A_23] : memref<100x100xi32, #tpu.memory_space<vmem>> -> memref<1x100xi32, #tpu.memory_space<vmem>>
    %dma_start3A_25 = tpu.memref_squeeze %dma_start3A_24 : memref<1x100xi32, #tpu.memory_space<vmem>> -> memref<100xi32, #tpu.memory_space<vmem>>
    %dma_start3A_26 = arith.constant 0 : i32
    %dma_start3A_27 = arith.constant 0 : i32
    %dma_start3A_28 = tpu.memref_slice %arg4[%dma_start3A_26, %dma_start3A_27] : memref<10000x16xf32, #tpu.memory_space<hbm>> -> memref<10000x16xf32, #tpu.memory_space<hbm>>
    tpu.enqueue_indirect_dma source(%dma_start3A_28 : memref<10000x16xf32, #tpu.memory_space<hbm>>) target(%arg12 : memref<100x16xf32, #tpu.memory_space<vmem>>) offsets(%dma_start3A_25 : memref<100xi32, #tpu.memory_space<vmem>>) semaphore(%arg19 : memref<!tpu.dma_semaphore, #tpu.memory_space<semaphore_mem>>)
    %scan3A_29 = arith.constant 0 : i32
    %scan3A_30 = arith.constant 0 : i32
    %scan3A_31 = arith.constant 25 : i32
    %scan3A_32 = arith.addi %scan3A_30, %scan3A_31 : i32
    %scan3A_33 = arith.constant 1 : i32
    scf.for %scan3A_76 = %scan3A_30 to %scan3A_32 step %scan3A_33  : i32 {
      %mul3A_77 = arith.constant 4 : i32
      %mul3A_78 = arith.muli %scan3A_76, %mul3A_77 : i32
      %add3A_79 = arith.constant 0 : i32
      %add3A_80 = arith.addi %mul3A_78, %add3A_79 : i32
      %dma_wait3A_81 = arith.constant 0 : i32
      %dma_wait3A_82 = arith.constant 0 : i32
      %dma_wait3A_83 = tpu.memref_slice %arg9[%dma_wait3A_81, %dma_wait3A_82] : memref<100x100xi32, #tpu.memory_space<vmem>> -> memref<1x100xi32, #tpu.memory_space<vmem>>
      %dma_wait3A_84 = tpu.memref_squeeze %dma_wait3A_83 : memref<1x100xi32, #tpu.memory_space<vmem>> -> memref<100xi32, #tpu.memory_space<vmem>>
      %dma_wait3A_85 = arith.constant 0 : i32
      %dma_wait3A_86 = arith.constant 0 : i32
      %dma_wait3A_87 = tpu.memref_slice %arg4[%dma_wait3A_85, %dma_wait3A_86] : memref<10000x16xf32, #tpu.memory_space<hbm>> -> memref<10000x16xf32, #tpu.memory_space<hbm>>
      tpu.wait_indirect_dma semaphore(%arg18 : memref<!tpu.dma_semaphore, #tpu.memory_space<semaphore_mem>>) src(%dma_wait3A_87 : memref<10000x16xf32, #tpu.memory_space<hbm>>) dst(%arg11 : memref<100x16xf32, #tpu.memory_space<vmem>>)
      %dma_start3A_88 = arith.constant 0 : i32
      %dma_start3A_89 = tpu.memref_slice %arg10[%add3A_80, %dma_start3A_88] : memref<100x100xi32, #tpu.memory_space<vmem>> -> memref<1x100xi32, #tpu.memory_space<vmem>>
      %dma_start3A_90 = tpu.memref_squeeze %dma_start3A_89 : memref<1x100xi32, #tpu.memory_space<vmem>> -> memref<100xi32, #tpu.memory_space<vmem>>
      %dma_start3A_91 = arith.constant 0 : i32
      %dma_start3A_92 = arith.constant 0 : i32
      %dma_start3A_93 = tpu.memref_slice %arg17[%dma_start3A_91, %dma_start3A_92] : memref<10000x16xf32, #tpu.memory_space<vmem_shared>> -> memref<10000x16xf32, #tpu.memory_space<vmem_shared>>
      tpu.enqueue_indirect_dma source(%arg11 : memref<100x16xf32, #tpu.memory_space<vmem>>) target(%dma_start3A_93 : memref<10000x16xf32, #tpu.memory_space<vmem_shared>>) offsets(%dma_start3A_90 : memref<100xi32, #tpu.memory_space<vmem>>) semaphore(%arg22 : memref<!tpu.dma_semaphore, #tpu.memory_space<semaphore_mem>>) {add = true}
      %add3A_94 = arith.constant 2 : i32
      %add3A_95 = arith.addi %add3A_80, %add3A_94 : i32
      %lt3A = arith.constant 100 : i32
      %lt3A_96 = arith.cmpi slt, %add3A_95, %lt3A : i32
      %convert_element_type3A = arith.extui %lt3A_96 : i1 to i32
      %cond3A = arith.constant 0 : i32
      %cond3A_97 = arith.cmpi ne, %convert_element_type3A, %cond3A : i32
      scf.if %cond3A_97 {
        %ge3A = arith.constant 2 : i32
        %ge3A_170 = arith.cmpi sge, %add3A_80, %ge3A : i32
        %convert_element_type3A_171 = arith.extui %ge3A_170 : i1 to i32
        %cond3A_172 = arith.constant 0 : i32
        %cond3A_173 = arith.cmpi ne, %convert_element_type3A_171, %cond3A_172 : i32
        scf.if %cond3A_173 {
          %dma_wait3A_182 = arith.constant 0 : i32
          %dma_wait3A_183 = arith.constant 0 : i32
          %dma_wait3A_184 = tpu.memref_slice %arg10[%dma_wait3A_182, %dma_wait3A_183] : memref<100x100xi32, #tpu.memory_space<vmem>> -> memref<1x100xi32, #tpu.memory_space<vmem>>
          %dma_wait3A_185 = tpu.memref_squeeze %dma_wait3A_184 : memref<1x100xi32, #tpu.memory_space<vmem>> -> memref<100xi32, #tpu.memory_space<vmem>>
          %dma_wait3A_186 = arith.constant 0 : i32
          %dma_wait3A_187 = arith.constant 0 : i32
          %dma_wait3A_188 = tpu.memref_slice %arg17[%dma_wait3A_186, %dma_wait3A_187] : memref<10000x16xf32, #tpu.memory_space<vmem_shared>> -> memref<10000x16xf32, #tpu.memory_space<vmem_shared>>
          tpu.wait_indirect_dma semaphore(%arg24 : memref<!tpu.dma_semaphore, #tpu.memory_space<semaphore_mem>>) src(%arg13 : memref<100x16xf32, #tpu.memory_space<vmem>>) dst(%dma_wait3A_188 : memref<10000x16xf32, #tpu.memory_space<vmem_shared>>)
        } else {
        }
        %add3A_174 = arith.constant 2 : i32
        %add3A_175 = arith.addi %add3A_80, %add3A_174 : i32
        %dma_start3A_176 = arith.constant 0 : i32
        %dma_start3A_177 = tpu.memref_slice %arg9[%add3A_175, %dma_start3A_176] : memref<100x100xi32, #tpu.memory_space<vmem>> -> memref<1x100xi32, #tpu.memory_space<vmem>>
        %dma_start3A_178 = tpu.memref_squeeze %dma_start3A_177 : memref<1x100xi32, #tpu.memory_space<vmem>> -> memref<100xi32, #tpu.memory_space<vmem>>
        %dma_start3A_179 = arith.constant 0 : i32
        %dma_start3A_180 = arith.constant 0 : i32
        %dma_start3A_181 = tpu.memref_slice %arg4[%dma_start3A_179, %dma_start3A_180] : memref<10000x16xf32, #tpu.memory_space<hbm>> -> memref<10000x16xf32, #tpu.memory_space<hbm>>
        tpu.enqueue_indirect_dma source(%dma_start3A_181 : memref<10000x16xf32, #tpu.memory_space<hbm>>) target(%arg13 : memref<100x16xf32, #tpu.memory_space<vmem>>) offsets(%dma_start3A_178 : memref<100xi32, #tpu.memory_space<vmem>>) semaphore(%arg20 : memref<!tpu.dma_semaphore, #tpu.memory_space<semaphore_mem>>)
      } else {
      }
      %mul3A_98 = arith.constant 4 : i32
      %mul3A_99 = arith.muli %scan3A_76, %mul3A_98 : i32
      %add3A_100 = arith.constant 1 : i32
      %add3A_101 = arith.addi %mul3A_99, %add3A_100 : i32
      %dma_wait3A_102 = arith.constant 0 : i32
      %dma_wait3A_103 = arith.constant 0 : i32
      %dma_wait3A_104 = tpu.memref_slice %arg9[%dma_wait3A_102, %dma_wait3A_103] : memref<100x100xi32, #tpu.memory_space<vmem>> -> memref<1x100xi32, #tpu.memory_space<vmem>>
      %dma_wait3A_105 = tpu.memref_squeeze %dma_wait3A_104 : memref<1x100xi32, #tpu.memory_space<vmem>> -> memref<100xi32, #tpu.memory_space<vmem>>
      %dma_wait3A_106 = arith.constant 0 : i32
      %dma_wait3A_107 = arith.constant 0 : i32
      %dma_wait3A_108 = tpu.memref_slice %arg4[%dma_wait3A_106, %dma_wait3A_107] : memref<10000x16xf32, #tpu.memory_space<hbm>> -> memref<10000x16xf32, #tpu.memory_space<hbm>>
      tpu.wait_indirect_dma semaphore(%arg19 : memref<!tpu.dma_semaphore, #tpu.memory_space<semaphore_mem>>) src(%dma_wait3A_108 : memref<10000x16xf32, #tpu.memory_space<hbm>>) dst(%arg12 : memref<100x16xf32, #tpu.memory_space<vmem>>)
      %dma_start3A_109 = arith.constant 0 : i32
      %dma_start3A_110 = tpu.memref_slice %arg10[%add3A_101, %dma_start3A_109] : memref<100x100xi32, #tpu.memory_space<vmem>> -> memref<1x100xi32, #tpu.memory_space<vmem>>
      %dma_start3A_111 = tpu.memref_squeeze %dma_start3A_110 : memref<1x100xi32, #tpu.memory_space<vmem>> -> memref<100xi32, #tpu.memory_space<vmem>>
      %dma_start3A_112 = arith.constant 0 : i32
      %dma_start3A_113 = arith.constant 0 : i32
      %dma_start3A_114 = tpu.memref_slice %arg17[%dma_start3A_112, %dma_start3A_113] : memref<10000x16xf32, #tpu.memory_space<vmem_shared>> -> memref<10000x16xf32, #tpu.memory_space<vmem_shared>>
      tpu.enqueue_indirect_dma source(%arg12 : memref<100x16xf32, #tpu.memory_space<vmem>>) target(%dma_start3A_114 : memref<10000x16xf32, #tpu.memory_space<vmem_shared>>) offsets(%dma_start3A_111 : memref<100xi32, #tpu.memory_space<vmem>>) semaphore(%arg23 : memref<!tpu.dma_semaphore, #tpu.memory_space<semaphore_mem>>) {add = true}
      %add3A_115 = arith.constant 2 : i32
      %add3A_116 = arith.addi %add3A_101, %add3A_115 : i32
      %lt3A_117 = arith.constant 100 : i32
      %lt3A_118 = arith.cmpi slt, %add3A_116, %lt3A_117 : i32
      %convert_element_type3A_119 = arith.extui %lt3A_118 : i1 to i32
      %cond3A_120 = arith.constant 0 : i32
      %cond3A_121 = arith.cmpi ne, %convert_element_type3A_119, %cond3A_120 : i32
      scf.if %cond3A_121 {
        %ge3A = arith.constant 2 : i32
        %ge3A_170 = arith.cmpi sge, %add3A_101, %ge3A : i32
        %convert_element_type3A_171 = arith.extui %ge3A_170 : i1 to i32
        %cond3A_172 = arith.constant 0 : i32
        %cond3A_173 = arith.cmpi ne, %convert_element_type3A_171, %cond3A_172 : i32
        scf.if %cond3A_173 {
          %dma_wait3A_182 = arith.constant 0 : i32
          %dma_wait3A_183 = arith.constant 0 : i32
          %dma_wait3A_184 = tpu.memref_slice %arg10[%dma_wait3A_182, %dma_wait3A_183] : memref<100x100xi32, #tpu.memory_space<vmem>> -> memref<1x100xi32, #tpu.memory_space<vmem>>
          %dma_wait3A_185 = tpu.memref_squeeze %dma_wait3A_184 : memref<1x100xi32, #tpu.memory_space<vmem>> -> memref<100xi32, #tpu.memory_space<vmem>>
          %dma_wait3A_186 = arith.constant 0 : i32
          %dma_wait3A_187 = arith.constant 0 : i32
          %dma_wait3A_188 = tpu.memref_slice %arg17[%dma_wait3A_186, %dma_wait3A_187] : memref<10000x16xf32, #tpu.memory_space<vmem_shared>> -> memref<10000x16xf32, #tpu.memory_space<vmem_shared>>
          tpu.wait_indirect_dma semaphore(%arg25 : memref<!tpu.dma_semaphore, #tpu.memory_space<semaphore_mem>>) src(%arg14 : memref<100x16xf32, #tpu.memory_space<vmem>>) dst(%dma_wait3A_188 : memref<10000x16xf32, #tpu.memory_space<vmem_shared>>)
        } else {
        }
        %add3A_174 = arith.constant 2 : i32
        %add3A_175 = arith.addi %add3A_101, %add3A_174 : i32
        %dma_start3A_176 = arith.constant 0 : i32
        %dma_start3A_177 = tpu.memref_slice %arg9[%add3A_175, %dma_start3A_176] : memref<100x100xi32, #tpu.memory_space<vmem>> -> memref<1x100xi32, #tpu.memory_space<vmem>>
        %dma_start3A_178 = tpu.memref_squeeze %dma_start3A_177 : memref<1x100xi32, #tpu.memory_space<vmem>> -> memref<100xi32, #tpu.memory_space<vmem>>
        %dma_start3A_179 = arith.constant 0 : i32
        %dma_start3A_180 = arith.constant 0 : i32
        %dma_start3A_181 = tpu.memref_slice %arg4[%dma_start3A_179, %dma_start3A_180] : memref<10000x16xf32, #tpu.memory_space<hbm>> -> memref<10000x16xf32, #tpu.memory_space<hbm>>
        tpu.enqueue_indirect_dma source(%dma_start3A_181 : memref<10000x16xf32, #tpu.memory_space<hbm>>) target(%arg14 : memref<100x16xf32, #tpu.memory_space<vmem>>) offsets(%dma_start3A_178 : memref<100xi32, #tpu.memory_space<vmem>>) semaphore(%arg21 : memref<!tpu.dma_semaphore, #tpu.memory_space<semaphore_mem>>)
      } else {
      }
      %mul3A_122 = arith.constant 4 : i32
      %mul3A_123 = arith.muli %scan3A_76, %mul3A_122 : i32
      %add3A_124 = arith.constant 2 : i32
      %add3A_125 = arith.addi %mul3A_123, %add3A_124 : i32
      %dma_wait3A_126 = arith.constant 0 : i32
      %dma_wait3A_127 = arith.constant 0 : i32
      %dma_wait3A_128 = tpu.memref_slice %arg9[%dma_wait3A_126, %dma_wait3A_127] : memref<100x100xi32, #tpu.memory_space<vmem>> -> memref<1x100xi32, #tpu.memory_space<vmem>>
      %dma_wait3A_129 = tpu.memref_squeeze %dma_wait3A_128 : memref<1x100xi32, #tpu.memory_space<vmem>> -> memref<100xi32, #tpu.memory_space<vmem>>
      %dma_wait3A_130 = arith.constant 0 : i32
      %dma_wait3A_131 = arith.constant 0 : i32
      %dma_wait3A_132 = tpu.memref_slice %arg4[%dma_wait3A_130, %dma_wait3A_131] : memref<10000x16xf32, #tpu.memory_space<hbm>> -> memref<10000x16xf32, #tpu.memory_space<hbm>>
      tpu.wait_indirect_dma semaphore(%arg20 : memref<!tpu.dma_semaphore, #tpu.memory_space<semaphore_mem>>) src(%dma_wait3A_132 : memref<10000x16xf32, #tpu.memory_space<hbm>>) dst(%arg13 : memref<100x16xf32, #tpu.memory_space<vmem>>)
      %dma_start3A_133 = arith.constant 0 : i32
      %dma_start3A_134 = tpu.memref_slice %arg10[%add3A_125, %dma_start3A_133] : memref<100x100xi32, #tpu.memory_space<vmem>> -> memref<1x100xi32, #tpu.memory_space<vmem>>
      %dma_start3A_135 = tpu.memref_squeeze %dma_start3A_134 : memref<1x100xi32, #tpu.memory_space<vmem>> -> memref<100xi32, #tpu.memory_space<vmem>>
      %dma_start3A_136 = arith.constant 0 : i32
      %dma_start3A_137 = arith.constant 0 : i32
      %dma_start3A_138 = tpu.memref_slice %arg17[%dma_start3A_136, %dma_start3A_137] : memref<10000x16xf32, #tpu.memory_space<vmem_shared>> -> memref<10000x16xf32, #tpu.memory_space<vmem_shared>>
      tpu.enqueue_indirect_dma source(%arg13 : memref<100x16xf32, #tpu.memory_space<vmem>>) target(%dma_start3A_138 : memref<10000x16xf32, #tpu.memory_space<vmem_shared>>) offsets(%dma_start3A_135 : memref<100xi32, #tpu.memory_space<vmem>>) semaphore(%arg24 : memref<!tpu.dma_semaphore, #tpu.memory_space<semaphore_mem>>) {add = true}
      %add3A_139 = arith.constant 2 : i32
      %add3A_140 = arith.addi %add3A_125, %add3A_139 : i32
      %lt3A_141 = arith.constant 100 : i32
      %lt3A_142 = arith.cmpi slt, %add3A_140, %lt3A_141 : i32
      %convert_element_type3A_143 = arith.extui %lt3A_142 : i1 to i32
      %cond3A_144 = arith.constant 0 : i32
      %cond3A_145 = arith.cmpi ne, %convert_element_type3A_143, %cond3A_144 : i32
      scf.if %cond3A_145 {
        %ge3A = arith.constant 2 : i32
        %ge3A_170 = arith.cmpi sge, %add3A_125, %ge3A : i32
        %convert_element_type3A_171 = arith.extui %ge3A_170 : i1 to i32
        %cond3A_172 = arith.constant 0 : i32
        %cond3A_173 = arith.cmpi ne, %convert_element_type3A_171, %cond3A_172 : i32
        scf.if %cond3A_173 {
          %dma_wait3A_182 = arith.constant 0 : i32
          %dma_wait3A_183 = arith.constant 0 : i32
          %dma_wait3A_184 = tpu.memref_slice %arg10[%dma_wait3A_182, %dma_wait3A_183] : memref<100x100xi32, #tpu.memory_space<vmem>> -> memref<1x100xi32, #tpu.memory_space<vmem>>
          %dma_wait3A_185 = tpu.memref_squeeze %dma_wait3A_184 : memref<1x100xi32, #tpu.memory_space<vmem>> -> memref<100xi32, #tpu.memory_space<vmem>>
          %dma_wait3A_186 = arith.constant 0 : i32
          %dma_wait3A_187 = arith.constant 0 : i32
          %dma_wait3A_188 = tpu.memref_slice %arg17[%dma_wait3A_186, %dma_wait3A_187] : memref<10000x16xf32, #tpu.memory_space<vmem_shared>> -> memref<10000x16xf32, #tpu.memory_space<vmem_shared>>
          tpu.wait_indirect_dma semaphore(%arg22 : memref<!tpu.dma_semaphore, #tpu.memory_space<semaphore_mem>>) src(%arg11 : memref<100x16xf32, #tpu.memory_space<vmem>>) dst(%dma_wait3A_188 : memref<10000x16xf32, #tpu.memory_space<vmem_shared>>)
        } else {
        }
        %add3A_174 = arith.constant 2 : i32
        %add3A_175 = arith.addi %add3A_125, %add3A_174 : i32
        %dma_start3A_176 = arith.constant 0 : i32
        %dma_start3A_177 = tpu.memref_slice %arg9[%add3A_175, %dma_start3A_176] : memref<100x100xi32, #tpu.memory_space<vmem>> -> memref<1x100xi32, #tpu.memory_space<vmem>>
        %dma_start3A_178 = tpu.memref_squeeze %dma_start3A_177 : memref<1x100xi32, #tpu.memory_space<vmem>> -> memref<100xi32, #tpu.memory_space<vmem>>
        %dma_start3A_179 = arith.constant 0 : i32
        %dma_start3A_180 = arith.constant 0 : i32
        %dma_start3A_181 = tpu.memref_slice %arg4[%dma_start3A_179, %dma_start3A_180] : memref<10000x16xf32, #tpu.memory_space<hbm>> -> memref<10000x16xf32, #tpu.memory_space<hbm>>
        tpu.enqueue_indirect_dma source(%dma_start3A_181 : memref<10000x16xf32, #tpu.memory_space<hbm>>) target(%arg11 : memref<100x16xf32, #tpu.memory_space<vmem>>) offsets(%dma_start3A_178 : memref<100xi32, #tpu.memory_space<vmem>>) semaphore(%arg18 : memref<!tpu.dma_semaphore, #tpu.memory_space<semaphore_mem>>)
      } else {
      }
      %mul3A_146 = arith.constant 4 : i32
      %mul3A_147 = arith.muli %scan3A_76, %mul3A_146 : i32
      %add3A_148 = arith.constant 3 : i32
      %add3A_149 = arith.addi %mul3A_147, %add3A_148 : i32
      %dma_wait3A_150 = arith.constant 0 : i32
      %dma_wait3A_151 = arith.constant 0 : i32
      %dma_wait3A_152 = tpu.memref_slice %arg9[%dma_wait3A_150, %dma_wait3A_151] : memref<100x100xi32, #tpu.memory_space<vmem>> -> memref<1x100xi32, #tpu.memory_space<vmem>>
      %dma_wait3A_153 = tpu.memref_squeeze %dma_wait3A_152 : memref<1x100xi32, #tpu.memory_space<vmem>> -> memref<100xi32, #tpu.memory_space<vmem>>
      %dma_wait3A_154 = arith.constant 0 : i32
      %dma_wait3A_155 = arith.constant 0 : i32
      %dma_wait3A_156 = tpu.memref_slice %arg4[%dma_wait3A_154, %dma_wait3A_155] : memref<10000x16xf32, #tpu.memory_space<hbm>> -> memref<10000x16xf32, #tpu.memory_space<hbm>>
      tpu.wait_indirect_dma semaphore(%arg21 : memref<!tpu.dma_semaphore, #tpu.memory_space<semaphore_mem>>) src(%dma_wait3A_156 : memref<10000x16xf32, #tpu.memory_space<hbm>>) dst(%arg14 : memref<100x16xf32, #tpu.memory_space<vmem>>)
      %dma_start3A_157 = arith.constant 0 : i32
      %dma_start3A_158 = tpu.memref_slice %arg10[%add3A_149, %dma_start3A_157] : memref<100x100xi32, #tpu.memory_space<vmem>> -> memref<1x100xi32, #tpu.memory_space<vmem>>
      %dma_start3A_159 = tpu.memref_squeeze %dma_start3A_158 : memref<1x100xi32, #tpu.memory_space<vmem>> -> memref<100xi32, #tpu.memory_space<vmem>>
      %dma_start3A_160 = arith.constant 0 : i32
      %dma_start3A_161 = arith.constant 0 : i32
      %dma_start3A_162 = tpu.memref_slice %arg17[%dma_start3A_160, %dma_start3A_161] : memref<10000x16xf32, #tpu.memory_space<vmem_shared>> -> memref<10000x16xf32, #tpu.memory_space<vmem_shared>>
      tpu.enqueue_indirect_dma source(%arg14 : memref<100x16xf32, #tpu.memory_space<vmem>>) target(%dma_start3A_162 : memref<10000x16xf32, #tpu.memory_space<vmem_shared>>) offsets(%dma_start3A_159 : memref<100xi32, #tpu.memory_space<vmem>>) semaphore(%arg25 : memref<!tpu.dma_semaphore, #tpu.memory_space<semaphore_mem>>) {add = true}
      %add3A_163 = arith.constant 2 : i32
      %add3A_164 = arith.addi %add3A_149, %add3A_163 : i32
      %lt3A_165 = arith.constant 100 : i32
      %lt3A_166 = arith.cmpi slt, %add3A_164, %lt3A_165 : i32
      %convert_element_type3A_167 = arith.extui %lt3A_166 : i1 to i32
      %cond3A_168 = arith.constant 0 : i32
      %cond3A_169 = arith.cmpi ne, %convert_element_type3A_167, %cond3A_168 : i32
      scf.if %cond3A_169 {
        %ge3A = arith.constant 2 : i32
        %ge3A_170 = arith.cmpi sge, %add3A_149, %ge3A : i32
        %convert_element_type3A_171 = arith.extui %ge3A_170 : i1 to i32
        %cond3A_172 = arith.constant 0 : i32
        %cond3A_173 = arith.cmpi ne, %convert_element_type3A_171, %cond3A_172 : i32
        scf.if %cond3A_173 {
          %dma_wait3A_182 = arith.constant 0 : i32
          %dma_wait3A_183 = arith.constant 0 : i32
          %dma_wait3A_184 = tpu.memref_slice %arg10[%dma_wait3A_182, %dma_wait3A_183] : memref<100x100xi32, #tpu.memory_space<vmem>> -> memref<1x100xi32, #tpu.memory_space<vmem>>
          %dma_wait3A_185 = tpu.memref_squeeze %dma_wait3A_184 : memref<1x100xi32, #tpu.memory_space<vmem>> -> memref<100xi32, #tpu.memory_space<vmem>>
          %dma_wait3A_186 = arith.constant 0 : i32
          %dma_wait3A_187 = arith.constant 0 : i32
          %dma_wait3A_188 = tpu.memref_slice %arg17[%dma_wait3A_186, %dma_wait3A_187] : memref<10000x16xf32, #tpu.memory_space<vmem_shared>> -> memref<10000x16xf32, #tpu.memory_space<vmem_shared>>
          tpu.wait_indirect_dma semaphore(%arg23 : memref<!tpu.dma_semaphore, #tpu.memory_space<semaphore_mem>>) src(%arg12 : memref<100x16xf32, #tpu.memory_space<vmem>>) dst(%dma_wait3A_188 : memref<10000x16xf32, #tpu.memory_space<vmem_shared>>)
        } else {
        }
        %add3A_174 = arith.constant 2 : i32
        %add3A_175 = arith.addi %add3A_149, %add3A_174 : i32
        %dma_start3A_176 = arith.constant 0 : i32
        %dma_start3A_177 = tpu.memref_slice %arg9[%add3A_175, %dma_start3A_176] : memref<100x100xi32, #tpu.memory_space<vmem>> -> memref<1x100xi32, #tpu.memory_space<vmem>>
        %dma_start3A_178 = tpu.memref_squeeze %dma_start3A_177 : memref<1x100xi32, #tpu.memory_space<vmem>> -> memref<100xi32, #tpu.memory_space<vmem>>
        %dma_start3A_179 = arith.constant 0 : i32
        %dma_start3A_180 = arith.constant 0 : i32
        %dma_start3A_181 = tpu.memref_slice %arg4[%dma_start3A_179, %dma_start3A_180] : memref<10000x16xf32, #tpu.memory_space<hbm>> -> memref<10000x16xf32, #tpu.memory_space<hbm>>
        tpu.enqueue_indirect_dma source(%dma_start3A_181 : memref<10000x16xf32, #tpu.memory_space<hbm>>) target(%arg12 : memref<100x16xf32, #tpu.memory_space<vmem>>) offsets(%dma_start3A_178 : memref<100xi32, #tpu.memory_space<vmem>>) semaphore(%arg19 : memref<!tpu.dma_semaphore, #tpu.memory_space<semaphore_mem>>)
      } else {
      }
    }
    %scan3A_34 = arith.constant 25 : i32
    %dma_wait3A = arith.constant 0 : i32
    %dma_wait3A_35 = arith.constant 0 : i32
    %dma_wait3A_36 = tpu.memref_slice %arg10[%dma_wait3A, %dma_wait3A_35] : memref<100x100xi32, #tpu.memory_space<vmem>> -> memref<1x100xi32, #tpu.memory_space<vmem>>
    %dma_wait3A_37 = tpu.memref_squeeze %dma_wait3A_36 : memref<1x100xi32, #tpu.memory_space<vmem>> -> memref<100xi32, #tpu.memory_space<vmem>>
    %dma_wait3A_38 = arith.constant 0 : i32
    %dma_wait3A_39 = arith.constant 0 : i32
    %dma_wait3A_40 = tpu.memref_slice %arg17[%dma_wait3A_38, %dma_wait3A_39] : memref<10000x16xf32, #tpu.memory_space<vmem_shared>> -> memref<10000x16xf32, #tpu.memory_space<vmem_shared>>
    tpu.wait_indirect_dma semaphore(%arg22 : memref<!tpu.dma_semaphore, #tpu.memory_space<semaphore_mem>>) src(%arg11 : memref<100x16xf32, #tpu.memory_space<vmem>>) dst(%dma_wait3A_40 : memref<10000x16xf32, #tpu.memory_space<vmem_shared>>)
    %dma_wait3A_41 = arith.constant 0 : i32
    %dma_wait3A_42 = arith.constant 0 : i32
    %dma_wait3A_43 = tpu.memref_slice %arg10[%dma_wait3A_41, %dma_wait3A_42] : memref<100x100xi32, #tpu.memory_space<vmem>> -> memref<1x100xi32, #tpu.memory_space<vmem>>
    %dma_wait3A_44 = tpu.memref_squeeze %dma_wait3A_43 : memref<1x100xi32, #tpu.memory_space<vmem>> -> memref<100xi32, #tpu.memory_space<vmem>>
    %dma_wait3A_45 = arith.constant 0 : i32
    %dma_wait3A_46 = arith.constant 0 : i32
    %dma_wait3A_47 = tpu.memref_slice %arg17[%dma_wait3A_45, %dma_wait3A_46] : memref<10000x16xf32, #tpu.memory_space<vmem_shared>> -> memref<10000x16xf32, #tpu.memory_space<vmem_shared>>
    tpu.wait_indirect_dma semaphore(%arg23 : memref<!tpu.dma_semaphore, #tpu.memory_space<semaphore_mem>>) src(%arg12 : memref<100x16xf32, #tpu.memory_space<vmem>>) dst(%dma_wait3A_47 : memref<10000x16xf32, #tpu.memory_space<vmem_shared>>)
    %dma_wait3A_48 = arith.constant 0 : i32
    %dma_wait3A_49 = arith.constant 0 : i32
    %dma_wait3A_50 = tpu.memref_slice %arg10[%dma_wait3A_48, %dma_wait3A_49] : memref<100x100xi32, #tpu.memory_space<vmem>> -> memref<1x100xi32, #tpu.memory_space<vmem>>
    %dma_wait3A_51 = tpu.memref_squeeze %dma_wait3A_50 : memref<1x100xi32, #tpu.memory_space<vmem>> -> memref<100xi32, #tpu.memory_space<vmem>>
    %dma_wait3A_52 = arith.constant 0 : i32
    %dma_wait3A_53 = arith.constant 0 : i32
    %dma_wait3A_54 = tpu.memref_slice %arg17[%dma_wait3A_52, %dma_wait3A_53] : memref<10000x16xf32, #tpu.memory_space<vmem_shared>> -> memref<10000x16xf32, #tpu.memory_space<vmem_shared>>
    tpu.wait_indirect_dma semaphore(%arg24 : memref<!tpu.dma_semaphore, #tpu.memory_space<semaphore_mem>>) src(%arg13 : memref<100x16xf32, #tpu.memory_space<vmem>>) dst(%dma_wait3A_54 : memref<10000x16xf32, #tpu.memory_space<vmem_shared>>)
    %dma_wait3A_55 = arith.constant 0 : i32
    %dma_wait3A_56 = arith.constant 0 : i32
    %dma_wait3A_57 = tpu.memref_slice %arg10[%dma_wait3A_55, %dma_wait3A_56] : memref<100x100xi32, #tpu.memory_space<vmem>> -> memref<1x100xi32, #tpu.memory_space<vmem>>
    %dma_wait3A_58 = tpu.memref_squeeze %dma_wait3A_57 : memref<1x100xi32, #tpu.memory_space<vmem>> -> memref<100xi32, #tpu.memory_space<vmem>>
    %dma_wait3A_59 = arith.constant 0 : i32
    %dma_wait3A_60 = arith.constant 0 : i32
    %dma_wait3A_61 = tpu.memref_slice %arg17[%dma_wait3A_59, %dma_wait3A_60] : memref<10000x16xf32, #tpu.memory_space<vmem_shared>> -> memref<10000x16xf32, #tpu.memory_space<vmem_shared>>
    tpu.wait_indirect_dma semaphore(%arg25 : memref<!tpu.dma_semaphore, #tpu.memory_space<semaphore_mem>>) src(%arg14 : memref<100x16xf32, #tpu.memory_space<vmem>>) dst(%dma_wait3A_61 : memref<10000x16xf32, #tpu.memory_space<vmem_shared>>)
    "tpu.region"() ({
      %run_scoped3A = tpu.sem_alloc : memref<!tpu.dma_semaphore, #tpu.memory_space<semaphore_mem>>
      %dma_start3A_76 = arith.constant 0 : i32
      %dma_start3A_77 = arith.constant 0 : i32
      %dma_start3A_78 = tpu.memref_slice %arg5[%add3A, %dma_start3A_76, %dma_start3A_77] : memref<32x4x80xi32, #tpu.memory_space<hbm>> -> memref<1x4x80xi32, #tpu.memory_space<hbm>>
      %dma_start3A_79 = tpu.memref_squeeze %dma_start3A_78 : memref<1x4x80xi32, #tpu.memory_space<hbm>> -> memref<4x80xi32, #tpu.memory_space<hbm>>
      %dma_start3A_80 = arith.constant 0 : i32
      %dma_start3A_81 = arith.constant 0 : i32
      %dma_start3A_82 = tpu.memref_slice %arg5[%add3A, %dma_start3A_80, %dma_start3A_81] : memref<32x4x80xi32, #tpu.memory_space<hbm>> -> memref<1x4x80xi32, #tpu.memory_space<hbm>>
      %dma_start3A_83 = tpu.memref_squeeze %dma_start3A_82 : memref<1x4x80xi32, #tpu.memory_space<hbm>> -> memref<4x80xi32, #tpu.memory_space<hbm>>
      tpu.enqueue_dma source(%dma_start3A_83 : memref<4x80xi32, #tpu.memory_space<hbm>>) target(%arg15 : memref<4x80xi32, #tpu.memory_space<vmem>>) target_semaphore(%run_scoped3A : memref<!tpu.dma_semaphore, #tpu.memory_space<semaphore_mem>>)
      %dma_wait3A_84 = arith.constant 0 : i32
      %dma_wait3A_85 = arith.constant 0 : i32
      %dma_wait3A_86 = tpu.memref_slice %arg5[%add3A, %dma_wait3A_84, %dma_wait3A_85] : memref<32x4x80xi32, #tpu.memory_space<hbm>> -> memref<1x4x80xi32, #tpu.memory_space<hbm>>
      %dma_wait3A_87 = tpu.memref_squeeze %dma_wait3A_86 : memref<1x4x80xi32, #tpu.memory_space<hbm>> -> memref<4x80xi32, #tpu.memory_space<hbm>>
      %dma_wait3A_88 = arith.constant 0 : i32
      %dma_wait3A_89 = arith.constant 0 : i32
      %dma_wait3A_90 = tpu.memref_slice %arg5[%add3A, %dma_wait3A_88, %dma_wait3A_89] : memref<32x4x80xi32, #tpu.memory_space<hbm>> -> memref<1x4x80xi32, #tpu.memory_space<hbm>>
      %dma_wait3A_91 = tpu.memref_squeeze %dma_wait3A_90 : memref<1x4x80xi32, #tpu.memory_space<hbm>> -> memref<4x80xi32, #tpu.memory_space<hbm>>
      tpu.wait_dma2 semaphore(%run_scoped3A : memref<!tpu.dma_semaphore, #tpu.memory_space<semaphore_mem>>) src(%dma_wait3A_91 : memref<4x80xi32, #tpu.memory_space<hbm>>) dst(%arg15 : memref<4x80xi32, #tpu.memory_space<vmem>>)
      tpu.yield
    }) : () -> ()
    %scan3A_62 = arith.constant 0 : i32
    %scan3A_63 = arith.constant 0 : i32
    %scan3A_64 = arith.constant 4 : i32
    %scan3A_65 = arith.addi %scan3A_63, %scan3A_64 : i32
    %scan3A_66 = arith.constant 1 : i32
    scf.for %scan3A_76 = %scan3A_63 to %scan3A_65 step %scan3A_66  : i32 {
      %dma_start3A_77 = arith.constant 0 : i32
      %dma_start3A_78 = tpu.memref_slice %arg15[%scan3A_76, %dma_start3A_77] : memref<4x80xi32, #tpu.memory_space<vmem>> -> memref<1x80xi32, #tpu.memory_space<vmem>>
      %dma_start3A_79 = tpu.memref_squeeze %dma_start3A_78 : memref<1x80xi32, #tpu.memory_space<vmem>> -> memref<80xi32, #tpu.memory_space<vmem>>
      %dma_start3A_80 = arith.constant 0 : i32
      %dma_start3A_81 = arith.constant 0 : i32
      %dma_start3A_82 = tpu.memref_slice %arg6[%dma_start3A_80, %dma_start3A_81] : memref<200000x128xf32, #tpu.memory_space<hbm>> -> memref<200000x128xf32, #tpu.memory_space<hbm>>
      tpu.enqueue_indirect_dma source(%dma_start3A_82 : memref<200000x128xf32, #tpu.memory_space<hbm>>) target(%arg16 : memref<80x128xf32, #tpu.memory_space<vmem>>) offsets(%dma_start3A_79 : memref<80xi32, #tpu.memory_space<vmem>>) semaphore(%arg18 : memref<!tpu.dma_semaphore, #tpu.memory_space<semaphore_mem>>)
      %dma_wait3A_83 = arith.constant 0 : i32
      %dma_wait3A_84 = tpu.memref_slice %arg15[%scan3A_76, %dma_wait3A_83] : memref<4x80xi32, #tpu.memory_space<vmem>> -> memref<1x80xi32, #tpu.memory_space<vmem>>
      %dma_wait3A_85 = tpu.memref_squeeze %dma_wait3A_84 : memref<1x80xi32, #tpu.memory_space<vmem>> -> memref<80xi32, #tpu.memory_space<vmem>>
      %dma_wait3A_86 = arith.constant 0 : i32
      %dma_wait3A_87 = arith.constant 0 : i32
      %dma_wait3A_88 = tpu.memref_slice %arg6[%dma_wait3A_86, %dma_wait3A_87] : memref<200000x128xf32, #tpu.memory_space<hbm>> -> memref<200000x128xf32, #tpu.memory_space<hbm>>
      tpu.wait_indirect_dma semaphore(%arg18 : memref<!tpu.dma_semaphore, #tpu.memory_space<semaphore_mem>>) src(%dma_wait3A_88 : memref<200000x128xf32, #tpu.memory_space<hbm>>) dst(%arg16 : memref<80x128xf32, #tpu.memory_space<vmem>>)
      %mul3A_89 = arith.constant 320 : i32
      %mul3A_90 = arith.muli %add3A, %mul3A_89 : i32
      %mul3A_91 = arith.constant 80 : i32
      %mul3A_92 = arith.muli %scan3A_76, %mul3A_91 : i32
      %add3A_93 = arith.addi %mul3A_90, %mul3A_92 : i32
      "tpu.region"() ({
        %run_scoped3A = tpu.sem_alloc : memref<!tpu.dma_semaphore, #tpu.memory_space<semaphore_mem>>
        %dma_start3A_94 = arith.constant 0 : i32
        %dma_start3A_95 = tpu.memref_slice %arg8[%add3A_93, %dma_start3A_94] : memref<10240x128xf32, #tpu.memory_space<hbm>> -> memref<80x128xf32, #tpu.memory_space<hbm>>
        %dma_start3A_96 = arith.constant 0 : i32
        %dma_start3A_97 = tpu.memref_slice %arg8[%add3A_93, %dma_start3A_96] : memref<10240x128xf32, #tpu.memory_space<hbm>> -> memref<80x128xf32, #tpu.memory_space<hbm>>
        tpu.enqueue_dma source(%arg16 : memref<80x128xf32, #tpu.memory_space<vmem>>) target(%dma_start3A_97 : memref<80x128xf32, #tpu.memory_space<hbm>>) target_semaphore(%run_scoped3A : memref<!tpu.dma_semaphore, #tpu.memory_space<semaphore_mem>>)
        %dma_wait3A_98 = arith.constant 0 : i32
        %dma_wait3A_99 = tpu.memref_slice %arg8[%add3A_93, %dma_wait3A_98] : memref<10240x128xf32, #tpu.memory_space<hbm>> -> memref<80x128xf32, #tpu.memory_space<hbm>>
        %dma_wait3A_100 = arith.constant 0 : i32
        %dma_wait3A_101 = tpu.memref_slice %arg8[%add3A_93, %dma_wait3A_100] : memref<10240x128xf32, #tpu.memory_space<hbm>> -> memref<80x128xf32, #tpu.memory_space<hbm>>
        tpu.wait_dma2 semaphore(%run_scoped3A : memref<!tpu.dma_semaphore, #tpu.memory_space<semaphore_mem>>) src(%arg16 : memref<80x128xf32, #tpu.memory_space<vmem>>) dst(%dma_wait3A_101 : memref<80x128xf32, #tpu.memory_space<hbm>>)
        tpu.yield
      }) : () -> ()
    }
    %scan3A_67 = arith.constant 4 : i32
    %barrier3A_68 = arith.constant 0 : index
    tpu.barrier barrier_id(%barrier3A_68)
    %mul3A_69 = arith.constant 625 : i32
    %mul3A_70 = arith.muli %arg1, %mul3A_69 : i32
    %mul3A_71 = arith.constant 10000 : i32
    %mul3A_72 = arith.muli %arg0, %mul3A_71 : i32
    %mul3A_73 = arith.constant 625 : i32
    %mul3A_74 = arith.muli %arg1, %mul3A_73 : i32
    %add3A_75 = arith.addi %mul3A_72, %mul3A_74 : i32
    "tpu.region"() ({
      %run_scoped3A = tpu.sem_alloc : memref<!tpu.dma_semaphore, #tpu.memory_space<semaphore_mem>>
      %dma_start3A_76 = arith.constant 0 : i32
      %dma_start3A_77 = tpu.memref_slice %arg7[%add3A_75, %dma_start3A_76] : memref<20000x16xf32, #tpu.memory_space<hbm>> -> memref<625x16xf32, #tpu.memory_space<hbm>>
      %dma_start3A_78 = arith.constant 0 : i32
      %dma_start3A_79 = tpu.memref_slice %arg17[%mul3A_70, %dma_start3A_78] : memref<10000x16xf32, #tpu.memory_space<vmem_shared>> -> memref<625x16xf32, #tpu.memory_space<vmem_shared>>
      tpu.enqueue_dma source(%dma_start3A_79 : memref<625x16xf32, #tpu.memory_space<vmem_shared>>) target(%dma_start3A_77 : memref<625x16xf32, #tpu.memory_space<hbm>>) target_semaphore(%run_scoped3A : memref<!tpu.dma_semaphore, #tpu.memory_space<semaphore_mem>>)
      %dma_wait3A_80 = arith.constant 0 : i32
      %dma_wait3A_81 = tpu.memref_slice %arg7[%add3A_75, %dma_wait3A_80] : memref<20000x16xf32, #tpu.memory_space<hbm>> -> memref<625x16xf32, #tpu.memory_space<hbm>>
      %dma_wait3A_82 = arith.constant 0 : i32
      %dma_wait3A_83 = tpu.memref_slice %arg17[%mul3A_70, %dma_wait3A_82] : memref<10000x16xf32, #tpu.memory_space<vmem_shared>> -> memref<625x16xf32, #tpu.memory_space<vmem_shared>>
      tpu.wait_dma2 semaphore(%run_scoped3A : memref<!tpu.dma_semaphore, #tpu.memory_space<semaphore_mem>>) src(%dma_wait3A_83 : memref<625x16xf32, #tpu.memory_space<vmem_shared>>) dst(%dma_wait3A_81 : memref<625x16xf32, #tpu.memory_space<hbm>>)
      tpu.yield
    }) : () -> ()
    return
  }
}

module attributes {stable_mosaic.version = 14 : i64} {
  func.func @_gin0_body(%arg0: i32, %arg1: memref<2000x4xf32, #tpu.memory_space<vmem>>, %arg2: memref<2000x16xf32, #tpu.memory_space<vmem>>, %arg3: memref<2000x16xf32, #tpu.memory_space<vmem>>, %arg4: memref<4x64xf32, #tpu.memory_space<vmem>>, %arg5: memref<1x64xf32, #tpu.memory_space<vmem>>, %arg6: memref<64x64xf32, #tpu.memory_space<vmem>>, %arg7: memref<1x64xf32, #tpu.memory_space<vmem>>, %arg8: memref<2000x128xf32, #tpu.memory_space<vmem>>) attributes {dimension_semantics = [#tpu.dimension_semantics<arbitrary>], iteration_bounds = array<i64: 5>, scalar_prefetch = 0 : i64, scratch_operands = 0 : i64, tpu.core_type = #tpu.core_type<tc>, window_params = [{transform_indices = @transform_0, window_bounds = array<i64: 2000, 4>}, {transform_indices = @transform_1, window_bounds = array<i64: 2000, 16>}, {transform_indices = @transform_2, window_bounds = array<i64: 2000, 16>}, {pipeline_mode = #tpu.pipeline_mode<synchronous>, transform_indices = @transform_3, window_bounds = array<i64: 4, 64>}, {pipeline_mode = #tpu.pipeline_mode<synchronous>, transform_indices = @transform_4, window_bounds = array<i64: 1, 64>}, {pipeline_mode = #tpu.pipeline_mode<synchronous>, transform_indices = @transform_5, window_bounds = array<i64: 64, 64>}, {pipeline_mode = #tpu.pipeline_mode<synchronous>, transform_indices = @transform_6, window_bounds = array<i64: 1, 64>}, {transform_indices = @transform_7, window_bounds = array<i64: 2000, 128>}]} {
    %get3A = arith.constant 0 : index
    %get3A_0 = arith.constant 0 : index
    %get3A_1 = vector.load %arg2[%get3A, %get3A_0] : memref<2000x16xf32, #tpu.memory_space<vmem>>, vector<2000x16xf32>
    %get3A_2 = arith.constant 0 : index
    %get3A_3 = arith.constant 0 : index
    %get3A_4 = vector.load %arg3[%get3A_2, %get3A_3] : memref<2000x16xf32, #tpu.memory_space<vmem>>, vector<2000x16xf32>
    %add3A = arith.addf %get3A_1, %get3A_4 : vector<2000x16xf32>
    %get3A_5 = arith.constant 0 : index
    %get3A_6 = arith.constant 0 : index
    %get3A_7 = vector.load %arg1[%get3A_5, %get3A_6] : memref<2000x4xf32, #tpu.memory_space<vmem>>, vector<2000x4xf32>
    %slice3A = vector.extract_strided_slice %add3A {offsets = [0, 0], sizes = [2000, 4], strides = [1, 1]} : vector<2000x16xf32> to vector<2000x4xf32>
    %add3A_8 = arith.addf %get3A_7, %slice3A : vector<2000x4xf32>
    %mul3A = arith.constant 1.000000e+00 : f32
    %mul3A_9 = vector.broadcast %mul3A : f32 to vector<2000x4xf32>
    %mul3A_10 = arith.mulf %mul3A_9, %add3A_8 : vector<2000x4xf32>
    %get3A_11 = arith.constant 0 : index
    %get3A_12 = arith.constant 0 : index
    %get3A_13 = vector.load %arg4[%get3A_11, %get3A_12] : memref<4x64xf32, #tpu.memory_space<vmem>>, vector<4x64xf32>
    %dot_general3A = arith.constant dense<0.000000e+00> : vector<2000x64xf32>
    %dot_general3A_14 = tpu.matmul %mul3A_10, %get3A_13, %dot_general3A {dimension_numbers = #tpu.dot_dimension_numbers<[1], [0], [0], [1], [0, 0, 1, 1], [], []>, precision = #tpu.contract_precision<fp32>, transpose_lhs_hint = false} : vector<2000x4xf32>, vector<4x64xf32>, vector<2000x64xf32> -> vector<2000x64xf32>
    %get3A_15 = arith.constant 0 : index
    %get3A_16 = arith.constant 0 : index
    %get3A_17 = vector.load %arg5[%get3A_15, %get3A_16] : memref<1x64xf32, #tpu.memory_space<vmem>>, vector<1x64xf32>
    %add3A_18 = vector.broadcast %get3A_17 : vector<1x64xf32> to vector<2000x64xf32>
    %add3A_19 = arith.addf %dot_general3A_14, %add3A_18 : vector<2000x64xf32>
    %max3A = arith.constant 0.000000e+00 : f32
    %max3A_20 = vector.broadcast %max3A : f32 to vector<2000x64xf32>
    %max3A_21 = arith.maximumf %add3A_19, %max3A_20 : vector<2000x64xf32>
    %get3A_22 = arith.constant 0 : index
    %get3A_23 = arith.constant 0 : index
    %get3A_24 = vector.load %arg6[%get3A_22, %get3A_23] : memref<64x64xf32, #tpu.memory_space<vmem>>, vector<64x64xf32>
    %dot_general3A_25 = arith.constant dense<0.000000e+00> : vector<2000x64xf32>
    %dot_general3A_26 = tpu.matmul %max3A_21, %get3A_24, %dot_general3A_25 {dimension_numbers = #tpu.dot_dimension_numbers<[1], [0], [0], [1], [0, 0, 1, 1], [], []>, precision = #tpu.contract_precision<fp32>, transpose_lhs_hint = false} : vector<2000x64xf32>, vector<64x64xf32>, vector<2000x64xf32> -> vector<2000x64xf32>
    %get3A_27 = arith.constant 0 : index
    %get3A_28 = arith.constant 0 : index
    %get3A_29 = vector.load %arg7[%get3A_27, %get3A_28] : memref<1x64xf32, #tpu.memory_space<vmem>>, vector<1x64xf32>
    %add3A_30 = vector.broadcast %get3A_29 : vector<1x64xf32> to vector<2000x64xf32>
    %add3A_31 = arith.addf %dot_general3A_26, %add3A_30 : vector<2000x64xf32>
    %max3A_32 = arith.constant 0.000000e+00 : f32
    %max3A_33 = vector.broadcast %max3A_32 : f32 to vector<2000x64xf32>
    %max3A_34 = arith.maximumf %add3A_31, %max3A_33 : vector<2000x64xf32>
    %swap3A = arith.constant 0 : index
    %swap3A_35 = arith.constant 0 : index
    %swap3A_36 = vector.load %arg8[%swap3A, %swap3A_35] : memref<2000x128xf32, #tpu.memory_space<vmem>>, vector<2000x64xf32>
    tpu.vector_store %arg8[%swap3A, %swap3A_35], %max3A_34 {strides = array<i32>} : memref<2000x128xf32, #tpu.memory_space<vmem>>, vector<2000x64xf32>,
    %mul3A_37 = arith.constant -1.000000e+00 : f32
    %mul3A_38 = vector.broadcast %mul3A_37 : f32 to vector<2000x4xf32>
    %mul3A_39 = arith.mulf %mul3A_38, %add3A_8 : vector<2000x4xf32>
    %get3A_40 = arith.constant 0 : index
    %get3A_41 = arith.constant 0 : index
    %get3A_42 = vector.load %arg4[%get3A_40, %get3A_41] : memref<4x64xf32, #tpu.memory_space<vmem>>, vector<4x64xf32>
    %dot_general3A_43 = arith.constant dense<0.000000e+00> : vector<2000x64xf32>
    %dot_general3A_44 = tpu.matmul %mul3A_39, %get3A_42, %dot_general3A_43 {dimension_numbers = #tpu.dot_dimension_numbers<[1], [0], [0], [1], [0, 0, 1, 1], [], []>, precision = #tpu.contract_precision<fp32>, transpose_lhs_hint = false} : vector<2000x4xf32>, vector<4x64xf32>, vector<2000x64xf32> -> vector<2000x64xf32>
    %get3A_45 = arith.constant 0 : index
    %get3A_46 = arith.constant 0 : index
    %get3A_47 = vector.load %arg5[%get3A_45, %get3A_46] : memref<1x64xf32, #tpu.memory_space<vmem>>, vector<1x64xf32>
    %add3A_48 = vector.broadcast %get3A_47 : vector<1x64xf32> to vector<2000x64xf32>
    %add3A_49 = arith.addf %dot_general3A_44, %add3A_48 : vector<2000x64xf32>
    %max3A_50 = arith.constant 0.000000e+00 : f32
    %max3A_51 = vector.broadcast %max3A_50 : f32 to vector<2000x64xf32>
    %max3A_52 = arith.maximumf %add3A_49, %max3A_51 : vector<2000x64xf32>
    %get3A_53 = arith.constant 0 : index
    %get3A_54 = arith.constant 0 : index
    %get3A_55 = vector.load %arg6[%get3A_53, %get3A_54] : memref<64x64xf32, #tpu.memory_space<vmem>>, vector<64x64xf32>
    %dot_general3A_56 = arith.constant dense<0.000000e+00> : vector<2000x64xf32>
    %dot_general3A_57 = tpu.matmul %max3A_52, %get3A_55, %dot_general3A_56 {dimension_numbers = #tpu.dot_dimension_numbers<[1], [0], [0], [1], [0, 0, 1, 1], [], []>, precision = #tpu.contract_precision<fp32>, transpose_lhs_hint = false} : vector<2000x64xf32>, vector<64x64xf32>, vector<2000x64xf32> -> vector<2000x64xf32>
    %get3A_58 = arith.constant 0 : index
    %get3A_59 = arith.constant 0 : index
    %get3A_60 = vector.load %arg7[%get3A_58, %get3A_59] : memref<1x64xf32, #tpu.memory_space<vmem>>, vector<1x64xf32>
    %add3A_61 = vector.broadcast %get3A_60 : vector<1x64xf32> to vector<2000x64xf32>
    %add3A_62 = arith.addf %dot_general3A_57, %add3A_61 : vector<2000x64xf32>
    %max3A_63 = arith.constant 0.000000e+00 : f32
    %max3A_64 = vector.broadcast %max3A_63 : f32 to vector<2000x64xf32>
    %max3A_65 = arith.maximumf %add3A_62, %max3A_64 : vector<2000x64xf32>
    %swap3A_66 = arith.constant 0 : index
    %swap3A_67 = arith.constant 64 : index
    %swap3A_68 = vector.load %arg8[%swap3A_66, %swap3A_67] : memref<2000x128xf32, #tpu.memory_space<vmem>>, vector<2000x64xf32>
    tpu.vector_store %arg8[%swap3A_66, %swap3A_67], %max3A_65 {strides = array<i32>} : memref<2000x128xf32, #tpu.memory_space<vmem>>, vector<2000x64xf32>,
    return
  }
  func.func @transform_0(%arg0: i32) -> (i32, i32) {
    %c0_i32 = arith.constant 0 : i32
    %c0_i32_0 = arith.constant 0 : i32
    return %arg0, %c0_i32 : i32, i32
  }
  func.func @transform_1(%arg0: i32) -> (i32, i32) {
    %c0_i32 = arith.constant 0 : i32
    %c0_i32_0 = arith.constant 0 : i32
    return %arg0, %c0_i32 : i32, i32
  }
  func.func @transform_2(%arg0: i32) -> (i32, i32) {
    %c0_i32 = arith.constant 0 : i32
    %c0_i32_0 = arith.constant 0 : i32
    return %arg0, %c0_i32 : i32, i32
  }
  func.func @transform_3(%arg0: i32) -> (i32, i32) {
    %c0_i32 = arith.constant 0 : i32
    %c0_i32_0 = arith.constant 0 : i32
    %c0_i32_1 = arith.constant 0 : i32
    return %c0_i32, %c0_i32_0 : i32, i32
  }
  func.func @transform_4(%arg0: i32) -> (i32, i32) {
    %c0_i32 = arith.constant 0 : i32
    %c0_i32_0 = arith.constant 0 : i32
    %c0_i32_1 = arith.constant 0 : i32
    return %c0_i32, %c0_i32_0 : i32, i32
  }
  func.func @transform_5(%arg0: i32) -> (i32, i32) {
    %c0_i32 = arith.constant 0 : i32
    %c0_i32_0 = arith.constant 0 : i32
    %c0_i32_1 = arith.constant 0 : i32
    return %c0_i32, %c0_i32_0 : i32, i32
  }
  func.func @transform_6(%arg0: i32) -> (i32, i32) {
    %c0_i32 = arith.constant 0 : i32
    %c0_i32_0 = arith.constant 0 : i32
    %c0_i32_1 = arith.constant 0 : i32
    return %c0_i32, %c0_i32_0 : i32, i32
  }
  func.func @transform_7(%arg0: i32) -> (i32, i32) {
    %c0_i32 = arith.constant 0 : i32
    %c0_i32_0 = arith.constant 0 : i32
    return %arg0, %c0_i32 : i32, i32
  }
}

module attributes {stable_mosaic.version = 14 : i64} {
  func.func @_pe_body(%arg0: i32, %arg1: memref<2000x128xf32, #tpu.memory_space<vmem>>, %arg2: memref<2000x128xf32, #tpu.memory_space<vmem>>, %arg3: memref<2000x128xf32, #tpu.memory_space<vmem>>, %arg4: memref<2000x128xf32, #tpu.memory_space<vmem>>, %arg5: memref<2000x128xf32, #tpu.memory_space<vmem>>, %arg6: memref<128x128xf32, #tpu.memory_space<vmem>>, %arg7: memref<1x128xf32, #tpu.memory_space<vmem>>, %arg8: memref<128x32xf32, #tpu.memory_space<vmem>>, %arg9: memref<1x32xf32, #tpu.memory_space<vmem>>, %arg10: memref<16x128xf32, #tpu.memory_space<vmem>>, %arg11: memref<1x128xf32, #tpu.memory_space<vmem>>, %arg12: memref<128x8xf32, #tpu.memory_space<vmem>>, %arg13: memref<1x8xf32, #tpu.memory_space<vmem>>, %arg14: memref<8x128xf32, #tpu.memory_space<vmem>>, %arg15: memref<1x128xf32, #tpu.memory_space<vmem>>, %arg16: memref<2000x128xf32, #tpu.memory_space<vmem>>) attributes {dimension_semantics = [#tpu.dimension_semantics<arbitrary>], iteration_bounds = array<i64: 5>, scalar_prefetch = 0 : i64, scratch_operands = 0 : i64, tpu.core_type = #tpu.core_type<tc>, window_params = [{transform_indices = @transform_0, window_bounds = array<i64: 2000, 128>}, {transform_indices = @transform_1, window_bounds = array<i64: 2000, 128>}, {transform_indices = @transform_2, window_bounds = array<i64: 2000, 128>}, {transform_indices = @transform_3, window_bounds = array<i64: 2000, 128>}, {transform_indices = @transform_4, window_bounds = array<i64: 2000, 128>}, {pipeline_mode = #tpu.pipeline_mode<synchronous>, transform_indices = @transform_5, window_bounds = array<i64: 128, 128>}, {pipeline_mode = #tpu.pipeline_mode<synchronous>, transform_indices = @transform_6, window_bounds = array<i64: 1, 128>}, {pipeline_mode = #tpu.pipeline_mode<synchronous>, transform_indices = @transform_7, window_bounds = array<i64: 128, 32>}, {pipeline_mode = #tpu.pipeline_mode<synchronous>, transform_indices = @transform_8, window_bounds = array<i64: 1, 32>}, {pipeline_mode = #tpu.pipeline_mode<synchronous>, transform_indices = @transform_9, window_bounds = array<i64: 16, 128>}, {pipeline_mode = #tpu.pipeline_mode<synchronous>, transform_indices = @transform_10, window_bounds = array<i64: 1, 128>}, {pipeline_mode = #tpu.pipeline_mode<synchronous>, transform_indices = @transform_11, window_bounds = array<i64: 128, 8>}, {pipeline_mode = #tpu.pipeline_mode<synchronous>, transform_indices = @transform_12, window_bounds = array<i64: 1, 8>}, {pipeline_mode = #tpu.pipeline_mode<synchronous>, transform_indices = @transform_13, window_bounds = array<i64: 8, 128>}, {pipeline_mode = #tpu.pipeline_mode<synchronous>, transform_indices = @transform_14, window_bounds = array<i64: 1, 128>}, {transform_indices = @transform_15, window_bounds = array<i64: 2000, 128>}]} {
    %get3A = arith.constant 0 : index
    %get3A_0 = arith.constant 0 : index
    %get3A_1 = vector.load %arg1[%get3A, %get3A_0] : memref<2000x128xf32, #tpu.memory_space<vmem>>, vector<2000x128xf32>
    %get3A_2 = arith.constant 0 : index
    %get3A_3 = arith.constant 0 : index
    %get3A_4 = vector.load %arg2[%get3A_2, %get3A_3] : memref<2000x128xf32, #tpu.memory_space<vmem>>, vector<2000x128xf32>
    %add3A = arith.addf %get3A_1, %get3A_4 : vector<2000x128xf32>
    %get3A_5 = arith.constant 0 : index
    %get3A_6 = arith.constant 0 : index
    %get3A_7 = vector.load %arg3[%get3A_5, %get3A_6] : memref<2000x128xf32, #tpu.memory_space<vmem>>, vector<2000x128xf32>
    %add3A_8 = arith.addf %add3A, %get3A_7 : vector<2000x128xf32>
    %get3A_9 = arith.constant 0 : index
    %get3A_10 = arith.constant 0 : index
    %get3A_11 = vector.load %arg6[%get3A_9, %get3A_10] : memref<128x128xf32, #tpu.memory_space<vmem>>, vector<128x128xf32>
    %dot_general3A = arith.constant dense<0.000000e+00> : vector<2000x128xf32>
    %dot_general3A_12 = tpu.matmul %add3A_8, %get3A_11, %dot_general3A {dimension_numbers = #tpu.dot_dimension_numbers<[1], [0], [0], [1], [0, 0, 1, 1], [], []>, precision = #tpu.contract_precision<fp32>, transpose_lhs_hint = false} : vector<2000x128xf32>, vector<128x128xf32>, vector<2000x128xf32> -> vector<2000x128xf32>
    %get3A_13 = arith.constant 0 : index
    %get3A_14 = arith.constant 0 : index
    %get3A_15 = vector.load %arg7[%get3A_13, %get3A_14] : memref<1x128xf32, #tpu.memory_space<vmem>>, vector<1x128xf32>
    %add3A_16 = vector.broadcast %get3A_15 : vector<1x128xf32> to vector<2000x128xf32>
    %add3A_17 = arith.addf %dot_general3A_12, %add3A_16 : vector<2000x128xf32>
    %max3A = arith.constant 0.000000e+00 : f32
    %max3A_18 = vector.broadcast %max3A : f32 to vector<2000x128xf32>
    %max3A_19 = arith.maximumf %add3A_17, %max3A_18 : vector<2000x128xf32>
    %get3A_20 = arith.constant 0 : index
    %get3A_21 = arith.constant 0 : index
    %get3A_22 = vector.load %arg8[%get3A_20, %get3A_21] : memref<128x32xf32, #tpu.memory_space<vmem>>, vector<128x32xf32>
    %dot_general3A_23 = arith.constant dense<0.000000e+00> : vector<2000x32xf32>
    %dot_general3A_24 = tpu.matmul %max3A_19, %get3A_22, %dot_general3A_23 {dimension_numbers = #tpu.dot_dimension_numbers<[1], [0], [0], [1], [0, 0, 1, 1], [], []>, precision = #tpu.contract_precision<fp32>, transpose_lhs_hint = false} : vector<2000x128xf32>, vector<128x32xf32>, vector<2000x32xf32> -> vector<2000x32xf32>
    %get3A_25 = arith.constant 0 : index
    %get3A_26 = arith.constant 0 : index
    %get3A_27 = vector.load %arg9[%get3A_25, %get3A_26] : memref<1x32xf32, #tpu.memory_space<vmem>>, vector<1x32xf32>
    %add3A_28 = vector.broadcast %get3A_27 : vector<1x32xf32> to vector<2000x32xf32>
    %add3A_29 = arith.addf %dot_general3A_24, %add3A_28 : vector<2000x32xf32>
    %max3A_30 = arith.constant 0.000000e+00 : f32
    %max3A_31 = vector.broadcast %max3A_30 : f32 to vector<2000x32xf32>
    %max3A_32 = arith.maximumf %add3A_29, %max3A_31 : vector<2000x32xf32>
    %slice3A = vector.extract_strided_slice %max3A_32 {offsets = [0, 0], sizes = [2000, 16], strides = [1, 1]} : vector<2000x32xf32> to vector<2000x16xf32>
    %slice3A_33 = vector.extract_strided_slice %max3A_32 {offsets = [0, 16], sizes = [2000, 16], strides = [1, 1]} : vector<2000x32xf32> to vector<2000x16xf32>
    %add3A_34 = arith.addf %slice3A, %slice3A_33 : vector<2000x16xf32>
    %get3A_35 = arith.constant 0 : index
    %get3A_36 = arith.constant 0 : index
    %get3A_37 = vector.load %arg10[%get3A_35, %get3A_36] : memref<16x128xf32, #tpu.memory_space<vmem>>, vector<16x128xf32>
    %dot_general3A_38 = arith.constant dense<0.000000e+00> : vector<2000x128xf32>
    %dot_general3A_39 = tpu.matmul %add3A_34, %get3A_37, %dot_general3A_38 {dimension_numbers = #tpu.dot_dimension_numbers<[1], [0], [0], [1], [0, 0, 1, 1], [], []>, precision = #tpu.contract_precision<fp32>, transpose_lhs_hint = false} : vector<2000x16xf32>, vector<16x128xf32>, vector<2000x128xf32> -> vector<2000x128xf32>
    %get3A_40 = arith.constant 0 : index
    %get3A_41 = arith.constant 0 : index
    %get3A_42 = vector.load %arg11[%get3A_40, %get3A_41] : memref<1x128xf32, #tpu.memory_space<vmem>>, vector<1x128xf32>
    %add3A_43 = vector.broadcast %get3A_42 : vector<1x128xf32> to vector<2000x128xf32>
    %add3A_44 = arith.addf %dot_general3A_39, %add3A_43 : vector<2000x128xf32>
    %max3A_45 = arith.constant 0.000000e+00 : f32
    %max3A_46 = vector.broadcast %max3A_45 : f32 to vector<2000x128xf32>
    %max3A_47 = arith.maximumf %add3A_44, %max3A_46 : vector<2000x128xf32>
    %get3A_48 = arith.constant 0 : index
    %get3A_49 = arith.constant 0 : index
    %get3A_50 = vector.load %arg12[%get3A_48, %get3A_49] : memref<128x8xf32, #tpu.memory_space<vmem>>, vector<128x8xf32>
    %dot_general3A_51 = arith.constant dense<0.000000e+00> : vector<2000x8xf32>
    %dot_general3A_52 = tpu.matmul %max3A_47, %get3A_50, %dot_general3A_51 {dimension_numbers = #tpu.dot_dimension_numbers<[1], [0], [0], [1], [0, 0, 1, 1], [], []>, precision = #tpu.contract_precision<fp32>, transpose_lhs_hint = false} : vector<2000x128xf32>, vector<128x8xf32>, vector<2000x8xf32> -> vector<2000x8xf32>
    %get3A_53 = arith.constant 0 : index
    %get3A_54 = arith.constant 0 : index
    %get3A_55 = vector.load %arg13[%get3A_53, %get3A_54] : memref<1x8xf32, #tpu.memory_space<vmem>>, vector<1x8xf32>
    %add3A_56 = vector.broadcast %get3A_55 : vector<1x8xf32> to vector<2000x8xf32>
    %add3A_57 = arith.addf %dot_general3A_52, %add3A_56 : vector<2000x8xf32>
    %get3A_58 = arith.constant 0 : index
    %get3A_59 = arith.constant 0 : index
    %get3A_60 = vector.load %arg4[%get3A_58, %get3A_59] : memref<2000x128xf32, #tpu.memory_space<vmem>>, vector<2000x128xf32>
    %get3A_61 = arith.constant 0 : index
    %get3A_62 = arith.constant 0 : index
    %get3A_63 = vector.load %arg14[%get3A_61, %get3A_62] : memref<8x128xf32, #tpu.memory_space<vmem>>, vector<8x128xf32>
    %dot_general3A_64 = arith.constant dense<0.000000e+00> : vector<2000x128xf32>
    %dot_general3A_65 = tpu.matmul %add3A_57, %get3A_63, %dot_general3A_64 {dimension_numbers = #tpu.dot_dimension_numbers<[1], [0], [0], [1], [0, 0, 1, 1], [], []>, precision = #tpu.contract_precision<fp32>, transpose_lhs_hint = false} : vector<2000x8xf32>, vector<8x128xf32>, vector<2000x128xf32> -> vector<2000x128xf32>
    %add3A_66 = arith.addf %get3A_60, %dot_general3A_65 : vector<2000x128xf32>
    %get3A_67 = arith.constant 0 : index
    %get3A_68 = arith.constant 0 : index
    %get3A_69 = vector.load %arg15[%get3A_67, %get3A_68] : memref<1x128xf32, #tpu.memory_space<vmem>>, vector<1x128xf32>
    %add3A_70 = vector.broadcast %get3A_69 : vector<1x128xf32> to vector<2000x128xf32>
    %add3A_71 = arith.addf %add3A_66, %add3A_70 : vector<2000x128xf32>
    %get3A_72 = arith.constant 0 : index
    %get3A_73 = arith.constant 0 : index
    %get3A_74 = vector.load %arg5[%get3A_72, %get3A_73] : memref<2000x128xf32, #tpu.memory_space<vmem>>, vector<2000x128xf32>
    %add3A_75 = arith.addf %add3A_71, %get3A_74 : vector<2000x128xf32>
    %swap3A = arith.constant 0 : index
    %swap3A_76 = arith.constant 0 : index
    %swap3A_77 = vector.load %arg16[%swap3A, %swap3A_76] : memref<2000x128xf32, #tpu.memory_space<vmem>>, vector<2000x128xf32>
    tpu.vector_store %arg16[%swap3A, %swap3A_76], %add3A_75 {strides = array<i32>} : memref<2000x128xf32, #tpu.memory_space<vmem>>, vector<2000x128xf32>,
    return
  }
  func.func @transform_0(%arg0: i32) -> (i32, i32) {
    %c0_i32 = arith.constant 0 : i32
    %c0_i32_0 = arith.constant 0 : i32
    return %arg0, %c0_i32 : i32, i32
  }
  func.func @transform_1(%arg0: i32) -> (i32, i32) {
    %c0_i32 = arith.constant 0 : i32
    %c0_i32_0 = arith.constant 0 : i32
    return %arg0, %c0_i32 : i32, i32
  }
  func.func @transform_2(%arg0: i32) -> (i32, i32) {
    %c0_i32 = arith.constant 0 : i32
    %c0_i32_0 = arith.constant 0 : i32
    return %arg0, %c0_i32 : i32, i32
  }
  func.func @transform_3(%arg0: i32) -> (i32, i32) {
    %c0_i32 = arith.constant 0 : i32
    %c0_i32_0 = arith.constant 0 : i32
    return %arg0, %c0_i32 : i32, i32
  }
  func.func @transform_4(%arg0: i32) -> (i32, i32) {
    %c0_i32 = arith.constant 0 : i32
    %c0_i32_0 = arith.constant 0 : i32
    return %arg0, %c0_i32 : i32, i32
  }
  func.func @transform_5(%arg0: i32) -> (i32, i32) {
    %c0_i32 = arith.constant 0 : i32
    %c0_i32_0 = arith.constant 0 : i32
    %c0_i32_1 = arith.constant 0 : i32
    return %c0_i32, %c0_i32_0 : i32, i32
  }
  func.func @transform_6(%arg0: i32) -> (i32, i32) {
    %c0_i32 = arith.constant 0 : i32
    %c0_i32_0 = arith.constant 0 : i32
    %c0_i32_1 = arith.constant 0 : i32
    return %c0_i32, %c0_i32_0 : i32, i32
  }
  func.func @transform_7(%arg0: i32) -> (i32, i32) {
    %c0_i32 = arith.constant 0 : i32
    %c0_i32_0 = arith.constant 0 : i32
    %c0_i32_1 = arith.constant 0 : i32
    return %c0_i32, %c0_i32_0 : i32, i32
  }
  func.func @transform_8(%arg0: i32) -> (i32, i32) {
    %c0_i32 = arith.constant 0 : i32
    %c0_i32_0 = arith.constant 0 : i32
    %c0_i32_1 = arith.constant 0 : i32
    return %c0_i32, %c0_i32_0 : i32, i32
  }
  func.func @transform_9(%arg0: i32) -> (i32, i32) {
    %c0_i32 = arith.constant 0 : i32
    %c0_i32_0 = arith.constant 0 : i32
    %c0_i32_1 = arith.constant 0 : i32
    return %c0_i32, %c0_i32_0 : i32, i32
  }
  func.func @transform_10(%arg0: i32) -> (i32, i32) {
    %c0_i32 = arith.constant 0 : i32
    %c0_i32_0 = arith.constant 0 : i32
    %c0_i32_1 = arith.constant 0 : i32
    return %c0_i32, %c0_i32_0 : i32, i32
  }
  func.func @transform_11(%arg0: i32) -> (i32, i32) {
    %c0_i32 = arith.constant 0 : i32
    %c0_i32_0 = arith.constant 0 : i32
    %c0_i32_1 = arith.constant 0 : i32
    return %c0_i32, %c0_i32_0 : i32, i32
  }
  func.func @transform_12(%arg0: i32) -> (i32, i32) {
    %c0_i32 = arith.constant 0 : i32
    %c0_i32_0 = arith.constant 0 : i32
    %c0_i32_1 = arith.constant 0 : i32
    return %c0_i32, %c0_i32_0 : i32, i32
  }
  func.func @transform_13(%arg0: i32) -> (i32, i32) {
    %c0_i32 = arith.constant 0 : i32
    %c0_i32_0 = arith.constant 0 : i32
    %c0_i32_1 = arith.constant 0 : i32
    return %c0_i32, %c0_i32_0 : i32, i32
  }
  func.func @transform_14(%arg0: i32) -> (i32, i32) {
    %c0_i32 = arith.constant 0 : i32
    %c0_i32_0 = arith.constant 0 : i32
    %c0_i32_1 = arith.constant 0 : i32
    return %c0_i32, %c0_i32_0 : i32, i32
  }
  func.func @transform_15(%arg0: i32) -> (i32, i32) {
    %c0_i32 = arith.constant 0 : i32
    %c0_i32_0 = arith.constant 0 : i32
    return %arg0, %c0_i32 : i32, i32
  }
}

module attributes {stable_mosaic.version = 14 : i64} {
  func.func @_sage_body(%arg0: i32, %arg1: memref<2000x128xf32, #tpu.memory_space<vmem>>, %arg2: memref<2000x128xf32, #tpu.memory_space<vmem>>, %arg3: memref<2000x128xf32, #tpu.memory_space<vmem>>, %arg4: memref<2000x16xf32, #tpu.memory_space<vmem>>, %arg5: memref<2000x16xf32, #tpu.memory_space<vmem>>, %arg6: memref<128x128xf32, #tpu.memory_space<vmem>>, %arg7: memref<128x128xf32, #tpu.memory_space<vmem>>, %arg8: memref<1x128xf32, #tpu.memory_space<vmem>>, %arg9: memref<2000x128xf32, #tpu.memory_space<vmem>>) attributes {dimension_semantics = [#tpu.dimension_semantics<arbitrary>], iteration_bounds = array<i64: 5>, scalar_prefetch = 0 : i64, scratch_operands = 0 : i64, tpu.core_type = #tpu.core_type<tc>, window_params = [{transform_indices = @transform_0, window_bounds = array<i64: 2000, 128>}, {transform_indices = @transform_1, window_bounds = array<i64: 2000, 128>}, {transform_indices = @transform_2, window_bounds = array<i64: 2000, 128>}, {transform_indices = @transform_3, window_bounds = array<i64: 2000, 16>}, {transform_indices = @transform_4, window_bounds = array<i64: 2000, 16>}, {pipeline_mode = #tpu.pipeline_mode<synchronous>, transform_indices = @transform_5, window_bounds = array<i64: 128, 128>}, {pipeline_mode = #tpu.pipeline_mode<synchronous>, transform_indices = @transform_6, window_bounds = array<i64: 128, 128>}, {pipeline_mode = #tpu.pipeline_mode<synchronous>, transform_indices = @transform_7, window_bounds = array<i64: 1, 128>}, {transform_indices = @transform_8, window_bounds = array<i64: 2000, 128>}]} {
    %get3A = arith.constant 0 : index
    %get3A_0 = arith.constant 4 : index
    %get3A_1 = vector.load %arg4[%get3A, %get3A_0] : memref<2000x16xf32, #tpu.memory_space<vmem>>, vector<2000x1xf32>
    %get3A_2 = arith.constant 0 : index
    %get3A_3 = arith.constant 4 : index
    %get3A_4 = vector.load %arg5[%get3A_2, %get3A_3] : memref<2000x16xf32, #tpu.memory_space<vmem>>, vector<2000x1xf32>
    %add3A = arith.addf %get3A_1, %get3A_4 : vector<2000x1xf32>
    %max3A = arith.constant 1.000000e+00 : f32
    %max3A_5 = vector.broadcast %max3A : f32 to vector<2000x1xf32>
    %max3A_6 = arith.maximumf %add3A, %max3A_5 : vector<2000x1xf32>
    %div3A = arith.constant 1.000000e+00 : f32
    %div3A_7 = vector.broadcast %div3A : f32 to vector<2000x1xf32>
    %div3A_8 = arith.divf %div3A_7, %max3A_6 : vector<2000x1xf32>
    %get3A_9 = arith.constant 0 : index
    %get3A_10 = arith.constant 0 : index
    %get3A_11 = vector.load %arg2[%get3A_9, %get3A_10] : memref<2000x128xf32, #tpu.memory_space<vmem>>, vector<2000x128xf32>
    %get3A_12 = arith.constant 0 : index
    %get3A_13 = arith.constant 0 : index
    %get3A_14 = vector.load %arg3[%get3A_12, %get3A_13] : memref<2000x128xf32, #tpu.memory_space<vmem>>, vector<2000x128xf32>
    %add3A_15 = arith.addf %get3A_11, %get3A_14 : vector<2000x128xf32>
    %mul3A = vector.broadcast %div3A_8 : vector<2000x1xf32> to vector<2000x128xf32>
    %mul3A_16 = arith.mulf %add3A_15, %mul3A : vector<2000x128xf32>
    %get3A_17 = arith.constant 0 : index
    %get3A_18 = arith.constant 0 : index
    %get3A_19 = vector.load %arg1[%get3A_17, %get3A_18] : memref<2000x128xf32, #tpu.memory_space<vmem>>, vector<2000x128xf32>
    %get3A_20 = arith.constant 0 : index
    %get3A_21 = arith.constant 0 : index
    %get3A_22 = vector.load %arg6[%get3A_20, %get3A_21] : memref<128x128xf32, #tpu.memory_space<vmem>>, vector<128x128xf32>
    %dot_general3A = arith.constant dense<0.000000e+00> : vector<2000x128xf32>
    %dot_general3A_23 = tpu.matmul %get3A_19, %get3A_22, %dot_general3A {dimension_numbers = #tpu.dot_dimension_numbers<[1], [0], [0], [1], [0, 0, 1, 1], [], []>, precision = #tpu.contract_precision<fp32>, transpose_lhs_hint = false} : vector<2000x128xf32>, vector<128x128xf32>, vector<2000x128xf32> -> vector<2000x128xf32>
    %get3A_24 = arith.constant 0 : index
    %get3A_25 = arith.constant 0 : index
    %get3A_26 = vector.load %arg7[%get3A_24, %get3A_25] : memref<128x128xf32, #tpu.memory_space<vmem>>, vector<128x128xf32>
    %dot_general3A_27 = arith.constant dense<0.000000e+00> : vector<2000x128xf32>
    %dot_general3A_28 = tpu.matmul %mul3A_16, %get3A_26, %dot_general3A_27 {dimension_numbers = #tpu.dot_dimension_numbers<[1], [0], [0], [1], [0, 0, 1, 1], [], []>, precision = #tpu.contract_precision<fp32>, transpose_lhs_hint = false} : vector<2000x128xf32>, vector<128x128xf32>, vector<2000x128xf32> -> vector<2000x128xf32>
    %add3A_29 = arith.addf %dot_general3A_23, %dot_general3A_28 : vector<2000x128xf32>
    %get3A_30 = arith.constant 0 : index
    %get3A_31 = arith.constant 0 : index
    %get3A_32 = vector.load %arg8[%get3A_30, %get3A_31] : memref<1x128xf32, #tpu.memory_space<vmem>>, vector<1x128xf32>
    %add3A_33 = vector.broadcast %get3A_32 : vector<1x128xf32> to vector<2000x128xf32>
    %add3A_34 = arith.addf %add3A_29, %add3A_33 : vector<2000x128xf32>
    %max3A_35 = arith.constant 0.000000e+00 : f32
    %max3A_36 = vector.broadcast %max3A_35 : f32 to vector<2000x128xf32>
    %max3A_37 = arith.maximumf %add3A_34, %max3A_36 : vector<2000x128xf32>
    %swap3A = arith.constant 0 : index
    %swap3A_38 = arith.constant 0 : index
    %swap3A_39 = vector.load %arg9[%swap3A, %swap3A_38] : memref<2000x128xf32, #tpu.memory_space<vmem>>, vector<2000x128xf32>
    tpu.vector_store %arg9[%swap3A, %swap3A_38], %max3A_37 {strides = array<i32>} : memref<2000x128xf32, #tpu.memory_space<vmem>>, vector<2000x128xf32>,
    return
  }
  func.func @transform_0(%arg0: i32) -> (i32, i32) {
    %c0_i32 = arith.constant 0 : i32
    %c0_i32_0 = arith.constant 0 : i32
    return %arg0, %c0_i32 : i32, i32
  }
  func.func @transform_1(%arg0: i32) -> (i32, i32) {
    %c0_i32 = arith.constant 0 : i32
    %c0_i32_0 = arith.constant 0 : i32
    return %arg0, %c0_i32 : i32, i32
  }
  func.func @transform_2(%arg0: i32) -> (i32, i32) {
    %c0_i32 = arith.constant 0 : i32
    %c0_i32_0 = arith.constant 0 : i32
    return %arg0, %c0_i32 : i32, i32
  }
  func.func @transform_3(%arg0: i32) -> (i32, i32) {
    %c0_i32 = arith.constant 0 : i32
    %c0_i32_0 = arith.constant 0 : i32
    return %arg0, %c0_i32 : i32, i32
  }
  func.func @transform_4(%arg0: i32) -> (i32, i32) {
    %c0_i32 = arith.constant 0 : i32
    %c0_i32_0 = arith.constant 0 : i32
    return %arg0, %c0_i32 : i32, i32
  }
  func.func @transform_5(%arg0: i32) -> (i32, i32) {
    %c0_i32 = arith.constant 0 : i32
    %c0_i32_0 = arith.constant 0 : i32
    %c0_i32_1 = arith.constant 0 : i32
    return %c0_i32, %c0_i32_0 : i32, i32
  }
  func.func @transform_6(%arg0: i32) -> (i32, i32) {
    %c0_i32 = arith.constant 0 : i32
    %c0_i32_0 = arith.constant 0 : i32
    %c0_i32_1 = arith.constant 0 : i32
    return %c0_i32, %c0_i32_0 : i32, i32
  }
  func.func @transform_7(%arg0: i32) -> (i32, i32) {
    %c0_i32 = arith.constant 0 : i32
    %c0_i32_0 = arith.constant 0 : i32
    %c0_i32_1 = arith.constant 0 : i32
    return %c0_i32, %c0_i32_0 : i32, i32
  }
  func.func @transform_8(%arg0: i32) -> (i32, i32) {
    %c0_i32 = arith.constant 0 : i32
    %c0_i32_0 = arith.constant 0 : i32
    return %arg0, %c0_i32 : i32, i32
  }
}

module attributes {stable_mosaic.version = 14 : i64} {
  func.func @_head_body(%arg0: memref<1024x128xf32, #tpu.memory_space<vmem>>, %arg1: memref<1024x128xf32, #tpu.memory_space<vmem>>, %arg2: memref<1024x128xf32, #tpu.memory_space<vmem>>, %arg3: memref<1024x16xf32, #tpu.memory_space<vmem>>, %arg4: memref<1024x16xf32, #tpu.memory_space<vmem>>, %arg5: memref<128x128xf32, #tpu.memory_space<vmem>>, %arg6: memref<128x128xf32, #tpu.memory_space<vmem>>, %arg7: memref<1x128xf32, #tpu.memory_space<vmem>>, %arg8: memref<1x128xf32, #tpu.memory_space<vmem>>, %arg9: memref<1x128xf32, #tpu.memory_space<vmem>>, %arg10: memref<128x64xf32, #tpu.memory_space<vmem>>, %arg11: memref<1x64xf32, #tpu.memory_space<vmem>>, %arg12: memref<1024x64xf32, #tpu.memory_space<vmem>>) attributes {dimension_semantics = [], scalar_prefetch = 0 : i64, scratch_operands = 0 : i64, tpu.core_type = #tpu.core_type<tc>} {
    %get3A = arith.constant 0 : index
    %get3A_0 = arith.constant 4 : index
    %get3A_1 = vector.load %arg3[%get3A, %get3A_0] : memref<1024x16xf32, #tpu.memory_space<vmem>>, vector<1024x1xf32>
    %get3A_2 = arith.constant 0 : index
    %get3A_3 = arith.constant 4 : index
    %get3A_4 = vector.load %arg4[%get3A_2, %get3A_3] : memref<1024x16xf32, #tpu.memory_space<vmem>>, vector<1024x1xf32>
    %add3A = arith.addf %get3A_1, %get3A_4 : vector<1024x1xf32>
    %max3A = arith.constant 1.000000e+00 : f32
    %max3A_5 = vector.broadcast %max3A : f32 to vector<1024x1xf32>
    %max3A_6 = arith.maximumf %add3A, %max3A_5 : vector<1024x1xf32>
    %div3A = arith.constant 1.000000e+00 : f32
    %div3A_7 = vector.broadcast %div3A : f32 to vector<1024x1xf32>
    %div3A_8 = arith.divf %div3A_7, %max3A_6 : vector<1024x1xf32>
    %get3A_9 = arith.constant 0 : index
    %get3A_10 = arith.constant 0 : index
    %get3A_11 = vector.load %arg1[%get3A_9, %get3A_10] : memref<1024x128xf32, #tpu.memory_space<vmem>>, vector<1024x128xf32>
    %get3A_12 = arith.constant 0 : index
    %get3A_13 = arith.constant 0 : index
    %get3A_14 = vector.load %arg2[%get3A_12, %get3A_13] : memref<1024x128xf32, #tpu.memory_space<vmem>>, vector<1024x128xf32>
    %add3A_15 = arith.addf %get3A_11, %get3A_14 : vector<1024x128xf32>
    %mul3A = vector.broadcast %div3A_8 : vector<1024x1xf32> to vector<1024x128xf32>
    %mul3A_16 = arith.mulf %add3A_15, %mul3A : vector<1024x128xf32>
    %get3A_17 = arith.constant 0 : index
    %get3A_18 = arith.constant 0 : index
    %get3A_19 = vector.load %arg0[%get3A_17, %get3A_18] : memref<1024x128xf32, #tpu.memory_space<vmem>>, vector<1024x128xf32>
    %get3A_20 = arith.constant 0 : index
    %get3A_21 = arith.constant 0 : index
    %get3A_22 = vector.load %arg5[%get3A_20, %get3A_21] : memref<128x128xf32, #tpu.memory_space<vmem>>, vector<128x128xf32>
    %dot_general3A = arith.constant dense<0.000000e+00> : vector<1024x128xf32>
    %dot_general3A_23 = tpu.matmul %get3A_19, %get3A_22, %dot_general3A {dimension_numbers = #tpu.dot_dimension_numbers<[1], [0], [0], [1], [0, 0, 1, 1], [], []>, precision = #tpu.contract_precision<fp32>, transpose_lhs_hint = false} : vector<1024x128xf32>, vector<128x128xf32>, vector<1024x128xf32> -> vector<1024x128xf32>
    %get3A_24 = arith.constant 0 : index
    %get3A_25 = arith.constant 0 : index
    %get3A_26 = vector.load %arg6[%get3A_24, %get3A_25] : memref<128x128xf32, #tpu.memory_space<vmem>>, vector<128x128xf32>
    %dot_general3A_27 = arith.constant dense<0.000000e+00> : vector<1024x128xf32>
    %dot_general3A_28 = tpu.matmul %mul3A_16, %get3A_26, %dot_general3A_27 {dimension_numbers = #tpu.dot_dimension_numbers<[1], [0], [0], [1], [0, 0, 1, 1], [], []>, precision = #tpu.contract_precision<fp32>, transpose_lhs_hint = false} : vector<1024x128xf32>, vector<128x128xf32>, vector<1024x128xf32> -> vector<1024x128xf32>
    %add3A_29 = arith.addf %dot_general3A_23, %dot_general3A_28 : vector<1024x128xf32>
    %get3A_30 = arith.constant 0 : index
    %get3A_31 = arith.constant 0 : index
    %get3A_32 = vector.load %arg7[%get3A_30, %get3A_31] : memref<1x128xf32, #tpu.memory_space<vmem>>, vector<1x128xf32>
    %add3A_33 = vector.broadcast %get3A_32 : vector<1x128xf32> to vector<1024x128xf32>
    %add3A_34 = arith.addf %add3A_29, %add3A_33 : vector<1024x128xf32>
    %max3A_35 = arith.constant 0.000000e+00 : f32
    %max3A_36 = vector.broadcast %max3A_35 : f32 to vector<1024x128xf32>
    %max3A_37 = arith.maximumf %add3A_34, %max3A_36 : vector<1024x128xf32>
    %reduce_sum3A = arith.constant dense<0.000000e+00> : vector<1024xf32>
    %reduce_sum3A_38 = vector.multi_reduction <add>, %max3A_37, %reduce_sum3A [1] : vector<1024x128xf32> to vector<1024xf32>
    %broadcast_in_dim3A = vector.shape_cast %reduce_sum3A_38 : vector<1024xf32> to vector<1024x1xf32>
    %div3A_39 = arith.constant 1.280000e+02 : f32
    %div3A_40 = vector.broadcast %div3A_39 : f32 to vector<1024x1xf32>
    %div3A_41 = arith.divf %broadcast_in_dim3A, %div3A_40 : vector<1024x1xf32>
    %sub3A = vector.broadcast %div3A_41 : vector<1024x1xf32> to vector<1024x128xf32>
    %sub3A_42 = arith.subf %max3A_37, %sub3A : vector<1024x128xf32>
    %sub3A_43 = vector.broadcast %div3A_41 : vector<1024x1xf32> to vector<1024x128xf32>
    %sub3A_44 = arith.subf %max3A_37, %sub3A_43 : vector<1024x128xf32>
    %mul3A_45 = arith.mulf %sub3A_42, %sub3A_44 : vector<1024x128xf32>
    %reduce_sum3A_46 = arith.constant dense<0.000000e+00> : vector<1024xf32>
    %reduce_sum3A_47 = vector.multi_reduction <add>, %mul3A_45, %reduce_sum3A_46 [1] : vector<1024x128xf32> to vector<1024xf32>
    %broadcast_in_dim3A_48 = vector.shape_cast %reduce_sum3A_47 : vector<1024xf32> to vector<1024x1xf32>
    %div3A_49 = arith.constant 1.280000e+02 : f32
    %div3A_50 = vector.broadcast %div3A_49 : f32 to vector<1024x1xf32>
    %div3A_51 = arith.divf %broadcast_in_dim3A_48, %div3A_50 : vector<1024x1xf32>
    %sub3A_52 = vector.broadcast %div3A_41 : vector<1024x1xf32> to vector<1024x128xf32>
    %sub3A_53 = arith.subf %max3A_37, %sub3A_52 : vector<1024x128xf32>
    %add3A_54 = arith.constant 9.99999974E-6 : f32
    %add3A_55 = vector.broadcast %add3A_54 : f32 to vector<1024x1xf32>
    %add3A_56 = arith.addf %div3A_51, %add3A_55 : vector<1024x1xf32>
    %rsqrt3A = math.rsqrt %add3A_56 : vector<1024x1xf32>
    %mul3A_57 = vector.broadcast %rsqrt3A : vector<1024x1xf32> to vector<1024x128xf32>
    %mul3A_58 = arith.mulf %sub3A_53, %mul3A_57 : vector<1024x128xf32>
    %get3A_59 = arith.constant 0 : index
    %get3A_60 = arith.constant 0 : index
    %get3A_61 = vector.load %arg8[%get3A_59, %get3A_60] : memref<1x128xf32, #tpu.memory_space<vmem>>, vector<1x128xf32>
    %mul3A_62 = vector.broadcast %get3A_61 : vector<1x128xf32> to vector<1024x128xf32>
    %mul3A_63 = arith.mulf %mul3A_58, %mul3A_62 : vector<1024x128xf32>
    %get3A_64 = arith.constant 0 : index
    %get3A_65 = arith.constant 0 : index
    %get3A_66 = vector.load %arg9[%get3A_64, %get3A_65] : memref<1x128xf32, #tpu.memory_space<vmem>>, vector<1x128xf32>
    %add3A_67 = vector.broadcast %get3A_66 : vector<1x128xf32> to vector<1024x128xf32>
    %add3A_68 = arith.addf %mul3A_63, %add3A_67 : vector<1024x128xf32>
    %get3A_69 = arith.constant 0 : index
    %get3A_70 = arith.constant 0 : index
    %get3A_71 = vector.load %arg10[%get3A_69, %get3A_70] : memref<128x64xf32, #tpu.memory_space<vmem>>, vector<128x64xf32>
    %dot_general3A_72 = arith.constant dense<0.000000e+00> : vector<1024x64xf32>
    %dot_general3A_73 = tpu.matmul %add3A_68, %get3A_71, %dot_general3A_72 {dimension_numbers = #tpu.dot_dimension_numbers<[1], [0], [0], [1], [0, 0, 1, 1], [], []>, precision = #tpu.contract_precision<fp32>, transpose_lhs_hint = false} : vector<1024x128xf32>, vector<128x64xf32>, vector<1024x64xf32> -> vector<1024x64xf32>
    %get3A_74 = arith.constant 0 : index
    %get3A_75 = arith.constant 0 : index
    %get3A_76 = vector.load %arg11[%get3A_74, %get3A_75] : memref<1x64xf32, #tpu.memory_space<vmem>>, vector<1x64xf32>
    %add3A_77 = vector.broadcast %get3A_76 : vector<1x64xf32> to vector<1024x64xf32>
    %add3A_78 = arith.addf %dot_general3A_73, %add3A_77 : vector<1024x64xf32>
    %swap3A = arith.constant 0 : index
    %swap3A_79 = arith.constant 0 : index
    %swap3A_80 = vector.load %arg12[%swap3A, %swap3A_79] : memref<1024x64xf32, #tpu.memory_space<vmem>>, vector<1024x64xf32>
    tpu.vector_store %arg12[%swap3A, %swap3A_79], %add3A_78 {strides = array<i32>} : memref<1024x64xf32, #tpu.memory_space<vmem>>, vector<1024x64xf32>,
    return
  }
}

</mosaic_0001>

<sc_bundles>
// kernel: kernel.10.cloned.1.call-start
scs
__scs_entry_jumppad:
0x0: {  	(pc) =	sbr.rel $0x88, $3  }
0x1: {  	(tag) =	ssettag $0x0;
	lr =	simm.s32 $0x1  }
0x2: {  	[smem:$0x3F84] =	sst lr;
	_ =	strace $0xD0000000  }
0x3: {  	_ = 	snop  }
0x4: {  	_ = 	snop  }
0x5: {  	_ = 	snop  }
0x6: {  	_ = 	snop  }
0x7: {  	_ = 	snop  }
__scs_overlays_trampoline_lowered:
0x8: {  	[smem:$0x3F93] =	sst s0  }
0x9: {  	[smem:$0x3F94] =	sst s1  }
0xa: {  	[smem:$0x3F95] =	sst s2  }
0xb: {  	[smem:$0x3F96] =	sst s3  }
0xc: {  	[smem:$0x3F97] =	sst s4  }
0xd: {  	[smem:$0x3F98] =	sst s5  }
0xe: {  	[smem:$0x3F99] =	sst s6  }
0xf: {  	[smem:$0x3F9A] =	sst s7  }
0x10: {  	[smem:$0x3F9B] =	sst s8  }
0x11: {  	[smem:$0x3F9C] =	sst s9;
	s0 =	simm.s32 @!p0 $0x0  }
0x12: {  	s1 =	sld [smem:$0x3F82];
	s0 =	simm.s32 @p0 $0x1  }
0x13: {  	[smem:$0x3F9D] =	sst s0;
	s0 =	simm.s32 @!p1 $0x0  }
0x14: {  	s2 =	sld [smem:$0x3F81];
	s0 =	simm.s32 @p1 $0x1  }
0x15: {  	[smem:$0x3F9E] =	sst s0;
	s0 =	simm.s32 @!p2 $0x0  }
0x16: {  	s3 =	sld [smem:$0x3FDB];
	s0 =	simm.s32 @p2 $0x1  }
0x17: {  	s4 =	simm.s32 $0x1BF5;
	[smem:$0x3FA0] =	sst s0  }
0x18: {  	s0 =	sld [smem:$0x3F83];
	_ =	swait.ge [sflag:s4], $0x0  }
0x19: {  	s7 =	sld [smem:$0x3F84]  }
0x1a: {  	s8 =	sadd.s32 $0xFFFFE003, lr  }
0x1b: {  	s9 =	sadd.s32 $0xFFFFFEF7, lr;
	s5 =	simm.s32 $0xFFFFFFFF;
	p2 =	slt.u32 s8, $0xFFFFF086  }
0x1c: {  	p1 =	slt.u32 s9, $0xF7A;
	s5 =	simm.s32 @!p2 $0x0  }
0x1d: {  	s5 =	simm.s32 @p1 $0x1;
	p0 =	seq.s32 s7, s2  }
0x1e: {  	s7 =	smul.u32 @!p0 $0xF7A, s2;
	p2 =	seq.s32 @!p0 s5, $0x0  }
0x1f: {  	s9 =	smul.u32 $0xF7A, s1;
	s8 =	simm.s32 @!p0 $0x1BF5;
	p2 =	por !p2, p0  }
0x20: {  	[sflag:s8] =	ssyncset.s32 @!p0 $0xFFFFF086;
	s6 =	sadd.s32 @!p0 s3, s7;
	s7 =	simm.s32 @!p0 $0x108  }
0x21: {  	s3 =	sadd.s32 s3, s9;
	s6 =	sadd.s32 @!p0 $0x88, s6;
	s7 =	simm.s32 @p2 $0x1082  }
0x22: {  	[simem:s7], [sflag:s8] =	dma.local @!p0 [hbm:s6], $0xF7A  }
0x23: {  	s9 =	sor.u32 $0xD0000000, s2;
	s6 =	simm.s32 $0x108;
	_ =	swait.ge @!p0 [sflag:s8], $0x0  }
0x24: {  	s3 =	sadd.s32 $0x88, s3;
	s6 =	simm.s32 @!p1 $0x1082;
	[sflag:s4] =	ssyncset.s32 $0xFFFFF086  }
0x25: {  	[simem:s6], [sflag:s4] =	dma.local [hbm:s3], $0xF7A  }
0x26: {  	[smem:$0x3F84] =	sst s1;
	(tag) =	ssettag s2;
	_ =	strace s9  }
0x27: {  	s1 =	sld [smem:$0x3F94]  }
0x28: {  	s2 =	sld [smem:$0x3F95]  }
0x29: {  	s4 =	sld [smem:$0x3F97]  }
0x2a: {  	p0 =	seq.s32 s5, $0x0;
	s5 =	sld [smem:$0x3F98]  }
0x2b: {  	s6 =	sld [smem:$0x3F99]  }
0x2c: {  	s7 =	sld [smem:$0x3F9A]  }
0x2d: {  	s3 =	simm.s32 $0x108;
	s8 =	sld [smem:$0x3F9B]  }
0x2e: {  	s3 =	simm.s32 @!p0 $0x1082;
	s9 =	sld [smem:$0x3F9C]  }
0x2f: {  	lr =	sadd.s32 s0, s3;
	s0 =	sld [smem:$0x3F93]  }
0x30: {  	s3 =	sld [smem:$0x3F96]  }
0x31: {  	[smem:$0x3F9F] =	sst s10  }
0x32: {  	s10 =	sld [smem:$0x3F9D];
	_ =	sdelay $0x3  }
0x33: {  	p0 =	seq.s32 s10, $0x1;
	s10 =	sld [smem:$0x3F9F];
	_ =	sdelay $0x3  }
0x34: {  	[smem:$0x3F9F] =	sst s10  }
0x35: {  	s10 =	sld [smem:$0x3F9E];
	_ =	sdelay $0x3  }
0x36: {  	p1 =	seq.s32 s10, $0x1;
	s10 =	sld [smem:$0x3F9F];
	_ =	sdelay $0x3  }
0x37: {  	[smem:$0x3F9F] =	sst s10  }
0x38: {  	s10 =	sld [smem:$0x3FA0]  }
0x39: {  	_ = 	snop;
	(pc) =	sbr.ind lr, $3  }
0x3a: {  	_ = 	snop  }
0x3b: {  	_ = 	snop  }
0x3c: {  	p2 =	seq.s32 s10, $0x1;
	s10 =	sld [smem:$0x3F9F]  }
0x3d: {  	_ =	shalt  }
0x3e: {  	_ =	shalt  }
0x3f: {  	_ =	shalt  }
0x40: {  	_ =	shalt  }
0x41: {  	_ =	shalt  }
0x42: {  	_ =	shalt  }
0x43: {  	_ =	shalt  }
0x44: {  	_ =	shalt  }
0x45: {  	_ =	shalt  }
0x46: {  	_ =	shalt  }
0x47: {  	_ =	shalt  }
0x48: {  	_ =	shalt  }
0x49: {  	_ =	shalt  }
0x4a: {  	_ =	shalt  }
0x4b: {  	_ =	shalt  }
0x4c: {  	_ =	shalt  }
0x4d: {  	_ =	shalt  }
0x4e: {  	_ =	shalt  }
0x4f: {  	_ =	shalt  }
0x50: {  	_ =	shalt  }
0x51: {  	_ =	shalt  }
0x52: {  	_ =	shalt  }
0x53: {  	_ =	shalt  }
0x54: {  	_ =	shalt  }
0x55: {  	_ =	shalt  }
0x56: {  	_ =	shalt  }
0x57: {  	_ =	shalt  }
0x58: {  	_ =	shalt  }
0x59: {  	_ =	shalt  }
0x5a: {  	_ =	shalt  }
0x5b: {  	_ =	shalt  }
0x5c: {  	_ =	shalt  }
0x5d: {  	_ =	shalt  }
0x5e: {  	_ =	shalt  }
0x5f: {  	_ =	shalt  }
0x60: {  	_ =	shalt  }
0x61: {  	_ =	shalt  }
0x62: {  	_ =	shalt  }
0x63: {  	_ =	shalt  }
0x64: {  	_ =	shalt  }
0x65: {  	_ =	shalt  }
0x66: {  	_ =	shalt  }
0x67: {  	_ =	shalt  }
0x68: {  	_ =	shalt  }
0x69: {  	_ =	shalt  }
0x6a: {  	_ =	shalt  }
0x6b: {  	_ =	shalt  }
0x6c: {  	_ =	shalt  }
0x6d: {  	_ =	shalt  }
0x6e: {  	_ =	shalt  }
0x6f: {  	_ =	shalt  }
0x70: {  	_ =	shalt  }
0x71: {  	_ =	shalt  }
0x72: {  	_ =	shalt  }
0x73: {  	_ =	shalt  }
0x74: {  	_ =	shalt  }
0x75: {  	_ =	shalt  }
0x76: {  	_ =	shalt  }
0x77: {  	_ =	shalt  }
0x78: {  	_ =	shalt  }
0x79: {  	_ =	shalt  }
0x7a: {  	_ =	shalt  }
0x7b: {  	_ =	shalt  }
0x7c: {  	_ =	shalt  }
0x7d: {  	_ =	shalt  }
0x7e: {  	_ =	shalt  }
0x7f: {  	_ =	shalt  }
0x80: {  	_ =	shalt  }
0x81: {  	_ =	shalt  }
0x82: {  	_ =	shalt  }
0x83: {  	_ =	shalt  }
0x84: {  	_ =	shalt  }
0x85: {  	_ =	shalt  }
0x86: {  	_ =	shalt  }
0x87: {  	_ =	shalt  }
.Lfunc_end0:
.L_simem_size_0:
called_computation_lowered:
.L_overlay_start_0:
0x88: {  	s2 =	sld [smem:$0x3FD9]  }
0x89: {  	s3 =	sld [smem:$0x3FFE];
	_ =	sdelay $0x1  }
0x8a: {  	s1 =	srdreg.scid  }
0x8b: {  	s0 =	sand.u32 $0x1, s1  }
0x8c: {  	s17 =	sshll.u32 s0, $0xA;
	s2 =	sadd.s32 s3, s2  }
0x8d: {  	s2 =	sadd.s32 s2, s17  }
0x8e: {  	[smem:$0x3FAB] =	sst s2  }
0x8f: {  	_ = 	snop  }
0x90: {  	s2 =	sld [smem:$0x3FC5]  }
0x91: {  	s18 =	sld [smem:$0x3FD0];
	(tm) =	ssettm $0x1  }
0x92: {  	s4 =	sld [smem:$0x3FFB];
	_ =	sdelay $0x3  }
0x93: {  	_ =	strace s4  }
0x94: {  	s4 =	sld [smem:$0x3FFC];
	_ =	sdelay $0x3  }
0x95: {  	_ =	strace s4  }
0x96: {  	s4 =	sld [smem:$0x3FFD];
	_ =	sdelay $0x3  }
0x97: {  	_ =	strace s4  }
0x98: {  	_ =	strace $0x8FFFFFFF  }
0x99: {  	s19 =	sld [smem:$0x3FDB];
	_ =	sdelay $0x1  }
0x9a: {  	s5 =	simm.s32 $_scs_section_size  }
0x9b: {  	s6 =	simm.s32 $_size__tile_overlayer_lowered;
	s7 =	simm.s32 $_tile_overlayer_lowered  }
0x9c: {  	s22 =	simm.s32 $0x1BFF;
	s21 =	sshll.u32 s7, $0x1;
	s4 =	sadd.s32 s5, s19  }
0x9d: {  	s8 =	simm.s32 $0x0;
	s20 =	sshll.u32 s6, $0x1;
	s6 =	sadd.s32 s21, s4  }
0x9e: {  	[timem:s8], [sflag:s22] =	dma.local [hbm:s6], s20  }
0x9f: {  	_ =	swait.ge [sflag:s22], s20  }
0xa0: {  	s5 =	ssub.s32 $0x0, s20;
	[sflag:s22] =	ssyncset.done $0x0  }
0xa1: {  	[sflag:s22] =	ssyncadd.s32 s5;
	_ =	sdelay $0x1  }
0xa2: {  	s23 =	simm.s32 $0x1B8B  }
0xa3: {  	_ =	swait.ge [sflag:s23], $0x1  }
0xa4: {  	[sflag:s23] =	ssyncset.done $0x0  }
0xa5: {  	s25 =	simm.s32 $0x1B8E;
	s24 =	sld [smem:$0x3FFE];
	[sflag:s23] =	ssyncadd.s32 $0xFFFFFFFF  }
0xa6: {  	s26 =	simm.s32 $execute0_lowered;
	[smem:$0x3FD2] =	sst s25  }
0xa7: {  	s6 =	sshll.u32 s26, $0x1;
	_ =	strace $0x80000046;
	[dreg:$0x1] =	wrdreg $0xFFFFFFFF  }
0xa8: {  	s28 =	simm.s32 $_size_execute0_lowered;
	s4 =	sadd.s32 s4, s6;
	[dreg:$0x0] =	wrdreg $0x0  }
0xa9: {  	s6 =	sshll.u32 s28, $0x1;
	[dreg:$0x2] =	wrdreg s4  }
0xaa: {  	[dreg:$0x3] =	wrdreg s6  }
0xab: {  	[dreg:$0x4] =	wrdreg $0xC0  }
0xac: {  	_ =	task [dreg:s8], $0x5FFFF  }
0xad: {  	[dreg:$0x1] =	wrdreg $0xFFFFFFFF  }
0xae: {  	[dreg:$0x0] =	wrdreg $0x60  }
0xaf: {  	[dreg:$0x2] =	wrdreg s24  }
0xb0: {  	[dreg:$0x3] =	wrdreg s18  }
0xb1: {  	[dreg:$0x4] =	wrdreg s2  }
0xb2: {  	[dreg:$0x5] =	wrdreg $0x93800  }
0xb3: {  	[dreg:$0x6] =	wrdreg $0x9  }
0xb4: {  	_ =	task.clear_ibuf [dreg:s8], $0x7FFFF;
	_ =	strace $0x90000046  }
0xb5: {  	s29 =	simm.s32 $0x9;
	_ =	strace $0x80000048  }
0xb6: {  	_ =	swait.ge [sflag:s29], $0x1  }
0xb7: {  	[sflag:s29] =	ssyncadd.s32 $0xFFFFFFFF  }
0xb8: {  	_ =	strace $0x90000048  }
0xb9: {  	_ =	sfence  }
0xba: {  	s30 =	sld [smem:$0x0];
	_ =	sdelay $0x2  }
0xbb: {  	s31 =	sshll.u32 s1, $0xD;
	s1 =	sshrl.u32 s1, $0x2  }
0xbc: {  	s3 =	sand.u32 $0x4000, s31;
	s1 =	sadd.s32 s1, s30  }
0xbd: {  	s0 =	sor.u32 s3, s0;
	s1 =	sshll.u32 s1, $0x11  }
0xbe: {  	s0 =	sor.u32 s1, s0  }
0xbf: {  	s0 =	sadd.s32 $0x8F2B, s0  }
0xc0: {  	[sflag:s0] =	ssyncadd.remote.s32 $0x1  }
0xc1: {  	_ =	sfence.sel $0xFFFF  }
0xc2: {  	[dreg:$0x0] =	wrdreg $0xFFFFFFFF;
	(pc) =	sbr.abs _section_cstart, $3  }
0xc3: {  	[dreg:$0x1] =	wrdreg $0xFFFFFFFF  }
0xc4: {  	_ =	task.clear_ibuf [dreg:s8], $0x2FFFF;
	_ =	strace $0x9FFFFFFF  }
0xc5: {  	(tm) =	ssettm $0x7FFFFFFF  }
tec
execute0_lowered:
.L_overlay_start_1:
0x0: {  	(tag) =	ssettag $0x1  }
0x1: {  	s1 =	rddreg [dreg:$0x0]  }
0x2: {  	s0 =	srdreg.scid;
	s7 =	rddreg [dreg:$0x1]  }
0x3: {  	s12 =	stileid.u32;
	s2 =	rddreg [dreg:$0x2];
	s4 =	simm.s32 $0x0  }
0x4: {  	s28 =	simm.s32 $0x5780;
	s29 =	simm.s32 $0x1;
	s31 =	simm.s32 $0x5DC0  }
0x5: {  	s30 =	simm.s32 $0x6400;
	s13 =	simm.s32 $0x6B80;
	s6 =	smul.u32 $0x4E2, s12  }
0x6: {  	s0 =	sand.u32 $0x1, s0;
	[smem:$0x7FF] =	sst s4;
	s14 =	smul.u32 $0x9C40, s12  }
0x7: {  	s3 =	sshll.u32 s0, $0x4;
	s9 =	smul.u32 $0x4E20, s0;
	s0 =	ssub.s32 $0x2, s0  }
0x8: {  	s8 =	sor.u32 s12, s3;
	s3 =	rddreg [dreg:$0x3];
	_ =	strace $0x80000047  }
0x9: {  	s16 =	sshrl.u32 s0, $0x1;
	s12 =	simm.s32 $0x50;
	s5 =	smul.u32 $0x514, s8  }
0xa: {  	s10 =	smul.u32 $0x1400, s8;
	s6 =	sadd.s32 s6, s9;
	s9 =	sshrl.u32 s14, $0x2  }
0xb: {  	s0 =	ssub.s32 s0, s16;
	s8 =	smul.u32 $0x28, s8;
	s14 =	simm.s32 $0x0  }
0xc: {  	s15 =	sadd.s32 s6, s1;
	s6 =	sadd.s32 s9, s3;
	s0 =	smax.u32 s0, $0x1  }
0xd: {  	s9 =	simm.s32 $0x7;
	s19 =	sadd.s32 $0x2580, s6;
	[dreg:$0xa] =	wrdreg s0  }
0xe: {  	s11 =	sadd.s32 s5, s1;
	s7 =	sadd.s32 s7, s8;
	[dreg:$0x7] =	wrdreg s19  }
0xf: {  	s5 =	sadd.s32 $0x2EA00, s1;
	s20 =	sadd.s32 $0x33A00, s15;
	[dreg:$0x8] =	wrdreg s7  }
0x10: {  	s1 =	sadd.s32 s10, s1;
	s21 =	sadd.s32 $0x640, s6;
	[dreg:$0x9] =	wrdreg s20  }
0x11: {  	s22 =	sadd.s32 $0xC80, s6;
	s23 =	sadd.s32 $0x12C0, s6;
	[dreg:$0xb] =	wrdreg s21  }
0x12: {  	s24 =	sadd.s32 $0x1900, s6;
	s25 =	sadd.s32 $0x1F40, s6;
	[dreg:$0xc] =	wrdreg s22  }
0x13: {  	s0 =	simm.s32 $0x3;
	s8 =	simm.s32 $0x6;
	[dreg:$0xd] =	wrdreg s23  }
0x14: {  	s10 =	simm.s32 $0x8;
	s17 =	sadd.s32 $0x24600, s11;
	[dreg:$0xe] =	wrdreg s24  }
0x15: {  	s18 =	sadd.s32 $0x1A200, s11;
	[dreg:$0xf] =	wrdreg s25;
	s26 =	sadd.s32 $0x3D800, s1  }
.Ltmp0:
0x16: {  	s19 =	sadd.s32 $0x3DD00, s1;
	s20 =	sadd.s32 $0x3E200, s1;
	(pc) =	sbr.rel .LBB2_1-.Ltmp0, $4  }
0x17: {  	s21 =	sadd.s32 $0x3E700, s1;
	s22 =	simm.s32 $0x9;
	s23 =	simm.s32 $0x28A0  }
0x18: {  	s24 =	simm.s32 $0x5140;
	s25 =	simm.s32 $0x64;
	[dreg:$0x5] =	wrdreg s17  }
0x19: {  	s1 =	simm.s32 $0x2;
	s7 =	simm.s32 $0x4;
	[dreg:$0x6] =	wrdreg s18  }
0x1a: {  	v0 =	vimm.f32 $0.0e+00;
	s11 =	simm.s32 $0x6A40;
	[dreg:$0x10] =	wrdreg s26;
	s26 =	simm.s32 $0x5  }
.LBB2_6:
0x1b: {  	_ =	swait.ge [sflag:s7], $0x640  }
0x1c: {  	[sflag:s7] =	ssyncset.done $0x0  }
0x1d: {  	[sflag:s7] =	ssyncadd.s32 $0xFFFFF9C0  }
0x1e: {  	[spmem:s3] =	stream.indirect.scatter.add.f32 [tilespmem:s30], [sflag:$0x8], $0x10, s17, s25, $0xb8;
	[tilespmem:$0xBA90] =	vst v63  }
0x1f: {  	_ =	swait.ge [sflag:s26], $0x640  }
0x20: {  	[sflag:s26] =	ssyncset.done $0x0  }
0x21: {  	[sflag:s26] =	ssyncadd.s32 $0xFFFFF9C0  }
0x22: {  	_ =	swait.ge [sflag:s8], $0x640  }
0x23: {  	[sflag:s8] =	ssyncset.done $0x0  }
0x24: {  	[sflag:s8] =	ssyncadd.s32 $0xFFFFF9C0  }
0x25: {  	_ =	swait.ge [sflag:s9], $0x640  }
0x26: {  	[sflag:s9] =	ssyncset.done $0x0  }
0x27: {  	[sflag:s9] =	ssyncadd.s32 $0xFFFFF9C0  }
0x28: {  	_ =	swait.ge [sflag:s10], $0x640  }
0x29: {  	[sflag:s10] =	ssyncset.done $0x0  }
0x2a: {  	s15 =	rddreg [dreg:$0x8];
	[sflag:s10] =	ssyncadd.s32 $0xFFFFF9C0  }
0x2b: {  	[tilespmem:s11], [sflag:$0x9] =	stream.linear.gather [hbm4b:s15+s4], $0x140, $0x38;
	[tilespmem:$0xBA90] =	vst v63  }
0x2c: {  	_ =	swait.ge [sflag:s22], $0x140  }
0x2d: {  	[sflag:s22] =	ssyncset.done $0x0  }
0x2e: {  	[sflag:s22] =	ssyncadd.s32 $0xFFFFFEC0  }
0x2f: {  	[tilespmem:s13], [sflag:$0x1] =	stream.indirect.gather [hbm4b:s2+s12], $0x80, s11, s12, $0xb8;
	[tilespmem:$0xBA90] =	vst v63  }
0x30: {  	_ =	swait.ge [sflag:s29], $0x2800  }
0x31: {  	[sflag:s29] =	ssyncset.done $0x0  }
0x32: {  	s16 =	rddreg [dreg:$0x10];
	[sflag:s29] =	ssyncadd.s32 $0xFFFFD800  }
0x33: {  	[hbm4b:s16+s4] =	stream.linear.scatter [tilespmem:s13], [sflag:$0x9], $0x2800, $0x38;
	[tilespmem:$0xBA90] =	vst v63  }
0x34: {  	_ =	swait.ge [sflag:s22], $0x2800  }
0x35: {  	[sflag:s22] =	ssyncset.done $0x0  }
0x36: {  	s17 =	simm.s32 $0x6A90;
	[sflag:s22] =	ssyncadd.s32 $0xFFFFD800  }
0x37: {  	[tilespmem:s13], [sflag:$0x1] =	stream.indirect.gather [hbm4b:s2+s12], $0x80, s17, s12, $0xb8;
	[tilespmem:$0xBA90] =	vst v63  }
0x38: {  	_ =	swait.ge [sflag:s29], $0x2800  }
0x39: {  	[sflag:s29] =	ssyncset.done $0x0  }
0x3a: {  	[sflag:s29] =	ssyncadd.s32 $0xFFFFD800  }
0x3b: {  	[hbm4b:s19+s4] =	stream.linear.scatter [tilespmem:s13], [sflag:$0x9], $0x2800, $0x38;
	[tilespmem:$0xBA90] =	vst v63  }
0x3c: {  	_ =	swait.ge [sflag:s22], $0x2800  }
0x3d: {  	[sflag:s22] =	ssyncset.done $0x0  }
0x3e: {  	s18 =	simm.s32 $0x6AE0;
	[sflag:s22] =	ssyncadd.s32 $0xFFFFD800  }
0x3f: {  	[tilespmem:s13], [sflag:$0x1] =	stream.indirect.gather [hbm4b:s2+s12], $0x80, s18, s12, $0xb8;
	[tilespmem:$0xBA90] =	vst v63  }
0x40: {  	_ =	swait.ge [sflag:s29], $0x2800  }
0x41: {  	[sflag:s29] =	ssyncset.done $0x0  }
0x42: {  	[sflag:s29] =	ssyncadd.s32 $0xFFFFD800  }
0x43: {  	[hbm4b:s20+s4] =	stream.linear.scatter [tilespmem:s13], [sflag:$0x9], $0x2800, $0x38;
	[tilespmem:$0xBA90] =	vst v63  }
0x44: {  	_ =	swait.ge [sflag:s22], $0x2800  }
0x45: {  	[sflag:s22] =	ssyncset.done $0x0  }
0x46: {  	s16 =	simm.s32 $0x6B30;
	[sflag:s22] =	ssyncadd.s32 $0xFFFFD800  }
0x47: {  	[tilespmem:s13], [sflag:$0x1] =	stream.indirect.gather [hbm4b:s2+s12], $0x80, s16, s12, $0xb8;
	[tilespmem:$0xBA90] =	vst v63  }
0x48: {  	_ =	swait.ge [sflag:s29], $0x2800  }
0x49: {  	[sflag:s29] =	ssyncset.done $0x0  }
0x4a: {  	[sflag:s29] =	ssyncadd.s32 $0xFFFFD800  }
0x4b: {  	[hbm4b:s21+s4] =	stream.linear.scatter [tilespmem:s13], [sflag:$0x9], $0x2800, $0x38;
	[tilespmem:$0xBA90] =	vst v63  }
0x4c: {  	_ =	swait.ge [sflag:s22], $0x2800  }
0x4d: {  	[sflag:s22] =	ssyncset.done $0x0  }
0x4e: {  	s17 =	stileid.u32;
	[sflag:s22] =	ssyncadd.s32 $0xFFFFD800  }
0x4f: {  	s15 =	sshll.u32 s17, $0x6;
	[bflag:$0x0] =	sbarrier.arrive $0xFFFF  }
0x50: {  	s15 =	sor.u32 $0x1C09, s15;
	s16 =	sshrl.u32 s6, $0x3;
	s18 =	rddreg [dreg:$0x9]  }
0x51: {  	[hbm:s18], [sflag:s15] =	dma.local [spmem:s16], $0x4E2  }
0x52: {  	_ =	swait.ge [sflag:s22], $0x4E2  }
0x53: {  	s14 =	sadd.s32 $0x1, s14;
	s18 =	rddreg [dreg:$0xa]  }
0x54: {  	p0 =	sne.s32 s14, s18  }
.Ltmp1:
0x55: {  	_ = 	snop;
	(pc) =	sbr.rel @!p0 .LBB2_7-.Ltmp1, $3  }
0x56: {  	_ =	sdelay $0x1  }
0x57: {  	[sflag:s22] =	ssyncset.done $0x0  }
0x58: {  	[sflag:s22] =	ssyncadd.s32 $0xFFFFFB1E  }
.LBB2_1:
0x59: {  	s15 =	rddreg [dreg:$0x5]  }
0x5a: {  	[tilespmem:s4], [sflag:$0x9] =	stream.linear.gather [hbm4b:s15+s4], $0x28A0, $0x38;
	[tilespmem:$0xBA90] =	vst v63  }
0x5b: {  	_ =	swait.ge [sflag:s22], $0x28A0  }
0x5c: {  	[sflag:s22] =	ssyncset.done $0x0  }
0x5d: {  	s18 =	rddreg [dreg:$0x6];
	[sflag:s22] =	ssyncadd.s32 $0xFFFFD760  }
0x5e: {  	[tilespmem:s23], [sflag:$0x9] =	stream.linear.gather [hbm4b:s18+s4], $0x28A0, $0x38;
	[tilespmem:$0xBA90] =	vst v63  }
0x5f: {  	_ =	swait.ge [sflag:s22], $0x28A0  }
0x60: {  	[sflag:s22] =	ssyncset.done $0x0  }
0x61: {  	s16 =	simm.s32 $0x0;
	s15 =	simm.s32 $0x40;
	[sflag:s22] =	ssyncadd.s32 $0xFFFFD760  }
.LBB2_2:
0x62: {  	p0 =	sne.s32 s15, $0x18C0;
	[tilespmem:s16+$0x5140] =	vst v0;
	s16 =	smov.u32 s15;
	s15 =	sadd.s32 $0x40, s15  }
.Ltmp2:
0x63: {  	(pc) =	sbr.rel @p0 .LBB2_2-.Ltmp2, $2  }
0x64: {  	_ =	sdelay $0x2  }
0x65: {  	s16 =	sshra.s32 s16, $0x2  }
0x66: {  	[tilespmem:s16+$0x5140] =	vst v0  }
0x67: {  	[spmem:s6] =	stream.linear.scatter [tilespmem:s24], [sflag:$0x9], $0x640, $0x38;
	[tilespmem:$0xBA90] =	vst v63  }
0x68: {  	_ =	swait.ge [sflag:s22], $0x640  }
0x69: {  	[sflag:s22] =	ssyncset.done $0x0  }
0x6a: {  	s15 =	rddreg [dreg:$0xb];
	[sflag:s22] =	ssyncadd.s32 $0xFFFFF9C0  }
0x6b: {  	[spmem:s15] =	stream.linear.scatter [tilespmem:s24], [sflag:$0x9], $0x640, $0x38;
	[tilespmem:$0xBA90] =	vst v63  }
0x6c: {  	_ =	swait.ge [sflag:s22], $0x640  }
0x6d: {  	[sflag:s22] =	ssyncset.done $0x0  }
0x6e: {  	s18 =	rddreg [dreg:$0xc];
	[sflag:s22] =	ssyncadd.s32 $0xFFFFF9C0  }
0x6f: {  	[spmem:s18] =	stream.linear.scatter [tilespmem:s24], [sflag:$0x9], $0x640, $0x38;
	[tilespmem:$0xBA90] =	vst v63  }
0x70: {  	_ =	swait.ge [sflag:s22], $0x640  }
0x71: {  	[sflag:s22] =	ssyncset.done $0x0  }
0x72: {  	s16 =	rddreg [dreg:$0xd];
	[sflag:s22] =	ssyncadd.s32 $0xFFFFF9C0  }
0x73: {  	[spmem:s16] =	stream.linear.scatter [tilespmem:s24], [sflag:$0x9], $0x640, $0x38;
	[tilespmem:$0xBA90] =	vst v63  }
0x74: {  	_ =	swait.ge [sflag:s22], $0x640  }
0x75: {  	[sflag:s22] =	ssyncset.done $0x0  }
0x76: {  	s17 =	rddreg [dreg:$0xe];
	[sflag:s22] =	ssyncadd.s32 $0xFFFFF9C0  }
0x77: {  	[spmem:s17] =	stream.linear.scatter [tilespmem:s24], [sflag:$0x9], $0x640, $0x38;
	[tilespmem:$0xBA90] =	vst v63  }
0x78: {  	_ =	swait.ge [sflag:s22], $0x640  }
0x79: {  	[sflag:s22] =	ssyncset.done $0x0  }
0x7a: {  	s18 =	rddreg [dreg:$0xf];
	[sflag:s22] =	ssyncadd.s32 $0xFFFFF9C0  }
0x7b: {  	[spmem:s18] =	stream.linear.scatter [tilespmem:s24], [sflag:$0x9], $0x640, $0x38;
	[tilespmem:$0xBA90] =	vst v63  }
0x7c: {  	_ =	swait.ge [sflag:s22], $0x640  }
0x7d: {  	[sflag:s22] =	ssyncset.done $0x0  }
0x7e: {  	s16 =	rddreg [dreg:$0x7];
	[sflag:s22] =	ssyncadd.s32 $0xFFFFF9C0  }
0x7f: {  	[spmem:s16] =	stream.linear.scatter [tilespmem:s24], [sflag:$0x9], $0x190, $0x38;
	[tilespmem:$0xBA90] =	vst v63  }
0x80: {  	_ =	swait.ge [sflag:s22], $0x190  }
0x81: {  	[sflag:s22] =	ssyncset.done $0x0  }
0x82: {  	[sflag:s22] =	ssyncadd.s32 $0xFFFFFE70  }
0x83: {  	s15 =	simm.s32 $0x0;
	[bflag:$0x0] =	sbarrier.arrive $0xFFFF  }
0x84: {  	[tilespmem:s24], [sflag:$0x1] =	stream.indirect.gather [hbm4b:s5+s25], $0x10, s15, s25, $0xb8;
	[tilespmem:$0xBA90] =	vst v63  }
0x85: {  	s17 =	simm.s32 $0x68  }
0x86: {  	[tilespmem:s28], [sflag:$0x2] =	stream.indirect.gather [hbm4b:s5+s25], $0x10, s17, s25, $0xb8;
	[tilespmem:$0xBA90] =	vst v63  }
0x87: {  	_ =	swait.ge [sflag:s29], $0x640  }
0x88: {  	[sflag:s29] =	ssyncset.done $0x0  }
0x89: {  	[sflag:s29] =	ssyncadd.s32 $0xFFFFF9C0  }
0x8a: {  	[spmem:s3] =	stream.indirect.scatter.add.f32 [tilespmem:s24], [sflag:$0x5], $0x10, s23, s25, $0xb8;
	[tilespmem:$0xBA90] =	vst v63  }
0x8b: {  	s18 =	simm.s32 $0xD0  }
0x8c: {  	[tilespmem:s31], [sflag:$0x3] =	stream.indirect.gather [hbm4b:s5+s25], $0x10, s18, s25, $0xb8;
	[tilespmem:$0xBA90] =	vst v63  }
0x8d: {  	_ =	swait.ge [sflag:s1], $0x640  }
0x8e: {  	[sflag:s1] =	ssyncset.done $0x0  }
0x8f: {  	s17 =	simm.s32 $0x2908;
	[sflag:s1] =	ssyncadd.s32 $0xFFFFF9C0  }
0x90: {  	[spmem:s3] =	stream.indirect.scatter.add.f32 [tilespmem:s28], [sflag:$0x6], $0x10, s17, s25, $0xb8;
	[tilespmem:$0xBA90] =	vst v63  }
0x91: {  	s18 =	simm.s32 $0x138  }
0x92: {  	[tilespmem:s30], [sflag:$0x4] =	stream.indirect.gather [hbm4b:s5+s25], $0x10, s18, s25, $0xb8;
	[tilespmem:$0xBA90] =	vst v63  }
0x93: {  	_ =	swait.ge [sflag:s0], $0x640  }
0x94: {  	[sflag:s0] =	ssyncset.done $0x0  }
0x95: {  	s17 =	simm.s32 $0x2970;
	[sflag:s0] =	ssyncadd.s32 $0xFFFFF9C0  }
0x96: {  	[spmem:s3] =	stream.indirect.scatter.add.f32 [tilespmem:s31], [sflag:$0x7], $0x10, s17, s25, $0xb8;
	[tilespmem:$0xBA90] =	vst v63  }
0x97: {  	_ =	swait.ge [sflag:s26], $0x640  }
0x98: {  	[sflag:s26] =	ssyncset.done $0x0  }
0x99: {  	s18 =	simm.s32 $0x1A0;
	[sflag:s26] =	ssyncadd.s32 $0xFFFFF9C0  }
0x9a: {  	[tilespmem:s24], [sflag:$0x1] =	stream.indirect.gather [hbm4b:s5+s25], $0x10, s18, s25, $0xb8;
	[tilespmem:$0xBA90] =	vst v63  }
0x9b: {  	_ =	swait.ge [sflag:s7], $0x640  }
0x9c: {  	[sflag:s7] =	ssyncset.done $0x0  }
0x9d: {  	s17 =	simm.s32 $0x29D8;
	[sflag:s7] =	ssyncadd.s32 $0xFFFFF9C0  }
0x9e: {  	[spmem:s3] =	stream.indirect.scatter.add.f32 [tilespmem:s30], [sflag:$0x8], $0x10, s17, s25, $0xb8;
	[tilespmem:$0xBA90] =	vst v63  }
0x9f: {  	_ =	swait.ge [sflag:s8], $0x640  }
0xa0: {  	[sflag:s8] =	ssyncset.done $0x0  }
0xa1: {  	s18 =	simm.s32 $0x208;
	[sflag:s8] =	ssyncadd.s32 $0xFFFFF9C0  }
0xa2: {  	[tilespmem:s28], [sflag:$0x2] =	stream.indirect.gather [hbm4b:s5+s25], $0x10, s18, s25, $0xb8;
	[tilespmem:$0xBA90] =	vst v63  }
.LBB2_4:
0xa3: {  	_ =	swait.ge [sflag:s29], $0x640  }
0xa4: {  	s16 =	sshra.s32 s15, $0x2;
	[sflag:s29] =	ssyncset.done $0x0  }
0xa5: {  	s17 =	sadd.s32 $0x2A40, s16;
	[sflag:s29] =	ssyncadd.s32 $0xFFFFF9C0  }
0xa6: {  	[spmem:s3] =	stream.indirect.scatter.add.f32 [tilespmem:s24], [sflag:$0x5], $0x10, s17, s25, $0xb8;
	[tilespmem:$0xBA90] =	vst v63  }
0xa7: {  	_ =	swait.ge [sflag:s9], $0x640  }
0xa8: {  	[sflag:s9] =	ssyncset.done $0x0  }
0xa9: {  	s18 =	sadd.s32 $0x270, s16;
	[sflag:s9] =	ssyncadd.s32 $0xFFFFF9C0  }
0xaa: {  	[tilespmem:s31], [sflag:$0x3] =	stream.indirect.gather [hbm4b:s5+s25], $0x10, s18, s25, $0xb8;
	[tilespmem:$0xBA90] =	vst v63  }
0xab: {  	_ =	swait.ge [sflag:s1], $0x640  }
0xac: {  	[sflag:s1] =	ssyncset.done $0x0  }
0xad: {  	s18 =	sadd.s32 $0x2AA8, s16;
	[sflag:s1] =	ssyncadd.s32 $0xFFFFF9C0  }
0xae: {  	[spmem:s3] =	stream.indirect.scatter.add.f32 [tilespmem:s28], [sflag:$0x6], $0x10, s18, s25, $0xb8;
	[tilespmem:$0xBA90] =	vst v63  }
0xaf: {  	_ =	swait.ge [sflag:s10], $0x640  }
0xb0: {  	[sflag:s10] =	ssyncset.done $0x0  }
0xb1: {  	p0 =	seq.s32 s15, $0x9580;
	s18 =	sadd.s32 $0x2D8, s16;
	[sflag:s10] =	ssyncadd.s32 $0xFFFFF9C0  }
0xb2: {  	[tilespmem:s30], [sflag:$0x4] =	stream.indirect.gather [hbm4b:s5+s25], $0x10, s18, s25, $0xb8;
	[tilespmem:$0xBA90] =	vst v63  }
.Ltmp3:
0xb3: {  	_ = 	snop;
	(pc) =	sbr.rel @p0 .LBB2_6-.Ltmp3, $4  }
0xb4: {  	_ =	swait.ge [sflag:s0], $0x640  }
0xb5: {  	[sflag:s0] =	ssyncset.done $0x0  }
0xb6: {  	s17 =	sadd.s32 $0x2B78, s16;
	s18 =	sadd.s32 $0x2B10, s16;
	[sflag:s0] =	ssyncadd.s32 $0xFFFFF9C0  }
0xb7: {  	[spmem:s3] =	stream.indirect.scatter.add.f32 [tilespmem:s31], [sflag:$0x7], $0x10, s18, s25, $0xb8;
	[tilespmem:$0xBA90] =	vst v63  }
0xb8: {  	_ =	swait.ge [sflag:s26], $0x640  }
0xb9: {  	[sflag:s26] =	ssyncset.done $0x0  }
0xba: {  	s18 =	sadd.s32 $0x340, s16;
	[sflag:s26] =	ssyncadd.s32 $0xFFFFF9C0  }
0xbb: {  	[tilespmem:s24], [sflag:$0x1] =	stream.indirect.gather [hbm4b:s5+s25], $0x10, s18, s25, $0xb8;
	[tilespmem:$0xBA90] =	vst v63  }
0xbc: {  	_ =	swait.ge [sflag:s7], $0x640  }
0xbd: {  	[sflag:s7] =	ssyncset.done $0x0  }
0xbe: {  	[sflag:s7] =	ssyncadd.s32 $0xFFFFF9C0  }
0xbf: {  	[spmem:s3] =	stream.indirect.scatter.add.f32 [tilespmem:s30], [sflag:$0x8], $0x10, s17, s25, $0xb8;
	[tilespmem:$0xBA90] =	vst v63  }
.Ltmp4:
0xc0: {  	_ = 	snop;
	(pc) =	sbr.rel .LBB2_4-.Ltmp4, $4  }
0xc1: {  	_ =	swait.ge [sflag:s8], $0x640  }
0xc2: {  	[sflag:s8] =	ssyncset.done $0x0  }
0xc3: {  	s15 =	sadd.s32 $0x680, s15;
	s18 =	sadd.s32 $0x3A8, s16;
	[sflag:s8] =	ssyncadd.s32 $0xFFFFF9C0  }
0xc4: {  	[tilespmem:s28], [sflag:$0x2] =	stream.indirect.gather [hbm4b:s5+s25], $0x10, s18, s25, $0xb8;
	[tilespmem:$0xBA90] =	vst v63  }
.LBB2_7:
0xc5: {  	_ =	sfence.sel $0x180000  }
0xc6: {  	[bflag:$0x0] =	sbarrier.arrive $0xFFFF  }
0xc7: {  	_ =	strace $0x90000047  }
0xc8: {  	s0 =	stileid.u32;
	[bflag:$0x2] =	sbarrier.arrive $0xFFFF  }
0xc9: {  	p0 =	sne.s32 s0, $0x0;
	s0 =	rddreg [dreg:$0x4]  }
0xca: {  	s0 =	sadd.s32 @!p0 $0x100000, s0  }
0xcb: {  	[sflag:s0] =	ssyncadd.tile.s32 @!p0 $0x1;
	_ =	shalt  }
.Lfunc_end2:
_tile_overlayer_lowered:
.L_overlay_start_2:
0xcc: {  	(tag) =	ssettag $0x2  }
0xcd: {  	s0 =	rddreg [dreg:$0x0];
	s2 =	stileid.u32  }
0xce: {  	s1 =	rddreg [dreg:$0x1];
	p0 =	sne.s32 s2, $0x0  }
0xcf: {  	s3 =	rddreg [dreg:$0x2];
	[bflag:$0x3] =	sbarrier.arrive $0xFFFF;
	s2 =	simm.s32 @!p0 $0x1C09  }
0xd0: {  	[timem:s3], [sflag:s2] =	dma.local @!p0 [hbm:s0], s1  }
0xd1: {  	s0 =	simm.s32 @!p0 $0x9  }
0xd2: {  	_ =	swait.ge @!p0 [sflag:s0], s1  }
0xd3: {  	s1 =	ssub.s32 @!p0 $0x0, s1;
	[sflag:s0] =	ssyncset.done @!p0 $0x0  }
0xd4: {  	[sflag:s0] =	ssyncadd.s32 @!p0 s1  }
0xd5: {  	[bflag:$0x3] =	sbarrier.arrive $0xFFFF  }
0xd6: {  	_ =	shalt  }

// kernel: kernel.13.cloned.1.call-start
scs
__scs_entry_jumppad:
0x0: {  	(pc) =	sbr.rel $0x88, $3  }
0x1: {  	(tag) =	ssettag $0x0;
	lr =	simm.s32 $0x1  }
0x2: {  	[smem:$0x3F84] =	sst lr;
	_ =	strace $0xD0000000  }
0x3: {  	_ = 	snop  }
0x4: {  	_ = 	snop  }
0x5: {  	_ = 	snop  }
0x6: {  	_ = 	snop  }
0x7: {  	_ = 	snop  }
__scs_overlays_trampoline_lowered:
0x8: {  	[smem:$0x3F93] =	sst s0  }
0x9: {  	[smem:$0x3F94] =	sst s1  }
0xa: {  	[smem:$0x3F95] =	sst s2  }
0xb: {  	[smem:$0x3F96] =	sst s3  }
0xc: {  	[smem:$0x3F97] =	sst s4  }
0xd: {  	[smem:$0x3F98] =	sst s5  }
0xe: {  	[smem:$0x3F99] =	sst s6  }
0xf: {  	[smem:$0x3F9A] =	sst s7  }
0x10: {  	[smem:$0x3F9B] =	sst s8  }
0x11: {  	[smem:$0x3F9C] =	sst s9;
	s0 =	simm.s32 @!p0 $0x0  }
0x12: {  	s1 =	sld [smem:$0x3F82];
	s0 =	simm.s32 @p0 $0x1  }
0x13: {  	[smem:$0x3F9D] =	sst s0;
	s0 =	simm.s32 @!p1 $0x0  }
0x14: {  	s2 =	sld [smem:$0x3F81];
	s0 =	simm.s32 @p1 $0x1  }
0x15: {  	[smem:$0x3F9E] =	sst s0;
	s0 =	simm.s32 @!p2 $0x0  }
0x16: {  	s3 =	sld [smem:$0x3FDB];
	s0 =	simm.s32 @p2 $0x1  }
0x17: {  	s4 =	simm.s32 $0x1BF5;
	[smem:$0x3FA0] =	sst s0  }
0x18: {  	s0 =	sld [smem:$0x3F83];
	_ =	swait.ge [sflag:s4], $0x0  }
0x19: {  	s7 =	sld [smem:$0x3F84]  }
0x1a: {  	s8 =	sadd.s32 $0xFFFFE003, lr  }
0x1b: {  	s9 =	sadd.s32 $0xFFFFFEF7, lr;
	s5 =	simm.s32 $0xFFFFFFFF;
	p2 =	slt.u32 s8, $0xFFFFF086  }
0x1c: {  	p1 =	slt.u32 s9, $0xF7A;
	s5 =	simm.s32 @!p2 $0x0  }
0x1d: {  	s5 =	simm.s32 @p1 $0x1;
	p0 =	seq.s32 s7, s2  }
0x1e: {  	s7 =	smul.u32 @!p0 $0xF7A, s2;
	p2 =	seq.s32 @!p0 s5, $0x0  }
0x1f: {  	s9 =	smul.u32 $0xF7A, s1;
	s8 =	simm.s32 @!p0 $0x1BF5;
	p2 =	por !p2, p0  }
0x20: {  	[sflag:s8] =	ssyncset.s32 @!p0 $0xFFFFF086;
	s6 =	sadd.s32 @!p0 s3, s7;
	s7 =	simm.s32 @!p0 $0x108  }
0x21: {  	s3 =	sadd.s32 s3, s9;
	s6 =	sadd.s32 @!p0 $0x88, s6;
	s7 =	simm.s32 @p2 $0x1082  }
0x22: {  	[simem:s7], [sflag:s8] =	dma.local @!p0 [hbm:s6], $0xF7A  }
0x23: {  	s9 =	sor.u32 $0xD0000000, s2;
	s6 =	simm.s32 $0x108;
	_ =	swait.ge @!p0 [sflag:s8], $0x0  }
0x24: {  	s3 =	sadd.s32 $0x88, s3;
	s6 =	simm.s32 @!p1 $0x1082;
	[sflag:s4] =	ssyncset.s32 $0xFFFFF086  }
0x25: {  	[simem:s6], [sflag:s4] =	dma.local [hbm:s3], $0xF7A  }
0x26: {  	[smem:$0x3F84] =	sst s1;
	(tag) =	ssettag s2;
	_ =	strace s9  }
0x27: {  	s1 =	sld [smem:$0x3F94]  }
0x28: {  	s2 =	sld [smem:$0x3F95]  }
0x29: {  	s4 =	sld [smem:$0x3F97]  }
0x2a: {  	p0 =	seq.s32 s5, $0x0;
	s5 =	sld [smem:$0x3F98]  }
0x2b: {  	s6 =	sld [smem:$0x3F99]  }
0x2c: {  	s7 =	sld [smem:$0x3F9A]  }
0x2d: {  	s3 =	simm.s32 $0x108;
	s8 =	sld [smem:$0x3F9B]  }
0x2e: {  	s3 =	simm.s32 @!p0 $0x1082;
	s9 =	sld [smem:$0x3F9C]  }
0x2f: {  	lr =	sadd.s32 s0, s3;
	s0 =	sld [smem:$0x3F93]  }
0x30: {  	s3 =	sld [smem:$0x3F96]  }
0x31: {  	[smem:$0x3F9F] =	sst s10  }
0x32: {  	s10 =	sld [smem:$0x3F9D];
	_ =	sdelay $0x3  }
0x33: {  	p0 =	seq.s32 s10, $0x1;
	s10 =	sld [smem:$0x3F9F];
	_ =	sdelay $0x3  }
0x34: {  	[smem:$0x3F9F] =	sst s10  }
0x35: {  	s10 =	sld [smem:$0x3F9E];
	_ =	sdelay $0x3  }
0x36: {  	p1 =	seq.s32 s10, $0x1;
	s10 =	sld [smem:$0x3F9F];
	_ =	sdelay $0x3  }
0x37: {  	[smem:$0x3F9F] =	sst s10  }
0x38: {  	s10 =	sld [smem:$0x3FA0]  }
0x39: {  	_ = 	snop;
	(pc) =	sbr.ind lr, $3  }
0x3a: {  	_ = 	snop  }
0x3b: {  	_ = 	snop  }
0x3c: {  	p2 =	seq.s32 s10, $0x1;
	s10 =	sld [smem:$0x3F9F]  }
0x3d: {  	_ =	shalt  }
0x3e: {  	_ =	shalt  }
0x3f: {  	_ =	shalt  }
0x40: {  	_ =	shalt  }
0x41: {  	_ =	shalt  }
0x42: {  	_ =	shalt  }
0x43: {  	_ =	shalt  }
0x44: {  	_ =	shalt  }
0x45: {  	_ =	shalt  }
0x46: {  	_ =	shalt  }
0x47: {  	_ =	shalt  }
0x48: {  	_ =	shalt  }
0x49: {  	_ =	shalt  }
0x4a: {  	_ =	shalt  }
0x4b: {  	_ =	shalt  }
0x4c: {  	_ =	shalt  }
0x4d: {  	_ =	shalt  }
0x4e: {  	_ =	shalt  }
0x4f: {  	_ =	shalt  }
0x50: {  	_ =	shalt  }
0x51: {  	_ =	shalt  }
0x52: {  	_ =	shalt  }
0x53: {  	_ =	shalt  }
0x54: {  	_ =	shalt  }
0x55: {  	_ =	shalt  }
0x56: {  	_ =	shalt  }
0x57: {  	_ =	shalt  }
0x58: {  	_ =	shalt  }
0x59: {  	_ =	shalt  }
0x5a: {  	_ =	shalt  }
0x5b: {  	_ =	shalt  }
0x5c: {  	_ =	shalt  }
0x5d: {  	_ =	shalt  }
0x5e: {  	_ =	shalt  }
0x5f: {  	_ =	shalt  }
0x60: {  	_ =	shalt  }
0x61: {  	_ =	shalt  }
0x62: {  	_ =	shalt  }
0x63: {  	_ =	shalt  }
0x64: {  	_ =	shalt  }
0x65: {  	_ =	shalt  }
0x66: {  	_ =	shalt  }
0x67: {  	_ =	shalt  }
0x68: {  	_ =	shalt  }
0x69: {  	_ =	shalt  }
0x6a: {  	_ =	shalt  }
0x6b: {  	_ =	shalt  }
0x6c: {  	_ =	shalt  }
0x6d: {  	_ =	shalt  }
0x6e: {  	_ =	shalt  }
0x6f: {  	_ =	shalt  }
0x70: {  	_ =	shalt  }
0x71: {  	_ =	shalt  }
0x72: {  	_ =	shalt  }
0x73: {  	_ =	shalt  }
0x74: {  	_ =	shalt  }
0x75: {  	_ =	shalt  }
0x76: {  	_ =	shalt  }
0x77: {  	_ =	shalt  }
0x78: {  	_ =	shalt  }
0x79: {  	_ =	shalt  }
0x7a: {  	_ =	shalt  }
0x7b: {  	_ =	shalt  }
0x7c: {  	_ =	shalt  }
0x7d: {  	_ =	shalt  }
0x7e: {  	_ =	shalt  }
0x7f: {  	_ =	shalt  }
0x80: {  	_ =	shalt  }
0x81: {  	_ =	shalt  }
0x82: {  	_ =	shalt  }
0x83: {  	_ =	shalt  }
0x84: {  	_ =	shalt  }
0x85: {  	_ =	shalt  }
0x86: {  	_ =	shalt  }
0x87: {  	_ =	shalt  }
.Lfunc_end0:
.L_simem_size_0:
called_computation.1_lowered:
.L_overlay_start_0:
0x88: {  	s2 =	sld [smem:$0x3FD9]  }
0x89: {  	s3 =	sld [smem:$0x3FFE];
	_ =	sdelay $0x1  }
0x8a: {  	s1 =	srdreg.scid  }
0x8b: {  	s0 =	sand.u32 $0x1, s1  }
0x8c: {  	s16 =	sshll.u32 s0, $0xA;
	s2 =	sadd.s32 s3, s2  }
0x8d: {  	s2 =	sadd.s32 s2, s16  }
0x8e: {  	[smem:$0x3FAB] =	sst s2  }
0x8f: {  	_ = 	snop  }
0x90: {  	(tm) =	ssettm $0x1  }
0x91: {  	s17 =	sld [smem:$0x3FFB];
	_ =	sdelay $0x3  }
0x92: {  	_ =	strace s17  }
0x93: {  	s2 =	sld [smem:$0x3FFC];
	_ =	sdelay $0x3  }
0x94: {  	_ =	strace s2  }
0x95: {  	s2 =	sld [smem:$0x3FFD];
	_ =	sdelay $0x3  }
0x96: {  	_ =	strace s2  }
0x97: {  	_ =	strace $0x8FFFFFFF  }
0x98: {  	s18 =	sld [smem:$0x3FDB];
	_ =	sdelay $0x1  }
0x99: {  	s19 =	simm.s32 $_scs_section_size  }
0x9a: {  	s4 =	simm.s32 $_size__tile_overlayer_lowered;
	s5 =	simm.s32 $_tile_overlayer_lowered  }
0x9b: {  	s22 =	simm.s32 $0x1BFF;
	s21 =	sshll.u32 s5, $0x1;
	s2 =	sadd.s32 s19, s18  }
0x9c: {  	s6 =	simm.s32 $0x0;
	s20 =	sshll.u32 s4, $0x1;
	s4 =	sadd.s32 s21, s2  }
0x9d: {  	[timem:s6], [sflag:s22] =	dma.local [hbm:s4], s20  }
0x9e: {  	_ =	swait.ge [sflag:s22], s20  }
0x9f: {  	s3 =	ssub.s32 $0x0, s20;
	[sflag:s22] =	ssyncset.done $0x0  }
0xa0: {  	[sflag:s22] =	ssyncadd.s32 s3;
	_ =	sdelay $0x1  }
0xa1: {  	s23 =	simm.s32 $0x1B8B  }
0xa2: {  	_ =	swait.ge [sflag:s23], $0x1  }
0xa3: {  	[sflag:s23] =	ssyncset.done $0x0  }
0xa4: {  	s25 =	simm.s32 $0x1B8E;
	s24 =	sld [smem:$0x3FFE];
	[sflag:s23] =	ssyncadd.s32 $0xFFFFFFFF  }
0xa5: {  	s26 =	simm.s32 $execute0_lowered;
	[smem:$0x3FD2] =	sst s25  }
0xa6: {  	s4 =	sshll.u32 s26, $0x1;
	_ =	strace $0x80000049;
	[dreg:$0x1] =	wrdreg $0xFFFFFFFF  }
0xa7: {  	s28 =	simm.s32 $_size_execute0_lowered;
	s2 =	sadd.s32 s2, s4;
	[dreg:$0x0] =	wrdreg $0x0  }
0xa8: {  	s4 =	sshll.u32 s28, $0x1;
	[dreg:$0x2] =	wrdreg s2  }
0xa9: {  	[dreg:$0x3] =	wrdreg s4  }
0xaa: {  	[dreg:$0x4] =	wrdreg $0xC0  }
0xab: {  	_ =	task [dreg:s6], $0x5FFFF  }
0xac: {  	[dreg:$0x1] =	wrdreg $0xFFFFFFFF  }
0xad: {  	[dreg:$0x0] =	wrdreg $0x60  }
0xae: {  	[dreg:$0x2] =	wrdreg s24  }
0xaf: {  	[dreg:$0x3] =	wrdreg $0xB5400  }
0xb0: {  	[dreg:$0x4] =	wrdreg $0x9  }
0xb1: {  	_ =	task.clear_ibuf [dreg:s6], $0x5FFFF;
	_ =	strace $0x90000049  }
0xb2: {  	s29 =	simm.s32 $0x9;
	_ =	strace $0x8000004B  }
0xb3: {  	_ =	swait.ge [sflag:s29], $0x1  }
0xb4: {  	[sflag:s29] =	ssyncadd.s32 $0xFFFFFFFF  }
0xb5: {  	_ =	strace $0x9000004B  }
0xb6: {  	_ =	sfence  }
0xb7: {  	s30 =	sld [smem:$0x0];
	_ =	sdelay $0x2  }
0xb8: {  	s31 =	sshll.u32 s1, $0xD;
	s1 =	sshrl.u32 s1, $0x2  }
0xb9: {  	s3 =	sand.u32 $0x4000, s31;
	s1 =	sadd.s32 s1, s30  }
0xba: {  	s0 =	sor.u32 s3, s0;
	s1 =	sshll.u32 s1, $0x11  }
0xbb: {  	s0 =	sor.u32 s1, s0  }
0xbc: {  	s0 =	sadd.s32 $0x8F2B, s0  }
0xbd: {  	[sflag:s0] =	ssyncadd.remote.s32 $0x1  }
0xbe: {  	_ =	sfence.sel $0xFFFF  }
0xbf: {  	[dreg:$0x0] =	wrdreg $0xFFFFFFFF;
	(pc) =	sbr.abs _section_cstart, $3  }
0xc0: {  	[dreg:$0x1] =	wrdreg $0xFFFFFFFF  }
0xc1: {  	_ =	task.clear_ibuf [dreg:s6], $0x2FFFF;
	_ =	strace $0x9FFFFFFF  }
0xc2: {  	(tm) =	ssettm $0x7FFFFFFF  }
0xc3: {  	_ =	shalt  }
tec
execute0_lowered:
.L_overlay_start_1:
0x0: {  	(tag) =	ssettag $0x1  }
0x1: {  	s6 =	rddreg [dreg:$0x0]  }
0x2: {  	s0 =	srdreg.scid;
	s2 =	rddreg [dreg:$0x1]  }
0x3: {  	s3 =	simm.s32 $0x0;
	s16 =	simm.s32 $0x3;
	s17 =	simm.s32 $0x28A0  }
0x4: {  	s18 =	simm.s32 $0x5140;
	s19 =	simm.s32 $0x64;
	s20 =	simm.s32 $0x68  }
0x5: {  	s21 =	simm.s32 $0x8340;
	s22 =	simm.s32 $0x1;
	s23 =	simm.s32 $0x2  }
0x6: {  	s24 =	simm.s32 $0x5070;
	s5 =	sand.u32 $0x1, s0;
	s0 =	stileid.u32  }
0x7: {  	s25 =	simm.s32 $0x50D8;
	s26 =	simm.s32 $0x0;
	s7 =	smul.u32 $0x2710, s0  }
0x8: {  	[smem:$0x7FF] =	sst s3;
	s1 =	sshll.u32 s5, $0x4;
	s8 =	smul.u32 $0x27100, s5  }
0x9: {  	s9 =	smul.u32 $0x4E200, s0;
	s5 =	ssub.s32 $0x2, s5;
	s1 =	sor.u32 s0, s1  }
0xa: {  	s31 =	sshrl.u32 s5, $0x1;
	s4 =	smul.u32 $0x514, s1;
	s1 =	rddreg [dreg:$0x2]  }
0xb: {  	_ =	strace $0x8000004A;
	s7 =	sadd.s32 s7, s8;
	s9 =	sshrl.u32 s9, $0x2  }
0xc: {  	s12 =	ssub.s32 s5, s31;
	s11 =	sadd.s32 s7, s6;
	s5 =	sadd.s32 s9, s2  }
0xd: {  	s10 =	sadd.s32 s4, s6;
	s4 =	sadd.s32 $0x101E00, s6;
	s8 =	sadd.s32 $0x12C00, s5  }
0xe: {  	s9 =	sadd.s32 $0x129000, s11;
	s11 =	sadd.s32 $0x3200, s5;
	s13 =	sadd.s32 $0x9600, s5  }
0xf: {  	s14 =	sadd.s32 $0xC800, s5;
	s15 =	sadd.s32 $0xFA00, s5;
	s6 =	sadd.s32 $0x24600, s10  }
0x10: {  	v0 =	vimm.f32 $0.0e+00;
	s7 =	sadd.s32 $0x1A200, s10;
	s10 =	smax.u32 s12, $0x1;
	s12 =	sadd.s32 $0x6400, s5  }
.LBB2_1:
0x11: {  	[tilespmem:s3], [sflag:$0x3] =	stream.linear.gather [hbm4b:s6+s3], $0x28A0, $0x38;
	[tilespmem:$0x1EDC0] =	vst v63  }
0x12: {  	_ =	swait.ge [sflag:s16], $0x28A0  }
0x13: {  	[sflag:s16] =	ssyncset.done $0x0  }
0x14: {  	[sflag:s16] =	ssyncadd.s32 $0xFFFFD760  }
0x15: {  	[tilespmem:s17], [sflag:$0x3] =	stream.linear.gather [hbm4b:s7+s3], $0x28A0, $0x38;
	[tilespmem:$0x1EDC0] =	vst v63  }
0x16: {  	s28 =	sand.u32 $0xFE00, s3;
	s29 =	sand.u32 $0x70, s3;
	_ =	swait.ge [sflag:s16], $0x28A0  }
0x17: {  	s30 =	sshrl.u32 s28, $0x2;
	s28 =	simm.s32 $0x40;
	[sflag:s16] =	ssyncset.done $0x0  }
0x18: {  	s30 =	sor.u32 s29, s30;
	s29 =	simm.s32 $0x0;
	[sflag:s16] =	ssyncadd.s32 $0xFFFFD760  }
.LBB2_2:
0x19: {  	p0 =	sne.s32 s28, $0xC7C0  }
0x1a: {  	[tilespmem:s30+$0x5140] =	vst v0;
	s29 =	sadd.s32 $0x10, s29;
	s30 =	smov.u32 s28;
	s28 =	sadd.s32 $0x40, s28  }
.Ltmp0:
0x1b: {  	(pc) =	sbr.rel @p0 .LBB2_2-.Ltmp0, $4  }
0x1c: {  	_ = 	snop  }
0x1d: {  	s30 =	sand.u32 $0xFE00, s30  }
0x1e: {  	s31 =	sand.u32 $0x70, s29;
	s30 =	sshrl.u32 s30, $0x2  }
0x1f: {  	s30 =	sor.u32 s31, s30  }
0x20: {  	[tilespmem:s30+$0x5140] =	vst v0  }
0x21: {  	[spmem:s5] =	stream.linear.scatter [tilespmem:s18], [sflag:$0x3], $0x3200, $0x38;
	[tilespmem:$0x1EDC0] =	vst v63  }
0x22: {  	_ =	swait.ge [sflag:s16], $0x3200  }
0x23: {  	[sflag:s16] =	ssyncset.done $0x0  }
0x24: {  	[sflag:s16] =	ssyncadd.s32 $0xFFFFCE00  }
0x25: {  	[spmem:s11] =	stream.linear.scatter [tilespmem:s18], [sflag:$0x3], $0x3200, $0x38;
	[tilespmem:$0x1EDC0] =	vst v63  }
0x26: {  	_ =	swait.ge [sflag:s16], $0x3200  }
0x27: {  	[sflag:s16] =	ssyncset.done $0x0  }
0x28: {  	[sflag:s16] =	ssyncadd.s32 $0xFFFFCE00  }
0x29: {  	[spmem:s12] =	stream.linear.scatter [tilespmem:s18], [sflag:$0x3], $0x3200, $0x38;
	[tilespmem:$0x1EDC0] =	vst v63  }
0x2a: {  	_ =	swait.ge [sflag:s16], $0x3200  }
0x2b: {  	[sflag:s16] =	ssyncset.done $0x0  }
0x2c: {  	[sflag:s16] =	ssyncadd.s32 $0xFFFFCE00  }
0x2d: {  	[spmem:s13] =	stream.linear.scatter [tilespmem:s18], [sflag:$0x3], $0x3200, $0x38;
	[tilespmem:$0x1EDC0] =	vst v63  }
0x2e: {  	_ =	swait.ge [sflag:s16], $0x3200  }
0x2f: {  	[sflag:s16] =	ssyncset.done $0x0  }
0x30: {  	[sflag:s16] =	ssyncadd.s32 $0xFFFFCE00  }
0x31: {  	[spmem:s14] =	stream.linear.scatter [tilespmem:s18], [sflag:$0x3], $0x3200, $0x38;
	[tilespmem:$0x1EDC0] =	vst v63  }
0x32: {  	_ =	swait.ge [sflag:s16], $0x3200  }
0x33: {  	[sflag:s16] =	ssyncset.done $0x0  }
0x34: {  	[sflag:s16] =	ssyncadd.s32 $0xFFFFCE00  }
0x35: {  	[spmem:s15] =	stream.linear.scatter [tilespmem:s18], [sflag:$0x3], $0x3200, $0x38;
	[tilespmem:$0x1EDC0] =	vst v63  }
0x36: {  	_ =	swait.ge [sflag:s16], $0x3200  }
0x37: {  	[sflag:s16] =	ssyncset.done $0x0  }
0x38: {  	[sflag:s16] =	ssyncadd.s32 $0xFFFFCE00  }
0x39: {  	[spmem:s8] =	stream.linear.scatter [tilespmem:s18], [sflag:$0x3], $0xC80, $0x38;
	[tilespmem:$0x1EDC0] =	vst v63  }
0x3a: {  	_ =	swait.ge [sflag:s16], $0xC80  }
0x3b: {  	[sflag:s16] =	ssyncset.done $0x0  }
0x3c: {  	[sflag:s16] =	ssyncadd.s32 $0xFFFFF380  }
0x3d: {  	s28 =	simm.s32 $0x0;
	[bflag:$0x0] =	sbarrier.arrive $0xFFFF  }
0x3e: {  	[tilespmem:s18], [sflag:$0x1] =	stream.indirect.gather [hbm4b:s4+s19], $0x80, s28, s19, $0xb8;
	[tilespmem:$0x1EDC0] =	vst v63  }
0x3f: {  	_ = 	snop  }
0x40: {  	[tilespmem:s21], [sflag:$0x2] =	stream.indirect.gather [hbm4b:s4+s19], $0x80, s20, s19, $0xb8;
	[tilespmem:$0x1EDC0] =	vst v63  }
0x41: {  	_ =	swait.ge [sflag:s22], $0x3200  }
0x42: {  	[sflag:s22] =	ssyncset.done $0x0  }
0x43: {  	s28 =	simm.s32 $0x28A0;
	[sflag:s22] =	ssyncadd.s32 $0xFFFFCE00  }
0x44: {  	[spmem:s2] =	stream.indirect.scatter.add.f32 [tilespmem:s18], [sflag:$0x3], $0x80, s28, s19, $0xb8;
	[tilespmem:$0x1EDC0] =	vst v63  }
0x45: {  	_ =	swait.ge [sflag:s16], $0x3200  }
0x46: {  	[sflag:s16] =	ssyncset.done $0x0  }
0x47: {  	s28 =	simm.s32 $0xD0;
	[sflag:s16] =	ssyncadd.s32 $0xFFFFCE00  }
0x48: {  	[tilespmem:s18], [sflag:$0x1] =	stream.indirect.gather [hbm4b:s4+s19], $0x80, s28, s19, $0xb8;
	[tilespmem:$0x1EDC0] =	vst v63  }
0x49: {  	_ =	swait.ge [sflag:s23], $0x3200  }
0x4a: {  	[sflag:s23] =	ssyncset.done $0x0  }
0x4b: {  	s28 =	simm.s32 $0x2908;
	[sflag:s23] =	ssyncadd.s32 $0xFFFFCE00  }
0x4c: {  	[spmem:s2] =	stream.indirect.scatter.add.f32 [tilespmem:s21], [sflag:$0x3], $0x80, s28, s19, $0xb8;
	[tilespmem:$0x1EDC0] =	vst v63  }
0x4d: {  	_ =	swait.ge [sflag:s16], $0x3200  }
0x4e: {  	[sflag:s16] =	ssyncset.done $0x0  }
0x4f: {  	s29 =	simm.s32 $0x138;
	s28 =	simm.s32 $0x340;
	[sflag:s16] =	ssyncadd.s32 $0xFFFFCE00  }
.LBB2_4:
0x50: {  	[tilespmem:s21], [sflag:$0x2] =	stream.indirect.gather [hbm4b:s4+s19], $0x80, s29, s19, $0xb8;
	[tilespmem:$0x1EDC0] =	vst v63  }
0x51: {  	s29 =	smov.u32 s28  }
0x52: {  	p0 =	sne.s32 s28, $0x9C00;
	s28 =	sadd.s32 $0x340, s28;
	_ =	swait.ge [sflag:s22], $0x3200  }
0x53: {  	s29 =	sshra.s32 s29, $0x2;
	[sflag:s22] =	ssyncset.done $0x0  }
0x54: {  	s30 =	sadd.s32 $0x28A0, s29;
	[sflag:s22] =	ssyncadd.s32 $0xFFFFCE00  }
0x55: {  	[spmem:s2] =	stream.indirect.scatter.add.f32 [tilespmem:s18], [sflag:$0x3], $0x80, s30, s19, $0xb8;
	[tilespmem:$0x1EDC0] =	vst v63  }
0x56: {  	_ =	swait.ge [sflag:s16], $0x3200  }
0x57: {  	[sflag:s16] =	ssyncset.done $0x0  }
0x58: {  	s30 =	sadd.s32 $0xD0, s29;
	[sflag:s16] =	ssyncadd.s32 $0xFFFFCE00  }
0x59: {  	[tilespmem:s18], [sflag:$0x1] =	stream.indirect.gather [hbm4b:s4+s19], $0x80, s30, s19, $0xb8;
	[tilespmem:$0x1EDC0] =	vst v63  }
0x5a: {  	_ =	swait.ge [sflag:s23], $0x3200  }
0x5b: {  	[sflag:s23] =	ssyncset.done $0x0  }
.Ltmp1:
0x5c: {  	s30 =	sadd.s32 $0x2908, s29;
	[sflag:s23] =	ssyncadd.s32 $0xFFFFCE00;
	(pc) =	sbr.rel @p0 .LBB2_4-.Ltmp1, $4  }
0x5d: {  	[spmem:s2] =	stream.indirect.scatter.add.f32 [tilespmem:s21], [sflag:$0x3], $0x80, s30, s19, $0xb8;
	[tilespmem:$0x1EDC0] =	vst v63  }
0x5e: {  	_ =	swait.ge [sflag:s16], $0x3200  }
0x5f: {  	[sflag:s16] =	ssyncset.done $0x0  }
0x60: {  	s29 =	sadd.s32 $0x138, s29;
	[sflag:s16] =	ssyncadd.s32 $0xFFFFCE00  }
0x61: {  	[tilespmem:s21], [sflag:$0x2] =	stream.indirect.gather [hbm4b:s4+s19], $0x80, s29, s19, $0xb8;
	[tilespmem:$0x1EDC0] =	vst v63  }
0x62: {  	_ =	swait.ge [sflag:s22], $0x3200  }
0x63: {  	[sflag:s22] =	ssyncset.done $0x0  }
0x64: {  	[sflag:s22] =	ssyncadd.s32 $0xFFFFCE00  }
0x65: {  	[spmem:s2] =	stream.indirect.scatter.add.f32 [tilespmem:s18], [sflag:$0x3], $0x80, s24, s19, $0xb8;
	[tilespmem:$0x1EDC0] =	vst v63  }
0x66: {  	_ =	swait.ge [sflag:s16], $0x3200  }
0x67: {  	[sflag:s16] =	ssyncset.done $0x0  }
0x68: {  	[sflag:s16] =	ssyncadd.s32 $0xFFFFCE00  }
0x69: {  	_ =	swait.ge [sflag:s23], $0x3200  }
0x6a: {  	[sflag:s23] =	ssyncset.done $0x0  }
0x6b: {  	[sflag:s23] =	ssyncadd.s32 $0xFFFFCE00  }
0x6c: {  	[spmem:s2] =	stream.indirect.scatter.add.f32 [tilespmem:s21], [sflag:$0x3], $0x80, s25, s19, $0xb8;
	[tilespmem:$0x1EDC0] =	vst v63  }
0x6d: {  	_ =	swait.ge [sflag:s16], $0x3200  }
0x6e: {  	s28 =	sshll.u32 s0, $0x6;
	s26 =	sadd.s32 $0x1, s26;
	[sflag:s16] =	ssyncset.done $0x0  }
0x6f: {  	s31 =	sshrl.u32 s5, $0x3;
	p0 =	sne.s32 s26, s10;
	[sflag:s16] =	ssyncadd.s32 $0xFFFFCE00  }
.Ltmp2:
0x70: {  	s28 =	sor.u32 $0x1C03, s28;
	[bflag:$0x0] =	sbarrier.arrive $0xFFFF;
	(pc) =	sbr.rel @p0 .LBB2_1-.Ltmp2, $4  }
0x71: {  	[hbm:s9], [sflag:s28] =	dma.local [spmem:s31], $0x2710  }
0x72: {  	_ =	swait.ge [sflag:s16], $0x2710  }
0x73: {  	[sflag:s16] =	ssyncset.done $0x0  }
0x74: {  	[sflag:s16] =	ssyncadd.s32 $0xFFFFD8F0  }
0x75: {  	_ =	sfence.sel $0x180000  }
0x76: {  	[bflag:$0x0] =	sbarrier.arrive $0xFFFF  }
0x77: {  	p0 =	sne.s32 s0, $0x0;
	_ =	strace $0x9000004A  }
0x78: {  	s0 =	sadd.s32 @!p0 $0x100000, s1;
	[bflag:$0x2] =	sbarrier.arrive $0xFFFF  }
0x79: {  	[sflag:s0] =	ssyncadd.tile.s32 @!p0 $0x1;
	_ =	shalt  }
.Lfunc_end2:
_tile_overlayer_lowered:
.L_overlay_start_2:
0x7a: {  	(tag) =	ssettag $0x2  }
0x7b: {  	s0 =	rddreg [dreg:$0x0];
	s2 =	stileid.u32  }
0x7c: {  	s1 =	rddreg [dreg:$0x1];
	p0 =	sne.s32 s2, $0x0  }
0x7d: {  	s3 =	rddreg [dreg:$0x2];
	[bflag:$0x3] =	sbarrier.arrive $0xFFFF;
	s2 =	simm.s32 @!p0 $0x1C03  }
0x7e: {  	[timem:s3], [sflag:s2] =	dma.local @!p0 [hbm:s0], s1  }
0x7f: {  	s0 =	simm.s32 @!p0 $0x3  }
0x80: {  	_ =	swait.ge @!p0 [sflag:s0], s1  }
0x81: {  	s1 =	ssub.s32 @!p0 $0x0, s1;
	[sflag:s0] =	ssyncset.done @!p0 $0x0  }
0x82: {  	[sflag:s0] =	ssyncadd.s32 @!p0 s1  }
0x83: {  	[bflag:$0x3] =	sbarrier.arrive $0xFFFF  }
0x84: {  	_ =	shalt  }

// kernel: kernel.16.cloned.1.call-start
scs
__scs_entry_jumppad:
0x0: {  	(pc) =	sbr.rel $0x88, $3  }
0x1: {  	(tag) =	ssettag $0x0;
	lr =	simm.s32 $0x1  }
0x2: {  	[smem:$0x3F84] =	sst lr;
	_ =	strace $0xD0000000  }
0x3: {  	_ = 	snop  }
0x4: {  	_ = 	snop  }
0x5: {  	_ = 	snop  }
0x6: {  	_ = 	snop  }
0x7: {  	_ = 	snop  }
__scs_overlays_trampoline_lowered:
0x8: {  	[smem:$0x3F93] =	sst s0  }
0x9: {  	[smem:$0x3F94] =	sst s1  }
0xa: {  	[smem:$0x3F95] =	sst s2  }
0xb: {  	[smem:$0x3F96] =	sst s3  }
0xc: {  	[smem:$0x3F97] =	sst s4  }
0xd: {  	[smem:$0x3F98] =	sst s5  }
0xe: {  	[smem:$0x3F99] =	sst s6  }
0xf: {  	[smem:$0x3F9A] =	sst s7  }
0x10: {  	[smem:$0x3F9B] =	sst s8  }
0x11: {  	[smem:$0x3F9C] =	sst s9;
	s0 =	simm.s32 @!p0 $0x0  }
0x12: {  	s1 =	sld [smem:$0x3F82];
	s0 =	simm.s32 @p0 $0x1  }
0x13: {  	[smem:$0x3F9D] =	sst s0;
	s0 =	simm.s32 @!p1 $0x0  }
0x14: {  	s2 =	sld [smem:$0x3F81];
	s0 =	simm.s32 @p1 $0x1  }
0x15: {  	[smem:$0x3F9E] =	sst s0;
	s0 =	simm.s32 @!p2 $0x0  }
0x16: {  	s3 =	sld [smem:$0x3FDB];
	s0 =	simm.s32 @p2 $0x1  }
0x17: {  	s4 =	simm.s32 $0x1BF5;
	[smem:$0x3FA0] =	sst s0  }
0x18: {  	s0 =	sld [smem:$0x3F83];
	_ =	swait.ge [sflag:s4], $0x0  }
0x19: {  	s7 =	sld [smem:$0x3F84]  }
0x1a: {  	s8 =	sadd.s32 $0xFFFFE003, lr  }
0x1b: {  	s9 =	sadd.s32 $0xFFFFFEF7, lr;
	s5 =	simm.s32 $0xFFFFFFFF;
	p2 =	slt.u32 s8, $0xFFFFF086  }
0x1c: {  	p1 =	slt.u32 s9, $0xF7A;
	s5 =	simm.s32 @!p2 $0x0  }
0x1d: {  	s5 =	simm.s32 @p1 $0x1;
	p0 =	seq.s32 s7, s2  }
0x1e: {  	s7 =	smul.u32 @!p0 $0xF7A, s2;
	p2 =	seq.s32 @!p0 s5, $0x0  }
0x1f: {  	s9 =	smul.u32 $0xF7A, s1;
	s8 =	simm.s32 @!p0 $0x1BF5;
	p2 =	por !p2, p0  }
0x20: {  	[sflag:s8] =	ssyncset.s32 @!p0 $0xFFFFF086;
	s6 =	sadd.s32 @!p0 s3, s7;
	s7 =	simm.s32 @!p0 $0x108  }
0x21: {  	s3 =	sadd.s32 s3, s9;
	s6 =	sadd.s32 @!p0 $0x88, s6;
	s7 =	simm.s32 @p2 $0x1082  }
0x22: {  	[simem:s7], [sflag:s8] =	dma.local @!p0 [hbm:s6], $0xF7A  }
0x23: {  	s9 =	sor.u32 $0xD0000000, s2;
	s6 =	simm.s32 $0x108;
	_ =	swait.ge @!p0 [sflag:s8], $0x0  }
0x24: {  	s3 =	sadd.s32 $0x88, s3;
	s6 =	simm.s32 @!p1 $0x1082;
	[sflag:s4] =	ssyncset.s32 $0xFFFFF086  }
0x25: {  	[simem:s6], [sflag:s4] =	dma.local [hbm:s3], $0xF7A  }
0x26: {  	[smem:$0x3F84] =	sst s1;
	(tag) =	ssettag s2;
	_ =	strace s9  }
0x27: {  	s1 =	sld [smem:$0x3F94]  }
0x28: {  	s2 =	sld [smem:$0x3F95]  }
0x29: {  	s4 =	sld [smem:$0x3F97]  }
0x2a: {  	p0 =	seq.s32 s5, $0x0;
	s5 =	sld [smem:$0x3F98]  }
0x2b: {  	s6 =	sld [smem:$0x3F99]  }
0x2c: {  	s7 =	sld [smem:$0x3F9A]  }
0x2d: {  	s3 =	simm.s32 $0x108;
	s8 =	sld [smem:$0x3F9B]  }
0x2e: {  	s3 =	simm.s32 @!p0 $0x1082;
	s9 =	sld [smem:$0x3F9C]  }
0x2f: {  	lr =	sadd.s32 s0, s3;
	s0 =	sld [smem:$0x3F93]  }
0x30: {  	s3 =	sld [smem:$0x3F96]  }
0x31: {  	[smem:$0x3F9F] =	sst s10  }
0x32: {  	s10 =	sld [smem:$0x3F9D];
	_ =	sdelay $0x3  }
0x33: {  	p0 =	seq.s32 s10, $0x1;
	s10 =	sld [smem:$0x3F9F];
	_ =	sdelay $0x3  }
0x34: {  	[smem:$0x3F9F] =	sst s10  }
0x35: {  	s10 =	sld [smem:$0x3F9E];
	_ =	sdelay $0x3  }
0x36: {  	p1 =	seq.s32 s10, $0x1;
	s10 =	sld [smem:$0x3F9F];
	_ =	sdelay $0x3  }
0x37: {  	[smem:$0x3F9F] =	sst s10  }
0x38: {  	s10 =	sld [smem:$0x3FA0]  }
0x39: {  	_ = 	snop;
	(pc) =	sbr.ind lr, $3  }
0x3a: {  	_ = 	snop  }
0x3b: {  	_ = 	snop  }
0x3c: {  	p2 =	seq.s32 s10, $0x1;
	s10 =	sld [smem:$0x3F9F]  }
0x3d: {  	_ =	shalt  }
0x3e: {  	_ =	shalt  }
0x3f: {  	_ =	shalt  }
0x40: {  	_ =	shalt  }
0x41: {  	_ =	shalt  }
0x42: {  	_ =	shalt  }
0x43: {  	_ =	shalt  }
0x44: {  	_ =	shalt  }
0x45: {  	_ =	shalt  }
0x46: {  	_ =	shalt  }
0x47: {  	_ =	shalt  }
0x48: {  	_ =	shalt  }
0x49: {  	_ =	shalt  }
0x4a: {  	_ =	shalt  }
0x4b: {  	_ =	shalt  }
0x4c: {  	_ =	shalt  }
0x4d: {  	_ =	shalt  }
0x4e: {  	_ =	shalt  }
0x4f: {  	_ =	shalt  }
0x50: {  	_ =	shalt  }
0x51: {  	_ =	shalt  }
0x52: {  	_ =	shalt  }
0x53: {  	_ =	shalt  }
0x54: {  	_ =	shalt  }
0x55: {  	_ =	shalt  }
0x56: {  	_ =	shalt  }
0x57: {  	_ =	shalt  }
0x58: {  	_ =	shalt  }
0x59: {  	_ =	shalt  }
0x5a: {  	_ =	shalt  }
0x5b: {  	_ =	shalt  }
0x5c: {  	_ =	shalt  }
0x5d: {  	_ =	shalt  }
0x5e: {  	_ =	shalt  }
0x5f: {  	_ =	shalt  }
0x60: {  	_ =	shalt  }
0x61: {  	_ =	shalt  }
0x62: {  	_ =	shalt  }
0x63: {  	_ =	shalt  }
0x64: {  	_ =	shalt  }
0x65: {  	_ =	shalt  }
0x66: {  	_ =	shalt  }
0x67: {  	_ =	shalt  }
0x68: {  	_ =	shalt  }
0x69: {  	_ =	shalt  }
0x6a: {  	_ =	shalt  }
0x6b: {  	_ =	shalt  }
0x6c: {  	_ =	shalt  }
0x6d: {  	_ =	shalt  }
0x6e: {  	_ =	shalt  }
0x6f: {  	_ =	shalt  }
0x70: {  	_ =	shalt  }
0x71: {  	_ =	shalt  }
0x72: {  	_ =	shalt  }
0x73: {  	_ =	shalt  }
0x74: {  	_ =	shalt  }
0x75: {  	_ =	shalt  }
0x76: {  	_ =	shalt  }
0x77: {  	_ =	shalt  }
0x78: {  	_ =	shalt  }
0x79: {  	_ =	shalt  }
0x7a: {  	_ =	shalt  }
0x7b: {  	_ =	shalt  }
0x7c: {  	_ =	shalt  }
0x7d: {  	_ =	shalt  }
0x7e: {  	_ =	shalt  }
0x7f: {  	_ =	shalt  }
0x80: {  	_ =	shalt  }
0x81: {  	_ =	shalt  }
0x82: {  	_ =	shalt  }
0x83: {  	_ =	shalt  }
0x84: {  	_ =	shalt  }
0x85: {  	_ =	shalt  }
0x86: {  	_ =	shalt  }
0x87: {  	_ =	shalt  }
.Lfunc_end0:
.L_simem_size_0:
called_computation.2_lowered:
.L_overlay_start_0:
0x88: {  	s2 =	sld [smem:$0x3FD9]  }
0x89: {  	s3 =	sld [smem:$0x3FFE];
	_ =	sdelay $0x1  }
0x8a: {  	s1 =	srdreg.scid  }
0x8b: {  	s0 =	sand.u32 $0x1, s1  }
0x8c: {  	s16 =	sshll.u32 s0, $0xA;
	s2 =	sadd.s32 s3, s2  }
0x8d: {  	s2 =	sadd.s32 s2, s16  }
0x8e: {  	[smem:$0x3FAB] =	sst s2  }
0x8f: {  	_ = 	snop  }
0x90: {  	(tm) =	ssettm $0x1  }
0x91: {  	s17 =	sld [smem:$0x3FFB];
	_ =	sdelay $0x3  }
0x92: {  	_ =	strace s17  }
0x93: {  	s2 =	sld [smem:$0x3FFC];
	_ =	sdelay $0x3  }
0x94: {  	_ =	strace s2  }
0x95: {  	s2 =	sld [smem:$0x3FFD];
	_ =	sdelay $0x3  }
0x96: {  	_ =	strace s2  }
0x97: {  	_ =	strace $0x8FFFFFFF  }
0x98: {  	s18 =	sld [smem:$0x3FDB];
	_ =	sdelay $0x1  }
0x99: {  	s19 =	simm.s32 $_scs_section_size  }
0x9a: {  	s4 =	simm.s32 $_size__tile_overlayer_lowered;
	s5 =	simm.s32 $_tile_overlayer_lowered  }
0x9b: {  	s22 =	simm.s32 $0x1BFF;
	s21 =	sshll.u32 s5, $0x1;
	s2 =	sadd.s32 s19, s18  }
0x9c: {  	s6 =	simm.s32 $0x0;
	s20 =	sshll.u32 s4, $0x1;
	s4 =	sadd.s32 s21, s2  }
0x9d: {  	[timem:s6], [sflag:s22] =	dma.local [hbm:s4], s20  }
0x9e: {  	_ =	swait.ge [sflag:s22], s20  }
0x9f: {  	s3 =	ssub.s32 $0x0, s20;
	[sflag:s22] =	ssyncset.done $0x0  }
0xa0: {  	[sflag:s22] =	ssyncadd.s32 s3;
	_ =	sdelay $0x1  }
0xa1: {  	s23 =	simm.s32 $0x1B8B  }
0xa2: {  	_ =	swait.ge [sflag:s23], $0x1  }
0xa3: {  	[sflag:s23] =	ssyncset.done $0x0  }
0xa4: {  	s25 =	simm.s32 $0x1B8E;
	s24 =	sld [smem:$0x3FFE];
	[sflag:s23] =	ssyncadd.s32 $0xFFFFFFFF  }
0xa5: {  	s26 =	simm.s32 $execute0_lowered;
	[smem:$0x3FD2] =	sst s25  }
0xa6: {  	s4 =	sshll.u32 s26, $0x1;
	_ =	strace $0x8000004C;
	[dreg:$0x1] =	wrdreg $0xFFFFFFFF  }
0xa7: {  	s28 =	simm.s32 $_size_execute0_lowered;
	s2 =	sadd.s32 s2, s4;
	[dreg:$0x0] =	wrdreg $0x0  }
0xa8: {  	s4 =	sshll.u32 s28, $0x1;
	[dreg:$0x2] =	wrdreg s2  }
0xa9: {  	[dreg:$0x3] =	wrdreg s4  }
0xaa: {  	[dreg:$0x4] =	wrdreg $0xC0  }
0xab: {  	_ =	task [dreg:s6], $0x5FFFF  }
0xac: {  	[dreg:$0x1] =	wrdreg $0xFFFFFFFF  }
0xad: {  	[dreg:$0x0] =	wrdreg $0x60  }
0xae: {  	[dreg:$0x2] =	wrdreg s24  }
0xaf: {  	[dreg:$0x3] =	wrdreg $0xB5400  }
0xb0: {  	[dreg:$0x4] =	wrdreg $0x9  }
0xb1: {  	_ =	task.clear_ibuf [dreg:s6], $0x5FFFF;
	_ =	strace $0x9000004C  }
0xb2: {  	s29 =	simm.s32 $0x9;
	_ =	strace $0x8000004E  }
0xb3: {  	_ =	swait.ge [sflag:s29], $0x1  }
0xb4: {  	[sflag:s29] =	ssyncadd.s32 $0xFFFFFFFF  }
0xb5: {  	_ =	strace $0x9000004E  }
0xb6: {  	_ =	sfence  }
0xb7: {  	s30 =	sld [smem:$0x0];
	_ =	sdelay $0x2  }
0xb8: {  	s31 =	sshll.u32 s1, $0xD;
	s1 =	sshrl.u32 s1, $0x2  }
0xb9: {  	s3 =	sand.u32 $0x4000, s31;
	s1 =	sadd.s32 s1, s30  }
0xba: {  	s0 =	sor.u32 s3, s0;
	s1 =	sshll.u32 s1, $0x11  }
0xbb: {  	s0 =	sor.u32 s1, s0  }
0xbc: {  	s0 =	sadd.s32 $0x8F2B, s0  }
0xbd: {  	[sflag:s0] =	ssyncadd.remote.s32 $0x1  }
0xbe: {  	_ =	sfence.sel $0xFFFF  }
0xbf: {  	[dreg:$0x0] =	wrdreg $0xFFFFFFFF;
	(pc) =	sbr.abs _section_cstart, $3  }
0xc0: {  	[dreg:$0x1] =	wrdreg $0xFFFFFFFF  }
0xc1: {  	_ =	task.clear_ibuf [dreg:s6], $0x2FFFF;
	_ =	strace $0x9FFFFFFF  }
0xc2: {  	(tm) =	ssettm $0x7FFFFFFF  }
0xc3: {  	_ =	shalt  }
tec
execute0_lowered:
.L_overlay_start_1:
0x0: {  	(tag) =	ssettag $0x1  }
0x1: {  	s6 =	rddreg [dreg:$0x0]  }
0x2: {  	s0 =	srdreg.scid;
	s2 =	rddreg [dreg:$0x1]  }
0x3: {  	s3 =	simm.s32 $0x0;
	s16 =	simm.s32 $0x3;
	s17 =	simm.s32 $0x28A0  }
0x4: {  	s18 =	simm.s32 $0x5140;
	s19 =	simm.s32 $0x64;
	s20 =	simm.s32 $0x68  }
0x5: {  	s21 =	simm.s32 $0x8340;
	s22 =	simm.s32 $0x1;
	s23 =	simm.s32 $0x2  }
0x6: {  	s24 =	simm.s32 $0x5070;
	s5 =	sand.u32 $0x1, s0;
	s0 =	stileid.u32  }
0x7: {  	s25 =	simm.s32 $0x50D8;
	s26 =	simm.s32 $0x0;
	s7 =	smul.u32 $0x2710, s0  }
0x8: {  	[smem:$0x7FF] =	sst s3;
	s1 =	sshll.u32 s5, $0x4;
	s8 =	smul.u32 $0x27100, s5  }
0x9: {  	s9 =	smul.u32 $0x4E200, s0;
	s5 =	ssub.s32 $0x2, s5;
	s1 =	sor.u32 s0, s1  }
0xa: {  	s31 =	sshrl.u32 s5, $0x1;
	s4 =	smul.u32 $0x514, s1;
	s1 =	rddreg [dreg:$0x2]  }
0xb: {  	_ =	strace $0x8000004D;
	s7 =	sadd.s32 s7, s8;
	s9 =	sshrl.u32 s9, $0x2  }
0xc: {  	s12 =	ssub.s32 s5, s31;
	s11 =	sadd.s32 s7, s6;
	s5 =	sadd.s32 s9, s2  }
0xd: {  	s10 =	sadd.s32 s4, s6;
	s4 =	sadd.s32 $0x2EA00, s6;
	s8 =	sadd.s32 $0x12C00, s5  }
0xe: {  	s9 =	sadd.s32 $0x101E00, s11;
	s11 =	sadd.s32 $0x3200, s5;
	s13 =	sadd.s32 $0x9600, s5  }
0xf: {  	s14 =	sadd.s32 $0xC800, s5;
	s15 =	sadd.s32 $0xFA00, s5;
	s6 =	sadd.s32 $0x24600, s10  }
0x10: {  	v0 =	vimm.f32 $0.0e+00;
	s7 =	sadd.s32 $0x1A200, s10;
	s10 =	smax.u32 s12, $0x1;
	s12 =	sadd.s32 $0x6400, s5  }
.LBB2_1:
0x11: {  	[tilespmem:s3], [sflag:$0x3] =	stream.linear.gather [hbm4b:s6+s3], $0x28A0, $0x38;
	[tilespmem:$0x1EDC0] =	vst v63  }
0x12: {  	_ =	swait.ge [sflag:s16], $0x28A0  }
0x13: {  	[sflag:s16] =	ssyncset.done $0x0  }
0x14: {  	[sflag:s16] =	ssyncadd.s32 $0xFFFFD760  }
0x15: {  	[tilespmem:s17], [sflag:$0x3] =	stream.linear.gather [hbm4b:s7+s3], $0x28A0, $0x38;
	[tilespmem:$0x1EDC0] =	vst v63  }
0x16: {  	s28 =	sand.u32 $0xFE00, s3;
	s29 =	sand.u32 $0x70, s3;
	_ =	swait.ge [sflag:s16], $0x28A0  }
0x17: {  	s30 =	sshrl.u32 s28, $0x2;
	s28 =	simm.s32 $0x40;
	[sflag:s16] =	ssyncset.done $0x0  }
0x18: {  	s30 =	sor.u32 s29, s30;
	s29 =	simm.s32 $0x0;
	[sflag:s16] =	ssyncadd.s32 $0xFFFFD760  }
.LBB2_2:
0x19: {  	p0 =	sne.s32 s28, $0xC7C0  }
0x1a: {  	[tilespmem:s30+$0x5140] =	vst v0;
	s29 =	sadd.s32 $0x10, s29;
	s30 =	smov.u32 s28;
	s28 =	sadd.s32 $0x40, s28  }
.Ltmp0:
0x1b: {  	(pc) =	sbr.rel @p0 .LBB2_2-.Ltmp0, $4  }
0x1c: {  	_ = 	snop  }
0x1d: {  	s30 =	sand.u32 $0xFE00, s30  }
0x1e: {  	s31 =	sand.u32 $0x70, s29;
	s30 =	sshrl.u32 s30, $0x2  }
0x1f: {  	s30 =	sor.u32 s31, s30  }
0x20: {  	[tilespmem:s30+$0x5140] =	vst v0  }
0x21: {  	[spmem:s5] =	stream.linear.scatter [tilespmem:s18], [sflag:$0x3], $0x3200, $0x38;
	[tilespmem:$0x1EDC0] =	vst v63  }
0x22: {  	_ =	swait.ge [sflag:s16], $0x3200  }
0x23: {  	[sflag:s16] =	ssyncset.done $0x0  }
0x24: {  	[sflag:s16] =	ssyncadd.s32 $0xFFFFCE00  }
0x25: {  	[spmem:s11] =	stream.linear.scatter [tilespmem:s18], [sflag:$0x3], $0x3200, $0x38;
	[tilespmem:$0x1EDC0] =	vst v63  }
0x26: {  	_ =	swait.ge [sflag:s16], $0x3200  }
0x27: {  	[sflag:s16] =	ssyncset.done $0x0  }
0x28: {  	[sflag:s16] =	ssyncadd.s32 $0xFFFFCE00  }
0x29: {  	[spmem:s12] =	stream.linear.scatter [tilespmem:s18], [sflag:$0x3], $0x3200, $0x38;
	[tilespmem:$0x1EDC0] =	vst v63  }
0x2a: {  	_ =	swait.ge [sflag:s16], $0x3200  }
0x2b: {  	[sflag:s16] =	ssyncset.done $0x0  }
0x2c: {  	[sflag:s16] =	ssyncadd.s32 $0xFFFFCE00  }
0x2d: {  	[spmem:s13] =	stream.linear.scatter [tilespmem:s18], [sflag:$0x3], $0x3200, $0x38;
	[tilespmem:$0x1EDC0] =	vst v63  }
0x2e: {  	_ =	swait.ge [sflag:s16], $0x3200  }
0x2f: {  	[sflag:s16] =	ssyncset.done $0x0  }
0x30: {  	[sflag:s16] =	ssyncadd.s32 $0xFFFFCE00  }
0x31: {  	[spmem:s14] =	stream.linear.scatter [tilespmem:s18], [sflag:$0x3], $0x3200, $0x38;
	[tilespmem:$0x1EDC0] =	vst v63  }
0x32: {  	_ =	swait.ge [sflag:s16], $0x3200  }
0x33: {  	[sflag:s16] =	ssyncset.done $0x0  }
0x34: {  	[sflag:s16] =	ssyncadd.s32 $0xFFFFCE00  }
0x35: {  	[spmem:s15] =	stream.linear.scatter [tilespmem:s18], [sflag:$0x3], $0x3200, $0x38;
	[tilespmem:$0x1EDC0] =	vst v63  }
0x36: {  	_ =	swait.ge [sflag:s16], $0x3200  }
0x37: {  	[sflag:s16] =	ssyncset.done $0x0  }
0x38: {  	[sflag:s16] =	ssyncadd.s32 $0xFFFFCE00  }
0x39: {  	[spmem:s8] =	stream.linear.scatter [tilespmem:s18], [sflag:$0x3], $0xC80, $0x38;
	[tilespmem:$0x1EDC0] =	vst v63  }
0x3a: {  	_ =	swait.ge [sflag:s16], $0xC80  }
0x3b: {  	[sflag:s16] =	ssyncset.done $0x0  }
0x3c: {  	[sflag:s16] =	ssyncadd.s32 $0xFFFFF380  }
0x3d: {  	s28 =	simm.s32 $0x0;
	[bflag:$0x0] =	sbarrier.arrive $0xFFFF  }
0x3e: {  	[tilespmem:s18], [sflag:$0x1] =	stream.indirect.gather [hbm4b:s4+s19], $0x80, s28, s19, $0xb8;
	[tilespmem:$0x1EDC0] =	vst v63  }
0x3f: {  	_ = 	snop  }
0x40: {  	[tilespmem:s21], [sflag:$0x2] =	stream.indirect.gather [hbm4b:s4+s19], $0x80, s20, s19, $0xb8;
	[tilespmem:$0x1EDC0] =	vst v63  }
0x41: {  	_ =	swait.ge [sflag:s22], $0x3200  }
0x42: {  	[sflag:s22] =	ssyncset.done $0x0  }
0x43: {  	s28 =	simm.s32 $0x28A0;
	[sflag:s22] =	ssyncadd.s32 $0xFFFFCE00  }
0x44: {  	[spmem:s2] =	stream.indirect.scatter.add.f32 [tilespmem:s18], [sflag:$0x3], $0x80, s28, s19, $0xb8;
	[tilespmem:$0x1EDC0] =	vst v63  }
0x45: {  	_ =	swait.ge [sflag:s16], $0x3200  }
0x46: {  	[sflag:s16] =	ssyncset.done $0x0  }
0x47: {  	s28 =	simm.s32 $0xD0;
	[sflag:s16] =	ssyncadd.s32 $0xFFFFCE00  }
0x48: {  	[tilespmem:s18], [sflag:$0x1] =	stream.indirect.gather [hbm4b:s4+s19], $0x80, s28, s19, $0xb8;
	[tilespmem:$0x1EDC0] =	vst v63  }
0x49: {  	_ =	swait.ge [sflag:s23], $0x3200  }
0x4a: {  	[sflag:s23] =	ssyncset.done $0x0  }
0x4b: {  	s28 =	simm.s32 $0x2908;
	[sflag:s23] =	ssyncadd.s32 $0xFFFFCE00  }
0x4c: {  	[spmem:s2] =	stream.indirect.scatter.add.f32 [tilespmem:s21], [sflag:$0x3], $0x80, s28, s19, $0xb8;
	[tilespmem:$0x1EDC0] =	vst v63  }
0x4d: {  	_ =	swait.ge [sflag:s16], $0x3200  }
0x4e: {  	[sflag:s16] =	ssyncset.done $0x0  }
0x4f: {  	s29 =	simm.s32 $0x138;
	s28 =	simm.s32 $0x340;
	[sflag:s16] =	ssyncadd.s32 $0xFFFFCE00  }
.LBB2_4:
0x50: {  	[tilespmem:s21], [sflag:$0x2] =	stream.indirect.gather [hbm4b:s4+s19], $0x80, s29, s19, $0xb8;
	[tilespmem:$0x1EDC0] =	vst v63  }
0x51: {  	s29 =	smov.u32 s28  }
0x52: {  	p0 =	sne.s32 s28, $0x9C00;
	s28 =	sadd.s32 $0x340, s28;
	_ =	swait.ge [sflag:s22], $0x3200  }
0x53: {  	s29 =	sshra.s32 s29, $0x2;
	[sflag:s22] =	ssyncset.done $0x0  }
0x54: {  	s30 =	sadd.s32 $0x28A0, s29;
	[sflag:s22] =	ssyncadd.s32 $0xFFFFCE00  }
0x55: {  	[spmem:s2] =	stream.indirect.scatter.add.f32 [tilespmem:s18], [sflag:$0x3], $0x80, s30, s19, $0xb8;
	[tilespmem:$0x1EDC0] =	vst v63  }
0x56: {  	_ =	swait.ge [sflag:s16], $0x3200  }
0x57: {  	[sflag:s16] =	ssyncset.done $0x0  }
0x58: {  	s30 =	sadd.s32 $0xD0, s29;
	[sflag:s16] =	ssyncadd.s32 $0xFFFFCE00  }
0x59: {  	[tilespmem:s18], [sflag:$0x1] =	stream.indirect.gather [hbm4b:s4+s19], $0x80, s30, s19, $0xb8;
	[tilespmem:$0x1EDC0] =	vst v63  }
0x5a: {  	_ =	swait.ge [sflag:s23], $0x3200  }
0x5b: {  	[sflag:s23] =	ssyncset.done $0x0  }
.Ltmp1:
0x5c: {  	s30 =	sadd.s32 $0x2908, s29;
	[sflag:s23] =	ssyncadd.s32 $0xFFFFCE00;
	(pc) =	sbr.rel @p0 .LBB2_4-.Ltmp1, $4  }
0x5d: {  	[spmem:s2] =	stream.indirect.scatter.add.f32 [tilespmem:s21], [sflag:$0x3], $0x80, s30, s19, $0xb8;
	[tilespmem:$0x1EDC0] =	vst v63  }
0x5e: {  	_ =	swait.ge [sflag:s16], $0x3200  }
0x5f: {  	[sflag:s16] =	ssyncset.done $0x0  }
0x60: {  	s29 =	sadd.s32 $0x138, s29;
	[sflag:s16] =	ssyncadd.s32 $0xFFFFCE00  }
0x61: {  	[tilespmem:s21], [sflag:$0x2] =	stream.indirect.gather [hbm4b:s4+s19], $0x80, s29, s19, $0xb8;
	[tilespmem:$0x1EDC0] =	vst v63  }
0x62: {  	_ =	swait.ge [sflag:s22], $0x3200  }
0x63: {  	[sflag:s22] =	ssyncset.done $0x0  }
0x64: {  	[sflag:s22] =	ssyncadd.s32 $0xFFFFCE00  }
0x65: {  	[spmem:s2] =	stream.indirect.scatter.add.f32 [tilespmem:s18], [sflag:$0x3], $0x80, s24, s19, $0xb8;
	[tilespmem:$0x1EDC0] =	vst v63  }
0x66: {  	_ =	swait.ge [sflag:s16], $0x3200  }
0x67: {  	[sflag:s16] =	ssyncset.done $0x0  }
0x68: {  	[sflag:s16] =	ssyncadd.s32 $0xFFFFCE00  }
0x69: {  	_ =	swait.ge [sflag:s23], $0x3200  }
0x6a: {  	[sflag:s23] =	ssyncset.done $0x0  }
0x6b: {  	[sflag:s23] =	ssyncadd.s32 $0xFFFFCE00  }
0x6c: {  	[spmem:s2] =	stream.indirect.scatter.add.f32 [tilespmem:s21], [sflag:$0x3], $0x80, s25, s19, $0xb8;
	[tilespmem:$0x1EDC0] =	vst v63  }
0x6d: {  	_ =	swait.ge [sflag:s16], $0x3200  }
0x6e: {  	s28 =	sshll.u32 s0, $0x6;
	s26 =	sadd.s32 $0x1, s26;
	[sflag:s16] =	ssyncset.done $0x0  }
0x6f: {  	s31 =	sshrl.u32 s5, $0x3;
	p0 =	sne.s32 s26, s10;
	[sflag:s16] =	ssyncadd.s32 $0xFFFFCE00  }
.Ltmp2:
0x70: {  	s28 =	sor.u32 $0x1C03, s28;
	[bflag:$0x0] =	sbarrier.arrive $0xFFFF;
	(pc) =	sbr.rel @p0 .LBB2_1-.Ltmp2, $4  }
0x71: {  	[hbm:s9], [sflag:s28] =	dma.local [spmem:s31], $0x2710  }
0x72: {  	_ =	swait.ge [sflag:s16], $0x2710  }
0x73: {  	[sflag:s16] =	ssyncset.done $0x0  }
0x74: {  	[sflag:s16] =	ssyncadd.s32 $0xFFFFD8F0  }
0x75: {  	_ =	sfence.sel $0x180000  }
0x76: {  	[bflag:$0x0] =	sbarrier.arrive $0xFFFF  }
0x77: {  	p0 =	sne.s32 s0, $0x0;
	_ =	strace $0x9000004D  }
0x78: {  	s0 =	sadd.s32 @!p0 $0x100000, s1;
	[bflag:$0x2] =	sbarrier.arrive $0xFFFF  }
0x79: {  	[sflag:s0] =	ssyncadd.tile.s32 @!p0 $0x1;
	_ =	shalt  }
.Lfunc_end2:
_tile_overlayer_lowered:
.L_overlay_start_2:
0x7a: {  	(tag) =	ssettag $0x2  }
0x7b: {  	s0 =	rddreg [dreg:$0x0];
	s2 =	stileid.u32  }
0x7c: {  	s1 =	rddreg [dreg:$0x1];
	p0 =	sne.s32 s2, $0x0  }
0x7d: {  	s3 =	rddreg [dreg:$0x2];
	[bflag:$0x3] =	sbarrier.arrive $0xFFFF;
	s2 =	simm.s32 @!p0 $0x1C03  }
0x7e: {  	[timem:s3], [sflag:s2] =	dma.local @!p0 [hbm:s0], s1  }
0x7f: {  	s0 =	simm.s32 @!p0 $0x3  }
0x80: {  	_ =	swait.ge @!p0 [sflag:s0], s1  }
0x81: {  	s1 =	ssub.s32 @!p0 $0x0, s1;
	[sflag:s0] =	ssyncset.done @!p0 $0x0  }
0x82: {  	[sflag:s0] =	ssyncadd.s32 @!p0 s1  }
0x83: {  	[bflag:$0x3] =	sbarrier.arrive $0xFFFF  }
0x84: {  	_ =	shalt  }

// kernel: kernel.19.cloned.1.call-start
scs
__scs_entry_jumppad:
0x0: {  	(pc) =	sbr.rel $0x88, $3  }
0x1: {  	(tag) =	ssettag $0x0;
	lr =	simm.s32 $0x1  }
0x2: {  	[smem:$0x3F84] =	sst lr;
	_ =	strace $0xD0000000  }
0x3: {  	_ = 	snop  }
0x4: {  	_ = 	snop  }
0x5: {  	_ = 	snop  }
0x6: {  	_ = 	snop  }
0x7: {  	_ = 	snop  }
__scs_overlays_trampoline_lowered:
0x8: {  	[smem:$0x3F93] =	sst s0  }
0x9: {  	[smem:$0x3F94] =	sst s1  }
0xa: {  	[smem:$0x3F95] =	sst s2  }
0xb: {  	[smem:$0x3F96] =	sst s3  }
0xc: {  	[smem:$0x3F97] =	sst s4  }
0xd: {  	[smem:$0x3F98] =	sst s5  }
0xe: {  	[smem:$0x3F99] =	sst s6  }
0xf: {  	[smem:$0x3F9A] =	sst s7  }
0x10: {  	[smem:$0x3F9B] =	sst s8  }
0x11: {  	[smem:$0x3F9C] =	sst s9;
	s0 =	simm.s32 @!p0 $0x0  }
0x12: {  	s1 =	sld [smem:$0x3F82];
	s0 =	simm.s32 @p0 $0x1  }
0x13: {  	[smem:$0x3F9D] =	sst s0;
	s0 =	simm.s32 @!p1 $0x0  }
0x14: {  	s2 =	sld [smem:$0x3F81];
	s0 =	simm.s32 @p1 $0x1  }
0x15: {  	[smem:$0x3F9E] =	sst s0;
	s0 =	simm.s32 @!p2 $0x0  }
0x16: {  	s3 =	sld [smem:$0x3FDB];
	s0 =	simm.s32 @p2 $0x1  }
0x17: {  	s4 =	simm.s32 $0x1BF5;
	[smem:$0x3FA0] =	sst s0  }
0x18: {  	s0 =	sld [smem:$0x3F83];
	_ =	swait.ge [sflag:s4], $0x0  }
0x19: {  	s7 =	sld [smem:$0x3F84]  }
0x1a: {  	s8 =	sadd.s32 $0xFFFFE003, lr  }
0x1b: {  	s9 =	sadd.s32 $0xFFFFFEF7, lr;
	s5 =	simm.s32 $0xFFFFFFFF;
	p2 =	slt.u32 s8, $0xFFFFF086  }
0x1c: {  	p1 =	slt.u32 s9, $0xF7A;
	s5 =	simm.s32 @!p2 $0x0  }
0x1d: {  	s5 =	simm.s32 @p1 $0x1;
	p0 =	seq.s32 s7, s2  }
0x1e: {  	s7 =	smul.u32 @!p0 $0xF7A, s2;
	p2 =	seq.s32 @!p0 s5, $0x0  }
0x1f: {  	s9 =	smul.u32 $0xF7A, s1;
	s8 =	simm.s32 @!p0 $0x1BF5;
	p2 =	por !p2, p0  }
0x20: {  	[sflag:s8] =	ssyncset.s32 @!p0 $0xFFFFF086;
	s6 =	sadd.s32 @!p0 s3, s7;
	s7 =	simm.s32 @!p0 $0x108  }
0x21: {  	s3 =	sadd.s32 s3, s9;
	s6 =	sadd.s32 @!p0 $0x88, s6;
	s7 =	simm.s32 @p2 $0x1082  }
0x22: {  	[simem:s7], [sflag:s8] =	dma.local @!p0 [hbm:s6], $0xF7A  }
0x23: {  	s9 =	sor.u32 $0xD0000000, s2;
	s6 =	simm.s32 $0x108;
	_ =	swait.ge @!p0 [sflag:s8], $0x0  }
0x24: {  	s3 =	sadd.s32 $0x88, s3;
	s6 =	simm.s32 @!p1 $0x1082;
	[sflag:s4] =	ssyncset.s32 $0xFFFFF086  }
0x25: {  	[simem:s6], [sflag:s4] =	dma.local [hbm:s3], $0xF7A  }
0x26: {  	[smem:$0x3F84] =	sst s1;
	(tag) =	ssettag s2;
	_ =	strace s9  }
0x27: {  	s1 =	sld [smem:$0x3F94]  }
0x28: {  	s2 =	sld [smem:$0x3F95]  }
0x29: {  	s4 =	sld [smem:$0x3F97]  }
0x2a: {  	p0 =	seq.s32 s5, $0x0;
	s5 =	sld [smem:$0x3F98]  }
0x2b: {  	s6 =	sld [smem:$0x3F99]  }
0x2c: {  	s7 =	sld [smem:$0x3F9A]  }
0x2d: {  	s3 =	simm.s32 $0x108;
	s8 =	sld [smem:$0x3F9B]  }
0x2e: {  	s3 =	simm.s32 @!p0 $0x1082;
	s9 =	sld [smem:$0x3F9C]  }
0x2f: {  	lr =	sadd.s32 s0, s3;
	s0 =	sld [smem:$0x3F93]  }
0x30: {  	s3 =	sld [smem:$0x3F96]  }
0x31: {  	[smem:$0x3F9F] =	sst s10  }
0x32: {  	s10 =	sld [smem:$0x3F9D];
	_ =	sdelay $0x3  }
0x33: {  	p0 =	seq.s32 s10, $0x1;
	s10 =	sld [smem:$0x3F9F];
	_ =	sdelay $0x3  }
0x34: {  	[smem:$0x3F9F] =	sst s10  }
0x35: {  	s10 =	sld [smem:$0x3F9E];
	_ =	sdelay $0x3  }
0x36: {  	p1 =	seq.s32 s10, $0x1;
	s10 =	sld [smem:$0x3F9F];
	_ =	sdelay $0x3  }
0x37: {  	[smem:$0x3F9F] =	sst s10  }
0x38: {  	s10 =	sld [smem:$0x3FA0]  }
0x39: {  	_ = 	snop;
	(pc) =	sbr.ind lr, $3  }
0x3a: {  	_ = 	snop  }
0x3b: {  	_ = 	snop  }
0x3c: {  	p2 =	seq.s32 s10, $0x1;
	s10 =	sld [smem:$0x3F9F]  }
0x3d: {  	_ =	shalt  }
0x3e: {  	_ =	shalt  }
0x3f: {  	_ =	shalt  }
0x40: {  	_ =	shalt  }
0x41: {  	_ =	shalt  }
0x42: {  	_ =	shalt  }
0x43: {  	_ =	shalt  }
0x44: {  	_ =	shalt  }
0x45: {  	_ =	shalt  }
0x46: {  	_ =	shalt  }
0x47: {  	_ =	shalt  }
0x48: {  	_ =	shalt  }
0x49: {  	_ =	shalt  }
0x4a: {  	_ =	shalt  }
0x4b: {  	_ =	shalt  }
0x4c: {  	_ =	shalt  }
0x4d: {  	_ =	shalt  }
0x4e: {  	_ =	shalt  }
0x4f: {  	_ =	shalt  }
0x50: {  	_ =	shalt  }
0x51: {  	_ =	shalt  }
0x52: {  	_ =	shalt  }
0x53: {  	_ =	shalt  }
0x54: {  	_ =	shalt  }
0x55: {  	_ =	shalt  }
0x56: {  	_ =	shalt  }
0x57: {  	_ =	shalt  }
0x58: {  	_ =	shalt  }
0x59: {  	_ =	shalt  }
0x5a: {  	_ =	shalt  }
0x5b: {  	_ =	shalt  }
0x5c: {  	_ =	shalt  }
0x5d: {  	_ =	shalt  }
0x5e: {  	_ =	shalt  }
0x5f: {  	_ =	shalt  }
0x60: {  	_ =	shalt  }
0x61: {  	_ =	shalt  }
0x62: {  	_ =	shalt  }
0x63: {  	_ =	shalt  }
0x64: {  	_ =	shalt  }
0x65: {  	_ =	shalt  }
0x66: {  	_ =	shalt  }
0x67: {  	_ =	shalt  }
0x68: {  	_ =	shalt  }
0x69: {  	_ =	shalt  }
0x6a: {  	_ =	shalt  }
0x6b: {  	_ =	shalt  }
0x6c: {  	_ =	shalt  }
0x6d: {  	_ =	shalt  }
0x6e: {  	_ =	shalt  }
0x6f: {  	_ =	shalt  }
0x70: {  	_ =	shalt  }
0x71: {  	_ =	shalt  }
0x72: {  	_ =	shalt  }
0x73: {  	_ =	shalt  }
0x74: {  	_ =	shalt  }
0x75: {  	_ =	shalt  }
0x76: {  	_ =	shalt  }
0x77: {  	_ =	shalt  }
0x78: {  	_ =	shalt  }
0x79: {  	_ =	shalt  }
0x7a: {  	_ =	shalt  }
0x7b: {  	_ =	shalt  }
0x7c: {  	_ =	shalt  }
0x7d: {  	_ =	shalt  }
0x7e: {  	_ =	shalt  }
0x7f: {  	_ =	shalt  }
0x80: {  	_ =	shalt  }
0x81: {  	_ =	shalt  }
0x82: {  	_ =	shalt  }
0x83: {  	_ =	shalt  }
0x84: {  	_ =	shalt  }
0x85: {  	_ =	shalt  }
0x86: {  	_ =	shalt  }
0x87: {  	_ =	shalt  }
.Lfunc_end0:
.L_simem_size_0:
called_computation.3_lowered:
.L_overlay_start_0:
0x88: {  	s2 =	sld [smem:$0x3FD9]  }
0x89: {  	s3 =	sld [smem:$0x3FFE];
	_ =	sdelay $0x1  }
0x8a: {  	s1 =	srdreg.scid  }
0x8b: {  	s0 =	sand.u32 $0x1, s1  }
0x8c: {  	s16 =	sshll.u32 s0, $0xA;
	s2 =	sadd.s32 s3, s2  }
0x8d: {  	s2 =	sadd.s32 s2, s16  }
0x8e: {  	[smem:$0x3FAB] =	sst s2  }
0x8f: {  	_ = 	snop  }
0x90: {  	(tm) =	ssettm $0x1  }
0x91: {  	s17 =	sld [smem:$0x3FFB];
	_ =	sdelay $0x3  }
0x92: {  	_ =	strace s17  }
0x93: {  	s2 =	sld [smem:$0x3FFC];
	_ =	sdelay $0x3  }
0x94: {  	_ =	strace s2  }
0x95: {  	s2 =	sld [smem:$0x3FFD];
	_ =	sdelay $0x3  }
0x96: {  	_ =	strace s2  }
0x97: {  	_ =	strace $0x8FFFFFFF  }
0x98: {  	s18 =	sld [smem:$0x3FDB];
	_ =	sdelay $0x1  }
0x99: {  	s19 =	simm.s32 $_scs_section_size  }
0x9a: {  	s4 =	simm.s32 $_size__tile_overlayer_lowered;
	s5 =	simm.s32 $_tile_overlayer_lowered  }
0x9b: {  	s22 =	simm.s32 $0x1BFF;
	s21 =	sshll.u32 s5, $0x1;
	s2 =	sadd.s32 s19, s18  }
0x9c: {  	s6 =	simm.s32 $0x0;
	s20 =	sshll.u32 s4, $0x1;
	s4 =	sadd.s32 s21, s2  }
0x9d: {  	[timem:s6], [sflag:s22] =	dma.local [hbm:s4], s20  }
0x9e: {  	_ =	swait.ge [sflag:s22], s20  }
0x9f: {  	s3 =	ssub.s32 $0x0, s20;
	[sflag:s22] =	ssyncset.done $0x0  }
0xa0: {  	[sflag:s22] =	ssyncadd.s32 s3;
	_ =	sdelay $0x1  }
0xa1: {  	s23 =	simm.s32 $0x1B8B  }
0xa2: {  	_ =	swait.ge [sflag:s23], $0x1  }
0xa3: {  	[sflag:s23] =	ssyncset.done $0x0  }
0xa4: {  	s25 =	simm.s32 $0x1B8E;
	s24 =	sld [smem:$0x3FFE];
	[sflag:s23] =	ssyncadd.s32 $0xFFFFFFFF  }
0xa5: {  	s26 =	simm.s32 $execute0_lowered;
	[smem:$0x3FD2] =	sst s25  }
0xa6: {  	s4 =	sshll.u32 s26, $0x1;
	_ =	strace $0x8000004F;
	[dreg:$0x1] =	wrdreg $0xFFFFFFFF  }
0xa7: {  	s28 =	simm.s32 $_size_execute0_lowered;
	s2 =	sadd.s32 s2, s4;
	[dreg:$0x0] =	wrdreg $0x0  }
0xa8: {  	s4 =	sshll.u32 s28, $0x1;
	[dreg:$0x2] =	wrdreg s2  }
0xa9: {  	[dreg:$0x3] =	wrdreg s4  }
0xaa: {  	[dreg:$0x4] =	wrdreg $0xC0  }
0xab: {  	_ =	task [dreg:s6], $0x5FFFF  }
0xac: {  	[dreg:$0x1] =	wrdreg $0xFFFFFFFF  }
0xad: {  	[dreg:$0x0] =	wrdreg $0x60  }
0xae: {  	[dreg:$0x2] =	wrdreg s24  }
0xaf: {  	[dreg:$0x3] =	wrdreg $0x11D200  }
0xb0: {  	[dreg:$0x4] =	wrdreg $0x9  }
0xb1: {  	_ =	task.clear_ibuf [dreg:s6], $0x5FFFF;
	_ =	strace $0x9000004F  }
0xb2: {  	s29 =	simm.s32 $0x9;
	_ =	strace $0x80000051  }
0xb3: {  	_ =	swait.ge [sflag:s29], $0x1  }
0xb4: {  	[sflag:s29] =	ssyncadd.s32 $0xFFFFFFFF  }
0xb5: {  	_ =	strace $0x90000051  }
0xb6: {  	_ =	sfence  }
0xb7: {  	s30 =	sld [smem:$0x0];
	_ =	sdelay $0x2  }
0xb8: {  	s31 =	sshll.u32 s1, $0xD;
	s1 =	sshrl.u32 s1, $0x2  }
0xb9: {  	s3 =	sand.u32 $0x4000, s31;
	s1 =	sadd.s32 s1, s30  }
0xba: {  	s0 =	sor.u32 s3, s0;
	s1 =	sshll.u32 s1, $0x11  }
0xbb: {  	s0 =	sor.u32 s1, s0  }
0xbc: {  	s0 =	sadd.s32 $0x8F2B, s0  }
0xbd: {  	[sflag:s0] =	ssyncadd.remote.s32 $0x1  }
0xbe: {  	_ =	sfence.sel $0xFFFF  }
0xbf: {  	[dreg:$0x0] =	wrdreg $0xFFFFFFFF;
	(pc) =	sbr.abs _section_cstart, $3  }
0xc0: {  	[dreg:$0x1] =	wrdreg $0xFFFFFFFF  }
0xc1: {  	_ =	task.clear_ibuf [dreg:s6], $0x2FFFF;
	_ =	strace $0x9FFFFFFF  }
0xc2: {  	(tm) =	ssettm $0x7FFFFFFF  }
0xc3: {  	_ =	shalt  }
tec
execute0_lowered:
.L_overlay_start_1:
0x0: {  	(tag) =	ssettag $0x1  }
0x1: {  	s5 =	rddreg [dreg:$0x0]  }
0x2: {  	s0 =	srdreg.scid;
	s2 =	rddreg [dreg:$0x1]  }
0x3: {  	s3 =	simm.s32 $0x0;
	s12 =	simm.s32 $0x4E20;
	s13 =	simm.s32 $0x75A0  }
0x4: {  	s14 =	simm.s32 $0x9D20;
	s4 =	sand.u32 $0x1, s0;
	s0 =	stileid.u32  }
0x5: {  	s15 =	simm.s32 $0x80;
	s16 =	simm.s32 $0x0;
	s7 =	smul.u32 $0x410, s0  }
0x6: {  	[smem:$0x7FF] =	sst s3;
	s1 =	sshll.u32 s4, $0x4;
	s8 =	smul.u32 $0x4100, s4  }
0x7: {  	s9 =	ssub.s32 $0x2, s4;
	s10 =	smul.u32 $0x8200, s0;
	s6 =	sor.u32 s0, s1  }
0x8: {  	s4 =	sadd.s32 $0x1A200, s5;
	s1 =	rddreg [dreg:$0x2];
	s6 =	smul.u32 $0x4E2, s6  }
.Ltmp0:
0x9: {  	_ =	strace $0x80000050;
	s30 =	sshrl.u32 s9, $0x1;
	(pc) =	sbr.rel .LBB2_1-.Ltmp0, $4  }
0xa: {  	s7 =	sadd.s32 s7, s8;
	s9 =	ssub.s32 s9, s30;
	s31 =	sshrl.u32 s10, $0x2  }
0xb: {  	s10 =	simm.s32 $0x3;
	s11 =	sadd.s32 s7, s5;
	s7 =	sadd.s32 s31, s2  }
0xc: {  	s9 =	smax.u32 s9, $0x1;
	s6 =	sadd.s32 s6, s5;
	s8 =	sadd.s32 $0x41400, s11  }
0xd: {  	v0 =	vimm.s32 $0x400;
	v1 =	vimm.s32 $0x0;
	v2 =	vimm.f32 $0.0e+00;
	s11 =	simm.s32 $0x2710;
	s5 =	sadd.s32 $0x6600, s6;
	s6 =	sadd.s32 $0x10400, s6  }
.LBB2_10:
0xe: {  	s16 =	sadd.s32 $0x1, s16  }
0xf: {  	s17 =	sshll.u32 s0, $0x6;
	[bflag:$0x0] =	sbarrier.arrive $0xFFFF;
	p0 =	sne.s32 s16, s9  }
.Ltmp1:
0x10: {  	s18 =	sshrl.u32 s7, $0x3;
	s17 =	sor.u32 $0x1C03, s17;
	(pc) =	sbr.rel @!p0 .LBB2_11-.Ltmp1, $4  }
0x11: {  	[hbm:s8], [sflag:s17] =	dma.local [spmem:s18], $0x410  }
0x12: {  	_ =	swait.ge [sflag:s10], $0x410  }
0x13: {  	[sflag:s10] =	ssyncset.done $0x0  }
0x14: {  	[sflag:s10] =	ssyncadd.s32 $0xFFFFFBF0  }
.LBB2_1:
0x15: {  	[tilespmem:s3], [sflag:$0x3] =	stream.linear.gather [hbm4b:s5+s3], $0x2710, $0x38;
	[tilespmem:$0x13DA0] =	vst v63  }
0x16: {  	_ =	swait.ge [sflag:s10], $0x2710  }
0x17: {  	[sflag:s10] =	ssyncset.done $0x0  }
0x18: {  	[sflag:s10] =	ssyncadd.s32 $0xFFFFD8F0  }
0x19: {  	[tilespmem:s11], [sflag:$0x3] =	stream.linear.gather [hbm4b:s6+s3], $0x2710, $0x38;
	[tilespmem:$0x13DA0] =	vst v63  }
0x1a: {  	_ =	swait.ge [sflag:s10], $0x2710  }
0x1b: {  	[sflag:s10] =	ssyncset.done $0x0  }
0x1c: {  	s19 =	simm.s32 $0x4E40;
	[sflag:s10] =	ssyncadd.s32 $0xFFFFD8F0  }
0x1d: {  	[tilespmem:s19+$0x10] =	vst v1  }
0x1e: {  	[tilespmem:s19+$0xFFFFFFE0] =	vst v1  }
0x1f: {  	[tilespmem:s19+$0xFFFFFFF0] =	vst v1  }
0x20: {  	s18 =	simm.s32 $0x75C0;
	[tilespmem:s19+$0x0] =	vst v1  }
0x21: {  	[tilespmem:s18+$0x10] =	vst v0  }
0x22: {  	[tilespmem:s18+$0xFFFFFFE0] =	vst v0  }
0x23: {  	s21 =	simm.s32 $0x0;
	s20 =	simm.s32 $0x2730;
	s17 =	simm.s32 $0x20;
	[tilespmem:s18+$0xFFFFFFF0] =	vst v0  }
.LBB2_2:
0x24: {  	v7 =	vimm.s32 $0x0;
	[tilespmem:s18+$0x0] =	vst v0;
	s19 =	sadd.s32 $0x40, s19  }
0x25: {  	s21 =	sadd.s32 $0x4, s21;
	s18 =	sadd.s32 $0x40, s18;
	[tilespmem:s19+$0x10] =	vst v7  }
0x26: {  	p0 =	slt.u32 s21, $0x274;
	[tilespmem:s18+$0x10] =	vst v0  }
.Ltmp2:
0x27: {  	[tilespmem:s19+$0xFFFFFFE0] =	vst v7;
	(pc) =	sbr.rel @p0 .LBB2_2-.Ltmp2, $4  }
0x28: {  	[tilespmem:s18+$0xFFFFFFE0] =	vst v0  }
0x29: {  	[tilespmem:s19+$0xFFFFFFF0] =	vst v7  }
0x2a: {  	[tilespmem:s18+$0xFFFFFFF0] =	vst v0  }
0x2b: {  	[tilespmem:s19+$0x0] =	vst v7  }
0x2c: {  	[tilespmem:s18+$0x0] =	vst v0  }
0x2d: {  	v15 =	vld [tilespmem:s20+$0xFFFFFFE0]  }
0x2e: {  	v3 =	vld [tilespmem:s20+$0x0]  }
0x2f: {  	v5 =	vld [tilespmem:s20+$0x10]  }
0x30: {  	v4 =	vld [tilespmem:s20+$0xFFFFFFF0];
	_ =	sdelay $0x2  }
0x31: {  	vm3 =	vlt.s32 v15, $0x400  }
0x32: {  	v6 =	vsel vm3, $0x1, v1  }
0x33: {  	vm0 =	vlt.s32 v3, $0x400;
	vm1 =	vlt.s32 v5, $0x400;
	vm2 =	vlt.s32 v4, $0x400;
	(xrf0) =	vadd.scan.msk.s32 $0xffff, v6  }
0x34: {  	v8 =	vsel vm0, $0x1, v1;
	v9 =	vmpcnt.ones.xlane vm3;
	vm6 =	vmmov vm3  }
0x35: {  	v6 =	vsel vm1, $0x1, v1;
	v12 =	vsel vm6, $0xFFFFFFFF, v1;
	(xrf0) =	vadd.scan.msk.s32 $0xffff, v8;
	v8 =	vmpcnt.ones.xlane vm2  }
0x36: {  	s18 =	simm.s32 $0x2770;
	v10 =	vsel vm2, $0x1, v1;
	v9 =	vadd.s32 v7, v9;
	v12 =	vadd.s32 v12, v7;
	(xrf0) =	vadd.scan.msk.s32 $0xffff, v6  }
0x37: {  	v7 =	vld [tilespmem:s18+$0x0];
	v6 =	vmpcnt.ones.xlane vm0;
	(xrf0) =	vadd.scan.msk.s32 $0xffff, v10;
	v10 =	vadd.s32 v9, v8;
	v8 =	vsel vm0, $0xFFFFFFFF, v1  }
0x38: {  	v11 =	vmpcnt.ones.xlane vm1;
	v13 =	vadd.s32 v8, v10;
	v8 =	vld [tilespmem:s18+$0x10]  }
0x39: {  	v14 =	vsel vm1, $0xFFFFFFFF, v1;
	v10 =	vadd.s32 v10, v6;
	v6 =	vld [tilespmem:s18+$0xFFFFFFE0];
	v17, _, _ =	vpop (xrf0)  }
0x3a: {  	v16 =	vld [tilespmem:s17+$0xFFFFFFE0];
	v18 =	vsel vm2, $0xFFFFFFFF, v1;
	vm5 =	vmmov vm1;
	v19 =	vadd.s32 v17, v12  }
0x3b: {  	v18 =	vadd.s32 v18, v9;
	v9 =	vld [tilespmem:s18+$0xFFFFFFF0];
	vm0 =	vmmov vm0;
	v14 =	vadd.s32 v14, v10;
	v17, _, _ =	vpop (xrf0)  }
0x3c: {  	v20 =	vld [tilespmem:s17+$0x0];
	vm4 =	vlt.s32 v7, $0x400;
	v12 =	vadd.s32 v10, v11;
	v11, _, _ =	vpop (xrf0);
	v10 =	vadd.s32 v17, v13  }
0x3d: {  	vm1 =	vmmov vm2;
	v23 =	vsel vm4, $0x1, v1;
	v13, _, _ =	vpop (xrf0);
	v14 =	vadd.s32 v11, v14  }
0x3e: {  	v17 =	vld [tilespmem:s17+$0x10];
	vm2 =	vlt.s32 v8, $0x400;
	vm7 =	vlt.s32 v6, $0x400;
	v13 =	vadd.s32 v13, v18  }
0x3f: {  	v18 =	vsel vm2, $0x1, v1;
	v21 =	vsel vm7, $0x1, v1;
	v22 =	vmpcnt.ones.xlane vm7;
	[tilespmem:v19+s12+$0x0] =	vst.idx.msk vm3, v16  }
0x40: {  	v11 =	vmpcnt.ones.xlane vm2;
	(xrf0) =	vadd.scan.msk.s32 $0xffff, v21;
	vm3 =	vlt.s32 v9, $0x400;
	v16 =	vld [tilespmem:s17+$0xFFFFFFF0];
	[tilespmem:v19+s13+$0x0] =	vst.idx.msk vm6, v15  }
0x41: {  	s19 =	simm.s32 $0x4;
	(xrf0) =	vadd.scan.msk.s32 $0xffff, v23;
	v15 =	vadd.s32 v12, v22;
	v19 =	vmpcnt.ones.xlane vm3;
	[tilespmem:v10+s12+$0x0] =	vst.idx.msk vm0, v20  }
.LBB2_4:
0x42: {  	v20 =	vsel vm3, $0x1, v1  }
0x43: {  	s19 =	sadd.s32 $0x4, s19;
	v21 =	vmpcnt.ones.xlane vm4;
	(xrf0) =	vadd.scan.msk.s32 $0xffff, v18;
	[tilespmem:v14+s12+$0x0] =	vst.idx.msk vm5, v17;
	s17 =	sadd.s32 $0x40, s17;
	vm6 =	vmmov vm7  }
0x44: {  	v18 =	vsel vm4, $0xFFFFFFFF, v1;
	p0 =	slt.u32 s19, $0x26C;
	v17 =	vadd.s32 v15, v19;
	(xrf0) =	vadd.scan.msk.s32 $0xffff, v20;
	[tilespmem:v14+s13+$0x0] =	vst.idx.msk vm5, v5;
	v5 =	vmovc v8  }
0x45: {  	s18 =	sadd.s32 $0x40, s18;
	v19 =	vld [tilespmem:s17+$0xFFFFFFE0];
	v14 =	vadd.s32 v18, v17;
	v17 =	vadd.s32 v17, v21;
	v18 =	vsel vm2, $0xFFFFFFFF, v1;
	[tilespmem:v13+s12+$0x0] =	vst.idx.msk vm1, v16  }
0x46: {  	v20 =	vsel vm3, $0xFFFFFFFF, v1;
	v16 =	vsel vm6, $0xFFFFFFFF, v1;
	v8 =	vld [tilespmem:s18+$0x10];
	v18 =	vadd.s32 v18, v17;
	[tilespmem:v13+s13+$0x0] =	vst.idx.msk vm1, v4;
	v4 =	vmovc v9  }
0x47: {  	v9 =	vadd.s32 v16, v12;
	v13 =	vadd.s32 v20, v15;
	v21 =	vld [tilespmem:s18+$0xFFFFFFE0];
	v12, _, _ =	vpop (xrf0);
	[tilespmem:v10+s13+$0x0] =	vst.idx.msk vm0, v3;
	v3 =	vmov v7  }
0x48: {  	vm5 =	vmmov vm2;
	v7 =	vld [tilespmem:s18+$0x0];
	v15 =	vadd.s32 v12, v9;
	v12 =	vadd.s32 v17, v11;
	v10, _, _ =	vpop (xrf0)  }
0x49: {  	vm1 =	vmmov vm3;
	vm0 =	vmmov vm4;
	v9 =	vld [tilespmem:s18+$0xFFFFFFF0];
	v10 =	vadd.s32 v10, v14;
	v11, _, _ =	vpop (xrf0)  }
0x4a: {  	v20 =	vld [tilespmem:s17+$0x0];
	v14 =	vadd.s32 v11, v18;
	v11, _, _ =	vpop (xrf0)  }
.Ltmp3:
0x4b: {  	vm2 =	vlt.s32 v8, $0x400;
	v13 =	vadd.s32 v11, v13;
	v17 =	vld [tilespmem:s17+$0x10];
	(pc) =	sbr.rel @p0 .LBB2_4-.Ltmp3, $4  }
0x4c: {  	vm7 =	vlt.s32 v21, $0x400;
	v18 =	vsel vm2, $0x1, v1;
	v11 =	vmpcnt.ones.xlane vm2  }
0x4d: {  	v22 =	vsel vm7, $0x1, v1;
	v23 =	vmpcnt.ones.xlane vm7;
	vm4 =	vlt.s32 v7, $0x400;
	[tilespmem:v15+s12+$0x0] =	vst.idx.msk vm6, v19;
	v16 =	vld [tilespmem:s17+$0xFFFFFFF0]  }
0x4e: {  	vm3 =	vlt.s32 v9, $0x400;
	v24 =	vsel vm4, $0x1, v1;
	(xrf0) =	vadd.scan.msk.s32 $0xffff, v22;
	[tilespmem:v15+s13+$0x0] =	vst.idx.msk vm6, v6;
	v6 =	vmovc v21  }
0x4f: {  	v15 =	vadd.s32 v12, v23;
	v19 =	vmpcnt.ones.xlane vm3;
	(xrf0) =	vadd.scan.msk.s32 $0xffff, v24;
	[tilespmem:v10+s12+$0x0] =	vst.idx.msk vm0, v20  }
0x50: {  	_ = 	snop  }
0x51: {  	(xrf0) =	vadd.scan.msk.s32 $0xffff, v18  }
0x52: {  	vm6 =	vmmov vm7  }
0x53: {  	v51 =	vsel vm3, $0x1, v1;
	v52 =	vsel vm6, $0xFFFFFFFF, v1  }
0x54: {  	v20 =	vmpcnt.ones.xlane vm4;
	s17 =	sadd.s32 $0x40, s17;
	v21 =	vsel vm4, $0xFFFFFFFF, v1;
	(xrf0) =	vadd.scan.msk.s32 $0xffff, v51;
	v12 =	vadd.s32 v52, v12;
	v53, _, _ =	vpop (xrf0)  }
0x55: {  	[tilespmem:v14+s12+$0x0] =	vst.idx.msk vm5, v17;
	v55 =	vsel vm2, $0xFFFFFFFF, v1;
	v19 =	vadd.s32 v15, v19;
	v54 =	vld [tilespmem:s17+$0xFFFFFFE0];
	v12 =	vadd.s32 v53, v12  }
0x56: {  	vm13 =	vmmov vm4;
	[tilespmem:v14+s13+$0x0] =	vst.idx.msk vm5, v5;
	v21 =	vadd.s32 v21, v19;
	v5 =	vadd.s32 v19, v20;
	v56, _, _ =	vpop (xrf0)  }
0x57: {  	vm14 =	vmmov vm2;
	v59 =	vld [tilespmem:s17+$0x0];
	[tilespmem:v13+s12+$0x0] =	vst.idx.msk vm1, v16;
	v14 =	vadd.s32 v55, v5;
	v57 =	vadd.s32 v56, v21;
	v58, _, _ =	vpop (xrf0)  }
0x58: {  	v61 =	vld [tilespmem:s17+$0x10];
	[tilespmem:v13+s13+$0x0] =	vst.idx.msk vm1, v4;
	v4 =	vadd.s32 v58, v14  }
0x59: {  	v60 =	vsel vm3, $0xFFFFFFFF, v1;
	[tilespmem:v10+s13+$0x0] =	vst.idx.msk vm0, v3  }
0x5a: {  	v62 =	vadd.s32 v60, v15;
	v3, _, _ =	vpop (xrf0);
	[tilespmem:v12+s12+$0x0] =	vst.idx.msk vm7, v54  }
0x5b: {  	v63 =	vld [tilespmem:s17+$0xFFFFFFF0];
	v3 =	vadd.s32 v3, v62;
	[tilespmem:v12+s13+$0x0] =	vst.idx.msk vm7, v6  }
0x5c: {  	[tilespmem:v57+s12+$0x0] =	vst.idx.msk vm13, v59  }
0x5d: {  	[tilespmem:v4+s12+$0x0] =	vst.idx.msk vm14, v61  }
0x5e: {  	[tilespmem:v57+s13+$0x0] =	vst.idx.msk vm13, v7  }
0x5f: {  	[tilespmem:v4+s13+$0x0] =	vst.idx.msk vm14, v8  }
0x60: {  	[tilespmem:v3+s12+$0x0] =	vst.idx.msk vm3, v63  }
0x61: {  	[tilespmem:v3+s13+$0x0] =	vst.idx.msk vm3, v9  }
0x62: {  	v4 =	vld [tilespmem:$0x4E10];
	_ =	sdelay $0x4  }
0x63: {  	vm0 =	vlt.s32 v4, $0x400  }
0x64: {  	v3 =	vsel vm0, $0x1, v1  }
0x65: {  	(xrf0) =	vadd.scan.msk.s32 $0xffff, v3;
	_ =	sdelay $0x4  }
0x66: {  	v3 =	vadd.s32 v5, v11;
	v5 =	vsel vm0, $0xFFFFFFFF, v1  }
0x67: {  	v5 =	vadd.s32 v5, v3;
	v6, _, _ =	vpop (xrf0)  }
0x68: {  	v7 =	vld [tilespmem:$0x2700];
	v5 =	vadd.s32 v6, v5;
	_ =	sdelay $0x2  }
0x69: {  	s17 =	simm.s32 $0x0  }
0x6a: {  	s18 =	sand.u32 $0xFE00, s17  }
0x6b: {  	s20 =	sand.u32 $0x70, s17;
	s18 =	sshrl.u32 s18, $0x2;
	[tilespmem:v5+s12+$0x0] =	vst.idx.msk vm0, v7  }
0x6c: {  	vm15 =	vmmov vm3;
	s19 =	simm.s32 $0x40;
	s18 =	sor.u32 s20, s18;
	[tilespmem:v5+s13+$0x0] =	vst.idx.msk vm0, v4;
	v4 =	vmpcnt.ones.xlane vm0  }
.LBB2_6:
0x6d: {  	p0 =	sne.s32 s19, $0x81C0  }
0x6e: {  	[tilespmem:s18+$0x9D20] =	vst v2;
	s17 =	sadd.s32 $0x10, s17;
	s18 =	smov.u32 s19;
	s19 =	sadd.s32 $0x40, s19  }
.Ltmp4:
0x6f: {  	(pc) =	sbr.rel @p0 .LBB2_6-.Ltmp4, $4  }
0x70: {  	_ = 	snop  }
0x71: {  	s18 =	sand.u32 $0xFE00, s18  }
0x72: {  	s20 =	sand.u32 $0x70, s17;
	s18 =	sshrl.u32 s18, $0x2  }
0x73: {  	s18 =	sor.u32 s20, s18  }
0x74: {  	v3 =	vadd.s32 v3, v4  }
0x75: {  	v3 =	vxor.u32 $0x80000000, v3  }
0x76: {  	(xrf0) =	vmax.scan.msk.u32 $0xffff, v3;
	_ =	sdelay $0x5  }
0x77: {  	v3, _, _ =	vpop (xrf0)  }
0x78: {  	(v2sf) =	vpush v3, $0xF;
	_ =	sdelay $0xc  }
0x79: {  	[tilespmem:s18+$0x9D20] =	vst v2  }
0x7a: {  	[spmem:s7] =	stream.linear.scatter [tilespmem:s14], [sflag:$0x3], $0x2080, $0x38;
	[tilespmem:$0x13DA0] =	vst v63  }
0x7b: {  	s17 =	spop (v2sf)  }
0x7c: {  	s17 =	sadd.s32 $0x8000007F, s17  }
0x7d: {  	s19 =	sand.u32 $0x7F, s17  }
0x7e: {  	s31 =	sshra.s32 s17, $0x1F;
	p1 =	slt.s32 s17, $0x1;
	p0 =	sne.s32 s19, $0x0  }
0x7f: {  	s19 =	sshrl.u32 s31, $0x19;
	p0 =	por !p1, !p0  }
0x80: {  	s18 =	simm.s32 $0x1;
	s17 =	sadd.s32 s19, s17;
	p0 =	por !p0, !p0  }
0x81: {  	s17 =	sshra.s32 s17, $0x7;
	s18 =	simm.s32 @!p0 $0x0  }
0x82: {  	s17 =	ssub.s32 s17, s18  }
0x83: {  	p0 =	slt.s32 s17, $0x1  }
.Ltmp5:
0x84: {  	_ =	swait.ge [sflag:s10], $0x2080;
	(pc) =	sbr.rel @p0 .LBB2_10-.Ltmp5, $3  }
0x85: {  	[sflag:s10] =	ssyncset.done $0x0  }
0x86: {  	[sflag:s10] =	ssyncadd.s32 $0xFFFFDF80  }
0x87: {  	[bflag:$0x0] =	sbarrier.arrive $0xFFFF;
	_ =	sdelay $0x1  }
0x88: {  	[tilespmem:s14], [sflag:$0x1] =	stream.indirect.gather [hbm4b:s4+s15], $0x80, s12, s15, $0xb8;
	[tilespmem:$0x13DA0] =	vst v63  }
0x89: {  	s18 =	simm.s32 $0x0  }
.LBB2_9:
0x8a: {  	s19 =	sand.u32 $0x1, s18  }
0x8b: {  	p0 =	seq.s32 s19, $0x1  }
0x8c: {  	s19 =	sadd.s32 @p0 $0x1, s18  }
0x8d: {  	s20 =	simm.s32 @p0 $0x2;
	p1 =	sge.s32 @p0 s19, s17  }
0x8e: {  	_ =	swait.ge @p0 [sflag:s20], $0x4000;
	p1 =	por p1, !p0  }
0x8f: {  	[sflag:s20] =	ssyncset.done @p0 $0x0;
	s21 =	sshll.u32 @!p1 s19, $0x9  }
0x90: {  	[sflag:s20] =	ssyncadd.s32 @p0 $0xFFFFC000;
	s20 =	sshra.s32 @!p1 s21, $0x2  }
0x91: {  	s22 =	simm.s32 @!p1 $0x9D20;
	s21 =	simm.s32 @!p1 $0x80;
	s20 =	sadd.s32 @!p1 $0x4E20, s20  }
0x92: {  	[tilespmem:s22], [sflag:$0x1] =	stream.indirect.gather @!p1 [hbm4b:s4+s21], $0x80, s20, s21, $0xb8;
	[tilespmem:$0x13DA0] =	vst v63  }
0x93: {  	s20 =	sshll.u32 @p0 s18, $0x9  }
0x94: {  	s20 =	sshra.s32 @p0 s20, $0x2  }
0x95: {  	s21 =	simm.s32 @p0 $0x80;
	s22 =	simm.s32 @p0 $0xDD20;
	s20 =	sadd.s32 @p0 $0x75A0, s20  }
0x96: {  	[spmem:s2] =	stream.indirect.scatter.add.f32 @p0 [tilespmem:s22], [sflag:$0x3], $0x80, s20, s21, $0xb8;
	[tilespmem:$0x13DA0] =	vst v63  }
0x97: {  	s20 =	simm.s32 @p0 $0x3  }
0x98: {  	_ =	swait.ge @p0 [sflag:s20], $0x4000  }
0x99: {  	s21 =	sor.u32 @!p0 $0x1, s18;
	s18 =	sshll.u32 @!p0 s18, $0x9;
	[sflag:s20] =	ssyncset.done @p0 $0x0  }
0x9a: {  	p1 =	sge.s32 @!p0 s21, s17;
	[sflag:s20] =	ssyncadd.s32 @p0 $0xFFFFC000;
	s20 =	simm.s32 @!p0 $0x1  }
0x9b: {  	s18 =	sshra.s32 @!p0 s18, $0x2;
	p1 =	por p1, p0;
	_ =	swait.ge @!p0 [sflag:s20], $0x4000  }
0x9c: {  	s18 =	sadd.s32 @!p0 $0x75A0, s18;
	s22 =	sshll.u32 @!p1 s21, $0x9;
	[sflag:s20] =	ssyncset.done @!p0 $0x0  }
0x9d: {  	s23 =	simm.s32 @!p1 $0xDD20;
	[sflag:s20] =	ssyncadd.s32 @!p0 $0xFFFFC000;
	s20 =	sshra.s32 @!p1 s22, $0x2  }
0x9e: {  	s21 =	smov.u32 @p0 s19;
	s22 =	simm.s32 @!p1 $0x80;
	s20 =	sadd.s32 @!p1 $0x4E20, s20  }
0x9f: {  	[tilespmem:s23], [sflag:$0x2] =	stream.indirect.gather @!p1 [hbm4b:s4+s22], $0x80, s20, s22, $0xb8;
	[tilespmem:$0x13DA0] =	vst v63  }
0xa0: {  	s20 =	simm.s32 @!p0 $0x80;
	s22 =	simm.s32 @!p0 $0x9D20;
	p1 =	sne.s32 s21, s17  }
0xa1: {  	[spmem:s2] =	stream.indirect.scatter.add.f32 @!p0 [tilespmem:s22], [sflag:$0x4], $0x80, s18, s20, $0xb8;
	[tilespmem:$0x13DA0] =	vst v63  }
.Ltmp6:
0xa2: {  	_ = 	snop;
	(pc) =	sbr.rel @p1 .LBB2_9-.Ltmp6, $4  }
0xa3: {  	s18 =	simm.s32 @!p0 $0x4  }
0xa4: {  	_ =	swait.ge @!p0 [sflag:s18], $0x4000  }
0xa5: {  	[sflag:s18] =	ssyncset.done @!p0 $0x0  }
0xa6: {  	[sflag:s18] =	ssyncadd.s32 @!p0 $0xFFFFC000;
	s18 =	smov.u32 s21  }
.Ltmp7:
0xa7: {  	_ = 	snop;
	(pc) =	sbr.rel .LBB2_10-.Ltmp7, $1  }
0xa8: {  	_ =	sdelay $0x3  }
.LBB2_11:
0xa9: {  	_ =	sfence.sel $0x180000  }
0xaa: {  	[bflag:$0x0] =	sbarrier.arrive $0xFFFF  }
0xab: {  	p0 =	sne.s32 s0, $0x0;
	_ =	strace $0x90000050  }
0xac: {  	s0 =	sadd.s32 @!p0 $0x100000, s1;
	[bflag:$0x2] =	sbarrier.arrive $0xFFFF  }
0xad: {  	[sflag:s0] =	ssyncadd.tile.s32 @!p0 $0x1;
	_ =	shalt  }
.Lfunc_end2:
_tile_overlayer_lowered:
.L_overlay_start_2:
0xae: {  	(tag) =	ssettag $0x2  }
0xaf: {  	s0 =	rddreg [dreg:$0x0];
	s2 =	stileid.u32  }
0xb0: {  	s1 =	rddreg [dreg:$0x1];
	p0 =	sne.s32 s2, $0x0  }
0xb1: {  	s3 =	rddreg [dreg:$0x2];
	[bflag:$0x3] =	sbarrier.arrive $0xFFFF;
	s2 =	simm.s32 @!p0 $0x1C03  }
0xb2: {  	[timem:s3], [sflag:s2] =	dma.local @!p0 [hbm:s0], s1  }
0xb3: {  	s0 =	simm.s32 @!p0 $0x3  }
0xb4: {  	_ =	swait.ge @!p0 [sflag:s0], s1  }
0xb5: {  	s1 =	ssub.s32 @!p0 $0x0, s1;
	[sflag:s0] =	ssyncset.done @!p0 $0x0  }
0xb6: {  	[sflag:s0] =	ssyncadd.s32 @!p0 s1  }
0xb7: {  	[bflag:$0x3] =	sbarrier.arrive $0xFFFF  }
0xb8: {  	_ =	shalt  }

</sc_bundles>
